<compile_context>
chip_gen: v7x
topology: tpu7x:2x2x1
jax: 0.10.2.dev20260603
libtpu: 0.0.44.dev20260713+nightly
codegen_flags: <defaults>
</compile_context>

<pallas_src>
import functools

import jax
import jax.numpy as jnp
from jax import lax
from jax.experimental import pallas as pl
from jax.experimental.pallas import tpu as pltpu
from jax.experimental.pallas import tpu_sc as plsc

BSZ = 32
L = 16
NUM_ENT = 50000
NUM_REL = 512
DIM_H = 512
STEPS = 3
T_TRIPLES = 500000

NC = 2
NS = 16
LN = 16

EP = 51200
EPT = EP // NS
RSUB = 640
NCH = EPT // RSUB
C = 512
PT = 31744
TP = PT * NS
RELP = NUM_REL + 1


def _run_gru(x, W_ih, W_hh, b_ih, b_hh, reverse):
    B = x.shape[0]
    Hh = W_hh.shape[1]
    xs = jnp.swapaxes(x, 0, 1)
    if reverse:
        xs = xs[::-1]

    def step(h, xt):
        gx = xt @ W_ih.T + b_ih
        gh = h @ W_hh.T + b_hh
        xr, xz, xn = jnp.split(gx, 3, axis=-1)
        hr, hz, hn = jnp.split(gh, 3, axis=-1)
        r = jax.nn.sigmoid(xr + hr)
        z = jax.nn.sigmoid(xz + hz)
        n = jnp.tanh(xn + r * hn)
        hnew = (1.0 - z) * n + z * h
        return hnew, hnew

    h0 = jnp.zeros((B, Hh), dtype=x.dtype)
    _, hs = jax.lax.scan(step, h0, xs)
    if reverse:
        hs = hs[::-1]
    return jnp.swapaxes(hs, 0, 1)


def _dense_encoder(questions, params):
    question_lens = L - jnp.sum((questions == 0).astype(jnp.int32), axis=1)
    q_word_emb = params['word_emb'][questions]
    h_f = _run_gru(q_word_emb, params['gru_f_Wih'], params['gru_f_Whh'],
                   params['gru_f_bih'], params['gru_f_bhh'], False)
    h_b = _run_gru(q_word_emb, params['gru_b_Wih'], params['gru_b_Whh'],
                   params['gru_b_bih'], params['gru_b_bhh'], True)
    q_word_h = jnp.concatenate([h_f, h_b], axis=-1)

    att_mask = (jnp.arange(L)[None, :] < question_lens[:, None])

    q_word_h_hop = q_word_h
    prev_dist_ctx = None
    rel_dists = []
    ctx_h_list = []
    for t in range(STEPS):
        h_key = q_word_h_hop @ params['W_step'][t] + params['b_step'][t]
        q_logits = h_key @ jnp.swapaxes(q_word_h, -1, -2)
        q_logits = jnp.swapaxes(q_logits, -1, -2)
        q_dist = jax.nn.softmax(q_logits, axis=2)
        q_dist = q_dist * att_mask.astype(jnp.float32)[:, None, :]
        q_dist = q_dist / (jnp.sum(q_dist, axis=2, keepdims=True) + 1e-06)
        hop_ctx = q_dist @ q_word_h_hop
        if t == 0:
            q_word_h_hop = q_word_h + hop_ctx
            dist_ctx = hop_ctx
        else:
            z = jax.nn.sigmoid(prev_dist_ctx @ params['hw_W'] + params['hw_b'])
            q_word_h_hop = q_word_h + hop_ctx + z * prev_dist_ctx
            dist_ctx = hop_ctx + z * prev_dist_ctx
        prev_dist_ctx = dist_ctx
        q_word_att = jnp.sum(q_dist, axis=1, keepdims=True)
        q_word_att = jax.nn.softmax(q_word_att, axis=2)
        q_word_att = q_word_att / (jnp.sum(q_word_att, axis=2, keepdims=True) + 1e-06)
        ctx_h = jnp.squeeze(jnp.swapaxes(q_word_h_hop, -1, -2) @ jnp.swapaxes(q_word_att, -1, -2), axis=2)
        ctx_h_list.append(ctx_h)
        rel_dists.append(jax.nn.sigmoid(ctx_h @ params['rel_W'] + params['rel_b']))

    gates = []
    for t in range(1, STEPS):
        prev_rel = jnp.argmax(rel_dists[t - 1], axis=1)
        curr_rel = jnp.argmax(rel_dists[t], axis=1)
        cond = (jnp.abs(prev_rel - curr_rel) == 1) & (jnp.remainder(jnp.minimum(prev_rel, curr_rel), 2) == 0)
        gates.append(cond.astype(jnp.float32))

    ctx_hist = jnp.stack(ctx_h_list, axis=2)
    hop_logit = jnp.swapaxes(ctx_hist, -1, -2) @ params['hop_w'] + params['hop_b']
    hop_attn = jnp.swapaxes(jax.nn.softmax(jnp.swapaxes(hop_logit, -1, -2), axis=2), -1, -2)
    hop_att_tmp = jnp.squeeze(hop_attn, axis=2)
    loc = jnp.argmax(hop_att_tmp, axis=-1)
    loc_gt1 = (loc > 1).astype(jnp.float32)
    return rel_dists, gates, hop_att_tmp, loc_gt1


def _pack_rows(x):
    n = x.shape[1]
    return jnp.transpose(x.reshape(NC, LN, n), (0, 2, 1))


def _sc_follow(e_pair, rel0, rel1, rel2, subj_p, relx_p, obj_p, scal):
    f32 = jnp.float32
    mesh = plsc.VectorSubcoreMesh(core_axis_name="c", subcore_axis_name="s")
    out_sd = jax.ShapeDtypeStruct((NC * EP, LN), f32)

    @functools.partial(
        pl.kernel, mesh=mesh,
        out_type=[out_sd, out_sd, out_sd],
        compiler_params=pltpu.CompilerParams(use_tc_tiling_on_sc=False),
        scratch_types=[
            [pltpu.VMEM((C,), jnp.int32)] * 2,
            [pltpu.VMEM((C,), jnp.int32)] * 2,
            [pltpu.VMEM((C,), jnp.int32)] * 2,
            [pltpu.VMEM((C, LN), f32)] * 2,
            [pltpu.VMEM((C, LN), f32)] * 2,
            pltpu.VMEM((RSUB, LN), f32),
            pltpu.VMEM((RSUB, LN), f32),
            pltpu.VMEM((RSUB, LN), f32),
            pltpu.VMEM((RSUB, LN), f32),
            pltpu.VMEM((8, LN), f32),
            pltpu.VMEM_SHARED((EP, LN), f32),
            [pltpu.SemaphoreType.DMA] * 2,
            [pltpu.SemaphoreType.DMA] * 2,
        ],
    )
    def k(e_hbm, r0_hbm, r1_hbm, r2_hbm, subj_hbm, relx_hbm, obj_hbm, scal_hbm,
          ent0, ent1, outp,
          subj_v, rel_v, obj_v, erow, rrow, stage, prev0, prev1, zbuf, scal_v,
          acc, sem_g, sem_s):
        c = lax.axis_index("c")
        s = lax.axis_index("s")
        zero16 = jnp.zeros((LN,), f32)

        @plsc.parallel_loop(0, RSUB, unroll=8)
        def _(i):
            zbuf[i] = zero16

        pltpu.sync_copy(scal_hbm.at[c], scal_v)

        ebase = s * EPT
        for kk in range(NCH):
            pltpu.sync_copy(zbuf, acc.at[pl.ds(ebase + kk * RSUB, RSUB)])
        plsc.subcore_barrier()

        gate1 = scal_v[0]
        gate2 = scal_v[1]
        a0 = scal_v[2]
        a1 = scal_v[3]
        a2 = scal_v[4]
        locgt1 = scal_v[5]

        eoff = lax.broadcast(c * EP, (LN,))
        roff = lax.broadcast(c * RELP, (LN,))
        tri_base = s * PT

        NCHK = PT // C

        for t in range(STEPS):
            src = [e_hbm, ent0, ent1][t]
            rel_hbm = [r0_hbm, r1_hbm, r2_hbm][t]
            dst = [ent0, ent1, outp][t]

            def phase1(j, b):
                @pl.when(j >= 2)
                def _():
                    pltpu.make_async_copy(erow[b], acc.at[obj_v[b]], sem_s[b]).wait()
                tb = tri_base + j * C
                pltpu.sync_copy(subj_hbm.at[pl.ds(tb, C)], subj_v[b])
                pltpu.sync_copy(relx_hbm.at[pl.ds(tb, C)], rel_v[b])
                pltpu.sync_copy(obj_hbm.at[pl.ds(tb, C)], obj_v[b])

                @plsc.parallel_loop(0, C, step=LN, unroll=4)
                def _(o):
                    subj_v[b][pl.ds(o, LN)] = subj_v[b][pl.ds(o, LN)] + eoff
                    rel_v[b][pl.ds(o, LN)] = rel_v[b][pl.ds(o, LN)] + roff

                pltpu.async_copy(src.at[subj_v[b]], erow[b], sem_g[b])
                pltpu.async_copy(rel_hbm.at[rel_v[b]], rrow[b], sem_g[b])

            def phase2(j, b):
                pltpu.make_async_copy(src.at[subj_v[b]], erow[b], sem_g[b]).wait()
                pltpu.make_async_copy(rel_hbm.at[rel_v[b]], rrow[b], sem_g[b]).wait()

                @plsc.parallel_loop(0, C, unroll=8)
                def _(i):
                    erow[b][i] = erow[b][i] * rrow[b][i]

                pltpu.async_copy(erow[b], acc.at[obj_v[b]], sem_s[b], add=True)

            phase1(0, 0)

            def pipe_body(it, carry):
                j0 = it * 2
                phase1(j0 + 1, 1)
                phase2(j0, 0)
                phase2(j0 + 1, 1)

                @pl.when(j0 + 2 < NCHK)
                def _():
                    phase1(j0 + 2, 0)
                return carry
            lax.fori_loop(0, NCHK // 2, pipe_body, 0)

            pltpu.make_async_copy(erow[0], acc.at[obj_v[0]], sem_s[0]).wait()
            pltpu.make_async_copy(erow[1], acc.at[obj_v[1]], sem_s[1]).wait()
            plsc.subcore_barrier()

            for kk in range(NCH):
                rb = ebase + kk * RSUB
                gb = c * EP + rb
                pltpu.sync_copy(acc.at[pl.ds(rb, RSUB)], stage)
                if t == 1:
                    pltpu.sync_copy(e_hbm.at[pl.ds(gb, RSUB)], prev0)
                elif t == 2:
                    pltpu.sync_copy(ent0.at[pl.ds(gb, RSUB)], prev0)
                    pltpu.sync_copy(ent1.at[pl.ds(gb, RSUB)], prev1)

                if t == 0:
                    def norm(i):
                        stage[i] = jnp.minimum(stage[i], 1.0)
                elif t == 1:
                    def norm(i):
                        v = jnp.minimum(stage[i], 1.0)
                        g = jnp.where(prev0[i] > 0.9, gate1, 0.0)
                        stage[i] = v * (1.0 - g)
                else:
                    def norm(i):
                        v = jnp.minimum(stage[i], 1.0)
                        e0 = prev0[i]
                        g = jnp.where(e0 > 0.9, gate2, 0.0)
                        v = v * (1.0 - g)
                        comb = a0 * e0 + a1 * prev1[i] + a2 * v
                        w0 = jnp.where(e0 > 0.0, locgt1, 0.0)
                        stage[i] = comb * (1.0 - 0.1 * w0)
                plsc.parallel_loop(0, RSUB, unroll=8)(norm)

                pltpu.sync_copy(stage, dst.at[pl.ds(gb, RSUB)])
                if t < STEPS - 1:
                    pltpu.sync_copy(zbuf, acc.at[pl.ds(rb, RSUB)])
            plsc.subcore_barrier()

    return k(e_pair, rel0, rel1, rel2, subj_p, relx_p, obj_p, scal)


def kernel(questions, e_s, subj, rel_idx, obj, params):
    rel_dists, gates, hop_att, loc_gt1 = _dense_encoder(questions, params)

    e_pair = _pack_rows(e_s)
    e_pair = jnp.pad(e_pair, ((0, 0), (0, EP - NUM_ENT), (0, 0)))
    e_pair = e_pair.reshape(NC * EP, LN)

    rels = []
    for t in range(STEPS):
        r = _pack_rows(rel_dists[t])
        r = jnp.pad(r, ((0, 0), (0, 1), (0, 0)))
        rels.append(r.reshape(NC * RELP, LN))

    pad_n = TP - T_TRIPLES
    subj_p = jnp.concatenate([subj, jnp.zeros((pad_n,), jnp.int32)])
    relx_p = jnp.concatenate([rel_idx, jnp.full((pad_n,), NUM_REL, jnp.int32)])
    obj_p = jnp.concatenate([obj, jnp.zeros((pad_n,), jnp.int32)])

    scal6 = jnp.stack([gates[0], gates[1], hop_att[:, 0], hop_att[:, 1],
                       hop_att[:, 2], loc_gt1])
    scal = jnp.transpose(scal6.reshape(6, NC, LN), (1, 0, 2))
    scal = jnp.pad(scal, ((0, 0), (0, 2), (0, 0)))

    _, _, outp = _sc_follow(e_pair, rels[0], rels[1], rels[2],
                            subj_p, relx_p, obj_p, scal)

    out = outp.reshape(NC, EP, LN)[:, :NUM_ENT, :]
    return jnp.transpose(out, (0, 2, 1)).reshape(BSZ, NUM_ENT)

# --- scband reference (transcript-rebuilt; emitter-appended) ---
"""Pipeline reference for scband-gcf-76587856822392 (READ-ONLY COPY).

The authoritative reference and input builder live on the scoring server;
editing this copy changes nothing except your own understanding.
"""

import jax, jax.numpy as jnp
import numpy as np

BSZ = 32
L = 16
NUM_WORDS = 30000
NUM_ENT = 50000
NUM_REL = 512
DIM_WORD = 256
DIM_H = 512
HH = 256  # per-direction GRU hidden (bidirectional concat -> DIM_H)
T_TRIPLES = 500000
STEPS = 3


def run_gru(x, W_ih, W_hh, b_ih, b_hh, reverse):
    B = x.shape[0]
    Hh = W_hh.shape[1]
    xs = jnp.swapaxes(x, 0, 1)
    if reverse:
        xs = xs[::-1]

    def step(h, xt):
        gx = xt @ W_ih.T + b_ih
        gh = h @ W_hh.T + b_hh
        xr, xz, xn = jnp.split(gx, 3, axis=-1)
        hr, hz, hn = jnp.split(gh, 3, axis=-1)
        r = jax.nn.sigmoid(xr + hr)
        z = jax.nn.sigmoid(xz + hz)
        n = jnp.tanh(xn + r * hn)
        hnew = (1.0 - z) * n + z * h
        return hnew, hnew

    h0 = jnp.zeros((B, Hh), dtype=x.dtype)
    _, hs = jax.lax.scan(step, h0, xs)
    if reverse:
        hs = hs[::-1]
    return jnp.swapaxes(hs, 0, 1)


def forward_fn(questions, e_s, subj, rel_idx, obj, params):
    question_lens = L - jnp.sum((questions == 0).astype(jnp.int32), axis=1)
    q_word_emb = params['word_emb'][questions]  # [B, L, DIM_WORD]; dropout = identity (eval)
    h_f = run_gru(q_word_emb, params['gru_f_Wih'], params['gru_f_Whh'], params['gru_f_bih'], params['gru_f_bhh'], False)
    h_b = run_gru(q_word_emb, params['gru_b_Wih'], params['gru_b_Whh'], params['gru_b_bih'], params['gru_b_bhh'], True)
    q_word_h = jnp.concatenate([h_f, h_b], axis=-1)  # [B, L, DIM_H]

    att_mask = (jnp.arange(L)[None, :] < question_lens[:, None])  # [B, L] bool

    last_e = e_s
    q_word_h_hop = q_word_h
    prev_dist_ctx = None
    rel_probs = []
    ent_probs = []
    ctx_h_list = []

    for t in range(STEPS):
        h_key = q_word_h_hop @ params['W_step'][t] + params['b_step'][t]
        q_logits = h_key @ jnp.swapaxes(q_word_h, -1, -2)
        q_logits = jnp.swapaxes(q_logits, -1, -2)
        q_dist = jax.nn.softmax(q_logits, axis=2)
        q_dist = q_dist * att_mask.astype(jnp.float32)[:, None, :]
        q_dist = q_dist / (jnp.sum(q_dist, axis=2, keepdims=True) + 1e-06)
        hop_ctx = q_dist @ q_word_h_hop
        if t == 0:
            q_word_h_hop = q_word_h + hop_ctx
            dist_ctx = hop_ctx
        else:
            z = jax.nn.sigmoid(prev_dist_ctx @ params['hw_W'] + params['hw_b'])
            q_word_h_hop = q_word_h + hop_ctx + z * prev_dist_ctx
            dist_ctx = hop_ctx + z * prev_dist_ctx
        prev_dist_ctx = dist_ctx
        q_word_att = jnp.sum(q_dist, axis=1, keepdims=True)  # [B, 1, L]
        q_word_att = jax.nn.softmax(q_word_att, axis=2)
        q_word_att = q_word_att / (jnp.sum(q_word_att, axis=2, keepdims=True) + 1e-06)
        ctx_h = jnp.squeeze(jnp.swapaxes(q_word_h_hop, -1, -2) @ jnp.swapaxes(q_word_att, -1, -2), axis=2)  # [B, DIM_H]
        ctx_h_list.append(ctx_h)
        rel_dist = jax.nn.sigmoid(ctx_h @ params['rel_W'] + params['rel_b'])  # [B, NUM_REL]
        rel_probs.append(rel_dist)
        # follow: sparse Msubj/Mrel/Mobj products expressed as gather + segment_sum
        x = last_e[:, subj] * rel_dist[:, rel_idx]  # [B, T]
        last_e = jax.ops.segment_sum(x.T, obj, num_segments=NUM_ENT).T  # [B, E]
        m = (last_e > 1.0).astype(jnp.float32)
        zden = jax.lax.stop_gradient(m * last_e + (1.0 - m))
        last_e = last_e / zden
        if t > 0:
            prev_rel = jnp.argmax(rel_probs[-2], axis=1)
            curr_rel = jnp.argmax(rel_probs[-1], axis=1)
            prev_prev = ent_probs[-2] if len(ent_probs) >= 2 else e_s
            cond = (jnp.abs(prev_rel - curr_rel) == 1) & (jnp.remainder(jnp.minimum(prev_rel, curr_rel), 2) == 0)
            m2 = cond.astype(jnp.float32)[:, None]
            ent_m = m2 * (prev_prev > 0.9).astype(jnp.float32)
            last_e = (1.0 - ent_m) * last_e
        ent_probs.append(last_e)

    hop_res = jnp.stack(ent_probs, axis=1)  # [B, STEPS, E]
    ctx_hist = jnp.stack(ctx_h_list, axis=2)  # [B, DIM_H, STEPS]
    hop_logit = jnp.swapaxes(ctx_hist, -1, -2) @ params['hop_w'] + params['hop_b']  # [B, STEPS, 1]
    hop_attn = jnp.swapaxes(jax.nn.softmax(jnp.swapaxes(hop_logit, -1, -2), axis=2), -1, -2)  # [B, STEPS, 1]
    # eval path
    hop_att_tmp = jnp.squeeze(hop_attn, axis=2)  # [B, STEPS]
    loc = jnp.argmax(hop_att_tmp, axis=-1)
    mask_1hop = 1.0 - (hop_res[:, 0] > 0.0).astype(jnp.float32) * (loc > 1).astype(jnp.float32)[:, None]
    discount_1hop = mask_1hop * 0.1 + 0.9
    last_e = jnp.sum(hop_res * hop_attn, axis=1)
    last_e = last_e * discount_1hop
    return last_e


def setup_inputs(seed: int = 0) -> dict:
    key = jax.random.key(seed)
    ks = jax.random.split(key, 24)
    questions = jax.random.randint(ks[0], (BSZ, L), 0, NUM_WORDS, dtype=jnp.int32)
    e_s = jax.random.uniform(ks[1], (BSZ, NUM_ENT), dtype=jnp.float32)
    subj = jax.random.randint(ks[2], (T_TRIPLES,), 0, NUM_ENT, dtype=jnp.int32)
    rel_idx = jax.random.randint(ks[3], (T_TRIPLES,), 0, NUM_REL, dtype=jnp.int32)
    obj = jax.random.randint(ks[4], (T_TRIPLES,), 0, NUM_ENT, dtype=jnp.int32)
    params = {
        'word_emb': jax.random.normal(ks[5], (NUM_WORDS, DIM_WORD), dtype=jnp.float32) * 0.02,
        'gru_f_Wih': jax.random.normal(ks[6], (3 * HH, DIM_WORD), dtype=jnp.float32) * 0.05,
        'gru_f_Whh': jax.random.normal(ks[7], (3 * HH, HH), dtype=jnp.float32) * 0.05,
        'gru_f_bih': jnp.zeros((3 * HH,), dtype=jnp.float32),
        'gru_f_bhh': jnp.zeros((3 * HH,), dtype=jnp.float32),
        'gru_b_Wih': jax.random.normal(ks[8], (3 * HH, DIM_WORD), dtype=jnp.float32) * 0.05,
        'gru_b_Whh': jax.random.normal(ks[9], (3 * HH, HH), dtype=jnp.float32) * 0.05,
        'gru_b_bih': jnp.zeros((3 * HH,), dtype=jnp.float32),
        'gru_b_bhh': jnp.zeros((3 * HH,), dtype=jnp.float32),
        'W_step': jax.random.normal(ks[10], (STEPS, DIM_H, DIM_H), dtype=jnp.float32) * 0.02,
        'b_step': jnp.zeros((STEPS, DIM_H), dtype=jnp.float32),
        'hw_W': jax.random.normal(ks[11], (DIM_H, DIM_H), dtype=jnp.float32) * 0.02,
        'hw_b': jnp.zeros((DIM_H,), dtype=jnp.float32),
        'rel_W': jax.random.normal(ks[12], (DIM_H, NUM_REL), dtype=jnp.float32) * 0.02,
        'rel_b': jnp.zeros((NUM_REL,), dtype=jnp.float32),
        'hop_w': jax.random.normal(ks[13], (DIM_H, 1), dtype=jnp.float32) * 0.02,
        'hop_b': jnp.zeros((1,), dtype=jnp.float32),
    }
    return {'questions': questions, 'e_s': e_s, 'subj': subj, 'rel_idx': rel_idx, 'obj': obj, 'params': params}


def reference(questions, e_s, subj, rel_idx, obj, params):
    return forward_fn(questions, e_s, subj, rel_idx, obj, params)

if __name__ == "__main__":
    import jax
    _d = setup_inputs()
    print(jax.jit(kernel)(*tuple(_d.values())))

</pallas_src>

<mosaic_0001>
#map = affine_map<(d0, d1) -> (0, 0)>
#map1 = affine_map<(d0, d1) -> (0)>
#map2 = affine_map<(d0, d1) -> (0, 0, 0)>
module attributes {stable_mosaic.version = 14 : i64} {
  func.func @k(%arg0: i32, %arg1: i32, %arg2: memref<102400x16xf32, #tpu.memory_space<hbm>>, %arg3: memref<1026x16xf32, #tpu.memory_space<hbm>>, %arg4: memref<1026x16xf32, #tpu.memory_space<hbm>>, %arg5: memref<1026x16xf32, #tpu.memory_space<hbm>>, %arg6: memref<507904xi32, #tpu.memory_space<hbm>>, %arg7: memref<507904xi32, #tpu.memory_space<hbm>>, %arg8: memref<507904xi32, #tpu.memory_space<hbm>>, %arg9: memref<2x8x16xf32, #tpu.memory_space<hbm>>, %arg10: memref<102400x16xf32, #tpu.memory_space<hbm>>, %arg11: memref<102400x16xf32, #tpu.memory_space<hbm>>, %arg12: memref<102400x16xf32, #tpu.memory_space<hbm>>, %arg13: memref<512xi32, #tpu.memory_space<vmem>>, %arg14: memref<512xi32, #tpu.memory_space<vmem>>, %arg15: memref<512xi32, #tpu.memory_space<vmem>>, %arg16: memref<512xi32, #tpu.memory_space<vmem>>, %arg17: memref<512xi32, #tpu.memory_space<vmem>>, %arg18: memref<512xi32, #tpu.memory_space<vmem>>, %arg19: memref<512x16xf32, #tpu.memory_space<vmem>>, %arg20: memref<512x16xf32, #tpu.memory_space<vmem>>, %arg21: memref<512x16xf32, #tpu.memory_space<vmem>>, %arg22: memref<512x16xf32, #tpu.memory_space<vmem>>, %arg23: memref<640x16xf32, #tpu.memory_space<vmem>>, %arg24: memref<640x16xf32, #tpu.memory_space<vmem>>, %arg25: memref<640x16xf32, #tpu.memory_space<vmem>>, %arg26: memref<640x16xf32, #tpu.memory_space<vmem>>, %arg27: memref<8x16xf32, #tpu.memory_space<vmem>>, %arg28: memref<51200x16xf32, #tpu.memory_space<vmem_shared>>, %arg29: memref<!tpu.dma_semaphore, #tpu.memory_space<semaphore_mem>>, %arg30: memref<!tpu.dma_semaphore, #tpu.memory_space<semaphore_mem>>, %arg31: memref<!tpu.dma_semaphore, #tpu.memory_space<semaphore_mem>>, %arg32: memref<!tpu.dma_semaphore, #tpu.memory_space<semaphore_mem>>) attributes {dimension_semantics = [#tpu.dimension_semantics<core_parallel>, #tpu.dimension_semantics<subcore_parallel>], iteration_bounds = array<i64: 2, 16>, scalar_prefetch = 0 : i64, scratch_operands = 20 : i64, tpu.core_type = #tpu.core_type<sc_vector_subcore>, window_params = [{transform_indices = #map}, {transform_indices = #map}, {transform_indices = #map}, {transform_indices = #map}, {transform_indices = #map1}, {transform_indices = #map1}, {transform_indices = #map1}, {transform_indices = #map2}, {transform_indices = #map}, {transform_indices = #map}, {transform_indices = #map}]} {
    %broadcast_in_dim3A = arith.constant 0.000000e+00 : f32
    %broadcast_in_dim3A_0 = vector.broadcast %broadcast_in_dim3A : f32 to vector<16xf32>
    %parallel_loop3A = arith.constant 0 : i32
    %parallel_loop3A_1 = arith.constant 640 : i32
    %parallel_loop3A_2 = arith.constant 1 : i32
    scf.for %parallel_loop3A_242 = %parallel_loop3A to %parallel_loop3A_1 step %parallel_loop3A_2  : i32 {
      %parallel_loop3A_243 = arith.index_cast %parallel_loop3A_242 : i32 to index
      %parallel_loop3A_244 = arith.constant 0 : index
      %parallel_loop3A_245 = tpu.vector_load %arg26[%parallel_loop3A_243, %parallel_loop3A_244] {strides = array<i32>} : memref<640x16xf32, #tpu.memory_space<vmem>>, vector<1x16xf32>,
      %parallel_loop3A_246 = vector.shape_cast %parallel_loop3A_245 : vector<1x16xf32> to vector<16xf32>
      %parallel_loop3A_247 = vector.shape_cast %broadcast_in_dim3A_0 : vector<16xf32> to vector<1x16xf32>
      tpu.vector_store %arg26[%parallel_loop3A_243, %parallel_loop3A_244], %parallel_loop3A_247 {strides = array<i32>} : memref<640x16xf32, #tpu.memory_space<vmem>>, vector<1x16xf32>,
    } {sc.loop_unroll_factor = 8 : i64, sc.parallel_access}
    "tpu.region"() ({
      %run_scoped3A = tpu.sem_alloc : memref<!tpu.dma_semaphore, #tpu.memory_space<semaphore_mem>>
      %dma_start3A_242 = arith.constant 0 : i32
      %dma_start3A_243 = arith.constant 0 : i32
      %dma_start3A_244 = tpu.memref_slice %arg9[%arg0, %dma_start3A_242, %dma_start3A_243] : memref<2x8x16xf32, #tpu.memory_space<hbm>> -> memref<1x8x16xf32, #tpu.memory_space<hbm>>
      %dma_start3A_245 = tpu.memref_squeeze %dma_start3A_244 : memref<1x8x16xf32, #tpu.memory_space<hbm>> -> memref<8x16xf32, #tpu.memory_space<hbm>>
      %dma_start3A_246 = arith.constant 0 : i32
      %dma_start3A_247 = arith.constant 0 : i32
      %dma_start3A_248 = tpu.memref_slice %arg9[%arg0, %dma_start3A_246, %dma_start3A_247] : memref<2x8x16xf32, #tpu.memory_space<hbm>> -> memref<1x8x16xf32, #tpu.memory_space<hbm>>
      %dma_start3A_249 = tpu.memref_squeeze %dma_start3A_248 : memref<1x8x16xf32, #tpu.memory_space<hbm>> -> memref<8x16xf32, #tpu.memory_space<hbm>>
      tpu.enqueue_dma source(%dma_start3A_249 : memref<8x16xf32, #tpu.memory_space<hbm>>) target(%arg27 : memref<8x16xf32, #tpu.memory_space<vmem>>) target_semaphore(%run_scoped3A : memref<!tpu.dma_semaphore, #tpu.memory_space<semaphore_mem>>)
      %dma_wait3A_250 = arith.constant 0 : i32
      %dma_wait3A_251 = arith.constant 0 : i32
      %dma_wait3A_252 = tpu.memref_slice %arg9[%arg0, %dma_wait3A_250, %dma_wait3A_251] : memref<2x8x16xf32, #tpu.memory_space<hbm>> -> memref<1x8x16xf32, #tpu.memory_space<hbm>>
      %dma_wait3A_253 = tpu.memref_squeeze %dma_wait3A_252 : memref<1x8x16xf32, #tpu.memory_space<hbm>> -> memref<8x16xf32, #tpu.memory_space<hbm>>
      %dma_wait3A_254 = arith.constant 0 : i32
      %dma_wait3A_255 = arith.constant 0 : i32
      %dma_wait3A_256 = tpu.memref_slice %arg9[%arg0, %dma_wait3A_254, %dma_wait3A_255] : memref<2x8x16xf32, #tpu.memory_space<hbm>> -> memref<1x8x16xf32, #tpu.memory_space<hbm>>
      %dma_wait3A_257 = tpu.memref_squeeze %dma_wait3A_256 : memref<1x8x16xf32, #tpu.memory_space<hbm>> -> memref<8x16xf32, #tpu.memory_space<hbm>>
      tpu.wait_dma2 semaphore(%run_scoped3A : memref<!tpu.dma_semaphore, #tpu.memory_space<semaphore_mem>>) src(%dma_wait3A_257 : memref<8x16xf32, #tpu.memory_space<hbm>>) dst(%arg27 : memref<8x16xf32, #tpu.memory_space<vmem>>)
      tpu.yield
    }) : () -> ()
    %mul3A = arith.constant 3200 : i32
    %mul3A_3 = arith.muli %arg1, %mul3A : i32
    %add3A = arith.constant 0 : i32
    %add3A_4 = arith.addi %mul3A_3, %add3A : i32
    "tpu.region"() ({
      %run_scoped3A = tpu.sem_alloc : memref<!tpu.dma_semaphore, #tpu.memory_space<semaphore_mem>>
      %dma_start3A_242 = arith.constant 0 : i32
      %dma_start3A_243 = tpu.memref_slice %arg28[%add3A_4, %dma_start3A_242] : memref<51200x16xf32, #tpu.memory_space<vmem_shared>> -> memref<640x16xf32, #tpu.memory_space<vmem_shared>>
      %dma_start3A_244 = arith.constant 0 : i32
      %dma_start3A_245 = tpu.memref_slice %arg28[%add3A_4, %dma_start3A_244] : memref<51200x16xf32, #tpu.memory_space<vmem_shared>> -> memref<640x16xf32, #tpu.memory_space<vmem_shared>>
      tpu.enqueue_dma source(%arg26 : memref<640x16xf32, #tpu.memory_space<vmem>>) target(%dma_start3A_245 : memref<640x16xf32, #tpu.memory_space<vmem_shared>>) target_semaphore(%run_scoped3A : memref<!tpu.dma_semaphore, #tpu.memory_space<semaphore_mem>>)
      %dma_wait3A_246 = arith.constant 0 : i32
      %dma_wait3A_247 = tpu.memref_slice %arg28[%add3A_4, %dma_wait3A_246] : memref<51200x16xf32, #tpu.memory_space<vmem_shared>> -> memref<640x16xf32, #tpu.memory_space<vmem_shared>>
      %dma_wait3A_248 = arith.constant 0 : i32
      %dma_wait3A_249 = tpu.memref_slice %arg28[%add3A_4, %dma_wait3A_248] : memref<51200x16xf32, #tpu.memory_space<vmem_shared>> -> memref<640x16xf32, #tpu.memory_space<vmem_shared>>
      tpu.wait_dma2 semaphore(%run_scoped3A : memref<!tpu.dma_semaphore, #tpu.memory_space<semaphore_mem>>) src(%arg26 : memref<640x16xf32, #tpu.memory_space<vmem>>) dst(%dma_wait3A_249 : memref<640x16xf32, #tpu.memory_space<vmem_shared>>)
      tpu.yield
    }) : () -> ()
    %add3A_5 = arith.constant 640 : i32
    %add3A_6 = arith.addi %mul3A_3, %add3A_5 : i32
    "tpu.region"() ({
      %run_scoped3A = tpu.sem_alloc : memref<!tpu.dma_semaphore, #tpu.memory_space<semaphore_mem>>
      %dma_start3A_242 = arith.constant 0 : i32
      %dma_start3A_243 = tpu.memref_slice %arg28[%add3A_6, %dma_start3A_242] : memref<51200x16xf32, #tpu.memory_space<vmem_shared>> -> memref<640x16xf32, #tpu.memory_space<vmem_shared>>
      %dma_start3A_244 = arith.constant 0 : i32
      %dma_start3A_245 = tpu.memref_slice %arg28[%add3A_6, %dma_start3A_244] : memref<51200x16xf32, #tpu.memory_space<vmem_shared>> -> memref<640x16xf32, #tpu.memory_space<vmem_shared>>
      tpu.enqueue_dma source(%arg26 : memref<640x16xf32, #tpu.memory_space<vmem>>) target(%dma_start3A_245 : memref<640x16xf32, #tpu.memory_space<vmem_shared>>) target_semaphore(%run_scoped3A : memref<!tpu.dma_semaphore, #tpu.memory_space<semaphore_mem>>)
      %dma_wait3A_246 = arith.constant 0 : i32
      %dma_wait3A_247 = tpu.memref_slice %arg28[%add3A_6, %dma_wait3A_246] : memref<51200x16xf32, #tpu.memory_space<vmem_shared>> -> memref<640x16xf32, #tpu.memory_space<vmem_shared>>
      %dma_wait3A_248 = arith.constant 0 : i32
      %dma_wait3A_249 = tpu.memref_slice %arg28[%add3A_6, %dma_wait3A_248] : memref<51200x16xf32, #tpu.memory_space<vmem_shared>> -> memref<640x16xf32, #tpu.memory_space<vmem_shared>>
      tpu.wait_dma2 semaphore(%run_scoped3A : memref<!tpu.dma_semaphore, #tpu.memory_space<semaphore_mem>>) src(%arg26 : memref<640x16xf32, #tpu.memory_space<vmem>>) dst(%dma_wait3A_249 : memref<640x16xf32, #tpu.memory_space<vmem_shared>>)
      tpu.yield
    }) : () -> ()
    %add3A_7 = arith.constant 1280 : i32
    %add3A_8 = arith.addi %mul3A_3, %add3A_7 : i32
    "tpu.region"() ({
      %run_scoped3A = tpu.sem_alloc : memref<!tpu.dma_semaphore, #tpu.memory_space<semaphore_mem>>
      %dma_start3A_242 = arith.constant 0 : i32
      %dma_start3A_243 = tpu.memref_slice %arg28[%add3A_8, %dma_start3A_242] : memref<51200x16xf32, #tpu.memory_space<vmem_shared>> -> memref<640x16xf32, #tpu.memory_space<vmem_shared>>
      %dma_start3A_244 = arith.constant 0 : i32
      %dma_start3A_245 = tpu.memref_slice %arg28[%add3A_8, %dma_start3A_244] : memref<51200x16xf32, #tpu.memory_space<vmem_shared>> -> memref<640x16xf32, #tpu.memory_space<vmem_shared>>
      tpu.enqueue_dma source(%arg26 : memref<640x16xf32, #tpu.memory_space<vmem>>) target(%dma_start3A_245 : memref<640x16xf32, #tpu.memory_space<vmem_shared>>) target_semaphore(%run_scoped3A : memref<!tpu.dma_semaphore, #tpu.memory_space<semaphore_mem>>)
      %dma_wait3A_246 = arith.constant 0 : i32
      %dma_wait3A_247 = tpu.memref_slice %arg28[%add3A_8, %dma_wait3A_246] : memref<51200x16xf32, #tpu.memory_space<vmem_shared>> -> memref<640x16xf32, #tpu.memory_space<vmem_shared>>
      %dma_wait3A_248 = arith.constant 0 : i32
      %dma_wait3A_249 = tpu.memref_slice %arg28[%add3A_8, %dma_wait3A_248] : memref<51200x16xf32, #tpu.memory_space<vmem_shared>> -> memref<640x16xf32, #tpu.memory_space<vmem_shared>>
      tpu.wait_dma2 semaphore(%run_scoped3A : memref<!tpu.dma_semaphore, #tpu.memory_space<semaphore_mem>>) src(%arg26 : memref<640x16xf32, #tpu.memory_space<vmem>>) dst(%dma_wait3A_249 : memref<640x16xf32, #tpu.memory_space<vmem_shared>>)
      tpu.yield
    }) : () -> ()
    %add3A_9 = arith.constant 1920 : i32
    %add3A_10 = arith.addi %mul3A_3, %add3A_9 : i32
    "tpu.region"() ({
      %run_scoped3A = tpu.sem_alloc : memref<!tpu.dma_semaphore, #tpu.memory_space<semaphore_mem>>
      %dma_start3A_242 = arith.constant 0 : i32
      %dma_start3A_243 = tpu.memref_slice %arg28[%add3A_10, %dma_start3A_242] : memref<51200x16xf32, #tpu.memory_space<vmem_shared>> -> memref<640x16xf32, #tpu.memory_space<vmem_shared>>
      %dma_start3A_244 = arith.constant 0 : i32
      %dma_start3A_245 = tpu.memref_slice %arg28[%add3A_10, %dma_start3A_244] : memref<51200x16xf32, #tpu.memory_space<vmem_shared>> -> memref<640x16xf32, #tpu.memory_space<vmem_shared>>
      tpu.enqueue_dma source(%arg26 : memref<640x16xf32, #tpu.memory_space<vmem>>) target(%dma_start3A_245 : memref<640x16xf32, #tpu.memory_space<vmem_shared>>) target_semaphore(%run_scoped3A : memref<!tpu.dma_semaphore, #tpu.memory_space<semaphore_mem>>)
      %dma_wait3A_246 = arith.constant 0 : i32
      %dma_wait3A_247 = tpu.memref_slice %arg28[%add3A_10, %dma_wait3A_246] : memref<51200x16xf32, #tpu.memory_space<vmem_shared>> -> memref<640x16xf32, #tpu.memory_space<vmem_shared>>
      %dma_wait3A_248 = arith.constant 0 : i32
      %dma_wait3A_249 = tpu.memref_slice %arg28[%add3A_10, %dma_wait3A_248] : memref<51200x16xf32, #tpu.memory_space<vmem_shared>> -> memref<640x16xf32, #tpu.memory_space<vmem_shared>>
      tpu.wait_dma2 semaphore(%run_scoped3A : memref<!tpu.dma_semaphore, #tpu.memory_space<semaphore_mem>>) src(%arg26 : memref<640x16xf32, #tpu.memory_space<vmem>>) dst(%dma_wait3A_249 : memref<640x16xf32, #tpu.memory_space<vmem_shared>>)
      tpu.yield
    }) : () -> ()
    %add3A_11 = arith.constant 2560 : i32
    %add3A_12 = arith.addi %mul3A_3, %add3A_11 : i32
    "tpu.region"() ({
      %run_scoped3A = tpu.sem_alloc : memref<!tpu.dma_semaphore, #tpu.memory_space<semaphore_mem>>
      %dma_start3A_242 = arith.constant 0 : i32
      %dma_start3A_243 = tpu.memref_slice %arg28[%add3A_12, %dma_start3A_242] : memref<51200x16xf32, #tpu.memory_space<vmem_shared>> -> memref<640x16xf32, #tpu.memory_space<vmem_shared>>
      %dma_start3A_244 = arith.constant 0 : i32
      %dma_start3A_245 = tpu.memref_slice %arg28[%add3A_12, %dma_start3A_244] : memref<51200x16xf32, #tpu.memory_space<vmem_shared>> -> memref<640x16xf32, #tpu.memory_space<vmem_shared>>
      tpu.enqueue_dma source(%arg26 : memref<640x16xf32, #tpu.memory_space<vmem>>) target(%dma_start3A_245 : memref<640x16xf32, #tpu.memory_space<vmem_shared>>) target_semaphore(%run_scoped3A : memref<!tpu.dma_semaphore, #tpu.memory_space<semaphore_mem>>)
      %dma_wait3A_246 = arith.constant 0 : i32
      %dma_wait3A_247 = tpu.memref_slice %arg28[%add3A_12, %dma_wait3A_246] : memref<51200x16xf32, #tpu.memory_space<vmem_shared>> -> memref<640x16xf32, #tpu.memory_space<vmem_shared>>
      %dma_wait3A_248 = arith.constant 0 : i32
      %dma_wait3A_249 = tpu.memref_slice %arg28[%add3A_12, %dma_wait3A_248] : memref<51200x16xf32, #tpu.memory_space<vmem_shared>> -> memref<640x16xf32, #tpu.memory_space<vmem_shared>>
      tpu.wait_dma2 semaphore(%run_scoped3A : memref<!tpu.dma_semaphore, #tpu.memory_space<semaphore_mem>>) src(%arg26 : memref<640x16xf32, #tpu.memory_space<vmem>>) dst(%dma_wait3A_249 : memref<640x16xf32, #tpu.memory_space<vmem_shared>>)
      tpu.yield
    }) : () -> ()
    %barrier3A = arith.constant 0 : index
    tpu.barrier barrier_id(%barrier3A)
    %get3A = arith.constant 0 : i32
    %get3A_13 = arith.index_cast %get3A : i32 to index
    %get3A_14 = arith.constant 0 : index
    %get3A_15 = tpu.vector_load %arg27[%get3A_13, %get3A_14] {strides = array<i32>} : memref<8x16xf32, #tpu.memory_space<vmem>>, vector<1x16xf32>,
    %get3A_16 = vector.shape_cast %get3A_15 : vector<1x16xf32> to vector<16xf32>
    %get3A_17 = arith.constant 1 : i32
    %get3A_18 = arith.index_cast %get3A_17 : i32 to index
    %get3A_19 = arith.constant 0 : index
    %get3A_20 = tpu.vector_load %arg27[%get3A_18, %get3A_19] {strides = array<i32>} : memref<8x16xf32, #tpu.memory_space<vmem>>, vector<1x16xf32>,
    %get3A_21 = vector.shape_cast %get3A_20 : vector<1x16xf32> to vector<16xf32>
    %get3A_22 = arith.constant 2 : i32
    %get3A_23 = arith.index_cast %get3A_22 : i32 to index
    %get3A_24 = arith.constant 0 : index
    %get3A_25 = tpu.vector_load %arg27[%get3A_23, %get3A_24] {strides = array<i32>} : memref<8x16xf32, #tpu.memory_space<vmem>>, vector<1x16xf32>,
    %get3A_26 = vector.shape_cast %get3A_25 : vector<1x16xf32> to vector<16xf32>
    %get3A_27 = arith.constant 3 : i32
    %get3A_28 = arith.index_cast %get3A_27 : i32 to index
    %get3A_29 = arith.constant 0 : index
    %get3A_30 = tpu.vector_load %arg27[%get3A_28, %get3A_29] {strides = array<i32>} : memref<8x16xf32, #tpu.memory_space<vmem>>, vector<1x16xf32>,
    %get3A_31 = vector.shape_cast %get3A_30 : vector<1x16xf32> to vector<16xf32>
    %get3A_32 = arith.constant 4 : i32
    %get3A_33 = arith.index_cast %get3A_32 : i32 to index
    %get3A_34 = arith.constant 0 : index
    %get3A_35 = tpu.vector_load %arg27[%get3A_33, %get3A_34] {strides = array<i32>} : memref<8x16xf32, #tpu.memory_space<vmem>>, vector<1x16xf32>,
    %get3A_36 = vector.shape_cast %get3A_35 : vector<1x16xf32> to vector<16xf32>
    %get3A_37 = arith.constant 5 : i32
    %get3A_38 = arith.index_cast %get3A_37 : i32 to index
    %get3A_39 = arith.constant 0 : index
    %get3A_40 = tpu.vector_load %arg27[%get3A_38, %get3A_39] {strides = array<i32>} : memref<8x16xf32, #tpu.memory_space<vmem>>, vector<1x16xf32>,
    %get3A_41 = vector.shape_cast %get3A_40 : vector<1x16xf32> to vector<16xf32>
    %mul3A_42 = arith.constant 51200 : i32
    %mul3A_43 = arith.muli %arg0, %mul3A_42 : i32
    %broadcast_in_dim3A_44 = vector.broadcast %mul3A_43 : i32 to vector<16xi32>
    %mul3A_45 = arith.constant 513 : i32
    %mul3A_46 = arith.muli %arg0, %mul3A_45 : i32
    %broadcast_in_dim3A_47 = vector.broadcast %mul3A_46 : i32 to vector<16xi32>
    %mul3A_48 = arith.constant 31744 : i32
    %mul3A_49 = arith.muli %arg1, %mul3A_48 : i32
    %add3A_50 = arith.constant 0 : i32
    %add3A_51 = arith.addi %mul3A_49, %add3A_50 : i32
    "tpu.region"() ({
      %run_scoped3A = tpu.sem_alloc : memref<!tpu.dma_semaphore, #tpu.memory_space<semaphore_mem>>
      %dma_start3A_242 = tpu.memref_slice %arg6[%add3A_51] : memref<507904xi32, #tpu.memory_space<hbm>> -> memref<512xi32, #tpu.memory_space<hbm>>
      %dma_start3A_243 = tpu.memref_slice %arg6[%add3A_51] : memref<507904xi32, #tpu.memory_space<hbm>> -> memref<512xi32, #tpu.memory_space<hbm>>
      tpu.enqueue_dma source(%dma_start3A_243 : memref<512xi32, #tpu.memory_space<hbm>>) target(%arg13 : memref<512xi32, #tpu.memory_space<vmem>>) target_semaphore(%run_scoped3A : memref<!tpu.dma_semaphore, #tpu.memory_space<semaphore_mem>>)
      %dma_wait3A_244 = tpu.memref_slice %arg6[%add3A_51] : memref<507904xi32, #tpu.memory_space<hbm>> -> memref<512xi32, #tpu.memory_space<hbm>>
      %dma_wait3A_245 = tpu.memref_slice %arg6[%add3A_51] : memref<507904xi32, #tpu.memory_space<hbm>> -> memref<512xi32, #tpu.memory_space<hbm>>
      tpu.wait_dma2 semaphore(%run_scoped3A : memref<!tpu.dma_semaphore, #tpu.memory_space<semaphore_mem>>) src(%dma_wait3A_245 : memref<512xi32, #tpu.memory_space<hbm>>) dst(%arg13 : memref<512xi32, #tpu.memory_space<vmem>>)
      tpu.yield
    }) : () -> ()
    "tpu.region"() ({
      %run_scoped3A = tpu.sem_alloc : memref<!tpu.dma_semaphore, #tpu.memory_space<semaphore_mem>>
      %dma_start3A_242 = tpu.memref_slice %arg7[%add3A_51] : memref<507904xi32, #tpu.memory_space<hbm>> -> memref<512xi32, #tpu.memory_space<hbm>>
      %dma_start3A_243 = tpu.memref_slice %arg7[%add3A_51] : memref<507904xi32, #tpu.memory_space<hbm>> -> memref<512xi32, #tpu.memory_space<hbm>>
      tpu.enqueue_dma source(%dma_start3A_243 : memref<512xi32, #tpu.memory_space<hbm>>) target(%arg15 : memref<512xi32, #tpu.memory_space<vmem>>) target_semaphore(%run_scoped3A : memref<!tpu.dma_semaphore, #tpu.memory_space<semaphore_mem>>)
      %dma_wait3A_244 = tpu.memref_slice %arg7[%add3A_51] : memref<507904xi32, #tpu.memory_space<hbm>> -> memref<512xi32, #tpu.memory_space<hbm>>
      %dma_wait3A_245 = tpu.memref_slice %arg7[%add3A_51] : memref<507904xi32, #tpu.memory_space<hbm>> -> memref<512xi32, #tpu.memory_space<hbm>>
      tpu.wait_dma2 semaphore(%run_scoped3A : memref<!tpu.dma_semaphore, #tpu.memory_space<semaphore_mem>>) src(%dma_wait3A_245 : memref<512xi32, #tpu.memory_space<hbm>>) dst(%arg15 : memref<512xi32, #tpu.memory_space<vmem>>)
      tpu.yield
    }) : () -> ()
    "tpu.region"() ({
      %run_scoped3A = tpu.sem_alloc : memref<!tpu.dma_semaphore, #tpu.memory_space<semaphore_mem>>
      %dma_start3A_242 = tpu.memref_slice %arg8[%add3A_51] : memref<507904xi32, #tpu.memory_space<hbm>> -> memref<512xi32, #tpu.memory_space<hbm>>
      %dma_start3A_243 = tpu.memref_slice %arg8[%add3A_51] : memref<507904xi32, #tpu.memory_space<hbm>> -> memref<512xi32, #tpu.memory_space<hbm>>
      tpu.enqueue_dma source(%dma_start3A_243 : memref<512xi32, #tpu.memory_space<hbm>>) target(%arg17 : memref<512xi32, #tpu.memory_space<vmem>>) target_semaphore(%run_scoped3A : memref<!tpu.dma_semaphore, #tpu.memory_space<semaphore_mem>>)
      %dma_wait3A_244 = tpu.memref_slice %arg8[%add3A_51] : memref<507904xi32, #tpu.memory_space<hbm>> -> memref<512xi32, #tpu.memory_space<hbm>>
      %dma_wait3A_245 = tpu.memref_slice %arg8[%add3A_51] : memref<507904xi32, #tpu.memory_space<hbm>> -> memref<512xi32, #tpu.memory_space<hbm>>
      tpu.wait_dma2 semaphore(%run_scoped3A : memref<!tpu.dma_semaphore, #tpu.memory_space<semaphore_mem>>) src(%dma_wait3A_245 : memref<512xi32, #tpu.memory_space<hbm>>) dst(%arg17 : memref<512xi32, #tpu.memory_space<vmem>>)
      tpu.yield
    }) : () -> ()
    %parallel_loop3A_52 = arith.constant 0 : i32
    %parallel_loop3A_53 = arith.constant 512 : i32
    %parallel_loop3A_54 = arith.constant 16 : i32
    scf.for %parallel_loop3A_242 = %parallel_loop3A_52 to %parallel_loop3A_53 step %parallel_loop3A_54  : i32 {
      %parallel_loop3A_243 = arith.index_cast %parallel_loop3A_242 : i32 to index
      %parallel_loop3A_244 = tpu.vector_load %arg13[%parallel_loop3A_243] {strides = array<i32>} : memref<512xi32, #tpu.memory_space<vmem>>, vector<16xi32>,
      %parallel_loop3A_245 = vector.shape_cast %parallel_loop3A_244 : vector<16xi32> to vector<16xi32>
      %parallel_loop3A_246 = arith.addi %parallel_loop3A_245, %broadcast_in_dim3A_44 : vector<16xi32>
      %parallel_loop3A_247 = arith.index_cast %parallel_loop3A_242 : i32 to index
      %parallel_loop3A_248 = tpu.vector_load %arg13[%parallel_loop3A_247] {strides = array<i32>} : memref<512xi32, #tpu.memory_space<vmem>>, vector<16xi32>,
      %parallel_loop3A_249 = vector.shape_cast %parallel_loop3A_248 : vector<16xi32> to vector<16xi32>
      %parallel_loop3A_250 = vector.shape_cast %parallel_loop3A_246 : vector<16xi32> to vector<16xi32>
      tpu.vector_store %arg13[%parallel_loop3A_247], %parallel_loop3A_250 {strides = array<i32>} : memref<512xi32, #tpu.memory_space<vmem>>, vector<16xi32>,
      %parallel_loop3A_251 = arith.index_cast %parallel_loop3A_242 : i32 to index
      %parallel_loop3A_252 = tpu.vector_load %arg15[%parallel_loop3A_251] {strides = array<i32>} : memref<512xi32, #tpu.memory_space<vmem>>, vector<16xi32>,
      %parallel_loop3A_253 = vector.shape_cast %parallel_loop3A_252 : vector<16xi32> to vector<16xi32>
      %parallel_loop3A_254 = arith.addi %parallel_loop3A_253, %broadcast_in_dim3A_47 : vector<16xi32>
      %parallel_loop3A_255 = arith.index_cast %parallel_loop3A_242 : i32 to index
      %parallel_loop3A_256 = tpu.vector_load %arg15[%parallel_loop3A_255] {strides = array<i32>} : memref<512xi32, #tpu.memory_space<vmem>>, vector<16xi32>,
      %parallel_loop3A_257 = vector.shape_cast %parallel_loop3A_256 : vector<16xi32> to vector<16xi32>
      %parallel_loop3A_258 = vector.shape_cast %parallel_loop3A_254 : vector<16xi32> to vector<16xi32>
      tpu.vector_store %arg15[%parallel_loop3A_255], %parallel_loop3A_258 {strides = array<i32>} : memref<512xi32, #tpu.memory_space<vmem>>, vector<16xi32>,
    } {sc.loop_unroll_factor = 4 : i64, sc.parallel_access}
    %dma_start3A = arith.constant 0 : i32
    %dma_start3A_55 = arith.constant 0 : i32
    %dma_start3A_56 = tpu.memref_slice %arg2[%dma_start3A, %dma_start3A_55] : memref<102400x16xf32, #tpu.memory_space<hbm>> -> memref<102400x16xf32, #tpu.memory_space<hbm>>
    tpu.enqueue_indirect_dma source(%dma_start3A_56 : memref<102400x16xf32, #tpu.memory_space<hbm>>) target(%arg19 : memref<512x16xf32, #tpu.memory_space<vmem>>) offsets(%arg13 : memref<512xi32, #tpu.memory_space<vmem>>) semaphore(%arg29 : memref<!tpu.dma_semaphore, #tpu.memory_space<semaphore_mem>>)
    %dma_start3A_57 = arith.constant 0 : i32
    %dma_start3A_58 = arith.constant 0 : i32
    %dma_start3A_59 = tpu.memref_slice %arg3[%dma_start3A_57, %dma_start3A_58] : memref<1026x16xf32, #tpu.memory_space<hbm>> -> memref<1026x16xf32, #tpu.memory_space<hbm>>
    tpu.enqueue_indirect_dma source(%dma_start3A_59 : memref<1026x16xf32, #tpu.memory_space<hbm>>) target(%arg21 : memref<512x16xf32, #tpu.memory_space<vmem>>) offsets(%arg15 : memref<512xi32, #tpu.memory_space<vmem>>) semaphore(%arg29 : memref<!tpu.dma_semaphore, #tpu.memory_space<semaphore_mem>>)
    %scan3A = arith.constant 0 : i32
    %scan3A_60 = arith.constant 0 : i32
    %scan3A_61 = arith.constant 31 : i32
    %scan3A_62 = arith.addi %scan3A_60, %scan3A_61 : i32
    %scan3A_63 = arith.constant 1 : i32
    scf.for %scan3A_242 = %scan3A_60 to %scan3A_62 step %scan3A_63  : i32 {
      %mul3A_243 = arith.constant 2 : i32
      %mul3A_244 = arith.muli %scan3A_242, %mul3A_243 : i32
      %add3A_245 = arith.constant 1 : i32
      %add3A_246 = arith.addi %mul3A_244, %add3A_245 : i32
      %ge3A = arith.constant 2 : i32
      %ge3A_247 = arith.cmpi sge, %add3A_246, %ge3A : i32
      %convert_element_type3A = arith.extui %ge3A_247 : i1 to i32
      %cond3A = arith.constant 0 : i32
      %cond3A_248 = arith.cmpi ne, %convert_element_type3A, %cond3A : i32
      scf.if %cond3A_248 {
        %dma_wait3A_293 = arith.constant 0 : i32
        %dma_wait3A_294 = arith.constant 0 : i32
        %dma_wait3A_295 = tpu.memref_slice %arg28[%dma_wait3A_293, %dma_wait3A_294] : memref<51200x16xf32, #tpu.memory_space<vmem_shared>> -> memref<51200x16xf32, #tpu.memory_space<vmem_shared>>
        tpu.wait_indirect_dma semaphore(%arg32 : memref<!tpu.dma_semaphore, #tpu.memory_space<semaphore_mem>>) src(%arg20 : memref<512x16xf32, #tpu.memory_space<vmem>>) dst(%dma_wait3A_295 : memref<51200x16xf32, #tpu.memory_space<vmem_shared>>)
      } else {
      }
      %mul3A_249 = arith.constant 512 : i32
      %mul3A_250 = arith.muli %add3A_246, %mul3A_249 : i32
      %add3A_251 = arith.addi %mul3A_49, %mul3A_250 : i32
      "tpu.region"() ({
        %run_scoped3A = tpu.sem_alloc : memref<!tpu.dma_semaphore, #tpu.memory_space<semaphore_mem>>
        %dma_start3A_293 = tpu.memref_slice %arg6[%add3A_251] : memref<507904xi32, #tpu.memory_space<hbm>> -> memref<512xi32, #tpu.memory_space<hbm>>
        %dma_start3A_294 = tpu.memref_slice %arg6[%add3A_251] : memref<507904xi32, #tpu.memory_space<hbm>> -> memref<512xi32, #tpu.memory_space<hbm>>
        tpu.enqueue_dma source(%dma_start3A_294 : memref<512xi32, #tpu.memory_space<hbm>>) target(%arg14 : memref<512xi32, #tpu.memory_space<vmem>>) target_semaphore(%run_scoped3A : memref<!tpu.dma_semaphore, #tpu.memory_space<semaphore_mem>>)
        %dma_wait3A_295 = tpu.memref_slice %arg6[%add3A_251] : memref<507904xi32, #tpu.memory_space<hbm>> -> memref<512xi32, #tpu.memory_space<hbm>>
        %dma_wait3A_296 = tpu.memref_slice %arg6[%add3A_251] : memref<507904xi32, #tpu.memory_space<hbm>> -> memref<512xi32, #tpu.memory_space<hbm>>
        tpu.wait_dma2 semaphore(%run_scoped3A : memref<!tpu.dma_semaphore, #tpu.memory_space<semaphore_mem>>) src(%dma_wait3A_296 : memref<512xi32, #tpu.memory_space<hbm>>) dst(%arg14 : memref<512xi32, #tpu.memory_space<vmem>>)
        tpu.yield
      }) : () -> ()
      "tpu.region"() ({
        %run_scoped3A = tpu.sem_alloc : memref<!tpu.dma_semaphore, #tpu.memory_space<semaphore_mem>>
        %dma_start3A_293 = tpu.memref_slice %arg7[%add3A_251] : memref<507904xi32, #tpu.memory_space<hbm>> -> memref<512xi32, #tpu.memory_space<hbm>>
        %dma_start3A_294 = tpu.memref_slice %arg7[%add3A_251] : memref<507904xi32, #tpu.memory_space<hbm>> -> memref<512xi32, #tpu.memory_space<hbm>>
        tpu.enqueue_dma source(%dma_start3A_294 : memref<512xi32, #tpu.memory_space<hbm>>) target(%arg16 : memref<512xi32, #tpu.memory_space<vmem>>) target_semaphore(%run_scoped3A : memref<!tpu.dma_semaphore, #tpu.memory_space<semaphore_mem>>)
        %dma_wait3A_295 = tpu.memref_slice %arg7[%add3A_251] : memref<507904xi32, #tpu.memory_space<hbm>> -> memref<512xi32, #tpu.memory_space<hbm>>
        %dma_wait3A_296 = tpu.memref_slice %arg7[%add3A_251] : memref<507904xi32, #tpu.memory_space<hbm>> -> memref<512xi32, #tpu.memory_space<hbm>>
        tpu.wait_dma2 semaphore(%run_scoped3A : memref<!tpu.dma_semaphore, #tpu.memory_space<semaphore_mem>>) src(%dma_wait3A_296 : memref<512xi32, #tpu.memory_space<hbm>>) dst(%arg16 : memref<512xi32, #tpu.memory_space<vmem>>)
        tpu.yield
      }) : () -> ()
      "tpu.region"() ({
        %run_scoped3A = tpu.sem_alloc : memref<!tpu.dma_semaphore, #tpu.memory_space<semaphore_mem>>
        %dma_start3A_293 = tpu.memref_slice %arg8[%add3A_251] : memref<507904xi32, #tpu.memory_space<hbm>> -> memref<512xi32, #tpu.memory_space<hbm>>
        %dma_start3A_294 = tpu.memref_slice %arg8[%add3A_251] : memref<507904xi32, #tpu.memory_space<hbm>> -> memref<512xi32, #tpu.memory_space<hbm>>
        tpu.enqueue_dma source(%dma_start3A_294 : memref<512xi32, #tpu.memory_space<hbm>>) target(%arg18 : memref<512xi32, #tpu.memory_space<vmem>>) target_semaphore(%run_scoped3A : memref<!tpu.dma_semaphore, #tpu.memory_space<semaphore_mem>>)
        %dma_wait3A_295 = tpu.memref_slice %arg8[%add3A_251] : memref<507904xi32, #tpu.memory_space<hbm>> -> memref<512xi32, #tpu.memory_space<hbm>>
        %dma_wait3A_296 = tpu.memref_slice %arg8[%add3A_251] : memref<507904xi32, #tpu.memory_space<hbm>> -> memref<512xi32, #tpu.memory_space<hbm>>
        tpu.wait_dma2 semaphore(%run_scoped3A : memref<!tpu.dma_semaphore, #tpu.memory_space<semaphore_mem>>) src(%dma_wait3A_296 : memref<512xi32, #tpu.memory_space<hbm>>) dst(%arg18 : memref<512xi32, #tpu.memory_space<vmem>>)
        tpu.yield
      }) : () -> ()
      %parallel_loop3A_252 = arith.constant 0 : i32
      %parallel_loop3A_253 = arith.constant 512 : i32
      %parallel_loop3A_254 = arith.constant 16 : i32
      scf.for %parallel_loop3A_293 = %parallel_loop3A_252 to %parallel_loop3A_253 step %parallel_loop3A_254  : i32 {
        %parallel_loop3A_294 = arith.index_cast %parallel_loop3A_293 : i32 to index
        %parallel_loop3A_295 = tpu.vector_load %arg14[%parallel_loop3A_294] {strides = array<i32>} : memref<512xi32, #tpu.memory_space<vmem>>, vector<16xi32>,
        %parallel_loop3A_296 = vector.shape_cast %parallel_loop3A_295 : vector<16xi32> to vector<16xi32>
        %parallel_loop3A_297 = arith.addi %parallel_loop3A_296, %broadcast_in_dim3A_44 : vector<16xi32>
        %parallel_loop3A_298 = arith.index_cast %parallel_loop3A_293 : i32 to index
        %parallel_loop3A_299 = tpu.vector_load %arg14[%parallel_loop3A_298] {strides = array<i32>} : memref<512xi32, #tpu.memory_space<vmem>>, vector<16xi32>,
        %parallel_loop3A_300 = vector.shape_cast %parallel_loop3A_299 : vector<16xi32> to vector<16xi32>
        %parallel_loop3A_301 = vector.shape_cast %parallel_loop3A_297 : vector<16xi32> to vector<16xi32>
        tpu.vector_store %arg14[%parallel_loop3A_298], %parallel_loop3A_301 {strides = array<i32>} : memref<512xi32, #tpu.memory_space<vmem>>, vector<16xi32>,
        %parallel_loop3A_302 = arith.index_cast %parallel_loop3A_293 : i32 to index
        %parallel_loop3A_303 = tpu.vector_load %arg16[%parallel_loop3A_302] {strides = array<i32>} : memref<512xi32, #tpu.memory_space<vmem>>, vector<16xi32>,
        %parallel_loop3A_304 = vector.shape_cast %parallel_loop3A_303 : vector<16xi32> to vector<16xi32>
        %parallel_loop3A_305 = arith.addi %parallel_loop3A_304, %broadcast_in_dim3A_47 : vector<16xi32>
        %parallel_loop3A_306 = arith.index_cast %parallel_loop3A_293 : i32 to index
        %parallel_loop3A_307 = tpu.vector_load %arg16[%parallel_loop3A_306] {strides = array<i32>} : memref<512xi32, #tpu.memory_space<vmem>>, vector<16xi32>,
        %parallel_loop3A_308 = vector.shape_cast %parallel_loop3A_307 : vector<16xi32> to vector<16xi32>
        %parallel_loop3A_309 = vector.shape_cast %parallel_loop3A_305 : vector<16xi32> to vector<16xi32>
        tpu.vector_store %arg16[%parallel_loop3A_306], %parallel_loop3A_309 {strides = array<i32>} : memref<512xi32, #tpu.memory_space<vmem>>, vector<16xi32>,
      } {sc.loop_unroll_factor = 4 : i64, sc.parallel_access}
      %dma_start3A_255 = arith.constant 0 : i32
      %dma_start3A_256 = arith.constant 0 : i32
      %dma_start3A_257 = tpu.memref_slice %arg2[%dma_start3A_255, %dma_start3A_256] : memref<102400x16xf32, #tpu.memory_space<hbm>> -> memref<102400x16xf32, #tpu.memory_space<hbm>>
      tpu.enqueue_indirect_dma source(%dma_start3A_257 : memref<102400x16xf32, #tpu.memory_space<hbm>>) target(%arg20 : memref<512x16xf32, #tpu.memory_space<vmem>>) offsets(%arg14 : memref<512xi32, #tpu.memory_space<vmem>>) semaphore(%arg30 : memref<!tpu.dma_semaphore, #tpu.memory_space<semaphore_mem>>)
      %dma_start3A_258 = arith.constant 0 : i32
      %dma_start3A_259 = arith.constant 0 : i32
      %dma_start3A_260 = tpu.memref_slice %arg3[%dma_start3A_258, %dma_start3A_259] : memref<1026x16xf32, #tpu.memory_space<hbm>> -> memref<1026x16xf32, #tpu.memory_space<hbm>>
      tpu.enqueue_indirect_dma source(%dma_start3A_260 : memref<1026x16xf32, #tpu.memory_space<hbm>>) target(%arg22 : memref<512x16xf32, #tpu.memory_space<vmem>>) offsets(%arg16 : memref<512xi32, #tpu.memory_space<vmem>>) semaphore(%arg30 : memref<!tpu.dma_semaphore, #tpu.memory_space<semaphore_mem>>)
      %dma_wait3A_261 = arith.constant 0 : i32
      %dma_wait3A_262 = arith.constant 0 : i32
      %dma_wait3A_263 = tpu.memref_slice %arg2[%dma_wait3A_261, %dma_wait3A_262] : memref<102400x16xf32, #tpu.memory_space<hbm>> -> memref<102400x16xf32, #tpu.memory_space<hbm>>
      tpu.wait_indirect_dma semaphore(%arg29 : memref<!tpu.dma_semaphore, #tpu.memory_space<semaphore_mem>>) src(%dma_wait3A_263 : memref<102400x16xf32, #tpu.memory_space<hbm>>) dst(%arg19 : memref<512x16xf32, #tpu.memory_space<vmem>>)
      %dma_wait3A_264 = arith.constant 0 : i32
      %dma_wait3A_265 = arith.constant 0 : i32
      %dma_wait3A_266 = tpu.memref_slice %arg3[%dma_wait3A_264, %dma_wait3A_265] : memref<1026x16xf32, #tpu.memory_space<hbm>> -> memref<1026x16xf32, #tpu.memory_space<hbm>>
      tpu.wait_indirect_dma semaphore(%arg29 : memref<!tpu.dma_semaphore, #tpu.memory_space<semaphore_mem>>) src(%dma_wait3A_266 : memref<1026x16xf32, #tpu.memory_space<hbm>>) dst(%arg21 : memref<512x16xf32, #tpu.memory_space<vmem>>)
      %parallel_loop3A_267 = arith.constant 0 : i32
      %parallel_loop3A_268 = arith.constant 512 : i32
      %parallel_loop3A_269 = arith.constant 1 : i32
      scf.for %parallel_loop3A_293 = %parallel_loop3A_267 to %parallel_loop3A_268 step %parallel_loop3A_269  : i32 {
        %parallel_loop3A_294 = arith.index_cast %parallel_loop3A_293 : i32 to index
        %parallel_loop3A_295 = arith.constant 0 : index
        %parallel_loop3A_296 = tpu.vector_load %arg19[%parallel_loop3A_294, %parallel_loop3A_295] {strides = array<i32>} : memref<512x16xf32, #tpu.memory_space<vmem>>, vector<1x16xf32>,
        %parallel_loop3A_297 = vector.shape_cast %parallel_loop3A_296 : vector<1x16xf32> to vector<16xf32>
        %parallel_loop3A_298 = arith.index_cast %parallel_loop3A_293 : i32 to index
        %parallel_loop3A_299 = arith.constant 0 : index
        %parallel_loop3A_300 = tpu.vector_load %arg21[%parallel_loop3A_298, %parallel_loop3A_299] {strides = array<i32>} : memref<512x16xf32, #tpu.memory_space<vmem>>, vector<1x16xf32>,
        %parallel_loop3A_301 = vector.shape_cast %parallel_loop3A_300 : vector<1x16xf32> to vector<16xf32>
        %parallel_loop3A_302 = arith.mulf %parallel_loop3A_297, %parallel_loop3A_301 : vector<16xf32>
        %parallel_loop3A_303 = arith.index_cast %parallel_loop3A_293 : i32 to index
        %parallel_loop3A_304 = arith.constant 0 : index
        %parallel_loop3A_305 = tpu.vector_load %arg19[%parallel_loop3A_303, %parallel_loop3A_304] {strides = array<i32>} : memref<512x16xf32, #tpu.memory_space<vmem>>, vector<1x16xf32>,
        %parallel_loop3A_306 = vector.shape_cast %parallel_loop3A_305 : vector<1x16xf32> to vector<16xf32>
        %parallel_loop3A_307 = vector.shape_cast %parallel_loop3A_302 : vector<16xf32> to vector<1x16xf32>
        tpu.vector_store %arg19[%parallel_loop3A_303, %parallel_loop3A_304], %parallel_loop3A_307 {strides = array<i32>} : memref<512x16xf32, #tpu.memory_space<vmem>>, vector<1x16xf32>,
      } {sc.loop_unroll_factor = 8 : i64, sc.parallel_access}
      %dma_start3A_270 = arith.constant 0 : i32
      %dma_start3A_271 = arith.constant 0 : i32
      %dma_start3A_272 = tpu.memref_slice %arg28[%dma_start3A_270, %dma_start3A_271] : memref<51200x16xf32, #tpu.memory_space<vmem_shared>> -> memref<51200x16xf32, #tpu.memory_space<vmem_shared>>
      tpu.enqueue_indirect_dma source(%arg19 : memref<512x16xf32, #tpu.memory_space<vmem>>) target(%dma_start3A_272 : memref<51200x16xf32, #tpu.memory_space<vmem_shared>>) offsets(%arg17 : memref<512xi32, #tpu.memory_space<vmem>>) semaphore(%arg31 : memref<!tpu.dma_semaphore, #tpu.memory_space<semaphore_mem>>) {add = true}
      %add3A_273 = arith.constant 1 : i32
      %add3A_274 = arith.addi %mul3A_244, %add3A_273 : i32
      %dma_wait3A_275 = arith.constant 0 : i32
      %dma_wait3A_276 = arith.constant 0 : i32
      %dma_wait3A_277 = tpu.memref_slice %arg2[%dma_wait3A_275, %dma_wait3A_276] : memref<102400x16xf32, #tpu.memory_space<hbm>> -> memref<102400x16xf32, #tpu.memory_space<hbm>>
      tpu.wait_indirect_dma semaphore(%arg30 : memref<!tpu.dma_semaphore, #tpu.memory_space<semaphore_mem>>) src(%dma_wait3A_277 : memref<102400x16xf32, #tpu.memory_space<hbm>>) dst(%arg20 : memref<512x16xf32, #tpu.memory_space<vmem>>)
      %dma_wait3A_278 = arith.constant 0 : i32
      %dma_wait3A_279 = arith.constant 0 : i32
      %dma_wait3A_280 = tpu.memref_slice %arg3[%dma_wait3A_278, %dma_wait3A_279] : memref<1026x16xf32, #tpu.memory_space<hbm>> -> memref<1026x16xf32, #tpu.memory_space<hbm>>
      tpu.wait_indirect_dma semaphore(%arg30 : memref<!tpu.dma_semaphore, #tpu.memory_space<semaphore_mem>>) src(%dma_wait3A_280 : memref<1026x16xf32, #tpu.memory_space<hbm>>) dst(%arg22 : memref<512x16xf32, #tpu.memory_space<vmem>>)
      %parallel_loop3A_281 = arith.constant 0 : i32
      %parallel_loop3A_282 = arith.constant 512 : i32
      %parallel_loop3A_283 = arith.constant 1 : i32
      scf.for %parallel_loop3A_293 = %parallel_loop3A_281 to %parallel_loop3A_282 step %parallel_loop3A_283  : i32 {
        %parallel_loop3A_294 = arith.index_cast %parallel_loop3A_293 : i32 to index
        %parallel_loop3A_295 = arith.constant 0 : index
        %parallel_loop3A_296 = tpu.vector_load %arg20[%parallel_loop3A_294, %parallel_loop3A_295] {strides = array<i32>} : memref<512x16xf32, #tpu.memory_space<vmem>>, vector<1x16xf32>,
        %parallel_loop3A_297 = vector.shape_cast %parallel_loop3A_296 : vector<1x16xf32> to vector<16xf32>
        %parallel_loop3A_298 = arith.index_cast %parallel_loop3A_293 : i32 to index
        %parallel_loop3A_299 = arith.constant 0 : index
        %parallel_loop3A_300 = tpu.vector_load %arg22[%parallel_loop3A_298, %parallel_loop3A_299] {strides = array<i32>} : memref<512x16xf32, #tpu.memory_space<vmem>>, vector<1x16xf32>,
        %parallel_loop3A_301 = vector.shape_cast %parallel_loop3A_300 : vector<1x16xf32> to vector<16xf32>
        %parallel_loop3A_302 = arith.mulf %parallel_loop3A_297, %parallel_loop3A_301 : vector<16xf32>
        %parallel_loop3A_303 = arith.index_cast %parallel_loop3A_293 : i32 to index
        %parallel_loop3A_304 = arith.constant 0 : index
        %parallel_loop3A_305 = tpu.vector_load %arg20[%parallel_loop3A_303, %parallel_loop3A_304] {strides = array<i32>} : memref<512x16xf32, #tpu.memory_space<vmem>>, vector<1x16xf32>,
        %parallel_loop3A_306 = vector.shape_cast %parallel_loop3A_305 : vector<1x16xf32> to vector<16xf32>
        %parallel_loop3A_307 = vector.shape_cast %parallel_loop3A_302 : vector<16xf32> to vector<1x16xf32>
        tpu.vector_store %arg20[%parallel_loop3A_303, %parallel_loop3A_304], %parallel_loop3A_307 {strides = array<i32>} : memref<512x16xf32, #tpu.memory_space<vmem>>, vector<1x16xf32>,
      } {sc.loop_unroll_factor = 8 : i64, sc.parallel_access}
      %dma_start3A_284 = arith.constant 0 : i32
      %dma_start3A_285 = arith.constant 0 : i32
      %dma_start3A_286 = tpu.memref_slice %arg28[%dma_start3A_284, %dma_start3A_285] : memref<51200x16xf32, #tpu.memory_space<vmem_shared>> -> memref<51200x16xf32, #tpu.memory_space<vmem_shared>>
      tpu.enqueue_indirect_dma source(%arg20 : memref<512x16xf32, #tpu.memory_space<vmem>>) target(%dma_start3A_286 : memref<51200x16xf32, #tpu.memory_space<vmem_shared>>) offsets(%arg18 : memref<512xi32, #tpu.memory_space<vmem>>) semaphore(%arg32 : memref<!tpu.dma_semaphore, #tpu.memory_space<semaphore_mem>>) {add = true}
      %add3A_287 = arith.constant 2 : i32
      %add3A_288 = arith.addi %mul3A_244, %add3A_287 : i32
      %lt3A = arith.constant 62 : i32
      %lt3A_289 = arith.cmpi slt, %add3A_288, %lt3A : i32
      %convert_element_type3A_290 = arith.extui %lt3A_289 : i1 to i32
      %cond3A_291 = arith.constant 0 : i32
      %cond3A_292 = arith.cmpi ne, %convert_element_type3A_290, %cond3A_291 : i32
      scf.if %cond3A_292 {
        %add3A_293 = arith.constant 2 : i32
        %add3A_294 = arith.addi %mul3A_244, %add3A_293 : i32
        %ge3A_295 = arith.constant 2 : i32
        %ge3A_296 = arith.cmpi sge, %add3A_294, %ge3A_295 : i32
        %convert_element_type3A_297 = arith.extui %ge3A_296 : i1 to i32
        %cond3A_298 = arith.constant 0 : i32
        %cond3A_299 = arith.cmpi ne, %convert_element_type3A_297, %cond3A_298 : i32
        scf.if %cond3A_299 {
          %dma_wait3A_312 = arith.constant 0 : i32
          %dma_wait3A_313 = arith.constant 0 : i32
          %dma_wait3A_314 = tpu.memref_slice %arg28[%dma_wait3A_312, %dma_wait3A_313] : memref<51200x16xf32, #tpu.memory_space<vmem_shared>> -> memref<51200x16xf32, #tpu.memory_space<vmem_shared>>
          tpu.wait_indirect_dma semaphore(%arg31 : memref<!tpu.dma_semaphore, #tpu.memory_space<semaphore_mem>>) src(%arg19 : memref<512x16xf32, #tpu.memory_space<vmem>>) dst(%dma_wait3A_314 : memref<51200x16xf32, #tpu.memory_space<vmem_shared>>)
        } else {
        }
        %mul3A_300 = arith.constant 512 : i32
        %mul3A_301 = arith.muli %add3A_294, %mul3A_300 : i32
        %add3A_302 = arith.addi %mul3A_49, %mul3A_301 : i32
        "tpu.region"() ({
          %run_scoped3A = tpu.sem_alloc : memref<!tpu.dma_semaphore, #tpu.memory_space<semaphore_mem>>
          %dma_start3A_312 = tpu.memref_slice %arg6[%add3A_302] : memref<507904xi32, #tpu.memory_space<hbm>> -> memref<512xi32, #tpu.memory_space<hbm>>
          %dma_start3A_313 = tpu.memref_slice %arg6[%add3A_302] : memref<507904xi32, #tpu.memory_space<hbm>> -> memref<512xi32, #tpu.memory_space<hbm>>
          tpu.enqueue_dma source(%dma_start3A_313 : memref<512xi32, #tpu.memory_space<hbm>>) target(%arg13 : memref<512xi32, #tpu.memory_space<vmem>>) target_semaphore(%run_scoped3A : memref<!tpu.dma_semaphore, #tpu.memory_space<semaphore_mem>>)
          %dma_wait3A_314 = tpu.memref_slice %arg6[%add3A_302] : memref<507904xi32, #tpu.memory_space<hbm>> -> memref<512xi32, #tpu.memory_space<hbm>>
          %dma_wait3A_315 = tpu.memref_slice %arg6[%add3A_302] : memref<507904xi32, #tpu.memory_space<hbm>> -> memref<512xi32, #tpu.memory_space<hbm>>
          tpu.wait_dma2 semaphore(%run_scoped3A : memref<!tpu.dma_semaphore, #tpu.memory_space<semaphore_mem>>) src(%dma_wait3A_315 : memref<512xi32, #tpu.memory_space<hbm>>) dst(%arg13 : memref<512xi32, #tpu.memory_space<vmem>>)
          tpu.yield
        }) : () -> ()
        "tpu.region"() ({
          %run_scoped3A = tpu.sem_alloc : memref<!tpu.dma_semaphore, #tpu.memory_space<semaphore_mem>>
          %dma_start3A_312 = tpu.memref_slice %arg7[%add3A_302] : memref<507904xi32, #tpu.memory_space<hbm>> -> memref<512xi32, #tpu.memory_space<hbm>>
          %dma_start3A_313 = tpu.memref_slice %arg7[%add3A_302] : memref<507904xi32, #tpu.memory_space<hbm>> -> memref<512xi32, #tpu.memory_space<hbm>>
          tpu.enqueue_dma source(%dma_start3A_313 : memref<512xi32, #tpu.memory_space<hbm>>) target(%arg15 : memref<512xi32, #tpu.memory_space<vmem>>) target_semaphore(%run_scoped3A : memref<!tpu.dma_semaphore, #tpu.memory_space<semaphore_mem>>)
          %dma_wait3A_314 = tpu.memref_slice %arg7[%add3A_302] : memref<507904xi32, #tpu.memory_space<hbm>> -> memref<512xi32, #tpu.memory_space<hbm>>
          %dma_wait3A_315 = tpu.memref_slice %arg7[%add3A_302] : memref<507904xi32, #tpu.memory_space<hbm>> -> memref<512xi32, #tpu.memory_space<hbm>>
          tpu.wait_dma2 semaphore(%run_scoped3A : memref<!tpu.dma_semaphore, #tpu.memory_space<semaphore_mem>>) src(%dma_wait3A_315 : memref<512xi32, #tpu.memory_space<hbm>>) dst(%arg15 : memref<512xi32, #tpu.memory_space<vmem>>)
          tpu.yield
        }) : () -> ()
        "tpu.region"() ({
          %run_scoped3A = tpu.sem_alloc : memref<!tpu.dma_semaphore, #tpu.memory_space<semaphore_mem>>
          %dma_start3A_312 = tpu.memref_slice %arg8[%add3A_302] : memref<507904xi32, #tpu.memory_space<hbm>> -> memref<512xi32, #tpu.memory_space<hbm>>
          %dma_start3A_313 = tpu.memref_slice %arg8[%add3A_302] : memref<507904xi32, #tpu.memory_space<hbm>> -> memref<512xi32, #tpu.memory_space<hbm>>
          tpu.enqueue_dma source(%dma_start3A_313 : memref<512xi32, #tpu.memory_space<hbm>>) target(%arg17 : memref<512xi32, #tpu.memory_space<vmem>>) target_semaphore(%run_scoped3A : memref<!tpu.dma_semaphore, #tpu.memory_space<semaphore_mem>>)
          %dma_wait3A_314 = tpu.memref_slice %arg8[%add3A_302] : memref<507904xi32, #tpu.memory_space<hbm>> -> memref<512xi32, #tpu.memory_space<hbm>>
          %dma_wait3A_315 = tpu.memref_slice %arg8[%add3A_302] : memref<507904xi32, #tpu.memory_space<hbm>> -> memref<512xi32, #tpu.memory_space<hbm>>
          tpu.wait_dma2 semaphore(%run_scoped3A : memref<!tpu.dma_semaphore, #tpu.memory_space<semaphore_mem>>) src(%dma_wait3A_315 : memref<512xi32, #tpu.memory_space<hbm>>) dst(%arg17 : memref<512xi32, #tpu.memory_space<vmem>>)
          tpu.yield
        }) : () -> ()
        %parallel_loop3A_303 = arith.constant 0 : i32
        %parallel_loop3A_304 = arith.constant 512 : i32
        %parallel_loop3A_305 = arith.constant 16 : i32
        scf.for %parallel_loop3A_312 = %parallel_loop3A_303 to %parallel_loop3A_304 step %parallel_loop3A_305  : i32 {
          %parallel_loop3A_313 = arith.index_cast %parallel_loop3A_312 : i32 to index
          %parallel_loop3A_314 = tpu.vector_load %arg13[%parallel_loop3A_313] {strides = array<i32>} : memref<512xi32, #tpu.memory_space<vmem>>, vector<16xi32>,
          %parallel_loop3A_315 = vector.shape_cast %parallel_loop3A_314 : vector<16xi32> to vector<16xi32>
          %parallel_loop3A_316 = arith.addi %parallel_loop3A_315, %broadcast_in_dim3A_44 : vector<16xi32>
          %parallel_loop3A_317 = arith.index_cast %parallel_loop3A_312 : i32 to index
          %parallel_loop3A_318 = tpu.vector_load %arg13[%parallel_loop3A_317] {strides = array<i32>} : memref<512xi32, #tpu.memory_space<vmem>>, vector<16xi32>,
          %parallel_loop3A_319 = vector.shape_cast %parallel_loop3A_318 : vector<16xi32> to vector<16xi32>
          %parallel_loop3A_320 = vector.shape_cast %parallel_loop3A_316 : vector<16xi32> to vector<16xi32>
          tpu.vector_store %arg13[%parallel_loop3A_317], %parallel_loop3A_320 {strides = array<i32>} : memref<512xi32, #tpu.memory_space<vmem>>, vector<16xi32>,
          %parallel_loop3A_321 = arith.index_cast %parallel_loop3A_312 : i32 to index
          %parallel_loop3A_322 = tpu.vector_load %arg15[%parallel_loop3A_321] {strides = array<i32>} : memref<512xi32, #tpu.memory_space<vmem>>, vector<16xi32>,
          %parallel_loop3A_323 = vector.shape_cast %parallel_loop3A_322 : vector<16xi32> to vector<16xi32>
          %parallel_loop3A_324 = arith.addi %parallel_loop3A_323, %broadcast_in_dim3A_47 : vector<16xi32>
          %parallel_loop3A_325 = arith.index_cast %parallel_loop3A_312 : i32 to index
          %parallel_loop3A_326 = tpu.vector_load %arg15[%parallel_loop3A_325] {strides = array<i32>} : memref<512xi32, #tpu.memory_space<vmem>>, vector<16xi32>,
          %parallel_loop3A_327 = vector.shape_cast %parallel_loop3A_326 : vector<16xi32> to vector<16xi32>
          %parallel_loop3A_328 = vector.shape_cast %parallel_loop3A_324 : vector<16xi32> to vector<16xi32>
          tpu.vector_store %arg15[%parallel_loop3A_325], %parallel_loop3A_328 {strides = array<i32>} : memref<512xi32, #tpu.memory_space<vmem>>, vector<16xi32>,
        } {sc.loop_unroll_factor = 4 : i64, sc.parallel_access}
        %dma_start3A_306 = arith.constant 0 : i32
        %dma_start3A_307 = arith.constant 0 : i32
        %dma_start3A_308 = tpu.memref_slice %arg2[%dma_start3A_306, %dma_start3A_307] : memref<102400x16xf32, #tpu.memory_space<hbm>> -> memref<102400x16xf32, #tpu.memory_space<hbm>>
        tpu.enqueue_indirect_dma source(%dma_start3A_308 : memref<102400x16xf32, #tpu.memory_space<hbm>>) target(%arg19 : memref<512x16xf32, #tpu.memory_space<vmem>>) offsets(%arg13 : memref<512xi32, #tpu.memory_space<vmem>>) semaphore(%arg29 : memref<!tpu.dma_semaphore, #tpu.memory_space<semaphore_mem>>)
        %dma_start3A_309 = arith.constant 0 : i32
        %dma_start3A_310 = arith.constant 0 : i32
        %dma_start3A_311 = tpu.memref_slice %arg3[%dma_start3A_309, %dma_start3A_310] : memref<1026x16xf32, #tpu.memory_space<hbm>> -> memref<1026x16xf32, #tpu.memory_space<hbm>>
        tpu.enqueue_indirect_dma source(%dma_start3A_311 : memref<1026x16xf32, #tpu.memory_space<hbm>>) target(%arg21 : memref<512x16xf32, #tpu.memory_space<vmem>>) offsets(%arg15 : memref<512xi32, #tpu.memory_space<vmem>>) semaphore(%arg29 : memref<!tpu.dma_semaphore, #tpu.memory_space<semaphore_mem>>)
      } else {
      }
    }
    %scan3A_64 = arith.constant 31 : i32
    %dma_wait3A = arith.constant 0 : i32
    %dma_wait3A_65 = arith.constant 0 : i32
    %dma_wait3A_66 = tpu.memref_slice %arg28[%dma_wait3A, %dma_wait3A_65] : memref<51200x16xf32, #tpu.memory_space<vmem_shared>> -> memref<51200x16xf32, #tpu.memory_space<vmem_shared>>
    tpu.wait_indirect_dma semaphore(%arg31 : memref<!tpu.dma_semaphore, #tpu.memory_space<semaphore_mem>>) src(%arg19 : memref<512x16xf32, #tpu.memory_space<vmem>>) dst(%dma_wait3A_66 : memref<51200x16xf32, #tpu.memory_space<vmem_shared>>)
    %dma_wait3A_67 = arith.constant 0 : i32
    %dma_wait3A_68 = arith.constant 0 : i32
    %dma_wait3A_69 = tpu.memref_slice %arg28[%dma_wait3A_67, %dma_wait3A_68] : memref<51200x16xf32, #tpu.memory_space<vmem_shared>> -> memref<51200x16xf32, #tpu.memory_space<vmem_shared>>
    tpu.wait_indirect_dma semaphore(%arg32 : memref<!tpu.dma_semaphore, #tpu.memory_space<semaphore_mem>>) src(%arg20 : memref<512x16xf32, #tpu.memory_space<vmem>>) dst(%dma_wait3A_69 : memref<51200x16xf32, #tpu.memory_space<vmem_shared>>)
    %barrier3A_70 = arith.constant 0 : index
    tpu.barrier barrier_id(%barrier3A_70)
    %add3A_71 = arith.constant 0 : i32
    %add3A_72 = arith.addi %mul3A_3, %add3A_71 : i32
    %mul3A_73 = arith.constant 51200 : i32
    %mul3A_74 = arith.muli %arg0, %mul3A_73 : i32
    %add3A_75 = arith.addi %mul3A_74, %add3A_72 : i32
    "tpu.region"() ({
      %run_scoped3A = tpu.sem_alloc : memref<!tpu.dma_semaphore, #tpu.memory_space<semaphore_mem>>
      %dma_start3A_242 = arith.constant 0 : i32
      %dma_start3A_243 = tpu.memref_slice %arg28[%add3A_72, %dma_start3A_242] : memref<51200x16xf32, #tpu.memory_space<vmem_shared>> -> memref<640x16xf32, #tpu.memory_space<vmem_shared>>
      %dma_start3A_244 = arith.constant 0 : i32
      %dma_start3A_245 = tpu.memref_slice %arg28[%add3A_72, %dma_start3A_244] : memref<51200x16xf32, #tpu.memory_space<vmem_shared>> -> memref<640x16xf32, #tpu.memory_space<vmem_shared>>
      tpu.enqueue_dma source(%dma_start3A_245 : memref<640x16xf32, #tpu.memory_space<vmem_shared>>) target(%arg23 : memref<640x16xf32, #tpu.memory_space<vmem>>) target_semaphore(%run_scoped3A : memref<!tpu.dma_semaphore, #tpu.memory_space<semaphore_mem>>)
      %dma_wait3A_246 = arith.constant 0 : i32
      %dma_wait3A_247 = tpu.memref_slice %arg28[%add3A_72, %dma_wait3A_246] : memref<51200x16xf32, #tpu.memory_space<vmem_shared>> -> memref<640x16xf32, #tpu.memory_space<vmem_shared>>
      %dma_wait3A_248 = arith.constant 0 : i32
      %dma_wait3A_249 = tpu.memref_slice %arg28[%add3A_72, %dma_wait3A_248] : memref<51200x16xf32, #tpu.memory_space<vmem_shared>> -> memref<640x16xf32, #tpu.memory_space<vmem_shared>>
      tpu.wait_dma2 semaphore(%run_scoped3A : memref<!tpu.dma_semaphore, #tpu.memory_space<semaphore_mem>>) src(%dma_wait3A_249 : memref<640x16xf32, #tpu.memory_space<vmem_shared>>) dst(%arg23 : memref<640x16xf32, #tpu.memory_space<vmem>>)
      tpu.yield
    }) : () -> ()
    %parallel_loop3A_76 = arith.constant 0 : i32
    %parallel_loop3A_77 = arith.constant 640 : i32
    %parallel_loop3A_78 = arith.constant 1 : i32
    scf.for %parallel_loop3A_242 = %parallel_loop3A_76 to %parallel_loop3A_77 step %parallel_loop3A_78  : i32 {
      %parallel_loop3A_243 = arith.index_cast %parallel_loop3A_242 : i32 to index
      %parallel_loop3A_244 = arith.constant 0 : index
      %parallel_loop3A_245 = tpu.vector_load %arg23[%parallel_loop3A_243, %parallel_loop3A_244] {strides = array<i32>} : memref<640x16xf32, #tpu.memory_space<vmem>>, vector<1x16xf32>,
      %parallel_loop3A_246 = vector.shape_cast %parallel_loop3A_245 : vector<1x16xf32> to vector<16xf32>
      %parallel_loop3A_247 = arith.constant 1.000000e+00 : f32
      %parallel_loop3A_248 = vector.broadcast %parallel_loop3A_247 : f32 to vector<16xf32>
      %parallel_loop3A_249 = arith.minimumf %parallel_loop3A_246, %parallel_loop3A_248 : vector<16xf32>
      %parallel_loop3A_250 = arith.index_cast %parallel_loop3A_242 : i32 to index
      %parallel_loop3A_251 = arith.constant 0 : index
      %parallel_loop3A_252 = tpu.vector_load %arg23[%parallel_loop3A_250, %parallel_loop3A_251] {strides = array<i32>} : memref<640x16xf32, #tpu.memory_space<vmem>>, vector<1x16xf32>,
      %parallel_loop3A_253 = vector.shape_cast %parallel_loop3A_252 : vector<1x16xf32> to vector<16xf32>
      %parallel_loop3A_254 = vector.shape_cast %parallel_loop3A_249 : vector<16xf32> to vector<1x16xf32>
      tpu.vector_store %arg23[%parallel_loop3A_250, %parallel_loop3A_251], %parallel_loop3A_254 {strides = array<i32>} : memref<640x16xf32, #tpu.memory_space<vmem>>, vector<1x16xf32>,
    } {sc.loop_unroll_factor = 8 : i64, sc.parallel_access}
    "tpu.region"() ({
      %run_scoped3A = tpu.sem_alloc : memref<!tpu.dma_semaphore, #tpu.memory_space<semaphore_mem>>
      %dma_start3A_242 = arith.constant 0 : i32
      %dma_start3A_243 = tpu.memref_slice %arg10[%add3A_75, %dma_start3A_242] : memref<102400x16xf32, #tpu.memory_space<hbm>> -> memref<640x16xf32, #tpu.memory_space<hbm>>
      %dma_start3A_244 = arith.constant 0 : i32
      %dma_start3A_245 = tpu.memref_slice %arg10[%add3A_75, %dma_start3A_244] : memref<102400x16xf32, #tpu.memory_space<hbm>> -> memref<640x16xf32, #tpu.memory_space<hbm>>
      tpu.enqueue_dma source(%arg23 : memref<640x16xf32, #tpu.memory_space<vmem>>) target(%dma_start3A_245 : memref<640x16xf32, #tpu.memory_space<hbm>>) target_semaphore(%run_scoped3A : memref<!tpu.dma_semaphore, #tpu.memory_space<semaphore_mem>>)
      %dma_wait3A_246 = arith.constant 0 : i32
      %dma_wait3A_247 = tpu.memref_slice %arg10[%add3A_75, %dma_wait3A_246] : memref<102400x16xf32, #tpu.memory_space<hbm>> -> memref<640x16xf32, #tpu.memory_space<hbm>>
      %dma_wait3A_248 = arith.constant 0 : i32
      %dma_wait3A_249 = tpu.memref_slice %arg10[%add3A_75, %dma_wait3A_248] : memref<102400x16xf32, #tpu.memory_space<hbm>> -> memref<640x16xf32, #tpu.memory_space<hbm>>
      tpu.wait_dma2 semaphore(%run_scoped3A : memref<!tpu.dma_semaphore, #tpu.memory_space<semaphore_mem>>) src(%arg23 : memref<640x16xf32, #tpu.memory_space<vmem>>) dst(%dma_wait3A_249 : memref<640x16xf32, #tpu.memory_space<hbm>>)
      tpu.yield
    }) : () -> ()
    "tpu.region"() ({
      %run_scoped3A = tpu.sem_alloc : memref<!tpu.dma_semaphore, #tpu.memory_space<semaphore_mem>>
      %dma_start3A_242 = arith.constant 0 : i32
      %dma_start3A_243 = tpu.memref_slice %arg28[%add3A_72, %dma_start3A_242] : memref<51200x16xf32, #tpu.memory_space<vmem_shared>> -> memref<640x16xf32, #tpu.memory_space<vmem_shared>>
      %dma_start3A_244 = arith.constant 0 : i32
      %dma_start3A_245 = tpu.memref_slice %arg28[%add3A_72, %dma_start3A_244] : memref<51200x16xf32, #tpu.memory_space<vmem_shared>> -> memref<640x16xf32, #tpu.memory_space<vmem_shared>>
      tpu.enqueue_dma source(%arg26 : memref<640x16xf32, #tpu.memory_space<vmem>>) target(%dma_start3A_245 : memref<640x16xf32, #tpu.memory_space<vmem_shared>>) target_semaphore(%run_scoped3A : memref<!tpu.dma_semaphore, #tpu.memory_space<semaphore_mem>>)
      %dma_wait3A_246 = arith.constant 0 : i32
      %dma_wait3A_247 = tpu.memref_slice %arg28[%add3A_72, %dma_wait3A_246] : memref<51200x16xf32, #tpu.memory_space<vmem_shared>> -> memref<640x16xf32, #tpu.memory_space<vmem_shared>>
      %dma_wait3A_248 = arith.constant 0 : i32
      %dma_wait3A_249 = tpu.memref_slice %arg28[%add3A_72, %dma_wait3A_248] : memref<51200x16xf32, #tpu.memory_space<vmem_shared>> -> memref<640x16xf32, #tpu.memory_space<vmem_shared>>
      tpu.wait_dma2 semaphore(%run_scoped3A : memref<!tpu.dma_semaphore, #tpu.memory_space<semaphore_mem>>) src(%arg26 : memref<640x16xf32, #tpu.memory_space<vmem>>) dst(%dma_wait3A_249 : memref<640x16xf32, #tpu.memory_space<vmem_shared>>)
      tpu.yield
    }) : () -> ()
    %add3A_79 = arith.constant 640 : i32
    %add3A_80 = arith.addi %mul3A_3, %add3A_79 : i32
    %mul3A_81 = arith.constant 51200 : i32
    %mul3A_82 = arith.muli %arg0, %mul3A_81 : i32
    %add3A_83 = arith.addi %mul3A_82, %add3A_80 : i32
    "tpu.region"() ({
      %run_scoped3A = tpu.sem_alloc : memref<!tpu.dma_semaphore, #tpu.memory_space<semaphore_mem>>
      %dma_start3A_242 = arith.constant 0 : i32
      %dma_start3A_243 = tpu.memref_slice %arg28[%add3A_80, %dma_start3A_242] : memref<51200x16xf32, #tpu.memory_space<vmem_shared>> -> memref<640x16xf32, #tpu.memory_space<vmem_shared>>
      %dma_start3A_244 = arith.constant 0 : i32
      %dma_start3A_245 = tpu.memref_slice %arg28[%add3A_80, %dma_start3A_244] : memref<51200x16xf32, #tpu.memory_space<vmem_shared>> -> memref<640x16xf32, #tpu.memory_space<vmem_shared>>
      tpu.enqueue_dma source(%dma_start3A_245 : memref<640x16xf32, #tpu.memory_space<vmem_shared>>) target(%arg23 : memref<640x16xf32, #tpu.memory_space<vmem>>) target_semaphore(%run_scoped3A : memref<!tpu.dma_semaphore, #tpu.memory_space<semaphore_mem>>)
      %dma_wait3A_246 = arith.constant 0 : i32
      %dma_wait3A_247 = tpu.memref_slice %arg28[%add3A_80, %dma_wait3A_246] : memref<51200x16xf32, #tpu.memory_space<vmem_shared>> -> memref<640x16xf32, #tpu.memory_space<vmem_shared>>
      %dma_wait3A_248 = arith.constant 0 : i32
      %dma_wait3A_249 = tpu.memref_slice %arg28[%add3A_80, %dma_wait3A_248] : memref<51200x16xf32, #tpu.memory_space<vmem_shared>> -> memref<640x16xf32, #tpu.memory_space<vmem_shared>>
      tpu.wait_dma2 semaphore(%run_scoped3A : memref<!tpu.dma_semaphore, #tpu.memory_space<semaphore_mem>>) src(%dma_wait3A_249 : memref<640x16xf32, #tpu.memory_space<vmem_shared>>) dst(%arg23 : memref<640x16xf32, #tpu.memory_space<vmem>>)
      tpu.yield
    }) : () -> ()
    %parallel_loop3A_84 = arith.constant 0 : i32
    %parallel_loop3A_85 = arith.constant 640 : i32
    %parallel_loop3A_86 = arith.constant 1 : i32
    scf.for %parallel_loop3A_242 = %parallel_loop3A_84 to %parallel_loop3A_85 step %parallel_loop3A_86  : i32 {
      %parallel_loop3A_243 = arith.index_cast %parallel_loop3A_242 : i32 to index
      %parallel_loop3A_244 = arith.constant 0 : index
      %parallel_loop3A_245 = tpu.vector_load %arg23[%parallel_loop3A_243, %parallel_loop3A_244] {strides = array<i32>} : memref<640x16xf32, #tpu.memory_space<vmem>>, vector<1x16xf32>,
      %parallel_loop3A_246 = vector.shape_cast %parallel_loop3A_245 : vector<1x16xf32> to vector<16xf32>
      %parallel_loop3A_247 = arith.constant 1.000000e+00 : f32
      %parallel_loop3A_248 = vector.broadcast %parallel_loop3A_247 : f32 to vector<16xf32>
      %parallel_loop3A_249 = arith.minimumf %parallel_loop3A_246, %parallel_loop3A_248 : vector<16xf32>
      %parallel_loop3A_250 = arith.index_cast %parallel_loop3A_242 : i32 to index
      %parallel_loop3A_251 = arith.constant 0 : index
      %parallel_loop3A_252 = tpu.vector_load %arg23[%parallel_loop3A_250, %parallel_loop3A_251] {strides = array<i32>} : memref<640x16xf32, #tpu.memory_space<vmem>>, vector<1x16xf32>,
      %parallel_loop3A_253 = vector.shape_cast %parallel_loop3A_252 : vector<1x16xf32> to vector<16xf32>
      %parallel_loop3A_254 = vector.shape_cast %parallel_loop3A_249 : vector<16xf32> to vector<1x16xf32>
      tpu.vector_store %arg23[%parallel_loop3A_250, %parallel_loop3A_251], %parallel_loop3A_254 {strides = array<i32>} : memref<640x16xf32, #tpu.memory_space<vmem>>, vector<1x16xf32>,
    } {sc.loop_unroll_factor = 8 : i64, sc.parallel_access}
    "tpu.region"() ({
      %run_scoped3A = tpu.sem_alloc : memref<!tpu.dma_semaphore, #tpu.memory_space<semaphore_mem>>
      %dma_start3A_242 = arith.constant 0 : i32
      %dma_start3A_243 = tpu.memref_slice %arg10[%add3A_83, %dma_start3A_242] : memref<102400x16xf32, #tpu.memory_space<hbm>> -> memref<640x16xf32, #tpu.memory_space<hbm>>
      %dma_start3A_244 = arith.constant 0 : i32
      %dma_start3A_245 = tpu.memref_slice %arg10[%add3A_83, %dma_start3A_244] : memref<102400x16xf32, #tpu.memory_space<hbm>> -> memref<640x16xf32, #tpu.memory_space<hbm>>
      tpu.enqueue_dma source(%arg23 : memref<640x16xf32, #tpu.memory_space<vmem>>) target(%dma_start3A_245 : memref<640x16xf32, #tpu.memory_space<hbm>>) target_semaphore(%run_scoped3A : memref<!tpu.dma_semaphore, #tpu.memory_space<semaphore_mem>>)
      %dma_wait3A_246 = arith.constant 0 : i32
      %dma_wait3A_247 = tpu.memref_slice %arg10[%add3A_83, %dma_wait3A_246] : memref<102400x16xf32, #tpu.memory_space<hbm>> -> memref<640x16xf32, #tpu.memory_space<hbm>>
      %dma_wait3A_248 = arith.constant 0 : i32
      %dma_wait3A_249 = tpu.memref_slice %arg10[%add3A_83, %dma_wait3A_248] : memref<102400x16xf32, #tpu.memory_space<hbm>> -> memref<640x16xf32, #tpu.memory_space<hbm>>
      tpu.wait_dma2 semaphore(%run_scoped3A : memref<!tpu.dma_semaphore, #tpu.memory_space<semaphore_mem>>) src(%arg23 : memref<640x16xf32, #tpu.memory_space<vmem>>) dst(%dma_wait3A_249 : memref<640x16xf32, #tpu.memory_space<hbm>>)
      tpu.yield
    }) : () -> ()
    "tpu.region"() ({
      %run_scoped3A = tpu.sem_alloc : memref<!tpu.dma_semaphore, #tpu.memory_space<semaphore_mem>>
      %dma_start3A_242 = arith.constant 0 : i32
      %dma_start3A_243 = tpu.memref_slice %arg28[%add3A_80, %dma_start3A_242] : memref<51200x16xf32, #tpu.memory_space<vmem_shared>> -> memref<640x16xf32, #tpu.memory_space<vmem_shared>>
      %dma_start3A_244 = arith.constant 0 : i32
      %dma_start3A_245 = tpu.memref_slice %arg28[%add3A_80, %dma_start3A_244] : memref<51200x16xf32, #tpu.memory_space<vmem_shared>> -> memref<640x16xf32, #tpu.memory_space<vmem_shared>>
      tpu.enqueue_dma source(%arg26 : memref<640x16xf32, #tpu.memory_space<vmem>>) target(%dma_start3A_245 : memref<640x16xf32, #tpu.memory_space<vmem_shared>>) target_semaphore(%run_scoped3A : memref<!tpu.dma_semaphore, #tpu.memory_space<semaphore_mem>>)
      %dma_wait3A_246 = arith.constant 0 : i32
      %dma_wait3A_247 = tpu.memref_slice %arg28[%add3A_80, %dma_wait3A_246] : memref<51200x16xf32, #tpu.memory_space<vmem_shared>> -> memref<640x16xf32, #tpu.memory_space<vmem_shared>>
      %dma_wait3A_248 = arith.constant 0 : i32
      %dma_wait3A_249 = tpu.memref_slice %arg28[%add3A_80, %dma_wait3A_248] : memref<51200x16xf32, #tpu.memory_space<vmem_shared>> -> memref<640x16xf32, #tpu.memory_space<vmem_shared>>
      tpu.wait_dma2 semaphore(%run_scoped3A : memref<!tpu.dma_semaphore, #tpu.memory_space<semaphore_mem>>) src(%arg26 : memref<640x16xf32, #tpu.memory_space<vmem>>) dst(%dma_wait3A_249 : memref<640x16xf32, #tpu.memory_space<vmem_shared>>)
      tpu.yield
    }) : () -> ()
    %add3A_87 = arith.constant 1280 : i32
    %add3A_88 = arith.addi %mul3A_3, %add3A_87 : i32
    %mul3A_89 = arith.constant 51200 : i32
    %mul3A_90 = arith.muli %arg0, %mul3A_89 : i32
    %add3A_91 = arith.addi %mul3A_90, %add3A_88 : i32
    "tpu.region"() ({
      %run_scoped3A = tpu.sem_alloc : memref<!tpu.dma_semaphore, #tpu.memory_space<semaphore_mem>>
      %dma_start3A_242 = arith.constant 0 : i32
      %dma_start3A_243 = tpu.memref_slice %arg28[%add3A_88, %dma_start3A_242] : memref<51200x16xf32, #tpu.memory_space<vmem_shared>> -> memref<640x16xf32, #tpu.memory_space<vmem_shared>>
      %dma_start3A_244 = arith.constant 0 : i32
      %dma_start3A_245 = tpu.memref_slice %arg28[%add3A_88, %dma_start3A_244] : memref<51200x16xf32, #tpu.memory_space<vmem_shared>> -> memref<640x16xf32, #tpu.memory_space<vmem_shared>>
      tpu.enqueue_dma source(%dma_start3A_245 : memref<640x16xf32, #tpu.memory_space<vmem_shared>>) target(%arg23 : memref<640x16xf32, #tpu.memory_space<vmem>>) target_semaphore(%run_scoped3A : memref<!tpu.dma_semaphore, #tpu.memory_space<semaphore_mem>>)
      %dma_wait3A_246 = arith.constant 0 : i32
      %dma_wait3A_247 = tpu.memref_slice %arg28[%add3A_88, %dma_wait3A_246] : memref<51200x16xf32, #tpu.memory_space<vmem_shared>> -> memref<640x16xf32, #tpu.memory_space<vmem_shared>>
      %dma_wait3A_248 = arith.constant 0 : i32
      %dma_wait3A_249 = tpu.memref_slice %arg28[%add3A_88, %dma_wait3A_248] : memref<51200x16xf32, #tpu.memory_space<vmem_shared>> -> memref<640x16xf32, #tpu.memory_space<vmem_shared>>
      tpu.wait_dma2 semaphore(%run_scoped3A : memref<!tpu.dma_semaphore, #tpu.memory_space<semaphore_mem>>) src(%dma_wait3A_249 : memref<640x16xf32, #tpu.memory_space<vmem_shared>>) dst(%arg23 : memref<640x16xf32, #tpu.memory_space<vmem>>)
      tpu.yield
    }) : () -> ()
    %parallel_loop3A_92 = arith.constant 0 : i32
    %parallel_loop3A_93 = arith.constant 640 : i32
    %parallel_loop3A_94 = arith.constant 1 : i32
    scf.for %parallel_loop3A_242 = %parallel_loop3A_92 to %parallel_loop3A_93 step %parallel_loop3A_94  : i32 {
      %parallel_loop3A_243 = arith.index_cast %parallel_loop3A_242 : i32 to index
      %parallel_loop3A_244 = arith.constant 0 : index
      %parallel_loop3A_245 = tpu.vector_load %arg23[%parallel_loop3A_243, %parallel_loop3A_244] {strides = array<i32>} : memref<640x16xf32, #tpu.memory_space<vmem>>, vector<1x16xf32>,
      %parallel_loop3A_246 = vector.shape_cast %parallel_loop3A_245 : vector<1x16xf32> to vector<16xf32>
      %parallel_loop3A_247 = arith.constant 1.000000e+00 : f32
      %parallel_loop3A_248 = vector.broadcast %parallel_loop3A_247 : f32 to vector<16xf32>
      %parallel_loop3A_249 = arith.minimumf %parallel_loop3A_246, %parallel_loop3A_248 : vector<16xf32>
      %parallel_loop3A_250 = arith.index_cast %parallel_loop3A_242 : i32 to index
      %parallel_loop3A_251 = arith.constant 0 : index
      %parallel_loop3A_252 = tpu.vector_load %arg23[%parallel_loop3A_250, %parallel_loop3A_251] {strides = array<i32>} : memref<640x16xf32, #tpu.memory_space<vmem>>, vector<1x16xf32>,
      %parallel_loop3A_253 = vector.shape_cast %parallel_loop3A_252 : vector<1x16xf32> to vector<16xf32>
      %parallel_loop3A_254 = vector.shape_cast %parallel_loop3A_249 : vector<16xf32> to vector<1x16xf32>
      tpu.vector_store %arg23[%parallel_loop3A_250, %parallel_loop3A_251], %parallel_loop3A_254 {strides = array<i32>} : memref<640x16xf32, #tpu.memory_space<vmem>>, vector<1x16xf32>,
    } {sc.loop_unroll_factor = 8 : i64, sc.parallel_access}
    "tpu.region"() ({
      %run_scoped3A = tpu.sem_alloc : memref<!tpu.dma_semaphore, #tpu.memory_space<semaphore_mem>>
      %dma_start3A_242 = arith.constant 0 : i32
      %dma_start3A_243 = tpu.memref_slice %arg10[%add3A_91, %dma_start3A_242] : memref<102400x16xf32, #tpu.memory_space<hbm>> -> memref<640x16xf32, #tpu.memory_space<hbm>>
      %dma_start3A_244 = arith.constant 0 : i32
      %dma_start3A_245 = tpu.memref_slice %arg10[%add3A_91, %dma_start3A_244] : memref<102400x16xf32, #tpu.memory_space<hbm>> -> memref<640x16xf32, #tpu.memory_space<hbm>>
      tpu.enqueue_dma source(%arg23 : memref<640x16xf32, #tpu.memory_space<vmem>>) target(%dma_start3A_245 : memref<640x16xf32, #tpu.memory_space<hbm>>) target_semaphore(%run_scoped3A : memref<!tpu.dma_semaphore, #tpu.memory_space<semaphore_mem>>)
      %dma_wait3A_246 = arith.constant 0 : i32
      %dma_wait3A_247 = tpu.memref_slice %arg10[%add3A_91, %dma_wait3A_246] : memref<102400x16xf32, #tpu.memory_space<hbm>> -> memref<640x16xf32, #tpu.memory_space<hbm>>
      %dma_wait3A_248 = arith.constant 0 : i32
      %dma_wait3A_249 = tpu.memref_slice %arg10[%add3A_91, %dma_wait3A_248] : memref<102400x16xf32, #tpu.memory_space<hbm>> -> memref<640x16xf32, #tpu.memory_space<hbm>>
      tpu.wait_dma2 semaphore(%run_scoped3A : memref<!tpu.dma_semaphore, #tpu.memory_space<semaphore_mem>>) src(%arg23 : memref<640x16xf32, #tpu.memory_space<vmem>>) dst(%dma_wait3A_249 : memref<640x16xf32, #tpu.memory_space<hbm>>)
      tpu.yield
    }) : () -> ()
    "tpu.region"() ({
      %run_scoped3A = tpu.sem_alloc : memref<!tpu.dma_semaphore, #tpu.memory_space<semaphore_mem>>
      %dma_start3A_242 = arith.constant 0 : i32
      %dma_start3A_243 = tpu.memref_slice %arg28[%add3A_88, %dma_start3A_242] : memref<51200x16xf32, #tpu.memory_space<vmem_shared>> -> memref<640x16xf32, #tpu.memory_space<vmem_shared>>
      %dma_start3A_244 = arith.constant 0 : i32
      %dma_start3A_245 = tpu.memref_slice %arg28[%add3A_88, %dma_start3A_244] : memref<51200x16xf32, #tpu.memory_space<vmem_shared>> -> memref<640x16xf32, #tpu.memory_space<vmem_shared>>
      tpu.enqueue_dma source(%arg26 : memref<640x16xf32, #tpu.memory_space<vmem>>) target(%dma_start3A_245 : memref<640x16xf32, #tpu.memory_space<vmem_shared>>) target_semaphore(%run_scoped3A : memref<!tpu.dma_semaphore, #tpu.memory_space<semaphore_mem>>)
      %dma_wait3A_246 = arith.constant 0 : i32
      %dma_wait3A_247 = tpu.memref_slice %arg28[%add3A_88, %dma_wait3A_246] : memref<51200x16xf32, #tpu.memory_space<vmem_shared>> -> memref<640x16xf32, #tpu.memory_space<vmem_shared>>
      %dma_wait3A_248 = arith.constant 0 : i32
      %dma_wait3A_249 = tpu.memref_slice %arg28[%add3A_88, %dma_wait3A_248] : memref<51200x16xf32, #tpu.memory_space<vmem_shared>> -> memref<640x16xf32, #tpu.memory_space<vmem_shared>>
      tpu.wait_dma2 semaphore(%run_scoped3A : memref<!tpu.dma_semaphore, #tpu.memory_space<semaphore_mem>>) src(%arg26 : memref<640x16xf32, #tpu.memory_space<vmem>>) dst(%dma_wait3A_249 : memref<640x16xf32, #tpu.memory_space<vmem_shared>>)
      tpu.yield
    }) : () -> ()
    %add3A_95 = arith.constant 1920 : i32
    %add3A_96 = arith.addi %mul3A_3, %add3A_95 : i32
    %mul3A_97 = arith.constant 51200 : i32
    %mul3A_98 = arith.muli %arg0, %mul3A_97 : i32
    %add3A_99 = arith.addi %mul3A_98, %add3A_96 : i32
    "tpu.region"() ({
      %run_scoped3A = tpu.sem_alloc : memref<!tpu.dma_semaphore, #tpu.memory_space<semaphore_mem>>
      %dma_start3A_242 = arith.constant 0 : i32
      %dma_start3A_243 = tpu.memref_slice %arg28[%add3A_96, %dma_start3A_242] : memref<51200x16xf32, #tpu.memory_space<vmem_shared>> -> memref<640x16xf32, #tpu.memory_space<vmem_shared>>
      %dma_start3A_244 = arith.constant 0 : i32
      %dma_start3A_245 = tpu.memref_slice %arg28[%add3A_96, %dma_start3A_244] : memref<51200x16xf32, #tpu.memory_space<vmem_shared>> -> memref<640x16xf32, #tpu.memory_space<vmem_shared>>
      tpu.enqueue_dma source(%dma_start3A_245 : memref<640x16xf32, #tpu.memory_space<vmem_shared>>) target(%arg23 : memref<640x16xf32, #tpu.memory_space<vmem>>) target_semaphore(%run_scoped3A : memref<!tpu.dma_semaphore, #tpu.memory_space<semaphore_mem>>)
      %dma_wait3A_246 = arith.constant 0 : i32
      %dma_wait3A_247 = tpu.memref_slice %arg28[%add3A_96, %dma_wait3A_246] : memref<51200x16xf32, #tpu.memory_space<vmem_shared>> -> memref<640x16xf32, #tpu.memory_space<vmem_shared>>
      %dma_wait3A_248 = arith.constant 0 : i32
      %dma_wait3A_249 = tpu.memref_slice %arg28[%add3A_96, %dma_wait3A_248] : memref<51200x16xf32, #tpu.memory_space<vmem_shared>> -> memref<640x16xf32, #tpu.memory_space<vmem_shared>>
      tpu.wait_dma2 semaphore(%run_scoped3A : memref<!tpu.dma_semaphore, #tpu.memory_space<semaphore_mem>>) src(%dma_wait3A_249 : memref<640x16xf32, #tpu.memory_space<vmem_shared>>) dst(%arg23 : memref<640x16xf32, #tpu.memory_space<vmem>>)
      tpu.yield
    }) : () -> ()
    %parallel_loop3A_100 = arith.constant 0 : i32
    %parallel_loop3A_101 = arith.constant 640 : i32
    %parallel_loop3A_102 = arith.constant 1 : i32
    scf.for %parallel_loop3A_242 = %parallel_loop3A_100 to %parallel_loop3A_101 step %parallel_loop3A_102  : i32 {
      %parallel_loop3A_243 = arith.index_cast %parallel_loop3A_242 : i32 to index
      %parallel_loop3A_244 = arith.constant 0 : index
      %parallel_loop3A_245 = tpu.vector_load %arg23[%parallel_loop3A_243, %parallel_loop3A_244] {strides = array<i32>} : memref<640x16xf32, #tpu.memory_space<vmem>>, vector<1x16xf32>,
      %parallel_loop3A_246 = vector.shape_cast %parallel_loop3A_245 : vector<1x16xf32> to vector<16xf32>
      %parallel_loop3A_247 = arith.constant 1.000000e+00 : f32
      %parallel_loop3A_248 = vector.broadcast %parallel_loop3A_247 : f32 to vector<16xf32>
      %parallel_loop3A_249 = arith.minimumf %parallel_loop3A_246, %parallel_loop3A_248 : vector<16xf32>
      %parallel_loop3A_250 = arith.index_cast %parallel_loop3A_242 : i32 to index
      %parallel_loop3A_251 = arith.constant 0 : index
      %parallel_loop3A_252 = tpu.vector_load %arg23[%parallel_loop3A_250, %parallel_loop3A_251] {strides = array<i32>} : memref<640x16xf32, #tpu.memory_space<vmem>>, vector<1x16xf32>,
      %parallel_loop3A_253 = vector.shape_cast %parallel_loop3A_252 : vector<1x16xf32> to vector<16xf32>
      %parallel_loop3A_254 = vector.shape_cast %parallel_loop3A_249 : vector<16xf32> to vector<1x16xf32>
      tpu.vector_store %arg23[%parallel_loop3A_250, %parallel_loop3A_251], %parallel_loop3A_254 {strides = array<i32>} : memref<640x16xf32, #tpu.memory_space<vmem>>, vector<1x16xf32>,
    } {sc.loop_unroll_factor = 8 : i64, sc.parallel_access}
    "tpu.region"() ({
      %run_scoped3A = tpu.sem_alloc : memref<!tpu.dma_semaphore, #tpu.memory_space<semaphore_mem>>
      %dma_start3A_242 = arith.constant 0 : i32
      %dma_start3A_243 = tpu.memref_slice %arg10[%add3A_99, %dma_start3A_242] : memref<102400x16xf32, #tpu.memory_space<hbm>> -> memref<640x16xf32, #tpu.memory_space<hbm>>
      %dma_start3A_244 = arith.constant 0 : i32
      %dma_start3A_245 = tpu.memref_slice %arg10[%add3A_99, %dma_start3A_244] : memref<102400x16xf32, #tpu.memory_space<hbm>> -> memref<640x16xf32, #tpu.memory_space<hbm>>
      tpu.enqueue_dma source(%arg23 : memref<640x16xf32, #tpu.memory_space<vmem>>) target(%dma_start3A_245 : memref<640x16xf32, #tpu.memory_space<hbm>>) target_semaphore(%run_scoped3A : memref<!tpu.dma_semaphore, #tpu.memory_space<semaphore_mem>>)
      %dma_wait3A_246 = arith.constant 0 : i32
      %dma_wait3A_247 = tpu.memref_slice %arg10[%add3A_99, %dma_wait3A_246] : memref<102400x16xf32, #tpu.memory_space<hbm>> -> memref<640x16xf32, #tpu.memory_space<hbm>>
      %dma_wait3A_248 = arith.constant 0 : i32
      %dma_wait3A_249 = tpu.memref_slice %arg10[%add3A_99, %dma_wait3A_248] : memref<102400x16xf32, #tpu.memory_space<hbm>> -> memref<640x16xf32, #tpu.memory_space<hbm>>
      tpu.wait_dma2 semaphore(%run_scoped3A : memref<!tpu.dma_semaphore, #tpu.memory_space<semaphore_mem>>) src(%arg23 : memref<640x16xf32, #tpu.memory_space<vmem>>) dst(%dma_wait3A_249 : memref<640x16xf32, #tpu.memory_space<hbm>>)
      tpu.yield
    }) : () -> ()
    "tpu.region"() ({
      %run_scoped3A = tpu.sem_alloc : memref<!tpu.dma_semaphore, #tpu.memory_space<semaphore_mem>>
      %dma_start3A_242 = arith.constant 0 : i32
      %dma_start3A_243 = tpu.memref_slice %arg28[%add3A_96, %dma_start3A_242] : memref<51200x16xf32, #tpu.memory_space<vmem_shared>> -> memref<640x16xf32, #tpu.memory_space<vmem_shared>>
      %dma_start3A_244 = arith.constant 0 : i32
      %dma_start3A_245 = tpu.memref_slice %arg28[%add3A_96, %dma_start3A_244] : memref<51200x16xf32, #tpu.memory_space<vmem_shared>> -> memref<640x16xf32, #tpu.memory_space<vmem_shared>>
      tpu.enqueue_dma source(%arg26 : memref<640x16xf32, #tpu.memory_space<vmem>>) target(%dma_start3A_245 : memref<640x16xf32, #tpu.memory_space<vmem_shared>>) target_semaphore(%run_scoped3A : memref<!tpu.dma_semaphore, #tpu.memory_space<semaphore_mem>>)
      %dma_wait3A_246 = arith.constant 0 : i32
      %dma_wait3A_247 = tpu.memref_slice %arg28[%add3A_96, %dma_wait3A_246] : memref<51200x16xf32, #tpu.memory_space<vmem_shared>> -> memref<640x16xf32, #tpu.memory_space<vmem_shared>>
      %dma_wait3A_248 = arith.constant 0 : i32
      %dma_wait3A_249 = tpu.memref_slice %arg28[%add3A_96, %dma_wait3A_248] : memref<51200x16xf32, #tpu.memory_space<vmem_shared>> -> memref<640x16xf32, #tpu.memory_space<vmem_shared>>
      tpu.wait_dma2 semaphore(%run_scoped3A : memref<!tpu.dma_semaphore, #tpu.memory_space<semaphore_mem>>) src(%arg26 : memref<640x16xf32, #tpu.memory_space<vmem>>) dst(%dma_wait3A_249 : memref<640x16xf32, #tpu.memory_space<vmem_shared>>)
      tpu.yield
    }) : () -> ()
    %add3A_103 = arith.constant 2560 : i32
    %add3A_104 = arith.addi %mul3A_3, %add3A_103 : i32
    %mul3A_105 = arith.constant 51200 : i32
    %mul3A_106 = arith.muli %arg0, %mul3A_105 : i32
    %add3A_107 = arith.addi %mul3A_106, %add3A_104 : i32
    "tpu.region"() ({
      %run_scoped3A = tpu.sem_alloc : memref<!tpu.dma_semaphore, #tpu.memory_space<semaphore_mem>>
      %dma_start3A_242 = arith.constant 0 : i32
      %dma_start3A_243 = tpu.memref_slice %arg28[%add3A_104, %dma_start3A_242] : memref<51200x16xf32, #tpu.memory_space<vmem_shared>> -> memref<640x16xf32, #tpu.memory_space<vmem_shared>>
      %dma_start3A_244 = arith.constant 0 : i32
      %dma_start3A_245 = tpu.memref_slice %arg28[%add3A_104, %dma_start3A_244] : memref<51200x16xf32, #tpu.memory_space<vmem_shared>> -> memref<640x16xf32, #tpu.memory_space<vmem_shared>>
      tpu.enqueue_dma source(%dma_start3A_245 : memref<640x16xf32, #tpu.memory_space<vmem_shared>>) target(%arg23 : memref<640x16xf32, #tpu.memory_space<vmem>>) target_semaphore(%run_scoped3A : memref<!tpu.dma_semaphore, #tpu.memory_space<semaphore_mem>>)
      %dma_wait3A_246 = arith.constant 0 : i32
      %dma_wait3A_247 = tpu.memref_slice %arg28[%add3A_104, %dma_wait3A_246] : memref<51200x16xf32, #tpu.memory_space<vmem_shared>> -> memref<640x16xf32, #tpu.memory_space<vmem_shared>>
      %dma_wait3A_248 = arith.constant 0 : i32
      %dma_wait3A_249 = tpu.memref_slice %arg28[%add3A_104, %dma_wait3A_248] : memref<51200x16xf32, #tpu.memory_space<vmem_shared>> -> memref<640x16xf32, #tpu.memory_space<vmem_shared>>
      tpu.wait_dma2 semaphore(%run_scoped3A : memref<!tpu.dma_semaphore, #tpu.memory_space<semaphore_mem>>) src(%dma_wait3A_249 : memref<640x16xf32, #tpu.memory_space<vmem_shared>>) dst(%arg23 : memref<640x16xf32, #tpu.memory_space<vmem>>)
      tpu.yield
    }) : () -> ()
    %parallel_loop3A_108 = arith.constant 0 : i32
    %parallel_loop3A_109 = arith.constant 640 : i32
    %parallel_loop3A_110 = arith.constant 1 : i32
    scf.for %parallel_loop3A_242 = %parallel_loop3A_108 to %parallel_loop3A_109 step %parallel_loop3A_110  : i32 {
      %parallel_loop3A_243 = arith.index_cast %parallel_loop3A_242 : i32 to index
      %parallel_loop3A_244 = arith.constant 0 : index
      %parallel_loop3A_245 = tpu.vector_load %arg23[%parallel_loop3A_243, %parallel_loop3A_244] {strides = array<i32>} : memref<640x16xf32, #tpu.memory_space<vmem>>, vector<1x16xf32>,
      %parallel_loop3A_246 = vector.shape_cast %parallel_loop3A_245 : vector<1x16xf32> to vector<16xf32>
      %parallel_loop3A_247 = arith.constant 1.000000e+00 : f32
      %parallel_loop3A_248 = vector.broadcast %parallel_loop3A_247 : f32 to vector<16xf32>
      %parallel_loop3A_249 = arith.minimumf %parallel_loop3A_246, %parallel_loop3A_248 : vector<16xf32>
      %parallel_loop3A_250 = arith.index_cast %parallel_loop3A_242 : i32 to index
      %parallel_loop3A_251 = arith.constant 0 : index
      %parallel_loop3A_252 = tpu.vector_load %arg23[%parallel_loop3A_250, %parallel_loop3A_251] {strides = array<i32>} : memref<640x16xf32, #tpu.memory_space<vmem>>, vector<1x16xf32>,
      %parallel_loop3A_253 = vector.shape_cast %parallel_loop3A_252 : vector<1x16xf32> to vector<16xf32>
      %parallel_loop3A_254 = vector.shape_cast %parallel_loop3A_249 : vector<16xf32> to vector<1x16xf32>
      tpu.vector_store %arg23[%parallel_loop3A_250, %parallel_loop3A_251], %parallel_loop3A_254 {strides = array<i32>} : memref<640x16xf32, #tpu.memory_space<vmem>>, vector<1x16xf32>,
    } {sc.loop_unroll_factor = 8 : i64, sc.parallel_access}
    "tpu.region"() ({
      %run_scoped3A = tpu.sem_alloc : memref<!tpu.dma_semaphore, #tpu.memory_space<semaphore_mem>>
      %dma_start3A_242 = arith.constant 0 : i32
      %dma_start3A_243 = tpu.memref_slice %arg10[%add3A_107, %dma_start3A_242] : memref<102400x16xf32, #tpu.memory_space<hbm>> -> memref<640x16xf32, #tpu.memory_space<hbm>>
      %dma_start3A_244 = arith.constant 0 : i32
      %dma_start3A_245 = tpu.memref_slice %arg10[%add3A_107, %dma_start3A_244] : memref<102400x16xf32, #tpu.memory_space<hbm>> -> memref<640x16xf32, #tpu.memory_space<hbm>>
      tpu.enqueue_dma source(%arg23 : memref<640x16xf32, #tpu.memory_space<vmem>>) target(%dma_start3A_245 : memref<640x16xf32, #tpu.memory_space<hbm>>) target_semaphore(%run_scoped3A : memref<!tpu.dma_semaphore, #tpu.memory_space<semaphore_mem>>)
      %dma_wait3A_246 = arith.constant 0 : i32
      %dma_wait3A_247 = tpu.memref_slice %arg10[%add3A_107, %dma_wait3A_246] : memref<102400x16xf32, #tpu.memory_space<hbm>> -> memref<640x16xf32, #tpu.memory_space<hbm>>
      %dma_wait3A_248 = arith.constant 0 : i32
      %dma_wait3A_249 = tpu.memref_slice %arg10[%add3A_107, %dma_wait3A_248] : memref<102400x16xf32, #tpu.memory_space<hbm>> -> memref<640x16xf32, #tpu.memory_space<hbm>>
      tpu.wait_dma2 semaphore(%run_scoped3A : memref<!tpu.dma_semaphore, #tpu.memory_space<semaphore_mem>>) src(%arg23 : memref<640x16xf32, #tpu.memory_space<vmem>>) dst(%dma_wait3A_249 : memref<640x16xf32, #tpu.memory_space<hbm>>)
      tpu.yield
    }) : () -> ()
    "tpu.region"() ({
      %run_scoped3A = tpu.sem_alloc : memref<!tpu.dma_semaphore, #tpu.memory_space<semaphore_mem>>
      %dma_start3A_242 = arith.constant 0 : i32
      %dma_start3A_243 = tpu.memref_slice %arg28[%add3A_104, %dma_start3A_242] : memref<51200x16xf32, #tpu.memory_space<vmem_shared>> -> memref<640x16xf32, #tpu.memory_space<vmem_shared>>
      %dma_start3A_244 = arith.constant 0 : i32
      %dma_start3A_245 = tpu.memref_slice %arg28[%add3A_104, %dma_start3A_244] : memref<51200x16xf32, #tpu.memory_space<vmem_shared>> -> memref<640x16xf32, #tpu.memory_space<vmem_shared>>
      tpu.enqueue_dma source(%arg26 : memref<640x16xf32, #tpu.memory_space<vmem>>) target(%dma_start3A_245 : memref<640x16xf32, #tpu.memory_space<vmem_shared>>) target_semaphore(%run_scoped3A : memref<!tpu.dma_semaphore, #tpu.memory_space<semaphore_mem>>)
      %dma_wait3A_246 = arith.constant 0 : i32
      %dma_wait3A_247 = tpu.memref_slice %arg28[%add3A_104, %dma_wait3A_246] : memref<51200x16xf32, #tpu.memory_space<vmem_shared>> -> memref<640x16xf32, #tpu.memory_space<vmem_shared>>
      %dma_wait3A_248 = arith.constant 0 : i32
      %dma_wait3A_249 = tpu.memref_slice %arg28[%add3A_104, %dma_wait3A_248] : memref<51200x16xf32, #tpu.memory_space<vmem_shared>> -> memref<640x16xf32, #tpu.memory_space<vmem_shared>>
      tpu.wait_dma2 semaphore(%run_scoped3A : memref<!tpu.dma_semaphore, #tpu.memory_space<semaphore_mem>>) src(%arg26 : memref<640x16xf32, #tpu.memory_space<vmem>>) dst(%dma_wait3A_249 : memref<640x16xf32, #tpu.memory_space<vmem_shared>>)
      tpu.yield
    }) : () -> ()
    %barrier3A_111 = arith.constant 0 : index
    tpu.barrier barrier_id(%barrier3A_111)
    %add3A_112 = arith.constant 0 : i32
    %add3A_113 = arith.addi %mul3A_49, %add3A_112 : i32
    "tpu.region"() ({
      %run_scoped3A = tpu.sem_alloc : memref<!tpu.dma_semaphore, #tpu.memory_space<semaphore_mem>>
      %dma_start3A_242 = tpu.memref_slice %arg6[%add3A_113] : memref<507904xi32, #tpu.memory_space<hbm>> -> memref<512xi32, #tpu.memory_space<hbm>>
      %dma_start3A_243 = tpu.memref_slice %arg6[%add3A_113] : memref<507904xi32, #tpu.memory_space<hbm>> -> memref<512xi32, #tpu.memory_space<hbm>>
      tpu.enqueue_dma source(%dma_start3A_243 : memref<512xi32, #tpu.memory_space<hbm>>) target(%arg13 : memref<512xi32, #tpu.memory_space<vmem>>) target_semaphore(%run_scoped3A : memref<!tpu.dma_semaphore, #tpu.memory_space<semaphore_mem>>)
      %dma_wait3A_244 = tpu.memref_slice %arg6[%add3A_113] : memref<507904xi32, #tpu.memory_space<hbm>> -> memref<512xi32, #tpu.memory_space<hbm>>
      %dma_wait3A_245 = tpu.memref_slice %arg6[%add3A_113] : memref<507904xi32, #tpu.memory_space<hbm>> -> memref<512xi32, #tpu.memory_space<hbm>>
      tpu.wait_dma2 semaphore(%run_scoped3A : memref<!tpu.dma_semaphore, #tpu.memory_space<semaphore_mem>>) src(%dma_wait3A_245 : memref<512xi32, #tpu.memory_space<hbm>>) dst(%arg13 : memref<512xi32, #tpu.memory_space<vmem>>)
      tpu.yield
    }) : () -> ()
    "tpu.region"() ({
      %run_scoped3A = tpu.sem_alloc : memref<!tpu.dma_semaphore, #tpu.memory_space<semaphore_mem>>
      %dma_start3A_242 = tpu.memref_slice %arg7[%add3A_113] : memref<507904xi32, #tpu.memory_space<hbm>> -> memref<512xi32, #tpu.memory_space<hbm>>
      %dma_start3A_243 = tpu.memref_slice %arg7[%add3A_113] : memref<507904xi32, #tpu.memory_space<hbm>> -> memref<512xi32, #tpu.memory_space<hbm>>
      tpu.enqueue_dma source(%dma_start3A_243 : memref<512xi32, #tpu.memory_space<hbm>>) target(%arg15 : memref<512xi32, #tpu.memory_space<vmem>>) target_semaphore(%run_scoped3A : memref<!tpu.dma_semaphore, #tpu.memory_space<semaphore_mem>>)
      %dma_wait3A_244 = tpu.memref_slice %arg7[%add3A_113] : memref<507904xi32, #tpu.memory_space<hbm>> -> memref<512xi32, #tpu.memory_space<hbm>>
      %dma_wait3A_245 = tpu.memref_slice %arg7[%add3A_113] : memref<507904xi32, #tpu.memory_space<hbm>> -> memref<512xi32, #tpu.memory_space<hbm>>
      tpu.wait_dma2 semaphore(%run_scoped3A : memref<!tpu.dma_semaphore, #tpu.memory_space<semaphore_mem>>) src(%dma_wait3A_245 : memref<512xi32, #tpu.memory_space<hbm>>) dst(%arg15 : memref<512xi32, #tpu.memory_space<vmem>>)
      tpu.yield
    }) : () -> ()
    "tpu.region"() ({
      %run_scoped3A = tpu.sem_alloc : memref<!tpu.dma_semaphore, #tpu.memory_space<semaphore_mem>>
      %dma_start3A_242 = tpu.memref_slice %arg8[%add3A_113] : memref<507904xi32, #tpu.memory_space<hbm>> -> memref<512xi32, #tpu.memory_space<hbm>>
      %dma_start3A_243 = tpu.memref_slice %arg8[%add3A_113] : memref<507904xi32, #tpu.memory_space<hbm>> -> memref<512xi32, #tpu.memory_space<hbm>>
      tpu.enqueue_dma source(%dma_start3A_243 : memref<512xi32, #tpu.memory_space<hbm>>) target(%arg17 : memref<512xi32, #tpu.memory_space<vmem>>) target_semaphore(%run_scoped3A : memref<!tpu.dma_semaphore, #tpu.memory_space<semaphore_mem>>)
      %dma_wait3A_244 = tpu.memref_slice %arg8[%add3A_113] : memref<507904xi32, #tpu.memory_space<hbm>> -> memref<512xi32, #tpu.memory_space<hbm>>
      %dma_wait3A_245 = tpu.memref_slice %arg8[%add3A_113] : memref<507904xi32, #tpu.memory_space<hbm>> -> memref<512xi32, #tpu.memory_space<hbm>>
      tpu.wait_dma2 semaphore(%run_scoped3A : memref<!tpu.dma_semaphore, #tpu.memory_space<semaphore_mem>>) src(%dma_wait3A_245 : memref<512xi32, #tpu.memory_space<hbm>>) dst(%arg17 : memref<512xi32, #tpu.memory_space<vmem>>)
      tpu.yield
    }) : () -> ()
    %parallel_loop3A_114 = arith.constant 0 : i32
    %parallel_loop3A_115 = arith.constant 512 : i32
    %parallel_loop3A_116 = arith.constant 16 : i32
    scf.for %parallel_loop3A_242 = %parallel_loop3A_114 to %parallel_loop3A_115 step %parallel_loop3A_116  : i32 {
      %parallel_loop3A_243 = arith.index_cast %parallel_loop3A_242 : i32 to index
      %parallel_loop3A_244 = tpu.vector_load %arg13[%parallel_loop3A_243] {strides = array<i32>} : memref<512xi32, #tpu.memory_space<vmem>>, vector<16xi32>,
      %parallel_loop3A_245 = vector.shape_cast %parallel_loop3A_244 : vector<16xi32> to vector<16xi32>
      %parallel_loop3A_246 = arith.addi %parallel_loop3A_245, %broadcast_in_dim3A_44 : vector<16xi32>
      %parallel_loop3A_247 = arith.index_cast %parallel_loop3A_242 : i32 to index
      %parallel_loop3A_248 = tpu.vector_load %arg13[%parallel_loop3A_247] {strides = array<i32>} : memref<512xi32, #tpu.memory_space<vmem>>, vector<16xi32>,
      %parallel_loop3A_249 = vector.shape_cast %parallel_loop3A_248 : vector<16xi32> to vector<16xi32>
      %parallel_loop3A_250 = vector.shape_cast %parallel_loop3A_246 : vector<16xi32> to vector<16xi32>
      tpu.vector_store %arg13[%parallel_loop3A_247], %parallel_loop3A_250 {strides = array<i32>} : memref<512xi32, #tpu.memory_space<vmem>>, vector<16xi32>,
      %parallel_loop3A_251 = arith.index_cast %parallel_loop3A_242 : i32 to index
      %parallel_loop3A_252 = tpu.vector_load %arg15[%parallel_loop3A_251] {strides = array<i32>} : memref<512xi32, #tpu.memory_space<vmem>>, vector<16xi32>,
      %parallel_loop3A_253 = vector.shape_cast %parallel_loop3A_252 : vector<16xi32> to vector<16xi32>
      %parallel_loop3A_254 = arith.addi %parallel_loop3A_253, %broadcast_in_dim3A_47 : vector<16xi32>
      %parallel_loop3A_255 = arith.index_cast %parallel_loop3A_242 : i32 to index
      %parallel_loop3A_256 = tpu.vector_load %arg15[%parallel_loop3A_255] {strides = array<i32>} : memref<512xi32, #tpu.memory_space<vmem>>, vector<16xi32>,
      %parallel_loop3A_257 = vector.shape_cast %parallel_loop3A_256 : vector<16xi32> to vector<16xi32>
      %parallel_loop3A_258 = vector.shape_cast %parallel_loop3A_254 : vector<16xi32> to vector<16xi32>
      tpu.vector_store %arg15[%parallel_loop3A_255], %parallel_loop3A_258 {strides = array<i32>} : memref<512xi32, #tpu.memory_space<vmem>>, vector<16xi32>,
    } {sc.loop_unroll_factor = 4 : i64, sc.parallel_access}
    %dma_start3A_117 = arith.constant 0 : i32
    %dma_start3A_118 = arith.constant 0 : i32
    %dma_start3A_119 = tpu.memref_slice %arg10[%dma_start3A_117, %dma_start3A_118] : memref<102400x16xf32, #tpu.memory_space<hbm>> -> memref<102400x16xf32, #tpu.memory_space<hbm>>
    tpu.enqueue_indirect_dma source(%dma_start3A_119 : memref<102400x16xf32, #tpu.memory_space<hbm>>) target(%arg19 : memref<512x16xf32, #tpu.memory_space<vmem>>) offsets(%arg13 : memref<512xi32, #tpu.memory_space<vmem>>) semaphore(%arg29 : memref<!tpu.dma_semaphore, #tpu.memory_space<semaphore_mem>>)
    %dma_start3A_120 = arith.constant 0 : i32
    %dma_start3A_121 = arith.constant 0 : i32
    %dma_start3A_122 = tpu.memref_slice %arg4[%dma_start3A_120, %dma_start3A_121] : memref<1026x16xf32, #tpu.memory_space<hbm>> -> memref<1026x16xf32, #tpu.memory_space<hbm>>
    tpu.enqueue_indirect_dma source(%dma_start3A_122 : memref<1026x16xf32, #tpu.memory_space<hbm>>) target(%arg21 : memref<512x16xf32, #tpu.memory_space<vmem>>) offsets(%arg15 : memref<512xi32, #tpu.memory_space<vmem>>) semaphore(%arg29 : memref<!tpu.dma_semaphore, #tpu.memory_space<semaphore_mem>>)
    %scan3A_123 = arith.constant 0 : i32
    %scan3A_124 = arith.constant 0 : i32
    %scan3A_125 = arith.constant 31 : i32
    %scan3A_126 = arith.addi %scan3A_124, %scan3A_125 : i32
    %scan3A_127 = arith.constant 1 : i32
    scf.for %scan3A_242 = %scan3A_124 to %scan3A_126 step %scan3A_127  : i32 {
      %mul3A_243 = arith.constant 2 : i32
      %mul3A_244 = arith.muli %scan3A_242, %mul3A_243 : i32
      %add3A_245 = arith.constant 1 : i32
      %add3A_246 = arith.addi %mul3A_244, %add3A_245 : i32
      %ge3A = arith.constant 2 : i32
      %ge3A_247 = arith.cmpi sge, %add3A_246, %ge3A : i32
      %convert_element_type3A = arith.extui %ge3A_247 : i1 to i32
      %cond3A = arith.constant 0 : i32
      %cond3A_248 = arith.cmpi ne, %convert_element_type3A, %cond3A : i32
      scf.if %cond3A_248 {
        %dma_wait3A_293 = arith.constant 0 : i32
        %dma_wait3A_294 = arith.constant 0 : i32
        %dma_wait3A_295 = tpu.memref_slice %arg28[%dma_wait3A_293, %dma_wait3A_294] : memref<51200x16xf32, #tpu.memory_space<vmem_shared>> -> memref<51200x16xf32, #tpu.memory_space<vmem_shared>>
        tpu.wait_indirect_dma semaphore(%arg32 : memref<!tpu.dma_semaphore, #tpu.memory_space<semaphore_mem>>) src(%arg20 : memref<512x16xf32, #tpu.memory_space<vmem>>) dst(%dma_wait3A_295 : memref<51200x16xf32, #tpu.memory_space<vmem_shared>>)
      } else {
      }
      %mul3A_249 = arith.constant 512 : i32
      %mul3A_250 = arith.muli %add3A_246, %mul3A_249 : i32
      %add3A_251 = arith.addi %mul3A_49, %mul3A_250 : i32
      "tpu.region"() ({
        %run_scoped3A = tpu.sem_alloc : memref<!tpu.dma_semaphore, #tpu.memory_space<semaphore_mem>>
        %dma_start3A_293 = tpu.memref_slice %arg6[%add3A_251] : memref<507904xi32, #tpu.memory_space<hbm>> -> memref<512xi32, #tpu.memory_space<hbm>>
        %dma_start3A_294 = tpu.memref_slice %arg6[%add3A_251] : memref<507904xi32, #tpu.memory_space<hbm>> -> memref<512xi32, #tpu.memory_space<hbm>>
        tpu.enqueue_dma source(%dma_start3A_294 : memref<512xi32, #tpu.memory_space<hbm>>) target(%arg14 : memref<512xi32, #tpu.memory_space<vmem>>) target_semaphore(%run_scoped3A : memref<!tpu.dma_semaphore, #tpu.memory_space<semaphore_mem>>)
        %dma_wait3A_295 = tpu.memref_slice %arg6[%add3A_251] : memref<507904xi32, #tpu.memory_space<hbm>> -> memref<512xi32, #tpu.memory_space<hbm>>
        %dma_wait3A_296 = tpu.memref_slice %arg6[%add3A_251] : memref<507904xi32, #tpu.memory_space<hbm>> -> memref<512xi32, #tpu.memory_space<hbm>>
        tpu.wait_dma2 semaphore(%run_scoped3A : memref<!tpu.dma_semaphore, #tpu.memory_space<semaphore_mem>>) src(%dma_wait3A_296 : memref<512xi32, #tpu.memory_space<hbm>>) dst(%arg14 : memref<512xi32, #tpu.memory_space<vmem>>)
        tpu.yield
      }) : () -> ()
      "tpu.region"() ({
        %run_scoped3A = tpu.sem_alloc : memref<!tpu.dma_semaphore, #tpu.memory_space<semaphore_mem>>
        %dma_start3A_293 = tpu.memref_slice %arg7[%add3A_251] : memref<507904xi32, #tpu.memory_space<hbm>> -> memref<512xi32, #tpu.memory_space<hbm>>
        %dma_start3A_294 = tpu.memref_slice %arg7[%add3A_251] : memref<507904xi32, #tpu.memory_space<hbm>> -> memref<512xi32, #tpu.memory_space<hbm>>
        tpu.enqueue_dma source(%dma_start3A_294 : memref<512xi32, #tpu.memory_space<hbm>>) target(%arg16 : memref<512xi32, #tpu.memory_space<vmem>>) target_semaphore(%run_scoped3A : memref<!tpu.dma_semaphore, #tpu.memory_space<semaphore_mem>>)
        %dma_wait3A_295 = tpu.memref_slice %arg7[%add3A_251] : memref<507904xi32, #tpu.memory_space<hbm>> -> memref<512xi32, #tpu.memory_space<hbm>>
        %dma_wait3A_296 = tpu.memref_slice %arg7[%add3A_251] : memref<507904xi32, #tpu.memory_space<hbm>> -> memref<512xi32, #tpu.memory_space<hbm>>
        tpu.wait_dma2 semaphore(%run_scoped3A : memref<!tpu.dma_semaphore, #tpu.memory_space<semaphore_mem>>) src(%dma_wait3A_296 : memref<512xi32, #tpu.memory_space<hbm>>) dst(%arg16 : memref<512xi32, #tpu.memory_space<vmem>>)
        tpu.yield
      }) : () -> ()
      "tpu.region"() ({
        %run_scoped3A = tpu.sem_alloc : memref<!tpu.dma_semaphore, #tpu.memory_space<semaphore_mem>>
        %dma_start3A_293 = tpu.memref_slice %arg8[%add3A_251] : memref<507904xi32, #tpu.memory_space<hbm>> -> memref<512xi32, #tpu.memory_space<hbm>>
        %dma_start3A_294 = tpu.memref_slice %arg8[%add3A_251] : memref<507904xi32, #tpu.memory_space<hbm>> -> memref<512xi32, #tpu.memory_space<hbm>>
        tpu.enqueue_dma source(%dma_start3A_294 : memref<512xi32, #tpu.memory_space<hbm>>) target(%arg18 : memref<512xi32, #tpu.memory_space<vmem>>) target_semaphore(%run_scoped3A : memref<!tpu.dma_semaphore, #tpu.memory_space<semaphore_mem>>)
        %dma_wait3A_295 = tpu.memref_slice %arg8[%add3A_251] : memref<507904xi32, #tpu.memory_space<hbm>> -> memref<512xi32, #tpu.memory_space<hbm>>
        %dma_wait3A_296 = tpu.memref_slice %arg8[%add3A_251] : memref<507904xi32, #tpu.memory_space<hbm>> -> memref<512xi32, #tpu.memory_space<hbm>>
        tpu.wait_dma2 semaphore(%run_scoped3A : memref<!tpu.dma_semaphore, #tpu.memory_space<semaphore_mem>>) src(%dma_wait3A_296 : memref<512xi32, #tpu.memory_space<hbm>>) dst(%arg18 : memref<512xi32, #tpu.memory_space<vmem>>)
        tpu.yield
      }) : () -> ()
      %parallel_loop3A_252 = arith.constant 0 : i32
      %parallel_loop3A_253 = arith.constant 512 : i32
      %parallel_loop3A_254 = arith.constant 16 : i32
      scf.for %parallel_loop3A_293 = %parallel_loop3A_252 to %parallel_loop3A_253 step %parallel_loop3A_254  : i32 {
        %parallel_loop3A_294 = arith.index_cast %parallel_loop3A_293 : i32 to index
        %parallel_loop3A_295 = tpu.vector_load %arg14[%parallel_loop3A_294] {strides = array<i32>} : memref<512xi32, #tpu.memory_space<vmem>>, vector<16xi32>,
        %parallel_loop3A_296 = vector.shape_cast %parallel_loop3A_295 : vector<16xi32> to vector<16xi32>
        %parallel_loop3A_297 = arith.addi %parallel_loop3A_296, %broadcast_in_dim3A_44 : vector<16xi32>
        %parallel_loop3A_298 = arith.index_cast %parallel_loop3A_293 : i32 to index
        %parallel_loop3A_299 = tpu.vector_load %arg14[%parallel_loop3A_298] {strides = array<i32>} : memref<512xi32, #tpu.memory_space<vmem>>, vector<16xi32>,
        %parallel_loop3A_300 = vector.shape_cast %parallel_loop3A_299 : vector<16xi32> to vector<16xi32>
        %parallel_loop3A_301 = vector.shape_cast %parallel_loop3A_297 : vector<16xi32> to vector<16xi32>
        tpu.vector_store %arg14[%parallel_loop3A_298], %parallel_loop3A_301 {strides = array<i32>} : memref<512xi32, #tpu.memory_space<vmem>>, vector<16xi32>,
        %parallel_loop3A_302 = arith.index_cast %parallel_loop3A_293 : i32 to index
        %parallel_loop3A_303 = tpu.vector_load %arg16[%parallel_loop3A_302] {strides = array<i32>} : memref<512xi32, #tpu.memory_space<vmem>>, vector<16xi32>,
        %parallel_loop3A_304 = vector.shape_cast %parallel_loop3A_303 : vector<16xi32> to vector<16xi32>
        %parallel_loop3A_305 = arith.addi %parallel_loop3A_304, %broadcast_in_dim3A_47 : vector<16xi32>
        %parallel_loop3A_306 = arith.index_cast %parallel_loop3A_293 : i32 to index
        %parallel_loop3A_307 = tpu.vector_load %arg16[%parallel_loop3A_306] {strides = array<i32>} : memref<512xi32, #tpu.memory_space<vmem>>, vector<16xi32>,
        %parallel_loop3A_308 = vector.shape_cast %parallel_loop3A_307 : vector<16xi32> to vector<16xi32>
        %parallel_loop3A_309 = vector.shape_cast %parallel_loop3A_305 : vector<16xi32> to vector<16xi32>
        tpu.vector_store %arg16[%parallel_loop3A_306], %parallel_loop3A_309 {strides = array<i32>} : memref<512xi32, #tpu.memory_space<vmem>>, vector<16xi32>,
      } {sc.loop_unroll_factor = 4 : i64, sc.parallel_access}
      %dma_start3A_255 = arith.constant 0 : i32
      %dma_start3A_256 = arith.constant 0 : i32
      %dma_start3A_257 = tpu.memref_slice %arg10[%dma_start3A_255, %dma_start3A_256] : memref<102400x16xf32, #tpu.memory_space<hbm>> -> memref<102400x16xf32, #tpu.memory_space<hbm>>
      tpu.enqueue_indirect_dma source(%dma_start3A_257 : memref<102400x16xf32, #tpu.memory_space<hbm>>) target(%arg20 : memref<512x16xf32, #tpu.memory_space<vmem>>) offsets(%arg14 : memref<512xi32, #tpu.memory_space<vmem>>) semaphore(%arg30 : memref<!tpu.dma_semaphore, #tpu.memory_space<semaphore_mem>>)
      %dma_start3A_258 = arith.constant 0 : i32
      %dma_start3A_259 = arith.constant 0 : i32
      %dma_start3A_260 = tpu.memref_slice %arg4[%dma_start3A_258, %dma_start3A_259] : memref<1026x16xf32, #tpu.memory_space<hbm>> -> memref<1026x16xf32, #tpu.memory_space<hbm>>
      tpu.enqueue_indirect_dma source(%dma_start3A_260 : memref<1026x16xf32, #tpu.memory_space<hbm>>) target(%arg22 : memref<512x16xf32, #tpu.memory_space<vmem>>) offsets(%arg16 : memref<512xi32, #tpu.memory_space<vmem>>) semaphore(%arg30 : memref<!tpu.dma_semaphore, #tpu.memory_space<semaphore_mem>>)
      %dma_wait3A_261 = arith.constant 0 : i32
      %dma_wait3A_262 = arith.constant 0 : i32
      %dma_wait3A_263 = tpu.memref_slice %arg10[%dma_wait3A_261, %dma_wait3A_262] : memref<102400x16xf32, #tpu.memory_space<hbm>> -> memref<102400x16xf32, #tpu.memory_space<hbm>>
      tpu.wait_indirect_dma semaphore(%arg29 : memref<!tpu.dma_semaphore, #tpu.memory_space<semaphore_mem>>) src(%dma_wait3A_263 : memref<102400x16xf32, #tpu.memory_space<hbm>>) dst(%arg19 : memref<512x16xf32, #tpu.memory_space<vmem>>)
      %dma_wait3A_264 = arith.constant 0 : i32
      %dma_wait3A_265 = arith.constant 0 : i32
      %dma_wait3A_266 = tpu.memref_slice %arg4[%dma_wait3A_264, %dma_wait3A_265] : memref<1026x16xf32, #tpu.memory_space<hbm>> -> memref<1026x16xf32, #tpu.memory_space<hbm>>
      tpu.wait_indirect_dma semaphore(%arg29 : memref<!tpu.dma_semaphore, #tpu.memory_space<semaphore_mem>>) src(%dma_wait3A_266 : memref<1026x16xf32, #tpu.memory_space<hbm>>) dst(%arg21 : memref<512x16xf32, #tpu.memory_space<vmem>>)
      %parallel_loop3A_267 = arith.constant 0 : i32
      %parallel_loop3A_268 = arith.constant 512 : i32
      %parallel_loop3A_269 = arith.constant 1 : i32
      scf.for %parallel_loop3A_293 = %parallel_loop3A_267 to %parallel_loop3A_268 step %parallel_loop3A_269  : i32 {
        %parallel_loop3A_294 = arith.index_cast %parallel_loop3A_293 : i32 to index
        %parallel_loop3A_295 = arith.constant 0 : index
        %parallel_loop3A_296 = tpu.vector_load %arg19[%parallel_loop3A_294, %parallel_loop3A_295] {strides = array<i32>} : memref<512x16xf32, #tpu.memory_space<vmem>>, vector<1x16xf32>,
        %parallel_loop3A_297 = vector.shape_cast %parallel_loop3A_296 : vector<1x16xf32> to vector<16xf32>
        %parallel_loop3A_298 = arith.index_cast %parallel_loop3A_293 : i32 to index
        %parallel_loop3A_299 = arith.constant 0 : index
        %parallel_loop3A_300 = tpu.vector_load %arg21[%parallel_loop3A_298, %parallel_loop3A_299] {strides = array<i32>} : memref<512x16xf32, #tpu.memory_space<vmem>>, vector<1x16xf32>,
        %parallel_loop3A_301 = vector.shape_cast %parallel_loop3A_300 : vector<1x16xf32> to vector<16xf32>
        %parallel_loop3A_302 = arith.mulf %parallel_loop3A_297, %parallel_loop3A_301 : vector<16xf32>
        %parallel_loop3A_303 = arith.index_cast %parallel_loop3A_293 : i32 to index
        %parallel_loop3A_304 = arith.constant 0 : index
        %parallel_loop3A_305 = tpu.vector_load %arg19[%parallel_loop3A_303, %parallel_loop3A_304] {strides = array<i32>} : memref<512x16xf32, #tpu.memory_space<vmem>>, vector<1x16xf32>,
        %parallel_loop3A_306 = vector.shape_cast %parallel_loop3A_305 : vector<1x16xf32> to vector<16xf32>
        %parallel_loop3A_307 = vector.shape_cast %parallel_loop3A_302 : vector<16xf32> to vector<1x16xf32>
        tpu.vector_store %arg19[%parallel_loop3A_303, %parallel_loop3A_304], %parallel_loop3A_307 {strides = array<i32>} : memref<512x16xf32, #tpu.memory_space<vmem>>, vector<1x16xf32>,
      } {sc.loop_unroll_factor = 8 : i64, sc.parallel_access}
      %dma_start3A_270 = arith.constant 0 : i32
      %dma_start3A_271 = arith.constant 0 : i32
      %dma_start3A_272 = tpu.memref_slice %arg28[%dma_start3A_270, %dma_start3A_271] : memref<51200x16xf32, #tpu.memory_space<vmem_shared>> -> memref<51200x16xf32, #tpu.memory_space<vmem_shared>>
      tpu.enqueue_indirect_dma source(%arg19 : memref<512x16xf32, #tpu.memory_space<vmem>>) target(%dma_start3A_272 : memref<51200x16xf32, #tpu.memory_space<vmem_shared>>) offsets(%arg17 : memref<512xi32, #tpu.memory_space<vmem>>) semaphore(%arg31 : memref<!tpu.dma_semaphore, #tpu.memory_space<semaphore_mem>>) {add = true}
      %add3A_273 = arith.constant 1 : i32
      %add3A_274 = arith.addi %mul3A_244, %add3A_273 : i32
      %dma_wait3A_275 = arith.constant 0 : i32
      %dma_wait3A_276 = arith.constant 0 : i32
      %dma_wait3A_277 = tpu.memref_slice %arg10[%dma_wait3A_275, %dma_wait3A_276] : memref<102400x16xf32, #tpu.memory_space<hbm>> -> memref<102400x16xf32, #tpu.memory_space<hbm>>
      tpu.wait_indirect_dma semaphore(%arg30 : memref<!tpu.dma_semaphore, #tpu.memory_space<semaphore_mem>>) src(%dma_wait3A_277 : memref<102400x16xf32, #tpu.memory_space<hbm>>) dst(%arg20 : memref<512x16xf32, #tpu.memory_space<vmem>>)
      %dma_wait3A_278 = arith.constant 0 : i32
      %dma_wait3A_279 = arith.constant 0 : i32
      %dma_wait3A_280 = tpu.memref_slice %arg4[%dma_wait3A_278, %dma_wait3A_279] : memref<1026x16xf32, #tpu.memory_space<hbm>> -> memref<1026x16xf32, #tpu.memory_space<hbm>>
      tpu.wait_indirect_dma semaphore(%arg30 : memref<!tpu.dma_semaphore, #tpu.memory_space<semaphore_mem>>) src(%dma_wait3A_280 : memref<1026x16xf32, #tpu.memory_space<hbm>>) dst(%arg22 : memref<512x16xf32, #tpu.memory_space<vmem>>)
      %parallel_loop3A_281 = arith.constant 0 : i32
      %parallel_loop3A_282 = arith.constant 512 : i32
      %parallel_loop3A_283 = arith.constant 1 : i32
      scf.for %parallel_loop3A_293 = %parallel_loop3A_281 to %parallel_loop3A_282 step %parallel_loop3A_283  : i32 {
        %parallel_loop3A_294 = arith.index_cast %parallel_loop3A_293 : i32 to index
        %parallel_loop3A_295 = arith.constant 0 : index
        %parallel_loop3A_296 = tpu.vector_load %arg20[%parallel_loop3A_294, %parallel_loop3A_295] {strides = array<i32>} : memref<512x16xf32, #tpu.memory_space<vmem>>, vector<1x16xf32>,
        %parallel_loop3A_297 = vector.shape_cast %parallel_loop3A_296 : vector<1x16xf32> to vector<16xf32>
        %parallel_loop3A_298 = arith.index_cast %parallel_loop3A_293 : i32 to index
        %parallel_loop3A_299 = arith.constant 0 : index
        %parallel_loop3A_300 = tpu.vector_load %arg22[%parallel_loop3A_298, %parallel_loop3A_299] {strides = array<i32>} : memref<512x16xf32, #tpu.memory_space<vmem>>, vector<1x16xf32>,
        %parallel_loop3A_301 = vector.shape_cast %parallel_loop3A_300 : vector<1x16xf32> to vector<16xf32>
        %parallel_loop3A_302 = arith.mulf %parallel_loop3A_297, %parallel_loop3A_301 : vector<16xf32>
        %parallel_loop3A_303 = arith.index_cast %parallel_loop3A_293 : i32 to index
        %parallel_loop3A_304 = arith.constant 0 : index
        %parallel_loop3A_305 = tpu.vector_load %arg20[%parallel_loop3A_303, %parallel_loop3A_304] {strides = array<i32>} : memref<512x16xf32, #tpu.memory_space<vmem>>, vector<1x16xf32>,
        %parallel_loop3A_306 = vector.shape_cast %parallel_loop3A_305 : vector<1x16xf32> to vector<16xf32>
        %parallel_loop3A_307 = vector.shape_cast %parallel_loop3A_302 : vector<16xf32> to vector<1x16xf32>
        tpu.vector_store %arg20[%parallel_loop3A_303, %parallel_loop3A_304], %parallel_loop3A_307 {strides = array<i32>} : memref<512x16xf32, #tpu.memory_space<vmem>>, vector<1x16xf32>,
      } {sc.loop_unroll_factor = 8 : i64, sc.parallel_access}
      %dma_start3A_284 = arith.constant 0 : i32
      %dma_start3A_285 = arith.constant 0 : i32
      %dma_start3A_286 = tpu.memref_slice %arg28[%dma_start3A_284, %dma_start3A_285] : memref<51200x16xf32, #tpu.memory_space<vmem_shared>> -> memref<51200x16xf32, #tpu.memory_space<vmem_shared>>
      tpu.enqueue_indirect_dma source(%arg20 : memref<512x16xf32, #tpu.memory_space<vmem>>) target(%dma_start3A_286 : memref<51200x16xf32, #tpu.memory_space<vmem_shared>>) offsets(%arg18 : memref<512xi32, #tpu.memory_space<vmem>>) semaphore(%arg32 : memref<!tpu.dma_semaphore, #tpu.memory_space<semaphore_mem>>) {add = true}
      %add3A_287 = arith.constant 2 : i32
      %add3A_288 = arith.addi %mul3A_244, %add3A_287 : i32
      %lt3A = arith.constant 62 : i32
      %lt3A_289 = arith.cmpi slt, %add3A_288, %lt3A : i32
      %convert_element_type3A_290 = arith.extui %lt3A_289 : i1 to i32
      %cond3A_291 = arith.constant 0 : i32
      %cond3A_292 = arith.cmpi ne, %convert_element_type3A_290, %cond3A_291 : i32
      scf.if %cond3A_292 {
        %add3A_293 = arith.constant 2 : i32
        %add3A_294 = arith.addi %mul3A_244, %add3A_293 : i32
        %ge3A_295 = arith.constant 2 : i32
        %ge3A_296 = arith.cmpi sge, %add3A_294, %ge3A_295 : i32
        %convert_element_type3A_297 = arith.extui %ge3A_296 : i1 to i32
        %cond3A_298 = arith.constant 0 : i32
        %cond3A_299 = arith.cmpi ne, %convert_element_type3A_297, %cond3A_298 : i32
        scf.if %cond3A_299 {
          %dma_wait3A_312 = arith.constant 0 : i32
          %dma_wait3A_313 = arith.constant 0 : i32
          %dma_wait3A_314 = tpu.memref_slice %arg28[%dma_wait3A_312, %dma_wait3A_313] : memref<51200x16xf32, #tpu.memory_space<vmem_shared>> -> memref<51200x16xf32, #tpu.memory_space<vmem_shared>>
          tpu.wait_indirect_dma semaphore(%arg31 : memref<!tpu.dma_semaphore, #tpu.memory_space<semaphore_mem>>) src(%arg19 : memref<512x16xf32, #tpu.memory_space<vmem>>) dst(%dma_wait3A_314 : memref<51200x16xf32, #tpu.memory_space<vmem_shared>>)
        } else {
        }
        %mul3A_300 = arith.constant 512 : i32
        %mul3A_301 = arith.muli %add3A_294, %mul3A_300 : i32
        %add3A_302 = arith.addi %mul3A_49, %mul3A_301 : i32
        "tpu.region"() ({
          %run_scoped3A = tpu.sem_alloc : memref<!tpu.dma_semaphore, #tpu.memory_space<semaphore_mem>>
          %dma_start3A_312 = tpu.memref_slice %arg6[%add3A_302] : memref<507904xi32, #tpu.memory_space<hbm>> -> memref<512xi32, #tpu.memory_space<hbm>>
          %dma_start3A_313 = tpu.memref_slice %arg6[%add3A_302] : memref<507904xi32, #tpu.memory_space<hbm>> -> memref<512xi32, #tpu.memory_space<hbm>>
          tpu.enqueue_dma source(%dma_start3A_313 : memref<512xi32, #tpu.memory_space<hbm>>) target(%arg13 : memref<512xi32, #tpu.memory_space<vmem>>) target_semaphore(%run_scoped3A : memref<!tpu.dma_semaphore, #tpu.memory_space<semaphore_mem>>)
          %dma_wait3A_314 = tpu.memref_slice %arg6[%add3A_302] : memref<507904xi32, #tpu.memory_space<hbm>> -> memref<512xi32, #tpu.memory_space<hbm>>
          %dma_wait3A_315 = tpu.memref_slice %arg6[%add3A_302] : memref<507904xi32, #tpu.memory_space<hbm>> -> memref<512xi32, #tpu.memory_space<hbm>>
          tpu.wait_dma2 semaphore(%run_scoped3A : memref<!tpu.dma_semaphore, #tpu.memory_space<semaphore_mem>>) src(%dma_wait3A_315 : memref<512xi32, #tpu.memory_space<hbm>>) dst(%arg13 : memref<512xi32, #tpu.memory_space<vmem>>)
          tpu.yield
        }) : () -> ()
        "tpu.region"() ({
          %run_scoped3A = tpu.sem_alloc : memref<!tpu.dma_semaphore, #tpu.memory_space<semaphore_mem>>
          %dma_start3A_312 = tpu.memref_slice %arg7[%add3A_302] : memref<507904xi32, #tpu.memory_space<hbm>> -> memref<512xi32, #tpu.memory_space<hbm>>
          %dma_start3A_313 = tpu.memref_slice %arg7[%add3A_302] : memref<507904xi32, #tpu.memory_space<hbm>> -> memref<512xi32, #tpu.memory_space<hbm>>
          tpu.enqueue_dma source(%dma_start3A_313 : memref<512xi32, #tpu.memory_space<hbm>>) target(%arg15 : memref<512xi32, #tpu.memory_space<vmem>>) target_semaphore(%run_scoped3A : memref<!tpu.dma_semaphore, #tpu.memory_space<semaphore_mem>>)
          %dma_wait3A_314 = tpu.memref_slice %arg7[%add3A_302] : memref<507904xi32, #tpu.memory_space<hbm>> -> memref<512xi32, #tpu.memory_space<hbm>>
          %dma_wait3A_315 = tpu.memref_slice %arg7[%add3A_302] : memref<507904xi32, #tpu.memory_space<hbm>> -> memref<512xi32, #tpu.memory_space<hbm>>
          tpu.wait_dma2 semaphore(%run_scoped3A : memref<!tpu.dma_semaphore, #tpu.memory_space<semaphore_mem>>) src(%dma_wait3A_315 : memref<512xi32, #tpu.memory_space<hbm>>) dst(%arg15 : memref<512xi32, #tpu.memory_space<vmem>>)
          tpu.yield
        }) : () -> ()
        "tpu.region"() ({
          %run_scoped3A = tpu.sem_alloc : memref<!tpu.dma_semaphore, #tpu.memory_space<semaphore_mem>>
          %dma_start3A_312 = tpu.memref_slice %arg8[%add3A_302] : memref<507904xi32, #tpu.memory_space<hbm>> -> memref<512xi32, #tpu.memory_space<hbm>>
          %dma_start3A_313 = tpu.memref_slice %arg8[%add3A_302] : memref<507904xi32, #tpu.memory_space<hbm>> -> memref<512xi32, #tpu.memory_space<hbm>>
          tpu.enqueue_dma source(%dma_start3A_313 : memref<512xi32, #tpu.memory_space<hbm>>) target(%arg17 : memref<512xi32, #tpu.memory_space<vmem>>) target_semaphore(%run_scoped3A : memref<!tpu.dma_semaphore, #tpu.memory_space<semaphore_mem>>)
          %dma_wait3A_314 = tpu.memref_slice %arg8[%add3A_302] : memref<507904xi32, #tpu.memory_space<hbm>> -> memref<512xi32, #tpu.memory_space<hbm>>
          %dma_wait3A_315 = tpu.memref_slice %arg8[%add3A_302] : memref<507904xi32, #tpu.memory_space<hbm>> -> memref<512xi32, #tpu.memory_space<hbm>>
          tpu.wait_dma2 semaphore(%run_scoped3A : memref<!tpu.dma_semaphore, #tpu.memory_space<semaphore_mem>>) src(%dma_wait3A_315 : memref<512xi32, #tpu.memory_space<hbm>>) dst(%arg17 : memref<512xi32, #tpu.memory_space<vmem>>)
          tpu.yield
        }) : () -> ()
        %parallel_loop3A_303 = arith.constant 0 : i32
        %parallel_loop3A_304 = arith.constant 512 : i32
        %parallel_loop3A_305 = arith.constant 16 : i32
        scf.for %parallel_loop3A_312 = %parallel_loop3A_303 to %parallel_loop3A_304 step %parallel_loop3A_305  : i32 {
          %parallel_loop3A_313 = arith.index_cast %parallel_loop3A_312 : i32 to index
          %parallel_loop3A_314 = tpu.vector_load %arg13[%parallel_loop3A_313] {strides = array<i32>} : memref<512xi32, #tpu.memory_space<vmem>>, vector<16xi32>,
          %parallel_loop3A_315 = vector.shape_cast %parallel_loop3A_314 : vector<16xi32> to vector<16xi32>
          %parallel_loop3A_316 = arith.addi %parallel_loop3A_315, %broadcast_in_dim3A_44 : vector<16xi32>
          %parallel_loop3A_317 = arith.index_cast %parallel_loop3A_312 : i32 to index
          %parallel_loop3A_318 = tpu.vector_load %arg13[%parallel_loop3A_317] {strides = array<i32>} : memref<512xi32, #tpu.memory_space<vmem>>, vector<16xi32>,
          %parallel_loop3A_319 = vector.shape_cast %parallel_loop3A_318 : vector<16xi32> to vector<16xi32>
          %parallel_loop3A_320 = vector.shape_cast %parallel_loop3A_316 : vector<16xi32> to vector<16xi32>
          tpu.vector_store %arg13[%parallel_loop3A_317], %parallel_loop3A_320 {strides = array<i32>} : memref<512xi32, #tpu.memory_space<vmem>>, vector<16xi32>,
          %parallel_loop3A_321 = arith.index_cast %parallel_loop3A_312 : i32 to index
          %parallel_loop3A_322 = tpu.vector_load %arg15[%parallel_loop3A_321] {strides = array<i32>} : memref<512xi32, #tpu.memory_space<vmem>>, vector<16xi32>,
          %parallel_loop3A_323 = vector.shape_cast %parallel_loop3A_322 : vector<16xi32> to vector<16xi32>
          %parallel_loop3A_324 = arith.addi %parallel_loop3A_323, %broadcast_in_dim3A_47 : vector<16xi32>
          %parallel_loop3A_325 = arith.index_cast %parallel_loop3A_312 : i32 to index
          %parallel_loop3A_326 = tpu.vector_load %arg15[%parallel_loop3A_325] {strides = array<i32>} : memref<512xi32, #tpu.memory_space<vmem>>, vector<16xi32>,
          %parallel_loop3A_327 = vector.shape_cast %parallel_loop3A_326 : vector<16xi32> to vector<16xi32>
          %parallel_loop3A_328 = vector.shape_cast %parallel_loop3A_324 : vector<16xi32> to vector<16xi32>
          tpu.vector_store %arg15[%parallel_loop3A_325], %parallel_loop3A_328 {strides = array<i32>} : memref<512xi32, #tpu.memory_space<vmem>>, vector<16xi32>,
        } {sc.loop_unroll_factor = 4 : i64, sc.parallel_access}
        %dma_start3A_306 = arith.constant 0 : i32
        %dma_start3A_307 = arith.constant 0 : i32
        %dma_start3A_308 = tpu.memref_slice %arg10[%dma_start3A_306, %dma_start3A_307] : memref<102400x16xf32, #tpu.memory_space<hbm>> -> memref<102400x16xf32, #tpu.memory_space<hbm>>
        tpu.enqueue_indirect_dma source(%dma_start3A_308 : memref<102400x16xf32, #tpu.memory_space<hbm>>) target(%arg19 : memref<512x16xf32, #tpu.memory_space<vmem>>) offsets(%arg13 : memref<512xi32, #tpu.memory_space<vmem>>) semaphore(%arg29 : memref<!tpu.dma_semaphore, #tpu.memory_space<semaphore_mem>>)
        %dma_start3A_309 = arith.constant 0 : i32
        %dma_start3A_310 = arith.constant 0 : i32
        %dma_start3A_311 = tpu.memref_slice %arg4[%dma_start3A_309, %dma_start3A_310] : memref<1026x16xf32, #tpu.memory_space<hbm>> -> memref<1026x16xf32, #tpu.memory_space<hbm>>
        tpu.enqueue_indirect_dma source(%dma_start3A_311 : memref<1026x16xf32, #tpu.memory_space<hbm>>) target(%arg21 : memref<512x16xf32, #tpu.memory_space<vmem>>) offsets(%arg15 : memref<512xi32, #tpu.memory_space<vmem>>) semaphore(%arg29 : memref<!tpu.dma_semaphore, #tpu.memory_space<semaphore_mem>>)
      } else {
      }
    }
    %scan3A_128 = arith.constant 31 : i32
    %dma_wait3A_129 = arith.constant 0 : i32
    %dma_wait3A_130 = arith.constant 0 : i32
    %dma_wait3A_131 = tpu.memref_slice %arg28[%dma_wait3A_129, %dma_wait3A_130] : memref<51200x16xf32, #tpu.memory_space<vmem_shared>> -> memref<51200x16xf32, #tpu.memory_space<vmem_shared>>
    tpu.wait_indirect_dma semaphore(%arg31 : memref<!tpu.dma_semaphore, #tpu.memory_space<semaphore_mem>>) src(%arg19 : memref<512x16xf32, #tpu.memory_space<vmem>>) dst(%dma_wait3A_131 : memref<51200x16xf32, #tpu.memory_space<vmem_shared>>)
    %dma_wait3A_132 = arith.constant 0 : i32
    %dma_wait3A_133 = arith.constant 0 : i32
    %dma_wait3A_134 = tpu.memref_slice %arg28[%dma_wait3A_132, %dma_wait3A_133] : memref<51200x16xf32, #tpu.memory_space<vmem_shared>> -> memref<51200x16xf32, #tpu.memory_space<vmem_shared>>
    tpu.wait_indirect_dma semaphore(%arg32 : memref<!tpu.dma_semaphore, #tpu.memory_space<semaphore_mem>>) src(%arg20 : memref<512x16xf32, #tpu.memory_space<vmem>>) dst(%dma_wait3A_134 : memref<51200x16xf32, #tpu.memory_space<vmem_shared>>)
    %barrier3A_135 = arith.constant 0 : index
    tpu.barrier barrier_id(%barrier3A_135)
    %add3A_136 = arith.constant 0 : i32
    %add3A_137 = arith.addi %mul3A_3, %add3A_136 : i32
    %mul3A_138 = arith.constant 51200 : i32
    %mul3A_139 = arith.muli %arg0, %mul3A_138 : i32
    %add3A_140 = arith.addi %mul3A_139, %add3A_137 : i32
    "tpu.region"() ({
      %run_scoped3A = tpu.sem_alloc : memref<!tpu.dma_semaphore, #tpu.memory_space<semaphore_mem>>
      %dma_start3A_242 = arith.constant 0 : i32
      %dma_start3A_243 = tpu.memref_slice %arg28[%add3A_137, %dma_start3A_242] : memref<51200x16xf32, #tpu.memory_space<vmem_shared>> -> memref<640x16xf32, #tpu.memory_space<vmem_shared>>
      %dma_start3A_244 = arith.constant 0 : i32
      %dma_start3A_245 = tpu.memref_slice %arg28[%add3A_137, %dma_start3A_244] : memref<51200x16xf32, #tpu.memory_space<vmem_shared>> -> memref<640x16xf32, #tpu.memory_space<vmem_shared>>
      tpu.enqueue_dma source(%dma_start3A_245 : memref<640x16xf32, #tpu.memory_space<vmem_shared>>) target(%arg23 : memref<640x16xf32, #tpu.memory_space<vmem>>) target_semaphore(%run_scoped3A : memref<!tpu.dma_semaphore, #tpu.memory_space<semaphore_mem>>)
      %dma_wait3A_246 = arith.constant 0 : i32
      %dma_wait3A_247 = tpu.memref_slice %arg28[%add3A_137, %dma_wait3A_246] : memref<51200x16xf32, #tpu.memory_space<vmem_shared>> -> memref<640x16xf32, #tpu.memory_space<vmem_shared>>
      %dma_wait3A_248 = arith.constant 0 : i32
      %dma_wait3A_249 = tpu.memref_slice %arg28[%add3A_137, %dma_wait3A_248] : memref<51200x16xf32, #tpu.memory_space<vmem_shared>> -> memref<640x16xf32, #tpu.memory_space<vmem_shared>>
      tpu.wait_dma2 semaphore(%run_scoped3A : memref<!tpu.dma_semaphore, #tpu.memory_space<semaphore_mem>>) src(%dma_wait3A_249 : memref<640x16xf32, #tpu.memory_space<vmem_shared>>) dst(%arg23 : memref<640x16xf32, #tpu.memory_space<vmem>>)
      tpu.yield
    }) : () -> ()
    "tpu.region"() ({
      %run_scoped3A = tpu.sem_alloc : memref<!tpu.dma_semaphore, #tpu.memory_space<semaphore_mem>>
      %dma_start3A_242 = arith.constant 0 : i32
      %dma_start3A_243 = tpu.memref_slice %arg2[%add3A_140, %dma_start3A_242] : memref<102400x16xf32, #tpu.memory_space<hbm>> -> memref<640x16xf32, #tpu.memory_space<hbm>>
      %dma_start3A_244 = arith.constant 0 : i32
      %dma_start3A_245 = tpu.memref_slice %arg2[%add3A_140, %dma_start3A_244] : memref<102400x16xf32, #tpu.memory_space<hbm>> -> memref<640x16xf32, #tpu.memory_space<hbm>>
      tpu.enqueue_dma source(%dma_start3A_245 : memref<640x16xf32, #tpu.memory_space<hbm>>) target(%arg24 : memref<640x16xf32, #tpu.memory_space<vmem>>) target_semaphore(%run_scoped3A : memref<!tpu.dma_semaphore, #tpu.memory_space<semaphore_mem>>)
      %dma_wait3A_246 = arith.constant 0 : i32
      %dma_wait3A_247 = tpu.memref_slice %arg2[%add3A_140, %dma_wait3A_246] : memref<102400x16xf32, #tpu.memory_space<hbm>> -> memref<640x16xf32, #tpu.memory_space<hbm>>
      %dma_wait3A_248 = arith.constant 0 : i32
      %dma_wait3A_249 = tpu.memref_slice %arg2[%add3A_140, %dma_wait3A_248] : memref<102400x16xf32, #tpu.memory_space<hbm>> -> memref<640x16xf32, #tpu.memory_space<hbm>>
      tpu.wait_dma2 semaphore(%run_scoped3A : memref<!tpu.dma_semaphore, #tpu.memory_space<semaphore_mem>>) src(%dma_wait3A_249 : memref<640x16xf32, #tpu.memory_space<hbm>>) dst(%arg24 : memref<640x16xf32, #tpu.memory_space<vmem>>)
      tpu.yield
    }) : () -> ()
    %parallel_loop3A_141 = arith.constant 0 : i32
    %parallel_loop3A_142 = arith.constant 640 : i32
    %parallel_loop3A_143 = arith.constant 1 : i32
    scf.for %parallel_loop3A_242 = %parallel_loop3A_141 to %parallel_loop3A_142 step %parallel_loop3A_143  : i32 {
      %parallel_loop3A_243 = arith.index_cast %parallel_loop3A_242 : i32 to index
      %parallel_loop3A_244 = arith.constant 0 : index
      %parallel_loop3A_245 = tpu.vector_load %arg23[%parallel_loop3A_243, %parallel_loop3A_244] {strides = array<i32>} : memref<640x16xf32, #tpu.memory_space<vmem>>, vector<1x16xf32>,
      %parallel_loop3A_246 = vector.shape_cast %parallel_loop3A_245 : vector<1x16xf32> to vector<16xf32>
      %parallel_loop3A_247 = arith.constant 1.000000e+00 : f32
      %parallel_loop3A_248 = vector.broadcast %parallel_loop3A_247 : f32 to vector<16xf32>
      %parallel_loop3A_249 = arith.minimumf %parallel_loop3A_246, %parallel_loop3A_248 : vector<16xf32>
      %parallel_loop3A_250 = arith.index_cast %parallel_loop3A_242 : i32 to index
      %parallel_loop3A_251 = arith.constant 0 : index
      %parallel_loop3A_252 = tpu.vector_load %arg24[%parallel_loop3A_250, %parallel_loop3A_251] {strides = array<i32>} : memref<640x16xf32, #tpu.memory_space<vmem>>, vector<1x16xf32>,
      %parallel_loop3A_253 = vector.shape_cast %parallel_loop3A_252 : vector<1x16xf32> to vector<16xf32>
      %parallel_loop3A_254 = arith.constant 0.899999976 : f32
      %parallel_loop3A_255 = vector.broadcast %parallel_loop3A_254 : f32 to vector<16xf32>
      %parallel_loop3A_256 = arith.cmpf ogt, %parallel_loop3A_253, %parallel_loop3A_255 : vector<16xf32>
      %parallel_loop3A_257 = arith.constant 0.000000e+00 : f32
      %parallel_loop3A_258 = vector.broadcast %parallel_loop3A_257 : f32 to vector<16xf32>
      %parallel_loop3A_259 = arith.select %parallel_loop3A_256, %get3A_16, %parallel_loop3A_258 : vector<16xi1>, vector<16xf32>
      %parallel_loop3A_260 = arith.constant 1.000000e+00 : f32
      %parallel_loop3A_261 = vector.broadcast %parallel_loop3A_260 : f32 to vector<16xf32>
      %parallel_loop3A_262 = arith.subf %parallel_loop3A_261, %parallel_loop3A_259 : vector<16xf32>
      %parallel_loop3A_263 = arith.mulf %parallel_loop3A_249, %parallel_loop3A_262 : vector<16xf32>
      %parallel_loop3A_264 = arith.index_cast %parallel_loop3A_242 : i32 to index
      %parallel_loop3A_265 = arith.constant 0 : index
      %parallel_loop3A_266 = tpu.vector_load %arg23[%parallel_loop3A_264, %parallel_loop3A_265] {strides = array<i32>} : memref<640x16xf32, #tpu.memory_space<vmem>>, vector<1x16xf32>,
      %parallel_loop3A_267 = vector.shape_cast %parallel_loop3A_266 : vector<1x16xf32> to vector<16xf32>
      %parallel_loop3A_268 = vector.shape_cast %parallel_loop3A_263 : vector<16xf32> to vector<1x16xf32>
      tpu.vector_store %arg23[%parallel_loop3A_264, %parallel_loop3A_265], %parallel_loop3A_268 {strides = array<i32>} : memref<640x16xf32, #tpu.memory_space<vmem>>, vector<1x16xf32>,
    } {sc.loop_unroll_factor = 8 : i64, sc.parallel_access}
    "tpu.region"() ({
      %run_scoped3A = tpu.sem_alloc : memref<!tpu.dma_semaphore, #tpu.memory_space<semaphore_mem>>
      %dma_start3A_242 = arith.constant 0 : i32
      %dma_start3A_243 = tpu.memref_slice %arg11[%add3A_140, %dma_start3A_242] : memref<102400x16xf32, #tpu.memory_space<hbm>> -> memref<640x16xf32, #tpu.memory_space<hbm>>
      %dma_start3A_244 = arith.constant 0 : i32
      %dma_start3A_245 = tpu.memref_slice %arg11[%add3A_140, %dma_start3A_244] : memref<102400x16xf32, #tpu.memory_space<hbm>> -> memref<640x16xf32, #tpu.memory_space<hbm>>
      tpu.enqueue_dma source(%arg23 : memref<640x16xf32, #tpu.memory_space<vmem>>) target(%dma_start3A_245 : memref<640x16xf32, #tpu.memory_space<hbm>>) target_semaphore(%run_scoped3A : memref<!tpu.dma_semaphore, #tpu.memory_space<semaphore_mem>>)
      %dma_wait3A_246 = arith.constant 0 : i32
      %dma_wait3A_247 = tpu.memref_slice %arg11[%add3A_140, %dma_wait3A_246] : memref<102400x16xf32, #tpu.memory_space<hbm>> -> memref<640x16xf32, #tpu.memory_space<hbm>>
      %dma_wait3A_248 = arith.constant 0 : i32
      %dma_wait3A_249 = tpu.memref_slice %arg11[%add3A_140, %dma_wait3A_248] : memref<102400x16xf32, #tpu.memory_space<hbm>> -> memref<640x16xf32, #tpu.memory_space<hbm>>
      tpu.wait_dma2 semaphore(%run_scoped3A : memref<!tpu.dma_semaphore, #tpu.memory_space<semaphore_mem>>) src(%arg23 : memref<640x16xf32, #tpu.memory_space<vmem>>) dst(%dma_wait3A_249 : memref<640x16xf32, #tpu.memory_space<hbm>>)
      tpu.yield
    }) : () -> ()
    "tpu.region"() ({
      %run_scoped3A = tpu.sem_alloc : memref<!tpu.dma_semaphore, #tpu.memory_space<semaphore_mem>>
      %dma_start3A_242 = arith.constant 0 : i32
      %dma_start3A_243 = tpu.memref_slice %arg28[%add3A_137, %dma_start3A_242] : memref<51200x16xf32, #tpu.memory_space<vmem_shared>> -> memref<640x16xf32, #tpu.memory_space<vmem_shared>>
      %dma_start3A_244 = arith.constant 0 : i32
      %dma_start3A_245 = tpu.memref_slice %arg28[%add3A_137, %dma_start3A_244] : memref<51200x16xf32, #tpu.memory_space<vmem_shared>> -> memref<640x16xf32, #tpu.memory_space<vmem_shared>>
      tpu.enqueue_dma source(%arg26 : memref<640x16xf32, #tpu.memory_space<vmem>>) target(%dma_start3A_245 : memref<640x16xf32, #tpu.memory_space<vmem_shared>>) target_semaphore(%run_scoped3A : memref<!tpu.dma_semaphore, #tpu.memory_space<semaphore_mem>>)
      %dma_wait3A_246 = arith.constant 0 : i32
      %dma_wait3A_247 = tpu.memref_slice %arg28[%add3A_137, %dma_wait3A_246] : memref<51200x16xf32, #tpu.memory_space<vmem_shared>> -> memref<640x16xf32, #tpu.memory_space<vmem_shared>>
      %dma_wait3A_248 = arith.constant 0 : i32
      %dma_wait3A_249 = tpu.memref_slice %arg28[%add3A_137, %dma_wait3A_248] : memref<51200x16xf32, #tpu.memory_space<vmem_shared>> -> memref<640x16xf32, #tpu.memory_space<vmem_shared>>
      tpu.wait_dma2 semaphore(%run_scoped3A : memref<!tpu.dma_semaphore, #tpu.memory_space<semaphore_mem>>) src(%arg26 : memref<640x16xf32, #tpu.memory_space<vmem>>) dst(%dma_wait3A_249 : memref<640x16xf32, #tpu.memory_space<vmem_shared>>)
      tpu.yield
    }) : () -> ()
    %add3A_144 = arith.constant 640 : i32
    %add3A_145 = arith.addi %mul3A_3, %add3A_144 : i32
    %mul3A_146 = arith.constant 51200 : i32
    %mul3A_147 = arith.muli %arg0, %mul3A_146 : i32
    %add3A_148 = arith.addi %mul3A_147, %add3A_145 : i32
    "tpu.region"() ({
      %run_scoped3A = tpu.sem_alloc : memref<!tpu.dma_semaphore, #tpu.memory_space<semaphore_mem>>
      %dma_start3A_242 = arith.constant 0 : i32
      %dma_start3A_243 = tpu.memref_slice %arg28[%add3A_145, %dma_start3A_242] : memref<51200x16xf32, #tpu.memory_space<vmem_shared>> -> memref<640x16xf32, #tpu.memory_space<vmem_shared>>
      %dma_start3A_244 = arith.constant 0 : i32
      %dma_start3A_245 = tpu.memref_slice %arg28[%add3A_145, %dma_start3A_244] : memref<51200x16xf32, #tpu.memory_space<vmem_shared>> -> memref<640x16xf32, #tpu.memory_space<vmem_shared>>
      tpu.enqueue_dma source(%dma_start3A_245 : memref<640x16xf32, #tpu.memory_space<vmem_shared>>) target(%arg23 : memref<640x16xf32, #tpu.memory_space<vmem>>) target_semaphore(%run_scoped3A : memref<!tpu.dma_semaphore, #tpu.memory_space<semaphore_mem>>)
      %dma_wait3A_246 = arith.constant 0 : i32
      %dma_wait3A_247 = tpu.memref_slice %arg28[%add3A_145, %dma_wait3A_246] : memref<51200x16xf32, #tpu.memory_space<vmem_shared>> -> memref<640x16xf32, #tpu.memory_space<vmem_shared>>
      %dma_wait3A_248 = arith.constant 0 : i32
      %dma_wait3A_249 = tpu.memref_slice %arg28[%add3A_145, %dma_wait3A_248] : memref<51200x16xf32, #tpu.memory_space<vmem_shared>> -> memref<640x16xf32, #tpu.memory_space<vmem_shared>>
      tpu.wait_dma2 semaphore(%run_scoped3A : memref<!tpu.dma_semaphore, #tpu.memory_space<semaphore_mem>>) src(%dma_wait3A_249 : memref<640x16xf32, #tpu.memory_space<vmem_shared>>) dst(%arg23 : memref<640x16xf32, #tpu.memory_space<vmem>>)
      tpu.yield
    }) : () -> ()
    "tpu.region"() ({
      %run_scoped3A = tpu.sem_alloc : memref<!tpu.dma_semaphore, #tpu.memory_space<semaphore_mem>>
      %dma_start3A_242 = arith.constant 0 : i32
      %dma_start3A_243 = tpu.memref_slice %arg2[%add3A_148, %dma_start3A_242] : memref<102400x16xf32, #tpu.memory_space<hbm>> -> memref<640x16xf32, #tpu.memory_space<hbm>>
      %dma_start3A_244 = arith.constant 0 : i32
      %dma_start3A_245 = tpu.memref_slice %arg2[%add3A_148, %dma_start3A_244] : memref<102400x16xf32, #tpu.memory_space<hbm>> -> memref<640x16xf32, #tpu.memory_space<hbm>>
      tpu.enqueue_dma source(%dma_start3A_245 : memref<640x16xf32, #tpu.memory_space<hbm>>) target(%arg24 : memref<640x16xf32, #tpu.memory_space<vmem>>) target_semaphore(%run_scoped3A : memref<!tpu.dma_semaphore, #tpu.memory_space<semaphore_mem>>)
      %dma_wait3A_246 = arith.constant 0 : i32
      %dma_wait3A_247 = tpu.memref_slice %arg2[%add3A_148, %dma_wait3A_246] : memref<102400x16xf32, #tpu.memory_space<hbm>> -> memref<640x16xf32, #tpu.memory_space<hbm>>
      %dma_wait3A_248 = arith.constant 0 : i32
      %dma_wait3A_249 = tpu.memref_slice %arg2[%add3A_148, %dma_wait3A_248] : memref<102400x16xf32, #tpu.memory_space<hbm>> -> memref<640x16xf32, #tpu.memory_space<hbm>>
      tpu.wait_dma2 semaphore(%run_scoped3A : memref<!tpu.dma_semaphore, #tpu.memory_space<semaphore_mem>>) src(%dma_wait3A_249 : memref<640x16xf32, #tpu.memory_space<hbm>>) dst(%arg24 : memref<640x16xf32, #tpu.memory_space<vmem>>)
      tpu.yield
    }) : () -> ()
    %parallel_loop3A_149 = arith.constant 0 : i32
    %parallel_loop3A_150 = arith.constant 640 : i32
    %parallel_loop3A_151 = arith.constant 1 : i32
    scf.for %parallel_loop3A_242 = %parallel_loop3A_149 to %parallel_loop3A_150 step %parallel_loop3A_151  : i32 {
      %parallel_loop3A_243 = arith.index_cast %parallel_loop3A_242 : i32 to index
      %parallel_loop3A_244 = arith.constant 0 : index
      %parallel_loop3A_245 = tpu.vector_load %arg23[%parallel_loop3A_243, %parallel_loop3A_244] {strides = array<i32>} : memref<640x16xf32, #tpu.memory_space<vmem>>, vector<1x16xf32>,
      %parallel_loop3A_246 = vector.shape_cast %parallel_loop3A_245 : vector<1x16xf32> to vector<16xf32>
      %parallel_loop3A_247 = arith.constant 1.000000e+00 : f32
      %parallel_loop3A_248 = vector.broadcast %parallel_loop3A_247 : f32 to vector<16xf32>
      %parallel_loop3A_249 = arith.minimumf %parallel_loop3A_246, %parallel_loop3A_248 : vector<16xf32>
      %parallel_loop3A_250 = arith.index_cast %parallel_loop3A_242 : i32 to index
      %parallel_loop3A_251 = arith.constant 0 : index
      %parallel_loop3A_252 = tpu.vector_load %arg24[%parallel_loop3A_250, %parallel_loop3A_251] {strides = array<i32>} : memref<640x16xf32, #tpu.memory_space<vmem>>, vector<1x16xf32>,
      %parallel_loop3A_253 = vector.shape_cast %parallel_loop3A_252 : vector<1x16xf32> to vector<16xf32>
      %parallel_loop3A_254 = arith.constant 0.899999976 : f32
      %parallel_loop3A_255 = vector.broadcast %parallel_loop3A_254 : f32 to vector<16xf32>
      %parallel_loop3A_256 = arith.cmpf ogt, %parallel_loop3A_253, %parallel_loop3A_255 : vector<16xf32>
      %parallel_loop3A_257 = arith.constant 0.000000e+00 : f32
      %parallel_loop3A_258 = vector.broadcast %parallel_loop3A_257 : f32 to vector<16xf32>
      %parallel_loop3A_259 = arith.select %parallel_loop3A_256, %get3A_16, %parallel_loop3A_258 : vector<16xi1>, vector<16xf32>
      %parallel_loop3A_260 = arith.constant 1.000000e+00 : f32
      %parallel_loop3A_261 = vector.broadcast %parallel_loop3A_260 : f32 to vector<16xf32>
      %parallel_loop3A_262 = arith.subf %parallel_loop3A_261, %parallel_loop3A_259 : vector<16xf32>
      %parallel_loop3A_263 = arith.mulf %parallel_loop3A_249, %parallel_loop3A_262 : vector<16xf32>
      %parallel_loop3A_264 = arith.index_cast %parallel_loop3A_242 : i32 to index
      %parallel_loop3A_265 = arith.constant 0 : index
      %parallel_loop3A_266 = tpu.vector_load %arg23[%parallel_loop3A_264, %parallel_loop3A_265] {strides = array<i32>} : memref<640x16xf32, #tpu.memory_space<vmem>>, vector<1x16xf32>,
      %parallel_loop3A_267 = vector.shape_cast %parallel_loop3A_266 : vector<1x16xf32> to vector<16xf32>
      %parallel_loop3A_268 = vector.shape_cast %parallel_loop3A_263 : vector<16xf32> to vector<1x16xf32>
      tpu.vector_store %arg23[%parallel_loop3A_264, %parallel_loop3A_265], %parallel_loop3A_268 {strides = array<i32>} : memref<640x16xf32, #tpu.memory_space<vmem>>, vector<1x16xf32>,
    } {sc.loop_unroll_factor = 8 : i64, sc.parallel_access}
    "tpu.region"() ({
      %run_scoped3A = tpu.sem_alloc : memref<!tpu.dma_semaphore, #tpu.memory_space<semaphore_mem>>
      %dma_start3A_242 = arith.constant 0 : i32
      %dma_start3A_243 = tpu.memref_slice %arg11[%add3A_148, %dma_start3A_242] : memref<102400x16xf32, #tpu.memory_space<hbm>> -> memref<640x16xf32, #tpu.memory_space<hbm>>
      %dma_start3A_244 = arith.constant 0 : i32
      %dma_start3A_245 = tpu.memref_slice %arg11[%add3A_148, %dma_start3A_244] : memref<102400x16xf32, #tpu.memory_space<hbm>> -> memref<640x16xf32, #tpu.memory_space<hbm>>
      tpu.enqueue_dma source(%arg23 : memref<640x16xf32, #tpu.memory_space<vmem>>) target(%dma_start3A_245 : memref<640x16xf32, #tpu.memory_space<hbm>>) target_semaphore(%run_scoped3A : memref<!tpu.dma_semaphore, #tpu.memory_space<semaphore_mem>>)
      %dma_wait3A_246 = arith.constant 0 : i32
      %dma_wait3A_247 = tpu.memref_slice %arg11[%add3A_148, %dma_wait3A_246] : memref<102400x16xf32, #tpu.memory_space<hbm>> -> memref<640x16xf32, #tpu.memory_space<hbm>>
      %dma_wait3A_248 = arith.constant 0 : i32
      %dma_wait3A_249 = tpu.memref_slice %arg11[%add3A_148, %dma_wait3A_248] : memref<102400x16xf32, #tpu.memory_space<hbm>> -> memref<640x16xf32, #tpu.memory_space<hbm>>
      tpu.wait_dma2 semaphore(%run_scoped3A : memref<!tpu.dma_semaphore, #tpu.memory_space<semaphore_mem>>) src(%arg23 : memref<640x16xf32, #tpu.memory_space<vmem>>) dst(%dma_wait3A_249 : memref<640x16xf32, #tpu.memory_space<hbm>>)
      tpu.yield
    }) : () -> ()
    "tpu.region"() ({
      %run_scoped3A = tpu.sem_alloc : memref<!tpu.dma_semaphore, #tpu.memory_space<semaphore_mem>>
      %dma_start3A_242 = arith.constant 0 : i32
      %dma_start3A_243 = tpu.memref_slice %arg28[%add3A_145, %dma_start3A_242] : memref<51200x16xf32, #tpu.memory_space<vmem_shared>> -> memref<640x16xf32, #tpu.memory_space<vmem_shared>>
      %dma_start3A_244 = arith.constant 0 : i32
      %dma_start3A_245 = tpu.memref_slice %arg28[%add3A_145, %dma_start3A_244] : memref<51200x16xf32, #tpu.memory_space<vmem_shared>> -> memref<640x16xf32, #tpu.memory_space<vmem_shared>>
      tpu.enqueue_dma source(%arg26 : memref<640x16xf32, #tpu.memory_space<vmem>>) target(%dma_start3A_245 : memref<640x16xf32, #tpu.memory_space<vmem_shared>>) target_semaphore(%run_scoped3A : memref<!tpu.dma_semaphore, #tpu.memory_space<semaphore_mem>>)
      %dma_wait3A_246 = arith.constant 0 : i32
      %dma_wait3A_247 = tpu.memref_slice %arg28[%add3A_145, %dma_wait3A_246] : memref<51200x16xf32, #tpu.memory_space<vmem_shared>> -> memref<640x16xf32, #tpu.memory_space<vmem_shared>>
      %dma_wait3A_248 = arith.constant 0 : i32
      %dma_wait3A_249 = tpu.memref_slice %arg28[%add3A_145, %dma_wait3A_248] : memref<51200x16xf32, #tpu.memory_space<vmem_shared>> -> memref<640x16xf32, #tpu.memory_space<vmem_shared>>
      tpu.wait_dma2 semaphore(%run_scoped3A : memref<!tpu.dma_semaphore, #tpu.memory_space<semaphore_mem>>) src(%arg26 : memref<640x16xf32, #tpu.memory_space<vmem>>) dst(%dma_wait3A_249 : memref<640x16xf32, #tpu.memory_space<vmem_shared>>)
      tpu.yield
    }) : () -> ()
    %add3A_152 = arith.constant 1280 : i32
    %add3A_153 = arith.addi %mul3A_3, %add3A_152 : i32
    %mul3A_154 = arith.constant 51200 : i32
    %mul3A_155 = arith.muli %arg0, %mul3A_154 : i32
    %add3A_156 = arith.addi %mul3A_155, %add3A_153 : i32
    "tpu.region"() ({
      %run_scoped3A = tpu.sem_alloc : memref<!tpu.dma_semaphore, #tpu.memory_space<semaphore_mem>>
      %dma_start3A_242 = arith.constant 0 : i32
      %dma_start3A_243 = tpu.memref_slice %arg28[%add3A_153, %dma_start3A_242] : memref<51200x16xf32, #tpu.memory_space<vmem_shared>> -> memref<640x16xf32, #tpu.memory_space<vmem_shared>>
      %dma_start3A_244 = arith.constant 0 : i32
      %dma_start3A_245 = tpu.memref_slice %arg28[%add3A_153, %dma_start3A_244] : memref<51200x16xf32, #tpu.memory_space<vmem_shared>> -> memref<640x16xf32, #tpu.memory_space<vmem_shared>>
      tpu.enqueue_dma source(%dma_start3A_245 : memref<640x16xf32, #tpu.memory_space<vmem_shared>>) target(%arg23 : memref<640x16xf32, #tpu.memory_space<vmem>>) target_semaphore(%run_scoped3A : memref<!tpu.dma_semaphore, #tpu.memory_space<semaphore_mem>>)
      %dma_wait3A_246 = arith.constant 0 : i32
      %dma_wait3A_247 = tpu.memref_slice %arg28[%add3A_153, %dma_wait3A_246] : memref<51200x16xf32, #tpu.memory_space<vmem_shared>> -> memref<640x16xf32, #tpu.memory_space<vmem_shared>>
      %dma_wait3A_248 = arith.constant 0 : i32
      %dma_wait3A_249 = tpu.memref_slice %arg28[%add3A_153, %dma_wait3A_248] : memref<51200x16xf32, #tpu.memory_space<vmem_shared>> -> memref<640x16xf32, #tpu.memory_space<vmem_shared>>
      tpu.wait_dma2 semaphore(%run_scoped3A : memref<!tpu.dma_semaphore, #tpu.memory_space<semaphore_mem>>) src(%dma_wait3A_249 : memref<640x16xf32, #tpu.memory_space<vmem_shared>>) dst(%arg23 : memref<640x16xf32, #tpu.memory_space<vmem>>)
      tpu.yield
    }) : () -> ()
    "tpu.region"() ({
      %run_scoped3A = tpu.sem_alloc : memref<!tpu.dma_semaphore, #tpu.memory_space<semaphore_mem>>
      %dma_start3A_242 = arith.constant 0 : i32
      %dma_start3A_243 = tpu.memref_slice %arg2[%add3A_156, %dma_start3A_242] : memref<102400x16xf32, #tpu.memory_space<hbm>> -> memref<640x16xf32, #tpu.memory_space<hbm>>
      %dma_start3A_244 = arith.constant 0 : i32
      %dma_start3A_245 = tpu.memref_slice %arg2[%add3A_156, %dma_start3A_244] : memref<102400x16xf32, #tpu.memory_space<hbm>> -> memref<640x16xf32, #tpu.memory_space<hbm>>
      tpu.enqueue_dma source(%dma_start3A_245 : memref<640x16xf32, #tpu.memory_space<hbm>>) target(%arg24 : memref<640x16xf32, #tpu.memory_space<vmem>>) target_semaphore(%run_scoped3A : memref<!tpu.dma_semaphore, #tpu.memory_space<semaphore_mem>>)
      %dma_wait3A_246 = arith.constant 0 : i32
      %dma_wait3A_247 = tpu.memref_slice %arg2[%add3A_156, %dma_wait3A_246] : memref<102400x16xf32, #tpu.memory_space<hbm>> -> memref<640x16xf32, #tpu.memory_space<hbm>>
      %dma_wait3A_248 = arith.constant 0 : i32
      %dma_wait3A_249 = tpu.memref_slice %arg2[%add3A_156, %dma_wait3A_248] : memref<102400x16xf32, #tpu.memory_space<hbm>> -> memref<640x16xf32, #tpu.memory_space<hbm>>
      tpu.wait_dma2 semaphore(%run_scoped3A : memref<!tpu.dma_semaphore, #tpu.memory_space<semaphore_mem>>) src(%dma_wait3A_249 : memref<640x16xf32, #tpu.memory_space<hbm>>) dst(%arg24 : memref<640x16xf32, #tpu.memory_space<vmem>>)
      tpu.yield
    }) : () -> ()
    %parallel_loop3A_157 = arith.constant 0 : i32
    %parallel_loop3A_158 = arith.constant 640 : i32
    %parallel_loop3A_159 = arith.constant 1 : i32
    scf.for %parallel_loop3A_242 = %parallel_loop3A_157 to %parallel_loop3A_158 step %parallel_loop3A_159  : i32 {
      %parallel_loop3A_243 = arith.index_cast %parallel_loop3A_242 : i32 to index
      %parallel_loop3A_244 = arith.constant 0 : index
      %parallel_loop3A_245 = tpu.vector_load %arg23[%parallel_loop3A_243, %parallel_loop3A_244] {strides = array<i32>} : memref<640x16xf32, #tpu.memory_space<vmem>>, vector<1x16xf32>,
      %parallel_loop3A_246 = vector.shape_cast %parallel_loop3A_245 : vector<1x16xf32> to vector<16xf32>
      %parallel_loop3A_247 = arith.constant 1.000000e+00 : f32
      %parallel_loop3A_248 = vector.broadcast %parallel_loop3A_247 : f32 to vector<16xf32>
      %parallel_loop3A_249 = arith.minimumf %parallel_loop3A_246, %parallel_loop3A_248 : vector<16xf32>
      %parallel_loop3A_250 = arith.index_cast %parallel_loop3A_242 : i32 to index
      %parallel_loop3A_251 = arith.constant 0 : index
      %parallel_loop3A_252 = tpu.vector_load %arg24[%parallel_loop3A_250, %parallel_loop3A_251] {strides = array<i32>} : memref<640x16xf32, #tpu.memory_space<vmem>>, vector<1x16xf32>,
      %parallel_loop3A_253 = vector.shape_cast %parallel_loop3A_252 : vector<1x16xf32> to vector<16xf32>
      %parallel_loop3A_254 = arith.constant 0.899999976 : f32
      %parallel_loop3A_255 = vector.broadcast %parallel_loop3A_254 : f32 to vector<16xf32>
      %parallel_loop3A_256 = arith.cmpf ogt, %parallel_loop3A_253, %parallel_loop3A_255 : vector<16xf32>
      %parallel_loop3A_257 = arith.constant 0.000000e+00 : f32
      %parallel_loop3A_258 = vector.broadcast %parallel_loop3A_257 : f32 to vector<16xf32>
      %parallel_loop3A_259 = arith.select %parallel_loop3A_256, %get3A_16, %parallel_loop3A_258 : vector<16xi1>, vector<16xf32>
      %parallel_loop3A_260 = arith.constant 1.000000e+00 : f32
      %parallel_loop3A_261 = vector.broadcast %parallel_loop3A_260 : f32 to vector<16xf32>
      %parallel_loop3A_262 = arith.subf %parallel_loop3A_261, %parallel_loop3A_259 : vector<16xf32>
      %parallel_loop3A_263 = arith.mulf %parallel_loop3A_249, %parallel_loop3A_262 : vector<16xf32>
      %parallel_loop3A_264 = arith.index_cast %parallel_loop3A_242 : i32 to index
      %parallel_loop3A_265 = arith.constant 0 : index
      %parallel_loop3A_266 = tpu.vector_load %arg23[%parallel_loop3A_264, %parallel_loop3A_265] {strides = array<i32>} : memref<640x16xf32, #tpu.memory_space<vmem>>, vector<1x16xf32>,
      %parallel_loop3A_267 = vector.shape_cast %parallel_loop3A_266 : vector<1x16xf32> to vector<16xf32>
      %parallel_loop3A_268 = vector.shape_cast %parallel_loop3A_263 : vector<16xf32> to vector<1x16xf32>
      tpu.vector_store %arg23[%parallel_loop3A_264, %parallel_loop3A_265], %parallel_loop3A_268 {strides = array<i32>} : memref<640x16xf32, #tpu.memory_space<vmem>>, vector<1x16xf32>,
    } {sc.loop_unroll_factor = 8 : i64, sc.parallel_access}
    "tpu.region"() ({
      %run_scoped3A = tpu.sem_alloc : memref<!tpu.dma_semaphore, #tpu.memory_space<semaphore_mem>>
      %dma_start3A_242 = arith.constant 0 : i32
      %dma_start3A_243 = tpu.memref_slice %arg11[%add3A_156, %dma_start3A_242] : memref<102400x16xf32, #tpu.memory_space<hbm>> -> memref<640x16xf32, #tpu.memory_space<hbm>>
      %dma_start3A_244 = arith.constant 0 : i32
      %dma_start3A_245 = tpu.memref_slice %arg11[%add3A_156, %dma_start3A_244] : memref<102400x16xf32, #tpu.memory_space<hbm>> -> memref<640x16xf32, #tpu.memory_space<hbm>>
      tpu.enqueue_dma source(%arg23 : memref<640x16xf32, #tpu.memory_space<vmem>>) target(%dma_start3A_245 : memref<640x16xf32, #tpu.memory_space<hbm>>) target_semaphore(%run_scoped3A : memref<!tpu.dma_semaphore, #tpu.memory_space<semaphore_mem>>)
      %dma_wait3A_246 = arith.constant 0 : i32
      %dma_wait3A_247 = tpu.memref_slice %arg11[%add3A_156, %dma_wait3A_246] : memref<102400x16xf32, #tpu.memory_space<hbm>> -> memref<640x16xf32, #tpu.memory_space<hbm>>
      %dma_wait3A_248 = arith.constant 0 : i32
      %dma_wait3A_249 = tpu.memref_slice %arg11[%add3A_156, %dma_wait3A_248] : memref<102400x16xf32, #tpu.memory_space<hbm>> -> memref<640x16xf32, #tpu.memory_space<hbm>>
      tpu.wait_dma2 semaphore(%run_scoped3A : memref<!tpu.dma_semaphore, #tpu.memory_space<semaphore_mem>>) src(%arg23 : memref<640x16xf32, #tpu.memory_space<vmem>>) dst(%dma_wait3A_249 : memref<640x16xf32, #tpu.memory_space<hbm>>)
      tpu.yield
    }) : () -> ()
    "tpu.region"() ({
      %run_scoped3A = tpu.sem_alloc : memref<!tpu.dma_semaphore, #tpu.memory_space<semaphore_mem>>
      %dma_start3A_242 = arith.constant 0 : i32
      %dma_start3A_243 = tpu.memref_slice %arg28[%add3A_153, %dma_start3A_242] : memref<51200x16xf32, #tpu.memory_space<vmem_shared>> -> memref<640x16xf32, #tpu.memory_space<vmem_shared>>
      %dma_start3A_244 = arith.constant 0 : i32
      %dma_start3A_245 = tpu.memref_slice %arg28[%add3A_153, %dma_start3A_244] : memref<51200x16xf32, #tpu.memory_space<vmem_shared>> -> memref<640x16xf32, #tpu.memory_space<vmem_shared>>
      tpu.enqueue_dma source(%arg26 : memref<640x16xf32, #tpu.memory_space<vmem>>) target(%dma_start3A_245 : memref<640x16xf32, #tpu.memory_space<vmem_shared>>) target_semaphore(%run_scoped3A : memref<!tpu.dma_semaphore, #tpu.memory_space<semaphore_mem>>)
      %dma_wait3A_246 = arith.constant 0 : i32
      %dma_wait3A_247 = tpu.memref_slice %arg28[%add3A_153, %dma_wait3A_246] : memref<51200x16xf32, #tpu.memory_space<vmem_shared>> -> memref<640x16xf32, #tpu.memory_space<vmem_shared>>
      %dma_wait3A_248 = arith.constant 0 : i32
      %dma_wait3A_249 = tpu.memref_slice %arg28[%add3A_153, %dma_wait3A_248] : memref<51200x16xf32, #tpu.memory_space<vmem_shared>> -> memref<640x16xf32, #tpu.memory_space<vmem_shared>>
      tpu.wait_dma2 semaphore(%run_scoped3A : memref<!tpu.dma_semaphore, #tpu.memory_space<semaphore_mem>>) src(%arg26 : memref<640x16xf32, #tpu.memory_space<vmem>>) dst(%dma_wait3A_249 : memref<640x16xf32, #tpu.memory_space<vmem_shared>>)
      tpu.yield
    }) : () -> ()
    %add3A_160 = arith.constant 1920 : i32
    %add3A_161 = arith.addi %mul3A_3, %add3A_160 : i32
    %mul3A_162 = arith.constant 51200 : i32
    %mul3A_163 = arith.muli %arg0, %mul3A_162 : i32
    %add3A_164 = arith.addi %mul3A_163, %add3A_161 : i32
    "tpu.region"() ({
      %run_scoped3A = tpu.sem_alloc : memref<!tpu.dma_semaphore, #tpu.memory_space<semaphore_mem>>
      %dma_start3A_242 = arith.constant 0 : i32
      %dma_start3A_243 = tpu.memref_slice %arg28[%add3A_161, %dma_start3A_242] : memref<51200x16xf32, #tpu.memory_space<vmem_shared>> -> memref<640x16xf32, #tpu.memory_space<vmem_shared>>
      %dma_start3A_244 = arith.constant 0 : i32
      %dma_start3A_245 = tpu.memref_slice %arg28[%add3A_161, %dma_start3A_244] : memref<51200x16xf32, #tpu.memory_space<vmem_shared>> -> memref<640x16xf32, #tpu.memory_space<vmem_shared>>
      tpu.enqueue_dma source(%dma_start3A_245 : memref<640x16xf32, #tpu.memory_space<vmem_shared>>) target(%arg23 : memref<640x16xf32, #tpu.memory_space<vmem>>) target_semaphore(%run_scoped3A : memref<!tpu.dma_semaphore, #tpu.memory_space<semaphore_mem>>)
      %dma_wait3A_246 = arith.constant 0 : i32
      %dma_wait3A_247 = tpu.memref_slice %arg28[%add3A_161, %dma_wait3A_246] : memref<51200x16xf32, #tpu.memory_space<vmem_shared>> -> memref<640x16xf32, #tpu.memory_space<vmem_shared>>
      %dma_wait3A_248 = arith.constant 0 : i32
      %dma_wait3A_249 = tpu.memref_slice %arg28[%add3A_161, %dma_wait3A_248] : memref<51200x16xf32, #tpu.memory_space<vmem_shared>> -> memref<640x16xf32, #tpu.memory_space<vmem_shared>>
      tpu.wait_dma2 semaphore(%run_scoped3A : memref<!tpu.dma_semaphore, #tpu.memory_space<semaphore_mem>>) src(%dma_wait3A_249 : memref<640x16xf32, #tpu.memory_space<vmem_shared>>) dst(%arg23 : memref<640x16xf32, #tpu.memory_space<vmem>>)
      tpu.yield
    }) : () -> ()
    "tpu.region"() ({
      %run_scoped3A = tpu.sem_alloc : memref<!tpu.dma_semaphore, #tpu.memory_space<semaphore_mem>>
      %dma_start3A_242 = arith.constant 0 : i32
      %dma_start3A_243 = tpu.memref_slice %arg2[%add3A_164, %dma_start3A_242] : memref<102400x16xf32, #tpu.memory_space<hbm>> -> memref<640x16xf32, #tpu.memory_space<hbm>>
      %dma_start3A_244 = arith.constant 0 : i32
      %dma_start3A_245 = tpu.memref_slice %arg2[%add3A_164, %dma_start3A_244] : memref<102400x16xf32, #tpu.memory_space<hbm>> -> memref<640x16xf32, #tpu.memory_space<hbm>>
      tpu.enqueue_dma source(%dma_start3A_245 : memref<640x16xf32, #tpu.memory_space<hbm>>) target(%arg24 : memref<640x16xf32, #tpu.memory_space<vmem>>) target_semaphore(%run_scoped3A : memref<!tpu.dma_semaphore, #tpu.memory_space<semaphore_mem>>)
      %dma_wait3A_246 = arith.constant 0 : i32
      %dma_wait3A_247 = tpu.memref_slice %arg2[%add3A_164, %dma_wait3A_246] : memref<102400x16xf32, #tpu.memory_space<hbm>> -> memref<640x16xf32, #tpu.memory_space<hbm>>
      %dma_wait3A_248 = arith.constant 0 : i32
      %dma_wait3A_249 = tpu.memref_slice %arg2[%add3A_164, %dma_wait3A_248] : memref<102400x16xf32, #tpu.memory_space<hbm>> -> memref<640x16xf32, #tpu.memory_space<hbm>>
      tpu.wait_dma2 semaphore(%run_scoped3A : memref<!tpu.dma_semaphore, #tpu.memory_space<semaphore_mem>>) src(%dma_wait3A_249 : memref<640x16xf32, #tpu.memory_space<hbm>>) dst(%arg24 : memref<640x16xf32, #tpu.memory_space<vmem>>)
      tpu.yield
    }) : () -> ()
    %parallel_loop3A_165 = arith.constant 0 : i32
    %parallel_loop3A_166 = arith.constant 640 : i32
    %parallel_loop3A_167 = arith.constant 1 : i32
    scf.for %parallel_loop3A_242 = %parallel_loop3A_165 to %parallel_loop3A_166 step %parallel_loop3A_167  : i32 {
      %parallel_loop3A_243 = arith.index_cast %parallel_loop3A_242 : i32 to index
      %parallel_loop3A_244 = arith.constant 0 : index
      %parallel_loop3A_245 = tpu.vector_load %arg23[%parallel_loop3A_243, %parallel_loop3A_244] {strides = array<i32>} : memref<640x16xf32, #tpu.memory_space<vmem>>, vector<1x16xf32>,
      %parallel_loop3A_246 = vector.shape_cast %parallel_loop3A_245 : vector<1x16xf32> to vector<16xf32>
      %parallel_loop3A_247 = arith.constant 1.000000e+00 : f32
      %parallel_loop3A_248 = vector.broadcast %parallel_loop3A_247 : f32 to vector<16xf32>
      %parallel_loop3A_249 = arith.minimumf %parallel_loop3A_246, %parallel_loop3A_248 : vector<16xf32>
      %parallel_loop3A_250 = arith.index_cast %parallel_loop3A_242 : i32 to index
      %parallel_loop3A_251 = arith.constant 0 : index
      %parallel_loop3A_252 = tpu.vector_load %arg24[%parallel_loop3A_250, %parallel_loop3A_251] {strides = array<i32>} : memref<640x16xf32, #tpu.memory_space<vmem>>, vector<1x16xf32>,
      %parallel_loop3A_253 = vector.shape_cast %parallel_loop3A_252 : vector<1x16xf32> to vector<16xf32>
      %parallel_loop3A_254 = arith.constant 0.899999976 : f32
      %parallel_loop3A_255 = vector.broadcast %parallel_loop3A_254 : f32 to vector<16xf32>
      %parallel_loop3A_256 = arith.cmpf ogt, %parallel_loop3A_253, %parallel_loop3A_255 : vector<16xf32>
      %parallel_loop3A_257 = arith.constant 0.000000e+00 : f32
      %parallel_loop3A_258 = vector.broadcast %parallel_loop3A_257 : f32 to vector<16xf32>
      %parallel_loop3A_259 = arith.select %parallel_loop3A_256, %get3A_16, %parallel_loop3A_258 : vector<16xi1>, vector<16xf32>
      %parallel_loop3A_260 = arith.constant 1.000000e+00 : f32
      %parallel_loop3A_261 = vector.broadcast %parallel_loop3A_260 : f32 to vector<16xf32>
      %parallel_loop3A_262 = arith.subf %parallel_loop3A_261, %parallel_loop3A_259 : vector<16xf32>
      %parallel_loop3A_263 = arith.mulf %parallel_loop3A_249, %parallel_loop3A_262 : vector<16xf32>
      %parallel_loop3A_264 = arith.index_cast %parallel_loop3A_242 : i32 to index
      %parallel_loop3A_265 = arith.constant 0 : index
      %parallel_loop3A_266 = tpu.vector_load %arg23[%parallel_loop3A_264, %parallel_loop3A_265] {strides = array<i32>} : memref<640x16xf32, #tpu.memory_space<vmem>>, vector<1x16xf32>,
      %parallel_loop3A_267 = vector.shape_cast %parallel_loop3A_266 : vector<1x16xf32> to vector<16xf32>
      %parallel_loop3A_268 = vector.shape_cast %parallel_loop3A_263 : vector<16xf32> to vector<1x16xf32>
      tpu.vector_store %arg23[%parallel_loop3A_264, %parallel_loop3A_265], %parallel_loop3A_268 {strides = array<i32>} : memref<640x16xf32, #tpu.memory_space<vmem>>, vector<1x16xf32>,
    } {sc.loop_unroll_factor = 8 : i64, sc.parallel_access}
    "tpu.region"() ({
      %run_scoped3A = tpu.sem_alloc : memref<!tpu.dma_semaphore, #tpu.memory_space<semaphore_mem>>
      %dma_start3A_242 = arith.constant 0 : i32
      %dma_start3A_243 = tpu.memref_slice %arg11[%add3A_164, %dma_start3A_242] : memref<102400x16xf32, #tpu.memory_space<hbm>> -> memref<640x16xf32, #tpu.memory_space<hbm>>
      %dma_start3A_244 = arith.constant 0 : i32
      %dma_start3A_245 = tpu.memref_slice %arg11[%add3A_164, %dma_start3A_244] : memref<102400x16xf32, #tpu.memory_space<hbm>> -> memref<640x16xf32, #tpu.memory_space<hbm>>
      tpu.enqueue_dma source(%arg23 : memref<640x16xf32, #tpu.memory_space<vmem>>) target(%dma_start3A_245 : memref<640x16xf32, #tpu.memory_space<hbm>>) target_semaphore(%run_scoped3A : memref<!tpu.dma_semaphore, #tpu.memory_space<semaphore_mem>>)
      %dma_wait3A_246 = arith.constant 0 : i32
      %dma_wait3A_247 = tpu.memref_slice %arg11[%add3A_164, %dma_wait3A_246] : memref<102400x16xf32, #tpu.memory_space<hbm>> -> memref<640x16xf32, #tpu.memory_space<hbm>>
      %dma_wait3A_248 = arith.constant 0 : i32
      %dma_wait3A_249 = tpu.memref_slice %arg11[%add3A_164, %dma_wait3A_248] : memref<102400x16xf32, #tpu.memory_space<hbm>> -> memref<640x16xf32, #tpu.memory_space<hbm>>
      tpu.wait_dma2 semaphore(%run_scoped3A : memref<!tpu.dma_semaphore, #tpu.memory_space<semaphore_mem>>) src(%arg23 : memref<640x16xf32, #tpu.memory_space<vmem>>) dst(%dma_wait3A_249 : memref<640x16xf32, #tpu.memory_space<hbm>>)
      tpu.yield
    }) : () -> ()
    "tpu.region"() ({
      %run_scoped3A = tpu.sem_alloc : memref<!tpu.dma_semaphore, #tpu.memory_space<semaphore_mem>>
      %dma_start3A_242 = arith.constant 0 : i32
      %dma_start3A_243 = tpu.memref_slice %arg28[%add3A_161, %dma_start3A_242] : memref<51200x16xf32, #tpu.memory_space<vmem_shared>> -> memref<640x16xf32, #tpu.memory_space<vmem_shared>>
      %dma_start3A_244 = arith.constant 0 : i32
      %dma_start3A_245 = tpu.memref_slice %arg28[%add3A_161, %dma_start3A_244] : memref<51200x16xf32, #tpu.memory_space<vmem_shared>> -> memref<640x16xf32, #tpu.memory_space<vmem_shared>>
      tpu.enqueue_dma source(%arg26 : memref<640x16xf32, #tpu.memory_space<vmem>>) target(%dma_start3A_245 : memref<640x16xf32, #tpu.memory_space<vmem_shared>>) target_semaphore(%run_scoped3A : memref<!tpu.dma_semaphore, #tpu.memory_space<semaphore_mem>>)
      %dma_wait3A_246 = arith.constant 0 : i32
      %dma_wait3A_247 = tpu.memref_slice %arg28[%add3A_161, %dma_wait3A_246] : memref<51200x16xf32, #tpu.memory_space<vmem_shared>> -> memref<640x16xf32, #tpu.memory_space<vmem_shared>>
      %dma_wait3A_248 = arith.constant 0 : i32
      %dma_wait3A_249 = tpu.memref_slice %arg28[%add3A_161, %dma_wait3A_248] : memref<51200x16xf32, #tpu.memory_space<vmem_shared>> -> memref<640x16xf32, #tpu.memory_space<vmem_shared>>
      tpu.wait_dma2 semaphore(%run_scoped3A : memref<!tpu.dma_semaphore, #tpu.memory_space<semaphore_mem>>) src(%arg26 : memref<640x16xf32, #tpu.memory_space<vmem>>) dst(%dma_wait3A_249 : memref<640x16xf32, #tpu.memory_space<vmem_shared>>)
      tpu.yield
    }) : () -> ()
    %add3A_168 = arith.constant 2560 : i32
    %add3A_169 = arith.addi %mul3A_3, %add3A_168 : i32
    %mul3A_170 = arith.constant 51200 : i32
    %mul3A_171 = arith.muli %arg0, %mul3A_170 : i32
    %add3A_172 = arith.addi %mul3A_171, %add3A_169 : i32
    "tpu.region"() ({
      %run_scoped3A = tpu.sem_alloc : memref<!tpu.dma_semaphore, #tpu.memory_space<semaphore_mem>>
      %dma_start3A_242 = arith.constant 0 : i32
      %dma_start3A_243 = tpu.memref_slice %arg28[%add3A_169, %dma_start3A_242] : memref<51200x16xf32, #tpu.memory_space<vmem_shared>> -> memref<640x16xf32, #tpu.memory_space<vmem_shared>>
      %dma_start3A_244 = arith.constant 0 : i32
      %dma_start3A_245 = tpu.memref_slice %arg28[%add3A_169, %dma_start3A_244] : memref<51200x16xf32, #tpu.memory_space<vmem_shared>> -> memref<640x16xf32, #tpu.memory_space<vmem_shared>>
      tpu.enqueue_dma source(%dma_start3A_245 : memref<640x16xf32, #tpu.memory_space<vmem_shared>>) target(%arg23 : memref<640x16xf32, #tpu.memory_space<vmem>>) target_semaphore(%run_scoped3A : memref<!tpu.dma_semaphore, #tpu.memory_space<semaphore_mem>>)
      %dma_wait3A_246 = arith.constant 0 : i32
      %dma_wait3A_247 = tpu.memref_slice %arg28[%add3A_169, %dma_wait3A_246] : memref<51200x16xf32, #tpu.memory_space<vmem_shared>> -> memref<640x16xf32, #tpu.memory_space<vmem_shared>>
      %dma_wait3A_248 = arith.constant 0 : i32
      %dma_wait3A_249 = tpu.memref_slice %arg28[%add3A_169, %dma_wait3A_248] : memref<51200x16xf32, #tpu.memory_space<vmem_shared>> -> memref<640x16xf32, #tpu.memory_space<vmem_shared>>
      tpu.wait_dma2 semaphore(%run_scoped3A : memref<!tpu.dma_semaphore, #tpu.memory_space<semaphore_mem>>) src(%dma_wait3A_249 : memref<640x16xf32, #tpu.memory_space<vmem_shared>>) dst(%arg23 : memref<640x16xf32, #tpu.memory_space<vmem>>)
      tpu.yield
    }) : () -> ()
    "tpu.region"() ({
      %run_scoped3A = tpu.sem_alloc : memref<!tpu.dma_semaphore, #tpu.memory_space<semaphore_mem>>
      %dma_start3A_242 = arith.constant 0 : i32
      %dma_start3A_243 = tpu.memref_slice %arg2[%add3A_172, %dma_start3A_242] : memref<102400x16xf32, #tpu.memory_space<hbm>> -> memref<640x16xf32, #tpu.memory_space<hbm>>
      %dma_start3A_244 = arith.constant 0 : i32
      %dma_start3A_245 = tpu.memref_slice %arg2[%add3A_172, %dma_start3A_244] : memref<102400x16xf32, #tpu.memory_space<hbm>> -> memref<640x16xf32, #tpu.memory_space<hbm>>
      tpu.enqueue_dma source(%dma_start3A_245 : memref<640x16xf32, #tpu.memory_space<hbm>>) target(%arg24 : memref<640x16xf32, #tpu.memory_space<vmem>>) target_semaphore(%run_scoped3A : memref<!tpu.dma_semaphore, #tpu.memory_space<semaphore_mem>>)
      %dma_wait3A_246 = arith.constant 0 : i32
      %dma_wait3A_247 = tpu.memref_slice %arg2[%add3A_172, %dma_wait3A_246] : memref<102400x16xf32, #tpu.memory_space<hbm>> -> memref<640x16xf32, #tpu.memory_space<hbm>>
      %dma_wait3A_248 = arith.constant 0 : i32
      %dma_wait3A_249 = tpu.memref_slice %arg2[%add3A_172, %dma_wait3A_248] : memref<102400x16xf32, #tpu.memory_space<hbm>> -> memref<640x16xf32, #tpu.memory_space<hbm>>
      tpu.wait_dma2 semaphore(%run_scoped3A : memref<!tpu.dma_semaphore, #tpu.memory_space<semaphore_mem>>) src(%dma_wait3A_249 : memref<640x16xf32, #tpu.memory_space<hbm>>) dst(%arg24 : memref<640x16xf32, #tpu.memory_space<vmem>>)
      tpu.yield
    }) : () -> ()
    %parallel_loop3A_173 = arith.constant 0 : i32
    %parallel_loop3A_174 = arith.constant 640 : i32
    %parallel_loop3A_175 = arith.constant 1 : i32
    scf.for %parallel_loop3A_242 = %parallel_loop3A_173 to %parallel_loop3A_174 step %parallel_loop3A_175  : i32 {
      %parallel_loop3A_243 = arith.index_cast %parallel_loop3A_242 : i32 to index
      %parallel_loop3A_244 = arith.constant 0 : index
      %parallel_loop3A_245 = tpu.vector_load %arg23[%parallel_loop3A_243, %parallel_loop3A_244] {strides = array<i32>} : memref<640x16xf32, #tpu.memory_space<vmem>>, vector<1x16xf32>,
      %parallel_loop3A_246 = vector.shape_cast %parallel_loop3A_245 : vector<1x16xf32> to vector<16xf32>
      %parallel_loop3A_247 = arith.constant 1.000000e+00 : f32
      %parallel_loop3A_248 = vector.broadcast %parallel_loop3A_247 : f32 to vector<16xf32>
      %parallel_loop3A_249 = arith.minimumf %parallel_loop3A_246, %parallel_loop3A_248 : vector<16xf32>
      %parallel_loop3A_250 = arith.index_cast %parallel_loop3A_242 : i32 to index
      %parallel_loop3A_251 = arith.constant 0 : index
      %parallel_loop3A_252 = tpu.vector_load %arg24[%parallel_loop3A_250, %parallel_loop3A_251] {strides = array<i32>} : memref<640x16xf32, #tpu.memory_space<vmem>>, vector<1x16xf32>,
      %parallel_loop3A_253 = vector.shape_cast %parallel_loop3A_252 : vector<1x16xf32> to vector<16xf32>
      %parallel_loop3A_254 = arith.constant 0.899999976 : f32
      %parallel_loop3A_255 = vector.broadcast %parallel_loop3A_254 : f32 to vector<16xf32>
      %parallel_loop3A_256 = arith.cmpf ogt, %parallel_loop3A_253, %parallel_loop3A_255 : vector<16xf32>
      %parallel_loop3A_257 = arith.constant 0.000000e+00 : f32
      %parallel_loop3A_258 = vector.broadcast %parallel_loop3A_257 : f32 to vector<16xf32>
      %parallel_loop3A_259 = arith.select %parallel_loop3A_256, %get3A_16, %parallel_loop3A_258 : vector<16xi1>, vector<16xf32>
      %parallel_loop3A_260 = arith.constant 1.000000e+00 : f32
      %parallel_loop3A_261 = vector.broadcast %parallel_loop3A_260 : f32 to vector<16xf32>
      %parallel_loop3A_262 = arith.subf %parallel_loop3A_261, %parallel_loop3A_259 : vector<16xf32>
      %parallel_loop3A_263 = arith.mulf %parallel_loop3A_249, %parallel_loop3A_262 : vector<16xf32>
      %parallel_loop3A_264 = arith.index_cast %parallel_loop3A_242 : i32 to index
      %parallel_loop3A_265 = arith.constant 0 : index
      %parallel_loop3A_266 = tpu.vector_load %arg23[%parallel_loop3A_264, %parallel_loop3A_265] {strides = array<i32>} : memref<640x16xf32, #tpu.memory_space<vmem>>, vector<1x16xf32>,
      %parallel_loop3A_267 = vector.shape_cast %parallel_loop3A_266 : vector<1x16xf32> to vector<16xf32>
      %parallel_loop3A_268 = vector.shape_cast %parallel_loop3A_263 : vector<16xf32> to vector<1x16xf32>
      tpu.vector_store %arg23[%parallel_loop3A_264, %parallel_loop3A_265], %parallel_loop3A_268 {strides = array<i32>} : memref<640x16xf32, #tpu.memory_space<vmem>>, vector<1x16xf32>,
    } {sc.loop_unroll_factor = 8 : i64, sc.parallel_access}
    "tpu.region"() ({
      %run_scoped3A = tpu.sem_alloc : memref<!tpu.dma_semaphore, #tpu.memory_space<semaphore_mem>>
      %dma_start3A_242 = arith.constant 0 : i32
      %dma_start3A_243 = tpu.memref_slice %arg11[%add3A_172, %dma_start3A_242] : memref<102400x16xf32, #tpu.memory_space<hbm>> -> memref<640x16xf32, #tpu.memory_space<hbm>>
      %dma_start3A_244 = arith.constant 0 : i32
      %dma_start3A_245 = tpu.memref_slice %arg11[%add3A_172, %dma_start3A_244] : memref<102400x16xf32, #tpu.memory_space<hbm>> -> memref<640x16xf32, #tpu.memory_space<hbm>>
      tpu.enqueue_dma source(%arg23 : memref<640x16xf32, #tpu.memory_space<vmem>>) target(%dma_start3A_245 : memref<640x16xf32, #tpu.memory_space<hbm>>) target_semaphore(%run_scoped3A : memref<!tpu.dma_semaphore, #tpu.memory_space<semaphore_mem>>)
      %dma_wait3A_246 = arith.constant 0 : i32
      %dma_wait3A_247 = tpu.memref_slice %arg11[%add3A_172, %dma_wait3A_246] : memref<102400x16xf32, #tpu.memory_space<hbm>> -> memref<640x16xf32, #tpu.memory_space<hbm>>
      %dma_wait3A_248 = arith.constant 0 : i32
      %dma_wait3A_249 = tpu.memref_slice %arg11[%add3A_172, %dma_wait3A_248] : memref<102400x16xf32, #tpu.memory_space<hbm>> -> memref<640x16xf32, #tpu.memory_space<hbm>>
      tpu.wait_dma2 semaphore(%run_scoped3A : memref<!tpu.dma_semaphore, #tpu.memory_space<semaphore_mem>>) src(%arg23 : memref<640x16xf32, #tpu.memory_space<vmem>>) dst(%dma_wait3A_249 : memref<640x16xf32, #tpu.memory_space<hbm>>)
      tpu.yield
    }) : () -> ()
    "tpu.region"() ({
      %run_scoped3A = tpu.sem_alloc : memref<!tpu.dma_semaphore, #tpu.memory_space<semaphore_mem>>
      %dma_start3A_242 = arith.constant 0 : i32
      %dma_start3A_243 = tpu.memref_slice %arg28[%add3A_169, %dma_start3A_242] : memref<51200x16xf32, #tpu.memory_space<vmem_shared>> -> memref<640x16xf32, #tpu.memory_space<vmem_shared>>
      %dma_start3A_244 = arith.constant 0 : i32
      %dma_start3A_245 = tpu.memref_slice %arg28[%add3A_169, %dma_start3A_244] : memref<51200x16xf32, #tpu.memory_space<vmem_shared>> -> memref<640x16xf32, #tpu.memory_space<vmem_shared>>
      tpu.enqueue_dma source(%arg26 : memref<640x16xf32, #tpu.memory_space<vmem>>) target(%dma_start3A_245 : memref<640x16xf32, #tpu.memory_space<vmem_shared>>) target_semaphore(%run_scoped3A : memref<!tpu.dma_semaphore, #tpu.memory_space<semaphore_mem>>)
      %dma_wait3A_246 = arith.constant 0 : i32
      %dma_wait3A_247 = tpu.memref_slice %arg28[%add3A_169, %dma_wait3A_246] : memref<51200x16xf32, #tpu.memory_space<vmem_shared>> -> memref<640x16xf32, #tpu.memory_space<vmem_shared>>
      %dma_wait3A_248 = arith.constant 0 : i32
      %dma_wait3A_249 = tpu.memref_slice %arg28[%add3A_169, %dma_wait3A_248] : memref<51200x16xf32, #tpu.memory_space<vmem_shared>> -> memref<640x16xf32, #tpu.memory_space<vmem_shared>>
      tpu.wait_dma2 semaphore(%run_scoped3A : memref<!tpu.dma_semaphore, #tpu.memory_space<semaphore_mem>>) src(%arg26 : memref<640x16xf32, #tpu.memory_space<vmem>>) dst(%dma_wait3A_249 : memref<640x16xf32, #tpu.memory_space<vmem_shared>>)
      tpu.yield
    }) : () -> ()
    %barrier3A_176 = arith.constant 0 : index
    tpu.barrier barrier_id(%barrier3A_176)
    %add3A_177 = arith.constant 0 : i32
    %add3A_178 = arith.addi %mul3A_49, %add3A_177 : i32
    "tpu.region"() ({
      %run_scoped3A = tpu.sem_alloc : memref<!tpu.dma_semaphore, #tpu.memory_space<semaphore_mem>>
      %dma_start3A_242 = tpu.memref_slice %arg6[%add3A_178] : memref<507904xi32, #tpu.memory_space<hbm>> -> memref<512xi32, #tpu.memory_space<hbm>>
      %dma_start3A_243 = tpu.memref_slice %arg6[%add3A_178] : memref<507904xi32, #tpu.memory_space<hbm>> -> memref<512xi32, #tpu.memory_space<hbm>>
      tpu.enqueue_dma source(%dma_start3A_243 : memref<512xi32, #tpu.memory_space<hbm>>) target(%arg13 : memref<512xi32, #tpu.memory_space<vmem>>) target_semaphore(%run_scoped3A : memref<!tpu.dma_semaphore, #tpu.memory_space<semaphore_mem>>)
      %dma_wait3A_244 = tpu.memref_slice %arg6[%add3A_178] : memref<507904xi32, #tpu.memory_space<hbm>> -> memref<512xi32, #tpu.memory_space<hbm>>
      %dma_wait3A_245 = tpu.memref_slice %arg6[%add3A_178] : memref<507904xi32, #tpu.memory_space<hbm>> -> memref<512xi32, #tpu.memory_space<hbm>>
      tpu.wait_dma2 semaphore(%run_scoped3A : memref<!tpu.dma_semaphore, #tpu.memory_space<semaphore_mem>>) src(%dma_wait3A_245 : memref<512xi32, #tpu.memory_space<hbm>>) dst(%arg13 : memref<512xi32, #tpu.memory_space<vmem>>)
      tpu.yield
    }) : () -> ()
    "tpu.region"() ({
      %run_scoped3A = tpu.sem_alloc : memref<!tpu.dma_semaphore, #tpu.memory_space<semaphore_mem>>
      %dma_start3A_242 = tpu.memref_slice %arg7[%add3A_178] : memref<507904xi32, #tpu.memory_space<hbm>> -> memref<512xi32, #tpu.memory_space<hbm>>
      %dma_start3A_243 = tpu.memref_slice %arg7[%add3A_178] : memref<507904xi32, #tpu.memory_space<hbm>> -> memref<512xi32, #tpu.memory_space<hbm>>
      tpu.enqueue_dma source(%dma_start3A_243 : memref<512xi32, #tpu.memory_space<hbm>>) target(%arg15 : memref<512xi32, #tpu.memory_space<vmem>>) target_semaphore(%run_scoped3A : memref<!tpu.dma_semaphore, #tpu.memory_space<semaphore_mem>>)
      %dma_wait3A_244 = tpu.memref_slice %arg7[%add3A_178] : memref<507904xi32, #tpu.memory_space<hbm>> -> memref<512xi32, #tpu.memory_space<hbm>>
      %dma_wait3A_245 = tpu.memref_slice %arg7[%add3A_178] : memref<507904xi32, #tpu.memory_space<hbm>> -> memref<512xi32, #tpu.memory_space<hbm>>
      tpu.wait_dma2 semaphore(%run_scoped3A : memref<!tpu.dma_semaphore, #tpu.memory_space<semaphore_mem>>) src(%dma_wait3A_245 : memref<512xi32, #tpu.memory_space<hbm>>) dst(%arg15 : memref<512xi32, #tpu.memory_space<vmem>>)
      tpu.yield
    }) : () -> ()
    "tpu.region"() ({
      %run_scoped3A = tpu.sem_alloc : memref<!tpu.dma_semaphore, #tpu.memory_space<semaphore_mem>>
      %dma_start3A_242 = tpu.memref_slice %arg8[%add3A_178] : memref<507904xi32, #tpu.memory_space<hbm>> -> memref<512xi32, #tpu.memory_space<hbm>>
      %dma_start3A_243 = tpu.memref_slice %arg8[%add3A_178] : memref<507904xi32, #tpu.memory_space<hbm>> -> memref<512xi32, #tpu.memory_space<hbm>>
      tpu.enqueue_dma source(%dma_start3A_243 : memref<512xi32, #tpu.memory_space<hbm>>) target(%arg17 : memref<512xi32, #tpu.memory_space<vmem>>) target_semaphore(%run_scoped3A : memref<!tpu.dma_semaphore, #tpu.memory_space<semaphore_mem>>)
      %dma_wait3A_244 = tpu.memref_slice %arg8[%add3A_178] : memref<507904xi32, #tpu.memory_space<hbm>> -> memref<512xi32, #tpu.memory_space<hbm>>
      %dma_wait3A_245 = tpu.memref_slice %arg8[%add3A_178] : memref<507904xi32, #tpu.memory_space<hbm>> -> memref<512xi32, #tpu.memory_space<hbm>>
      tpu.wait_dma2 semaphore(%run_scoped3A : memref<!tpu.dma_semaphore, #tpu.memory_space<semaphore_mem>>) src(%dma_wait3A_245 : memref<512xi32, #tpu.memory_space<hbm>>) dst(%arg17 : memref<512xi32, #tpu.memory_space<vmem>>)
      tpu.yield
    }) : () -> ()
    %parallel_loop3A_179 = arith.constant 0 : i32
    %parallel_loop3A_180 = arith.constant 512 : i32
    %parallel_loop3A_181 = arith.constant 16 : i32
    scf.for %parallel_loop3A_242 = %parallel_loop3A_179 to %parallel_loop3A_180 step %parallel_loop3A_181  : i32 {
      %parallel_loop3A_243 = arith.index_cast %parallel_loop3A_242 : i32 to index
      %parallel_loop3A_244 = tpu.vector_load %arg13[%parallel_loop3A_243] {strides = array<i32>} : memref<512xi32, #tpu.memory_space<vmem>>, vector<16xi32>,
      %parallel_loop3A_245 = vector.shape_cast %parallel_loop3A_244 : vector<16xi32> to vector<16xi32>
      %parallel_loop3A_246 = arith.addi %parallel_loop3A_245, %broadcast_in_dim3A_44 : vector<16xi32>
      %parallel_loop3A_247 = arith.index_cast %parallel_loop3A_242 : i32 to index
      %parallel_loop3A_248 = tpu.vector_load %arg13[%parallel_loop3A_247] {strides = array<i32>} : memref<512xi32, #tpu.memory_space<vmem>>, vector<16xi32>,
      %parallel_loop3A_249 = vector.shape_cast %parallel_loop3A_248 : vector<16xi32> to vector<16xi32>
      %parallel_loop3A_250 = vector.shape_cast %parallel_loop3A_246 : vector<16xi32> to vector<16xi32>
      tpu.vector_store %arg13[%parallel_loop3A_247], %parallel_loop3A_250 {strides = array<i32>} : memref<512xi32, #tpu.memory_space<vmem>>, vector<16xi32>,
      %parallel_loop3A_251 = arith.index_cast %parallel_loop3A_242 : i32 to index
      %parallel_loop3A_252 = tpu.vector_load %arg15[%parallel_loop3A_251] {strides = array<i32>} : memref<512xi32, #tpu.memory_space<vmem>>, vector<16xi32>,
      %parallel_loop3A_253 = vector.shape_cast %parallel_loop3A_252 : vector<16xi32> to vector<16xi32>
      %parallel_loop3A_254 = arith.addi %parallel_loop3A_253, %broadcast_in_dim3A_47 : vector<16xi32>
      %parallel_loop3A_255 = arith.index_cast %parallel_loop3A_242 : i32 to index
      %parallel_loop3A_256 = tpu.vector_load %arg15[%parallel_loop3A_255] {strides = array<i32>} : memref<512xi32, #tpu.memory_space<vmem>>, vector<16xi32>,
      %parallel_loop3A_257 = vector.shape_cast %parallel_loop3A_256 : vector<16xi32> to vector<16xi32>
      %parallel_loop3A_258 = vector.shape_cast %parallel_loop3A_254 : vector<16xi32> to vector<16xi32>
      tpu.vector_store %arg15[%parallel_loop3A_255], %parallel_loop3A_258 {strides = array<i32>} : memref<512xi32, #tpu.memory_space<vmem>>, vector<16xi32>,
    } {sc.loop_unroll_factor = 4 : i64, sc.parallel_access}
    %dma_start3A_182 = arith.constant 0 : i32
    %dma_start3A_183 = arith.constant 0 : i32
    %dma_start3A_184 = tpu.memref_slice %arg11[%dma_start3A_182, %dma_start3A_183] : memref<102400x16xf32, #tpu.memory_space<hbm>> -> memref<102400x16xf32, #tpu.memory_space<hbm>>
    tpu.enqueue_indirect_dma source(%dma_start3A_184 : memref<102400x16xf32, #tpu.memory_space<hbm>>) target(%arg19 : memref<512x16xf32, #tpu.memory_space<vmem>>) offsets(%arg13 : memref<512xi32, #tpu.memory_space<vmem>>) semaphore(%arg29 : memref<!tpu.dma_semaphore, #tpu.memory_space<semaphore_mem>>)
    %dma_start3A_185 = arith.constant 0 : i32
    %dma_start3A_186 = arith.constant 0 : i32
    %dma_start3A_187 = tpu.memref_slice %arg5[%dma_start3A_185, %dma_start3A_186] : memref<1026x16xf32, #tpu.memory_space<hbm>> -> memref<1026x16xf32, #tpu.memory_space<hbm>>
    tpu.enqueue_indirect_dma source(%dma_start3A_187 : memref<1026x16xf32, #tpu.memory_space<hbm>>) target(%arg21 : memref<512x16xf32, #tpu.memory_space<vmem>>) offsets(%arg15 : memref<512xi32, #tpu.memory_space<vmem>>) semaphore(%arg29 : memref<!tpu.dma_semaphore, #tpu.memory_space<semaphore_mem>>)
    %scan3A_188 = arith.constant 0 : i32
    %scan3A_189 = arith.constant 0 : i32
    %scan3A_190 = arith.constant 31 : i32
    %scan3A_191 = arith.addi %scan3A_189, %scan3A_190 : i32
    %scan3A_192 = arith.constant 1 : i32
    scf.for %scan3A_242 = %scan3A_189 to %scan3A_191 step %scan3A_192  : i32 {
      %mul3A_243 = arith.constant 2 : i32
      %mul3A_244 = arith.muli %scan3A_242, %mul3A_243 : i32
      %add3A_245 = arith.constant 1 : i32
      %add3A_246 = arith.addi %mul3A_244, %add3A_245 : i32
      %ge3A = arith.constant 2 : i32
      %ge3A_247 = arith.cmpi sge, %add3A_246, %ge3A : i32
      %convert_element_type3A = arith.extui %ge3A_247 : i1 to i32
      %cond3A = arith.constant 0 : i32
      %cond3A_248 = arith.cmpi ne, %convert_element_type3A, %cond3A : i32
      scf.if %cond3A_248 {
        %dma_wait3A_293 = arith.constant 0 : i32
        %dma_wait3A_294 = arith.constant 0 : i32
        %dma_wait3A_295 = tpu.memref_slice %arg28[%dma_wait3A_293, %dma_wait3A_294] : memref<51200x16xf32, #tpu.memory_space<vmem_shared>> -> memref<51200x16xf32, #tpu.memory_space<vmem_shared>>
        tpu.wait_indirect_dma semaphore(%arg32 : memref<!tpu.dma_semaphore, #tpu.memory_space<semaphore_mem>>) src(%arg20 : memref<512x16xf32, #tpu.memory_space<vmem>>) dst(%dma_wait3A_295 : memref<51200x16xf32, #tpu.memory_space<vmem_shared>>)
      } else {
      }
      %mul3A_249 = arith.constant 512 : i32
      %mul3A_250 = arith.muli %add3A_246, %mul3A_249 : i32
      %add3A_251 = arith.addi %mul3A_49, %mul3A_250 : i32
      "tpu.region"() ({
        %run_scoped3A = tpu.sem_alloc : memref<!tpu.dma_semaphore, #tpu.memory_space<semaphore_mem>>
        %dma_start3A_293 = tpu.memref_slice %arg6[%add3A_251] : memref<507904xi32, #tpu.memory_space<hbm>> -> memref<512xi32, #tpu.memory_space<hbm>>
        %dma_start3A_294 = tpu.memref_slice %arg6[%add3A_251] : memref<507904xi32, #tpu.memory_space<hbm>> -> memref<512xi32, #tpu.memory_space<hbm>>
        tpu.enqueue_dma source(%dma_start3A_294 : memref<512xi32, #tpu.memory_space<hbm>>) target(%arg14 : memref<512xi32, #tpu.memory_space<vmem>>) target_semaphore(%run_scoped3A : memref<!tpu.dma_semaphore, #tpu.memory_space<semaphore_mem>>)
        %dma_wait3A_295 = tpu.memref_slice %arg6[%add3A_251] : memref<507904xi32, #tpu.memory_space<hbm>> -> memref<512xi32, #tpu.memory_space<hbm>>
        %dma_wait3A_296 = tpu.memref_slice %arg6[%add3A_251] : memref<507904xi32, #tpu.memory_space<hbm>> -> memref<512xi32, #tpu.memory_space<hbm>>
        tpu.wait_dma2 semaphore(%run_scoped3A : memref<!tpu.dma_semaphore, #tpu.memory_space<semaphore_mem>>) src(%dma_wait3A_296 : memref<512xi32, #tpu.memory_space<hbm>>) dst(%arg14 : memref<512xi32, #tpu.memory_space<vmem>>)
        tpu.yield
      }) : () -> ()
      "tpu.region"() ({
        %run_scoped3A = tpu.sem_alloc : memref<!tpu.dma_semaphore, #tpu.memory_space<semaphore_mem>>
        %dma_start3A_293 = tpu.memref_slice %arg7[%add3A_251] : memref<507904xi32, #tpu.memory_space<hbm>> -> memref<512xi32, #tpu.memory_space<hbm>>
        %dma_start3A_294 = tpu.memref_slice %arg7[%add3A_251] : memref<507904xi32, #tpu.memory_space<hbm>> -> memref<512xi32, #tpu.memory_space<hbm>>
        tpu.enqueue_dma source(%dma_start3A_294 : memref<512xi32, #tpu.memory_space<hbm>>) target(%arg16 : memref<512xi32, #tpu.memory_space<vmem>>) target_semaphore(%run_scoped3A : memref<!tpu.dma_semaphore, #tpu.memory_space<semaphore_mem>>)
        %dma_wait3A_295 = tpu.memref_slice %arg7[%add3A_251] : memref<507904xi32, #tpu.memory_space<hbm>> -> memref<512xi32, #tpu.memory_space<hbm>>
        %dma_wait3A_296 = tpu.memref_slice %arg7[%add3A_251] : memref<507904xi32, #tpu.memory_space<hbm>> -> memref<512xi32, #tpu.memory_space<hbm>>
        tpu.wait_dma2 semaphore(%run_scoped3A : memref<!tpu.dma_semaphore, #tpu.memory_space<semaphore_mem>>) src(%dma_wait3A_296 : memref<512xi32, #tpu.memory_space<hbm>>) dst(%arg16 : memref<512xi32, #tpu.memory_space<vmem>>)
        tpu.yield
      }) : () -> ()
      "tpu.region"() ({
        %run_scoped3A = tpu.sem_alloc : memref<!tpu.dma_semaphore, #tpu.memory_space<semaphore_mem>>
        %dma_start3A_293 = tpu.memref_slice %arg8[%add3A_251] : memref<507904xi32, #tpu.memory_space<hbm>> -> memref<512xi32, #tpu.memory_space<hbm>>
        %dma_start3A_294 = tpu.memref_slice %arg8[%add3A_251] : memref<507904xi32, #tpu.memory_space<hbm>> -> memref<512xi32, #tpu.memory_space<hbm>>
        tpu.enqueue_dma source(%dma_start3A_294 : memref<512xi32, #tpu.memory_space<hbm>>) target(%arg18 : memref<512xi32, #tpu.memory_space<vmem>>) target_semaphore(%run_scoped3A : memref<!tpu.dma_semaphore, #tpu.memory_space<semaphore_mem>>)
        %dma_wait3A_295 = tpu.memref_slice %arg8[%add3A_251] : memref<507904xi32, #tpu.memory_space<hbm>> -> memref<512xi32, #tpu.memory_space<hbm>>
        %dma_wait3A_296 = tpu.memref_slice %arg8[%add3A_251] : memref<507904xi32, #tpu.memory_space<hbm>> -> memref<512xi32, #tpu.memory_space<hbm>>
        tpu.wait_dma2 semaphore(%run_scoped3A : memref<!tpu.dma_semaphore, #tpu.memory_space<semaphore_mem>>) src(%dma_wait3A_296 : memref<512xi32, #tpu.memory_space<hbm>>) dst(%arg18 : memref<512xi32, #tpu.memory_space<vmem>>)
        tpu.yield
      }) : () -> ()
      %parallel_loop3A_252 = arith.constant 0 : i32
      %parallel_loop3A_253 = arith.constant 512 : i32
      %parallel_loop3A_254 = arith.constant 16 : i32
      scf.for %parallel_loop3A_293 = %parallel_loop3A_252 to %parallel_loop3A_253 step %parallel_loop3A_254  : i32 {
        %parallel_loop3A_294 = arith.index_cast %parallel_loop3A_293 : i32 to index
        %parallel_loop3A_295 = tpu.vector_load %arg14[%parallel_loop3A_294] {strides = array<i32>} : memref<512xi32, #tpu.memory_space<vmem>>, vector<16xi32>,
        %parallel_loop3A_296 = vector.shape_cast %parallel_loop3A_295 : vector<16xi32> to vector<16xi32>
        %parallel_loop3A_297 = arith.addi %parallel_loop3A_296, %broadcast_in_dim3A_44 : vector<16xi32>
        %parallel_loop3A_298 = arith.index_cast %parallel_loop3A_293 : i32 to index
        %parallel_loop3A_299 = tpu.vector_load %arg14[%parallel_loop3A_298] {strides = array<i32>} : memref<512xi32, #tpu.memory_space<vmem>>, vector<16xi32>,
        %parallel_loop3A_300 = vector.shape_cast %parallel_loop3A_299 : vector<16xi32> to vector<16xi32>
        %parallel_loop3A_301 = vector.shape_cast %parallel_loop3A_297 : vector<16xi32> to vector<16xi32>
        tpu.vector_store %arg14[%parallel_loop3A_298], %parallel_loop3A_301 {strides = array<i32>} : memref<512xi32, #tpu.memory_space<vmem>>, vector<16xi32>,
        %parallel_loop3A_302 = arith.index_cast %parallel_loop3A_293 : i32 to index
        %parallel_loop3A_303 = tpu.vector_load %arg16[%parallel_loop3A_302] {strides = array<i32>} : memref<512xi32, #tpu.memory_space<vmem>>, vector<16xi32>,
        %parallel_loop3A_304 = vector.shape_cast %parallel_loop3A_303 : vector<16xi32> to vector<16xi32>
        %parallel_loop3A_305 = arith.addi %parallel_loop3A_304, %broadcast_in_dim3A_47 : vector<16xi32>
        %parallel_loop3A_306 = arith.index_cast %parallel_loop3A_293 : i32 to index
        %parallel_loop3A_307 = tpu.vector_load %arg16[%parallel_loop3A_306] {strides = array<i32>} : memref<512xi32, #tpu.memory_space<vmem>>, vector<16xi32>,
        %parallel_loop3A_308 = vector.shape_cast %parallel_loop3A_307 : vector<16xi32> to vector<16xi32>
        %parallel_loop3A_309 = vector.shape_cast %parallel_loop3A_305 : vector<16xi32> to vector<16xi32>
        tpu.vector_store %arg16[%parallel_loop3A_306], %parallel_loop3A_309 {strides = array<i32>} : memref<512xi32, #tpu.memory_space<vmem>>, vector<16xi32>,
      } {sc.loop_unroll_factor = 4 : i64, sc.parallel_access}
      %dma_start3A_255 = arith.constant 0 : i32
      %dma_start3A_256 = arith.constant 0 : i32
      %dma_start3A_257 = tpu.memref_slice %arg11[%dma_start3A_255, %dma_start3A_256] : memref<102400x16xf32, #tpu.memory_space<hbm>> -> memref<102400x16xf32, #tpu.memory_space<hbm>>
      tpu.enqueue_indirect_dma source(%dma_start3A_257 : memref<102400x16xf32, #tpu.memory_space<hbm>>) target(%arg20 : memref<512x16xf32, #tpu.memory_space<vmem>>) offsets(%arg14 : memref<512xi32, #tpu.memory_space<vmem>>) semaphore(%arg30 : memref<!tpu.dma_semaphore, #tpu.memory_space<semaphore_mem>>)
      %dma_start3A_258 = arith.constant 0 : i32
      %dma_start3A_259 = arith.constant 0 : i32
      %dma_start3A_260 = tpu.memref_slice %arg5[%dma_start3A_258, %dma_start3A_259] : memref<1026x16xf32, #tpu.memory_space<hbm>> -> memref<1026x16xf32, #tpu.memory_space<hbm>>
      tpu.enqueue_indirect_dma source(%dma_start3A_260 : memref<1026x16xf32, #tpu.memory_space<hbm>>) target(%arg22 : memref<512x16xf32, #tpu.memory_space<vmem>>) offsets(%arg16 : memref<512xi32, #tpu.memory_space<vmem>>) semaphore(%arg30 : memref<!tpu.dma_semaphore, #tpu.memory_space<semaphore_mem>>)
      %dma_wait3A_261 = arith.constant 0 : i32
      %dma_wait3A_262 = arith.constant 0 : i32
      %dma_wait3A_263 = tpu.memref_slice %arg11[%dma_wait3A_261, %dma_wait3A_262] : memref<102400x16xf32, #tpu.memory_space<hbm>> -> memref<102400x16xf32, #tpu.memory_space<hbm>>
      tpu.wait_indirect_dma semaphore(%arg29 : memref<!tpu.dma_semaphore, #tpu.memory_space<semaphore_mem>>) src(%dma_wait3A_263 : memref<102400x16xf32, #tpu.memory_space<hbm>>) dst(%arg19 : memref<512x16xf32, #tpu.memory_space<vmem>>)
      %dma_wait3A_264 = arith.constant 0 : i32
      %dma_wait3A_265 = arith.constant 0 : i32
      %dma_wait3A_266 = tpu.memref_slice %arg5[%dma_wait3A_264, %dma_wait3A_265] : memref<1026x16xf32, #tpu.memory_space<hbm>> -> memref<1026x16xf32, #tpu.memory_space<hbm>>
      tpu.wait_indirect_dma semaphore(%arg29 : memref<!tpu.dma_semaphore, #tpu.memory_space<semaphore_mem>>) src(%dma_wait3A_266 : memref<1026x16xf32, #tpu.memory_space<hbm>>) dst(%arg21 : memref<512x16xf32, #tpu.memory_space<vmem>>)
      %parallel_loop3A_267 = arith.constant 0 : i32
      %parallel_loop3A_268 = arith.constant 512 : i32
      %parallel_loop3A_269 = arith.constant 1 : i32
      scf.for %parallel_loop3A_293 = %parallel_loop3A_267 to %parallel_loop3A_268 step %parallel_loop3A_269  : i32 {
        %parallel_loop3A_294 = arith.index_cast %parallel_loop3A_293 : i32 to index
        %parallel_loop3A_295 = arith.constant 0 : index
        %parallel_loop3A_296 = tpu.vector_load %arg19[%parallel_loop3A_294, %parallel_loop3A_295] {strides = array<i32>} : memref<512x16xf32, #tpu.memory_space<vmem>>, vector<1x16xf32>,
        %parallel_loop3A_297 = vector.shape_cast %parallel_loop3A_296 : vector<1x16xf32> to vector<16xf32>
        %parallel_loop3A_298 = arith.index_cast %parallel_loop3A_293 : i32 to index
        %parallel_loop3A_299 = arith.constant 0 : index
        %parallel_loop3A_300 = tpu.vector_load %arg21[%parallel_loop3A_298, %parallel_loop3A_299] {strides = array<i32>} : memref<512x16xf32, #tpu.memory_space<vmem>>, vector<1x16xf32>,
        %parallel_loop3A_301 = vector.shape_cast %parallel_loop3A_300 : vector<1x16xf32> to vector<16xf32>
        %parallel_loop3A_302 = arith.mulf %parallel_loop3A_297, %parallel_loop3A_301 : vector<16xf32>
        %parallel_loop3A_303 = arith.index_cast %parallel_loop3A_293 : i32 to index
        %parallel_loop3A_304 = arith.constant 0 : index
        %parallel_loop3A_305 = tpu.vector_load %arg19[%parallel_loop3A_303, %parallel_loop3A_304] {strides = array<i32>} : memref<512x16xf32, #tpu.memory_space<vmem>>, vector<1x16xf32>,
        %parallel_loop3A_306 = vector.shape_cast %parallel_loop3A_305 : vector<1x16xf32> to vector<16xf32>
        %parallel_loop3A_307 = vector.shape_cast %parallel_loop3A_302 : vector<16xf32> to vector<1x16xf32>
        tpu.vector_store %arg19[%parallel_loop3A_303, %parallel_loop3A_304], %parallel_loop3A_307 {strides = array<i32>} : memref<512x16xf32, #tpu.memory_space<vmem>>, vector<1x16xf32>,
      } {sc.loop_unroll_factor = 8 : i64, sc.parallel_access}
      %dma_start3A_270 = arith.constant 0 : i32
      %dma_start3A_271 = arith.constant 0 : i32
      %dma_start3A_272 = tpu.memref_slice %arg28[%dma_start3A_270, %dma_start3A_271] : memref<51200x16xf32, #tpu.memory_space<vmem_shared>> -> memref<51200x16xf32, #tpu.memory_space<vmem_shared>>
      tpu.enqueue_indirect_dma source(%arg19 : memref<512x16xf32, #tpu.memory_space<vmem>>) target(%dma_start3A_272 : memref<51200x16xf32, #tpu.memory_space<vmem_shared>>) offsets(%arg17 : memref<512xi32, #tpu.memory_space<vmem>>) semaphore(%arg31 : memref<!tpu.dma_semaphore, #tpu.memory_space<semaphore_mem>>) {add = true}
      %add3A_273 = arith.constant 1 : i32
      %add3A_274 = arith.addi %mul3A_244, %add3A_273 : i32
      %dma_wait3A_275 = arith.constant 0 : i32
      %dma_wait3A_276 = arith.constant 0 : i32
      %dma_wait3A_277 = tpu.memref_slice %arg11[%dma_wait3A_275, %dma_wait3A_276] : memref<102400x16xf32, #tpu.memory_space<hbm>> -> memref<102400x16xf32, #tpu.memory_space<hbm>>
      tpu.wait_indirect_dma semaphore(%arg30 : memref<!tpu.dma_semaphore, #tpu.memory_space<semaphore_mem>>) src(%dma_wait3A_277 : memref<102400x16xf32, #tpu.memory_space<hbm>>) dst(%arg20 : memref<512x16xf32, #tpu.memory_space<vmem>>)
      %dma_wait3A_278 = arith.constant 0 : i32
      %dma_wait3A_279 = arith.constant 0 : i32
      %dma_wait3A_280 = tpu.memref_slice %arg5[%dma_wait3A_278, %dma_wait3A_279] : memref<1026x16xf32, #tpu.memory_space<hbm>> -> memref<1026x16xf32, #tpu.memory_space<hbm>>
      tpu.wait_indirect_dma semaphore(%arg30 : memref<!tpu.dma_semaphore, #tpu.memory_space<semaphore_mem>>) src(%dma_wait3A_280 : memref<1026x16xf32, #tpu.memory_space<hbm>>) dst(%arg22 : memref<512x16xf32, #tpu.memory_space<vmem>>)
      %parallel_loop3A_281 = arith.constant 0 : i32
      %parallel_loop3A_282 = arith.constant 512 : i32
      %parallel_loop3A_283 = arith.constant 1 : i32
      scf.for %parallel_loop3A_293 = %parallel_loop3A_281 to %parallel_loop3A_282 step %parallel_loop3A_283  : i32 {
        %parallel_loop3A_294 = arith.index_cast %parallel_loop3A_293 : i32 to index
        %parallel_loop3A_295 = arith.constant 0 : index
        %parallel_loop3A_296 = tpu.vector_load %arg20[%parallel_loop3A_294, %parallel_loop3A_295] {strides = array<i32>} : memref<512x16xf32, #tpu.memory_space<vmem>>, vector<1x16xf32>,
        %parallel_loop3A_297 = vector.shape_cast %parallel_loop3A_296 : vector<1x16xf32> to vector<16xf32>
        %parallel_loop3A_298 = arith.index_cast %parallel_loop3A_293 : i32 to index
        %parallel_loop3A_299 = arith.constant 0 : index
        %parallel_loop3A_300 = tpu.vector_load %arg22[%parallel_loop3A_298, %parallel_loop3A_299] {strides = array<i32>} : memref<512x16xf32, #tpu.memory_space<vmem>>, vector<1x16xf32>,
        %parallel_loop3A_301 = vector.shape_cast %parallel_loop3A_300 : vector<1x16xf32> to vector<16xf32>
        %parallel_loop3A_302 = arith.mulf %parallel_loop3A_297, %parallel_loop3A_301 : vector<16xf32>
        %parallel_loop3A_303 = arith.index_cast %parallel_loop3A_293 : i32 to index
        %parallel_loop3A_304 = arith.constant 0 : index
        %parallel_loop3A_305 = tpu.vector_load %arg20[%parallel_loop3A_303, %parallel_loop3A_304] {strides = array<i32>} : memref<512x16xf32, #tpu.memory_space<vmem>>, vector<1x16xf32>,
        %parallel_loop3A_306 = vector.shape_cast %parallel_loop3A_305 : vector<1x16xf32> to vector<16xf32>
        %parallel_loop3A_307 = vector.shape_cast %parallel_loop3A_302 : vector<16xf32> to vector<1x16xf32>
        tpu.vector_store %arg20[%parallel_loop3A_303, %parallel_loop3A_304], %parallel_loop3A_307 {strides = array<i32>} : memref<512x16xf32, #tpu.memory_space<vmem>>, vector<1x16xf32>,
      } {sc.loop_unroll_factor = 8 : i64, sc.parallel_access}
      %dma_start3A_284 = arith.constant 0 : i32
      %dma_start3A_285 = arith.constant 0 : i32
      %dma_start3A_286 = tpu.memref_slice %arg28[%dma_start3A_284, %dma_start3A_285] : memref<51200x16xf32, #tpu.memory_space<vmem_shared>> -> memref<51200x16xf32, #tpu.memory_space<vmem_shared>>
      tpu.enqueue_indirect_dma source(%arg20 : memref<512x16xf32, #tpu.memory_space<vmem>>) target(%dma_start3A_286 : memref<51200x16xf32, #tpu.memory_space<vmem_shared>>) offsets(%arg18 : memref<512xi32, #tpu.memory_space<vmem>>) semaphore(%arg32 : memref<!tpu.dma_semaphore, #tpu.memory_space<semaphore_mem>>) {add = true}
      %add3A_287 = arith.constant 2 : i32
      %add3A_288 = arith.addi %mul3A_244, %add3A_287 : i32
      %lt3A = arith.constant 62 : i32
      %lt3A_289 = arith.cmpi slt, %add3A_288, %lt3A : i32
      %convert_element_type3A_290 = arith.extui %lt3A_289 : i1 to i32
      %cond3A_291 = arith.constant 0 : i32
      %cond3A_292 = arith.cmpi ne, %convert_element_type3A_290, %cond3A_291 : i32
      scf.if %cond3A_292 {
        %add3A_293 = arith.constant 2 : i32
        %add3A_294 = arith.addi %mul3A_244, %add3A_293 : i32
        %ge3A_295 = arith.constant 2 : i32
        %ge3A_296 = arith.cmpi sge, %add3A_294, %ge3A_295 : i32
        %convert_element_type3A_297 = arith.extui %ge3A_296 : i1 to i32
        %cond3A_298 = arith.constant 0 : i32
        %cond3A_299 = arith.cmpi ne, %convert_element_type3A_297, %cond3A_298 : i32
        scf.if %cond3A_299 {
          %dma_wait3A_312 = arith.constant 0 : i32
          %dma_wait3A_313 = arith.constant 0 : i32
          %dma_wait3A_314 = tpu.memref_slice %arg28[%dma_wait3A_312, %dma_wait3A_313] : memref<51200x16xf32, #tpu.memory_space<vmem_shared>> -> memref<51200x16xf32, #tpu.memory_space<vmem_shared>>
          tpu.wait_indirect_dma semaphore(%arg31 : memref<!tpu.dma_semaphore, #tpu.memory_space<semaphore_mem>>) src(%arg19 : memref<512x16xf32, #tpu.memory_space<vmem>>) dst(%dma_wait3A_314 : memref<51200x16xf32, #tpu.memory_space<vmem_shared>>)
        } else {
        }
        %mul3A_300 = arith.constant 512 : i32
        %mul3A_301 = arith.muli %add3A_294, %mul3A_300 : i32
        %add3A_302 = arith.addi %mul3A_49, %mul3A_301 : i32
        "tpu.region"() ({
          %run_scoped3A = tpu.sem_alloc : memref<!tpu.dma_semaphore, #tpu.memory_space<semaphore_mem>>
          %dma_start3A_312 = tpu.memref_slice %arg6[%add3A_302] : memref<507904xi32, #tpu.memory_space<hbm>> -> memref<512xi32, #tpu.memory_space<hbm>>
          %dma_start3A_313 = tpu.memref_slice %arg6[%add3A_302] : memref<507904xi32, #tpu.memory_space<hbm>> -> memref<512xi32, #tpu.memory_space<hbm>>
          tpu.enqueue_dma source(%dma_start3A_313 : memref<512xi32, #tpu.memory_space<hbm>>) target(%arg13 : memref<512xi32, #tpu.memory_space<vmem>>) target_semaphore(%run_scoped3A : memref<!tpu.dma_semaphore, #tpu.memory_space<semaphore_mem>>)
          %dma_wait3A_314 = tpu.memref_slice %arg6[%add3A_302] : memref<507904xi32, #tpu.memory_space<hbm>> -> memref<512xi32, #tpu.memory_space<hbm>>
          %dma_wait3A_315 = tpu.memref_slice %arg6[%add3A_302] : memref<507904xi32, #tpu.memory_space<hbm>> -> memref<512xi32, #tpu.memory_space<hbm>>
          tpu.wait_dma2 semaphore(%run_scoped3A : memref<!tpu.dma_semaphore, #tpu.memory_space<semaphore_mem>>) src(%dma_wait3A_315 : memref<512xi32, #tpu.memory_space<hbm>>) dst(%arg13 : memref<512xi32, #tpu.memory_space<vmem>>)
          tpu.yield
        }) : () -> ()
        "tpu.region"() ({
          %run_scoped3A = tpu.sem_alloc : memref<!tpu.dma_semaphore, #tpu.memory_space<semaphore_mem>>
          %dma_start3A_312 = tpu.memref_slice %arg7[%add3A_302] : memref<507904xi32, #tpu.memory_space<hbm>> -> memref<512xi32, #tpu.memory_space<hbm>>
          %dma_start3A_313 = tpu.memref_slice %arg7[%add3A_302] : memref<507904xi32, #tpu.memory_space<hbm>> -> memref<512xi32, #tpu.memory_space<hbm>>
          tpu.enqueue_dma source(%dma_start3A_313 : memref<512xi32, #tpu.memory_space<hbm>>) target(%arg15 : memref<512xi32, #tpu.memory_space<vmem>>) target_semaphore(%run_scoped3A : memref<!tpu.dma_semaphore, #tpu.memory_space<semaphore_mem>>)
          %dma_wait3A_314 = tpu.memref_slice %arg7[%add3A_302] : memref<507904xi32, #tpu.memory_space<hbm>> -> memref<512xi32, #tpu.memory_space<hbm>>
          %dma_wait3A_315 = tpu.memref_slice %arg7[%add3A_302] : memref<507904xi32, #tpu.memory_space<hbm>> -> memref<512xi32, #tpu.memory_space<hbm>>
          tpu.wait_dma2 semaphore(%run_scoped3A : memref<!tpu.dma_semaphore, #tpu.memory_space<semaphore_mem>>) src(%dma_wait3A_315 : memref<512xi32, #tpu.memory_space<hbm>>) dst(%arg15 : memref<512xi32, #tpu.memory_space<vmem>>)
          tpu.yield
        }) : () -> ()
        "tpu.region"() ({
          %run_scoped3A = tpu.sem_alloc : memref<!tpu.dma_semaphore, #tpu.memory_space<semaphore_mem>>
          %dma_start3A_312 = tpu.memref_slice %arg8[%add3A_302] : memref<507904xi32, #tpu.memory_space<hbm>> -> memref<512xi32, #tpu.memory_space<hbm>>
          %dma_start3A_313 = tpu.memref_slice %arg8[%add3A_302] : memref<507904xi32, #tpu.memory_space<hbm>> -> memref<512xi32, #tpu.memory_space<hbm>>
          tpu.enqueue_dma source(%dma_start3A_313 : memref<512xi32, #tpu.memory_space<hbm>>) target(%arg17 : memref<512xi32, #tpu.memory_space<vmem>>) target_semaphore(%run_scoped3A : memref<!tpu.dma_semaphore, #tpu.memory_space<semaphore_mem>>)
          %dma_wait3A_314 = tpu.memref_slice %arg8[%add3A_302] : memref<507904xi32, #tpu.memory_space<hbm>> -> memref<512xi32, #tpu.memory_space<hbm>>
          %dma_wait3A_315 = tpu.memref_slice %arg8[%add3A_302] : memref<507904xi32, #tpu.memory_space<hbm>> -> memref<512xi32, #tpu.memory_space<hbm>>
          tpu.wait_dma2 semaphore(%run_scoped3A : memref<!tpu.dma_semaphore, #tpu.memory_space<semaphore_mem>>) src(%dma_wait3A_315 : memref<512xi32, #tpu.memory_space<hbm>>) dst(%arg17 : memref<512xi32, #tpu.memory_space<vmem>>)
          tpu.yield
        }) : () -> ()
        %parallel_loop3A_303 = arith.constant 0 : i32
        %parallel_loop3A_304 = arith.constant 512 : i32
        %parallel_loop3A_305 = arith.constant 16 : i32
        scf.for %parallel_loop3A_312 = %parallel_loop3A_303 to %parallel_loop3A_304 step %parallel_loop3A_305  : i32 {
          %parallel_loop3A_313 = arith.index_cast %parallel_loop3A_312 : i32 to index
          %parallel_loop3A_314 = tpu.vector_load %arg13[%parallel_loop3A_313] {strides = array<i32>} : memref<512xi32, #tpu.memory_space<vmem>>, vector<16xi32>,
          %parallel_loop3A_315 = vector.shape_cast %parallel_loop3A_314 : vector<16xi32> to vector<16xi32>
          %parallel_loop3A_316 = arith.addi %parallel_loop3A_315, %broadcast_in_dim3A_44 : vector<16xi32>
          %parallel_loop3A_317 = arith.index_cast %parallel_loop3A_312 : i32 to index
          %parallel_loop3A_318 = tpu.vector_load %arg13[%parallel_loop3A_317] {strides = array<i32>} : memref<512xi32, #tpu.memory_space<vmem>>, vector<16xi32>,
          %parallel_loop3A_319 = vector.shape_cast %parallel_loop3A_318 : vector<16xi32> to vector<16xi32>
          %parallel_loop3A_320 = vector.shape_cast %parallel_loop3A_316 : vector<16xi32> to vector<16xi32>
          tpu.vector_store %arg13[%parallel_loop3A_317], %parallel_loop3A_320 {strides = array<i32>} : memref<512xi32, #tpu.memory_space<vmem>>, vector<16xi32>,
          %parallel_loop3A_321 = arith.index_cast %parallel_loop3A_312 : i32 to index
          %parallel_loop3A_322 = tpu.vector_load %arg15[%parallel_loop3A_321] {strides = array<i32>} : memref<512xi32, #tpu.memory_space<vmem>>, vector<16xi32>,
          %parallel_loop3A_323 = vector.shape_cast %parallel_loop3A_322 : vector<16xi32> to vector<16xi32>
          %parallel_loop3A_324 = arith.addi %parallel_loop3A_323, %broadcast_in_dim3A_47 : vector<16xi32>
          %parallel_loop3A_325 = arith.index_cast %parallel_loop3A_312 : i32 to index
          %parallel_loop3A_326 = tpu.vector_load %arg15[%parallel_loop3A_325] {strides = array<i32>} : memref<512xi32, #tpu.memory_space<vmem>>, vector<16xi32>,
          %parallel_loop3A_327 = vector.shape_cast %parallel_loop3A_326 : vector<16xi32> to vector<16xi32>
          %parallel_loop3A_328 = vector.shape_cast %parallel_loop3A_324 : vector<16xi32> to vector<16xi32>
          tpu.vector_store %arg15[%parallel_loop3A_325], %parallel_loop3A_328 {strides = array<i32>} : memref<512xi32, #tpu.memory_space<vmem>>, vector<16xi32>,
        } {sc.loop_unroll_factor = 4 : i64, sc.parallel_access}
        %dma_start3A_306 = arith.constant 0 : i32
        %dma_start3A_307 = arith.constant 0 : i32
        %dma_start3A_308 = tpu.memref_slice %arg11[%dma_start3A_306, %dma_start3A_307] : memref<102400x16xf32, #tpu.memory_space<hbm>> -> memref<102400x16xf32, #tpu.memory_space<hbm>>
        tpu.enqueue_indirect_dma source(%dma_start3A_308 : memref<102400x16xf32, #tpu.memory_space<hbm>>) target(%arg19 : memref<512x16xf32, #tpu.memory_space<vmem>>) offsets(%arg13 : memref<512xi32, #tpu.memory_space<vmem>>) semaphore(%arg29 : memref<!tpu.dma_semaphore, #tpu.memory_space<semaphore_mem>>)
        %dma_start3A_309 = arith.constant 0 : i32
        %dma_start3A_310 = arith.constant 0 : i32
        %dma_start3A_311 = tpu.memref_slice %arg5[%dma_start3A_309, %dma_start3A_310] : memref<1026x16xf32, #tpu.memory_space<hbm>> -> memref<1026x16xf32, #tpu.memory_space<hbm>>
        tpu.enqueue_indirect_dma source(%dma_start3A_311 : memref<1026x16xf32, #tpu.memory_space<hbm>>) target(%arg21 : memref<512x16xf32, #tpu.memory_space<vmem>>) offsets(%arg15 : memref<512xi32, #tpu.memory_space<vmem>>) semaphore(%arg29 : memref<!tpu.dma_semaphore, #tpu.memory_space<semaphore_mem>>)
      } else {
      }
    }
    %scan3A_193 = arith.constant 31 : i32
    %dma_wait3A_194 = arith.constant 0 : i32
    %dma_wait3A_195 = arith.constant 0 : i32
    %dma_wait3A_196 = tpu.memref_slice %arg28[%dma_wait3A_194, %dma_wait3A_195] : memref<51200x16xf32, #tpu.memory_space<vmem_shared>> -> memref<51200x16xf32, #tpu.memory_space<vmem_shared>>
    tpu.wait_indirect_dma semaphore(%arg31 : memref<!tpu.dma_semaphore, #tpu.memory_space<semaphore_mem>>) src(%arg19 : memref<512x16xf32, #tpu.memory_space<vmem>>) dst(%dma_wait3A_196 : memref<51200x16xf32, #tpu.memory_space<vmem_shared>>)
    %dma_wait3A_197 = arith.constant 0 : i32
    %dma_wait3A_198 = arith.constant 0 : i32
    %dma_wait3A_199 = tpu.memref_slice %arg28[%dma_wait3A_197, %dma_wait3A_198] : memref<51200x16xf32, #tpu.memory_space<vmem_shared>> -> memref<51200x16xf32, #tpu.memory_space<vmem_shared>>
    tpu.wait_indirect_dma semaphore(%arg32 : memref<!tpu.dma_semaphore, #tpu.memory_space<semaphore_mem>>) src(%arg20 : memref<512x16xf32, #tpu.memory_space<vmem>>) dst(%dma_wait3A_199 : memref<51200x16xf32, #tpu.memory_space<vmem_shared>>)
    %barrier3A_200 = arith.constant 0 : index
    tpu.barrier barrier_id(%barrier3A_200)
    %add3A_201 = arith.constant 0 : i32
    %add3A_202 = arith.addi %mul3A_3, %add3A_201 : i32
    %mul3A_203 = arith.constant 51200 : i32
    %mul3A_204 = arith.muli %arg0, %mul3A_203 : i32
    %add3A_205 = arith.addi %mul3A_204, %add3A_202 : i32
    "tpu.region"() ({
      %run_scoped3A = tpu.sem_alloc : memref<!tpu.dma_semaphore, #tpu.memory_space<semaphore_mem>>
      %dma_start3A_242 = arith.constant 0 : i32
      %dma_start3A_243 = tpu.memref_slice %arg28[%add3A_202, %dma_start3A_242] : memref<51200x16xf32, #tpu.memory_space<vmem_shared>> -> memref<640x16xf32, #tpu.memory_space<vmem_shared>>
      %dma_start3A_244 = arith.constant 0 : i32
      %dma_start3A_245 = tpu.memref_slice %arg28[%add3A_202, %dma_start3A_244] : memref<51200x16xf32, #tpu.memory_space<vmem_shared>> -> memref<640x16xf32, #tpu.memory_space<vmem_shared>>
      tpu.enqueue_dma source(%dma_start3A_245 : memref<640x16xf32, #tpu.memory_space<vmem_shared>>) target(%arg23 : memref<640x16xf32, #tpu.memory_space<vmem>>) target_semaphore(%run_scoped3A : memref<!tpu.dma_semaphore, #tpu.memory_space<semaphore_mem>>)
      %dma_wait3A_246 = arith.constant 0 : i32
      %dma_wait3A_247 = tpu.memref_slice %arg28[%add3A_202, %dma_wait3A_246] : memref<51200x16xf32, #tpu.memory_space<vmem_shared>> -> memref<640x16xf32, #tpu.memory_space<vmem_shared>>
      %dma_wait3A_248 = arith.constant 0 : i32
      %dma_wait3A_249 = tpu.memref_slice %arg28[%add3A_202, %dma_wait3A_248] : memref<51200x16xf32, #tpu.memory_space<vmem_shared>> -> memref<640x16xf32, #tpu.memory_space<vmem_shared>>
      tpu.wait_dma2 semaphore(%run_scoped3A : memref<!tpu.dma_semaphore, #tpu.memory_space<semaphore_mem>>) src(%dma_wait3A_249 : memref<640x16xf32, #tpu.memory_space<vmem_shared>>) dst(%arg23 : memref<640x16xf32, #tpu.memory_space<vmem>>)
      tpu.yield
    }) : () -> ()
    "tpu.region"() ({
      %run_scoped3A = tpu.sem_alloc : memref<!tpu.dma_semaphore, #tpu.memory_space<semaphore_mem>>
      %dma_start3A_242 = arith.constant 0 : i32
      %dma_start3A_243 = tpu.memref_slice %arg10[%add3A_205, %dma_start3A_242] : memref<102400x16xf32, #tpu.memory_space<hbm>> -> memref<640x16xf32, #tpu.memory_space<hbm>>
      %dma_start3A_244 = arith.constant 0 : i32
      %dma_start3A_245 = tpu.memref_slice %arg10[%add3A_205, %dma_start3A_244] : memref<102400x16xf32, #tpu.memory_space<hbm>> -> memref<640x16xf32, #tpu.memory_space<hbm>>
      tpu.enqueue_dma source(%dma_start3A_245 : memref<640x16xf32, #tpu.memory_space<hbm>>) target(%arg24 : memref<640x16xf32, #tpu.memory_space<vmem>>) target_semaphore(%run_scoped3A : memref<!tpu.dma_semaphore, #tpu.memory_space<semaphore_mem>>)
      %dma_wait3A_246 = arith.constant 0 : i32
      %dma_wait3A_247 = tpu.memref_slice %arg10[%add3A_205, %dma_wait3A_246] : memref<102400x16xf32, #tpu.memory_space<hbm>> -> memref<640x16xf32, #tpu.memory_space<hbm>>
      %dma_wait3A_248 = arith.constant 0 : i32
      %dma_wait3A_249 = tpu.memref_slice %arg10[%add3A_205, %dma_wait3A_248] : memref<102400x16xf32, #tpu.memory_space<hbm>> -> memref<640x16xf32, #tpu.memory_space<hbm>>
      tpu.wait_dma2 semaphore(%run_scoped3A : memref<!tpu.dma_semaphore, #tpu.memory_space<semaphore_mem>>) src(%dma_wait3A_249 : memref<640x16xf32, #tpu.memory_space<hbm>>) dst(%arg24 : memref<640x16xf32, #tpu.memory_space<vmem>>)
      tpu.yield
    }) : () -> ()
    "tpu.region"() ({
      %run_scoped3A = tpu.sem_alloc : memref<!tpu.dma_semaphore, #tpu.memory_space<semaphore_mem>>
      %dma_start3A_242 = arith.constant 0 : i32
      %dma_start3A_243 = tpu.memref_slice %arg11[%add3A_205, %dma_start3A_242] : memref<102400x16xf32, #tpu.memory_space<hbm>> -> memref<640x16xf32, #tpu.memory_space<hbm>>
      %dma_start3A_244 = arith.constant 0 : i32
      %dma_start3A_245 = tpu.memref_slice %arg11[%add3A_205, %dma_start3A_244] : memref<102400x16xf32, #tpu.memory_space<hbm>> -> memref<640x16xf32, #tpu.memory_space<hbm>>
      tpu.enqueue_dma source(%dma_start3A_245 : memref<640x16xf32, #tpu.memory_space<hbm>>) target(%arg25 : memref<640x16xf32, #tpu.memory_space<vmem>>) target_semaphore(%run_scoped3A : memref<!tpu.dma_semaphore, #tpu.memory_space<semaphore_mem>>)
      %dma_wait3A_246 = arith.constant 0 : i32
      %dma_wait3A_247 = tpu.memref_slice %arg11[%add3A_205, %dma_wait3A_246] : memref<102400x16xf32, #tpu.memory_space<hbm>> -> memref<640x16xf32, #tpu.memory_space<hbm>>
      %dma_wait3A_248 = arith.constant 0 : i32
      %dma_wait3A_249 = tpu.memref_slice %arg11[%add3A_205, %dma_wait3A_248] : memref<102400x16xf32, #tpu.memory_space<hbm>> -> memref<640x16xf32, #tpu.memory_space<hbm>>
      tpu.wait_dma2 semaphore(%run_scoped3A : memref<!tpu.dma_semaphore, #tpu.memory_space<semaphore_mem>>) src(%dma_wait3A_249 : memref<640x16xf32, #tpu.memory_space<hbm>>) dst(%arg25 : memref<640x16xf32, #tpu.memory_space<vmem>>)
      tpu.yield
    }) : () -> ()
    %parallel_loop3A_206 = arith.constant 0 : i32
    %parallel_loop3A_207 = arith.constant 640 : i32
    %parallel_loop3A_208 = arith.constant 1 : i32
    scf.for %parallel_loop3A_242 = %parallel_loop3A_206 to %parallel_loop3A_207 step %parallel_loop3A_208  : i32 {
      %parallel_loop3A_243 = arith.index_cast %parallel_loop3A_242 : i32 to index
      %parallel_loop3A_244 = arith.constant 0 : index
      %parallel_loop3A_245 = tpu.vector_load %arg23[%parallel_loop3A_243, %parallel_loop3A_244] {strides = array<i32>} : memref<640x16xf32, #tpu.memory_space<vmem>>, vector<1x16xf32>,
      %parallel_loop3A_246 = vector.shape_cast %parallel_loop3A_245 : vector<1x16xf32> to vector<16xf32>
      %parallel_loop3A_247 = arith.constant 1.000000e+00 : f32
      %parallel_loop3A_248 = vector.broadcast %parallel_loop3A_247 : f32 to vector<16xf32>
      %parallel_loop3A_249 = arith.minimumf %parallel_loop3A_246, %parallel_loop3A_248 : vector<16xf32>
      %parallel_loop3A_250 = arith.index_cast %parallel_loop3A_242 : i32 to index
      %parallel_loop3A_251 = arith.constant 0 : index
      %parallel_loop3A_252 = tpu.vector_load %arg24[%parallel_loop3A_250, %parallel_loop3A_251] {strides = array<i32>} : memref<640x16xf32, #tpu.memory_space<vmem>>, vector<1x16xf32>,
      %parallel_loop3A_253 = vector.shape_cast %parallel_loop3A_252 : vector<1x16xf32> to vector<16xf32>
      %parallel_loop3A_254 = arith.constant 0.899999976 : f32
      %parallel_loop3A_255 = vector.broadcast %parallel_loop3A_254 : f32 to vector<16xf32>
      %parallel_loop3A_256 = arith.cmpf ogt, %parallel_loop3A_253, %parallel_loop3A_255 : vector<16xf32>
      %parallel_loop3A_257 = arith.constant 0.000000e+00 : f32
      %parallel_loop3A_258 = vector.broadcast %parallel_loop3A_257 : f32 to vector<16xf32>
      %parallel_loop3A_259 = arith.select %parallel_loop3A_256, %get3A_21, %parallel_loop3A_258 : vector<16xi1>, vector<16xf32>
      %parallel_loop3A_260 = arith.constant 1.000000e+00 : f32
      %parallel_loop3A_261 = vector.broadcast %parallel_loop3A_260 : f32 to vector<16xf32>
      %parallel_loop3A_262 = arith.subf %parallel_loop3A_261, %parallel_loop3A_259 : vector<16xf32>
      %parallel_loop3A_263 = arith.mulf %parallel_loop3A_249, %parallel_loop3A_262 : vector<16xf32>
      %parallel_loop3A_264 = arith.mulf %get3A_26, %parallel_loop3A_253 : vector<16xf32>
      %parallel_loop3A_265 = arith.index_cast %parallel_loop3A_242 : i32 to index
      %parallel_loop3A_266 = arith.constant 0 : index
      %parallel_loop3A_267 = tpu.vector_load %arg25[%parallel_loop3A_265, %parallel_loop3A_266] {strides = array<i32>} : memref<640x16xf32, #tpu.memory_space<vmem>>, vector<1x16xf32>,
      %parallel_loop3A_268 = vector.shape_cast %parallel_loop3A_267 : vector<1x16xf32> to vector<16xf32>
      %parallel_loop3A_269 = arith.mulf %get3A_31, %parallel_loop3A_268 : vector<16xf32>
      %parallel_loop3A_270 = arith.addf %parallel_loop3A_264, %parallel_loop3A_269 : vector<16xf32>
      %parallel_loop3A_271 = arith.mulf %get3A_36, %parallel_loop3A_263 : vector<16xf32>
      %parallel_loop3A_272 = arith.addf %parallel_loop3A_270, %parallel_loop3A_271 : vector<16xf32>
      %parallel_loop3A_273 = arith.constant 0.000000e+00 : f32
      %parallel_loop3A_274 = vector.broadcast %parallel_loop3A_273 : f32 to vector<16xf32>
      %parallel_loop3A_275 = arith.cmpf ogt, %parallel_loop3A_253, %parallel_loop3A_274 : vector<16xf32>
      %parallel_loop3A_276 = arith.constant 0.000000e+00 : f32
      %parallel_loop3A_277 = vector.broadcast %parallel_loop3A_276 : f32 to vector<16xf32>
      %parallel_loop3A_278 = arith.select %parallel_loop3A_275, %get3A_41, %parallel_loop3A_277 : vector<16xi1>, vector<16xf32>
      %parallel_loop3A_279 = arith.constant 1.000000e-01 : f32
      %parallel_loop3A_280 = vector.broadcast %parallel_loop3A_279 : f32 to vector<16xf32>
      %parallel_loop3A_281 = arith.mulf %parallel_loop3A_280, %parallel_loop3A_278 : vector<16xf32>
      %parallel_loop3A_282 = arith.constant 1.000000e+00 : f32
      %parallel_loop3A_283 = vector.broadcast %parallel_loop3A_282 : f32 to vector<16xf32>
      %parallel_loop3A_284 = arith.subf %parallel_loop3A_283, %parallel_loop3A_281 : vector<16xf32>
      %parallel_loop3A_285 = arith.mulf %parallel_loop3A_272, %parallel_loop3A_284 : vector<16xf32>
      %parallel_loop3A_286 = arith.index_cast %parallel_loop3A_242 : i32 to index
      %parallel_loop3A_287 = arith.constant 0 : index
      %parallel_loop3A_288 = tpu.vector_load %arg23[%parallel_loop3A_286, %parallel_loop3A_287] {strides = array<i32>} : memref<640x16xf32, #tpu.memory_space<vmem>>, vector<1x16xf32>,
      %parallel_loop3A_289 = vector.shape_cast %parallel_loop3A_288 : vector<1x16xf32> to vector<16xf32>
      %parallel_loop3A_290 = vector.shape_cast %parallel_loop3A_285 : vector<16xf32> to vector<1x16xf32>
      tpu.vector_store %arg23[%parallel_loop3A_286, %parallel_loop3A_287], %parallel_loop3A_290 {strides = array<i32>} : memref<640x16xf32, #tpu.memory_space<vmem>>, vector<1x16xf32>,
    } {sc.loop_unroll_factor = 8 : i64, sc.parallel_access}
    "tpu.region"() ({
      %run_scoped3A = tpu.sem_alloc : memref<!tpu.dma_semaphore, #tpu.memory_space<semaphore_mem>>
      %dma_start3A_242 = arith.constant 0 : i32
      %dma_start3A_243 = tpu.memref_slice %arg12[%add3A_205, %dma_start3A_242] : memref<102400x16xf32, #tpu.memory_space<hbm>> -> memref<640x16xf32, #tpu.memory_space<hbm>>
      %dma_start3A_244 = arith.constant 0 : i32
      %dma_start3A_245 = tpu.memref_slice %arg12[%add3A_205, %dma_start3A_244] : memref<102400x16xf32, #tpu.memory_space<hbm>> -> memref<640x16xf32, #tpu.memory_space<hbm>>
      tpu.enqueue_dma source(%arg23 : memref<640x16xf32, #tpu.memory_space<vmem>>) target(%dma_start3A_245 : memref<640x16xf32, #tpu.memory_space<hbm>>) target_semaphore(%run_scoped3A : memref<!tpu.dma_semaphore, #tpu.memory_space<semaphore_mem>>)
      %dma_wait3A_246 = arith.constant 0 : i32
      %dma_wait3A_247 = tpu.memref_slice %arg12[%add3A_205, %dma_wait3A_246] : memref<102400x16xf32, #tpu.memory_space<hbm>> -> memref<640x16xf32, #tpu.memory_space<hbm>>
      %dma_wait3A_248 = arith.constant 0 : i32
      %dma_wait3A_249 = tpu.memref_slice %arg12[%add3A_205, %dma_wait3A_248] : memref<102400x16xf32, #tpu.memory_space<hbm>> -> memref<640x16xf32, #tpu.memory_space<hbm>>
      tpu.wait_dma2 semaphore(%run_scoped3A : memref<!tpu.dma_semaphore, #tpu.memory_space<semaphore_mem>>) src(%arg23 : memref<640x16xf32, #tpu.memory_space<vmem>>) dst(%dma_wait3A_249 : memref<640x16xf32, #tpu.memory_space<hbm>>)
      tpu.yield
    }) : () -> ()
    %add3A_209 = arith.constant 640 : i32
    %add3A_210 = arith.addi %mul3A_3, %add3A_209 : i32
    %mul3A_211 = arith.constant 51200 : i32
    %mul3A_212 = arith.muli %arg0, %mul3A_211 : i32
    %add3A_213 = arith.addi %mul3A_212, %add3A_210 : i32
    "tpu.region"() ({
      %run_scoped3A = tpu.sem_alloc : memref<!tpu.dma_semaphore, #tpu.memory_space<semaphore_mem>>
      %dma_start3A_242 = arith.constant 0 : i32
      %dma_start3A_243 = tpu.memref_slice %arg28[%add3A_210, %dma_start3A_242] : memref<51200x16xf32, #tpu.memory_space<vmem_shared>> -> memref<640x16xf32, #tpu.memory_space<vmem_shared>>
      %dma_start3A_244 = arith.constant 0 : i32
      %dma_start3A_245 = tpu.memref_slice %arg28[%add3A_210, %dma_start3A_244] : memref<51200x16xf32, #tpu.memory_space<vmem_shared>> -> memref<640x16xf32, #tpu.memory_space<vmem_shared>>
      tpu.enqueue_dma source(%dma_start3A_245 : memref<640x16xf32, #tpu.memory_space<vmem_shared>>) target(%arg23 : memref<640x16xf32, #tpu.memory_space<vmem>>) target_semaphore(%run_scoped3A : memref<!tpu.dma_semaphore, #tpu.memory_space<semaphore_mem>>)
      %dma_wait3A_246 = arith.constant 0 : i32
      %dma_wait3A_247 = tpu.memref_slice %arg28[%add3A_210, %dma_wait3A_246] : memref<51200x16xf32, #tpu.memory_space<vmem_shared>> -> memref<640x16xf32, #tpu.memory_space<vmem_shared>>
      %dma_wait3A_248 = arith.constant 0 : i32
      %dma_wait3A_249 = tpu.memref_slice %arg28[%add3A_210, %dma_wait3A_248] : memref<51200x16xf32, #tpu.memory_space<vmem_shared>> -> memref<640x16xf32, #tpu.memory_space<vmem_shared>>
      tpu.wait_dma2 semaphore(%run_scoped3A : memref<!tpu.dma_semaphore, #tpu.memory_space<semaphore_mem>>) src(%dma_wait3A_249 : memref<640x16xf32, #tpu.memory_space<vmem_shared>>) dst(%arg23 : memref<640x16xf32, #tpu.memory_space<vmem>>)
      tpu.yield
    }) : () -> ()
    "tpu.region"() ({
      %run_scoped3A = tpu.sem_alloc : memref<!tpu.dma_semaphore, #tpu.memory_space<semaphore_mem>>
      %dma_start3A_242 = arith.constant 0 : i32
      %dma_start3A_243 = tpu.memref_slice %arg10[%add3A_213, %dma_start3A_242] : memref<102400x16xf32, #tpu.memory_space<hbm>> -> memref<640x16xf32, #tpu.memory_space<hbm>>
      %dma_start3A_244 = arith.constant 0 : i32
      %dma_start3A_245 = tpu.memref_slice %arg10[%add3A_213, %dma_start3A_244] : memref<102400x16xf32, #tpu.memory_space<hbm>> -> memref<640x16xf32, #tpu.memory_space<hbm>>
      tpu.enqueue_dma source(%dma_start3A_245 : memref<640x16xf32, #tpu.memory_space<hbm>>) target(%arg24 : memref<640x16xf32, #tpu.memory_space<vmem>>) target_semaphore(%run_scoped3A : memref<!tpu.dma_semaphore, #tpu.memory_space<semaphore_mem>>)
      %dma_wait3A_246 = arith.constant 0 : i32
      %dma_wait3A_247 = tpu.memref_slice %arg10[%add3A_213, %dma_wait3A_246] : memref<102400x16xf32, #tpu.memory_space<hbm>> -> memref<640x16xf32, #tpu.memory_space<hbm>>
      %dma_wait3A_248 = arith.constant 0 : i32
      %dma_wait3A_249 = tpu.memref_slice %arg10[%add3A_213, %dma_wait3A_248] : memref<102400x16xf32, #tpu.memory_space<hbm>> -> memref<640x16xf32, #tpu.memory_space<hbm>>
      tpu.wait_dma2 semaphore(%run_scoped3A : memref<!tpu.dma_semaphore, #tpu.memory_space<semaphore_mem>>) src(%dma_wait3A_249 : memref<640x16xf32, #tpu.memory_space<hbm>>) dst(%arg24 : memref<640x16xf32, #tpu.memory_space<vmem>>)
      tpu.yield
    }) : () -> ()
    "tpu.region"() ({
      %run_scoped3A = tpu.sem_alloc : memref<!tpu.dma_semaphore, #tpu.memory_space<semaphore_mem>>
      %dma_start3A_242 = arith.constant 0 : i32
      %dma_start3A_243 = tpu.memref_slice %arg11[%add3A_213, %dma_start3A_242] : memref<102400x16xf32, #tpu.memory_space<hbm>> -> memref<640x16xf32, #tpu.memory_space<hbm>>
      %dma_start3A_244 = arith.constant 0 : i32
      %dma_start3A_245 = tpu.memref_slice %arg11[%add3A_213, %dma_start3A_244] : memref<102400x16xf32, #tpu.memory_space<hbm>> -> memref<640x16xf32, #tpu.memory_space<hbm>>
      tpu.enqueue_dma source(%dma_start3A_245 : memref<640x16xf32, #tpu.memory_space<hbm>>) target(%arg25 : memref<640x16xf32, #tpu.memory_space<vmem>>) target_semaphore(%run_scoped3A : memref<!tpu.dma_semaphore, #tpu.memory_space<semaphore_mem>>)
      %dma_wait3A_246 = arith.constant 0 : i32
      %dma_wait3A_247 = tpu.memref_slice %arg11[%add3A_213, %dma_wait3A_246] : memref<102400x16xf32, #tpu.memory_space<hbm>> -> memref<640x16xf32, #tpu.memory_space<hbm>>
      %dma_wait3A_248 = arith.constant 0 : i32
      %dma_wait3A_249 = tpu.memref_slice %arg11[%add3A_213, %dma_wait3A_248] : memref<102400x16xf32, #tpu.memory_space<hbm>> -> memref<640x16xf32, #tpu.memory_space<hbm>>
      tpu.wait_dma2 semaphore(%run_scoped3A : memref<!tpu.dma_semaphore, #tpu.memory_space<semaphore_mem>>) src(%dma_wait3A_249 : memref<640x16xf32, #tpu.memory_space<hbm>>) dst(%arg25 : memref<640x16xf32, #tpu.memory_space<vmem>>)
      tpu.yield
    }) : () -> ()
    %parallel_loop3A_214 = arith.constant 0 : i32
    %parallel_loop3A_215 = arith.constant 640 : i32
    %parallel_loop3A_216 = arith.constant 1 : i32
    scf.for %parallel_loop3A_242 = %parallel_loop3A_214 to %parallel_loop3A_215 step %parallel_loop3A_216  : i32 {
      %parallel_loop3A_243 = arith.index_cast %parallel_loop3A_242 : i32 to index
      %parallel_loop3A_244 = arith.constant 0 : index
      %parallel_loop3A_245 = tpu.vector_load %arg23[%parallel_loop3A_243, %parallel_loop3A_244] {strides = array<i32>} : memref<640x16xf32, #tpu.memory_space<vmem>>, vector<1x16xf32>,
      %parallel_loop3A_246 = vector.shape_cast %parallel_loop3A_245 : vector<1x16xf32> to vector<16xf32>
      %parallel_loop3A_247 = arith.constant 1.000000e+00 : f32
      %parallel_loop3A_248 = vector.broadcast %parallel_loop3A_247 : f32 to vector<16xf32>
      %parallel_loop3A_249 = arith.minimumf %parallel_loop3A_246, %parallel_loop3A_248 : vector<16xf32>
      %parallel_loop3A_250 = arith.index_cast %parallel_loop3A_242 : i32 to index
      %parallel_loop3A_251 = arith.constant 0 : index
      %parallel_loop3A_252 = tpu.vector_load %arg24[%parallel_loop3A_250, %parallel_loop3A_251] {strides = array<i32>} : memref<640x16xf32, #tpu.memory_space<vmem>>, vector<1x16xf32>,
      %parallel_loop3A_253 = vector.shape_cast %parallel_loop3A_252 : vector<1x16xf32> to vector<16xf32>
      %parallel_loop3A_254 = arith.constant 0.899999976 : f32
      %parallel_loop3A_255 = vector.broadcast %parallel_loop3A_254 : f32 to vector<16xf32>
      %parallel_loop3A_256 = arith.cmpf ogt, %parallel_loop3A_253, %parallel_loop3A_255 : vector<16xf32>
      %parallel_loop3A_257 = arith.constant 0.000000e+00 : f32
      %parallel_loop3A_258 = vector.broadcast %parallel_loop3A_257 : f32 to vector<16xf32>
      %parallel_loop3A_259 = arith.select %parallel_loop3A_256, %get3A_21, %parallel_loop3A_258 : vector<16xi1>, vector<16xf32>
      %parallel_loop3A_260 = arith.constant 1.000000e+00 : f32
      %parallel_loop3A_261 = vector.broadcast %parallel_loop3A_260 : f32 to vector<16xf32>
      %parallel_loop3A_262 = arith.subf %parallel_loop3A_261, %parallel_loop3A_259 : vector<16xf32>
      %parallel_loop3A_263 = arith.mulf %parallel_loop3A_249, %parallel_loop3A_262 : vector<16xf32>
      %parallel_loop3A_264 = arith.mulf %get3A_26, %parallel_loop3A_253 : vector<16xf32>
      %parallel_loop3A_265 = arith.index_cast %parallel_loop3A_242 : i32 to index
      %parallel_loop3A_266 = arith.constant 0 : index
      %parallel_loop3A_267 = tpu.vector_load %arg25[%parallel_loop3A_265, %parallel_loop3A_266] {strides = array<i32>} : memref<640x16xf32, #tpu.memory_space<vmem>>, vector<1x16xf32>,
      %parallel_loop3A_268 = vector.shape_cast %parallel_loop3A_267 : vector<1x16xf32> to vector<16xf32>
      %parallel_loop3A_269 = arith.mulf %get3A_31, %parallel_loop3A_268 : vector<16xf32>
      %parallel_loop3A_270 = arith.addf %parallel_loop3A_264, %parallel_loop3A_269 : vector<16xf32>
      %parallel_loop3A_271 = arith.mulf %get3A_36, %parallel_loop3A_263 : vector<16xf32>
      %parallel_loop3A_272 = arith.addf %parallel_loop3A_270, %parallel_loop3A_271 : vector<16xf32>
      %parallel_loop3A_273 = arith.constant 0.000000e+00 : f32
      %parallel_loop3A_274 = vector.broadcast %parallel_loop3A_273 : f32 to vector<16xf32>
      %parallel_loop3A_275 = arith.cmpf ogt, %parallel_loop3A_253, %parallel_loop3A_274 : vector<16xf32>
      %parallel_loop3A_276 = arith.constant 0.000000e+00 : f32
      %parallel_loop3A_277 = vector.broadcast %parallel_loop3A_276 : f32 to vector<16xf32>
      %parallel_loop3A_278 = arith.select %parallel_loop3A_275, %get3A_41, %parallel_loop3A_277 : vector<16xi1>, vector<16xf32>
      %parallel_loop3A_279 = arith.constant 1.000000e-01 : f32
      %parallel_loop3A_280 = vector.broadcast %parallel_loop3A_279 : f32 to vector<16xf32>
      %parallel_loop3A_281 = arith.mulf %parallel_loop3A_280, %parallel_loop3A_278 : vector<16xf32>
      %parallel_loop3A_282 = arith.constant 1.000000e+00 : f32
      %parallel_loop3A_283 = vector.broadcast %parallel_loop3A_282 : f32 to vector<16xf32>
      %parallel_loop3A_284 = arith.subf %parallel_loop3A_283, %parallel_loop3A_281 : vector<16xf32>
      %parallel_loop3A_285 = arith.mulf %parallel_loop3A_272, %parallel_loop3A_284 : vector<16xf32>
      %parallel_loop3A_286 = arith.index_cast %parallel_loop3A_242 : i32 to index
      %parallel_loop3A_287 = arith.constant 0 : index
      %parallel_loop3A_288 = tpu.vector_load %arg23[%parallel_loop3A_286, %parallel_loop3A_287] {strides = array<i32>} : memref<640x16xf32, #tpu.memory_space<vmem>>, vector<1x16xf32>,
      %parallel_loop3A_289 = vector.shape_cast %parallel_loop3A_288 : vector<1x16xf32> to vector<16xf32>
      %parallel_loop3A_290 = vector.shape_cast %parallel_loop3A_285 : vector<16xf32> to vector<1x16xf32>
      tpu.vector_store %arg23[%parallel_loop3A_286, %parallel_loop3A_287], %parallel_loop3A_290 {strides = array<i32>} : memref<640x16xf32, #tpu.memory_space<vmem>>, vector<1x16xf32>,
    } {sc.loop_unroll_factor = 8 : i64, sc.parallel_access}
    "tpu.region"() ({
      %run_scoped3A = tpu.sem_alloc : memref<!tpu.dma_semaphore, #tpu.memory_space<semaphore_mem>>
      %dma_start3A_242 = arith.constant 0 : i32
      %dma_start3A_243 = tpu.memref_slice %arg12[%add3A_213, %dma_start3A_242] : memref<102400x16xf32, #tpu.memory_space<hbm>> -> memref<640x16xf32, #tpu.memory_space<hbm>>
      %dma_start3A_244 = arith.constant 0 : i32
      %dma_start3A_245 = tpu.memref_slice %arg12[%add3A_213, %dma_start3A_244] : memref<102400x16xf32, #tpu.memory_space<hbm>> -> memref<640x16xf32, #tpu.memory_space<hbm>>
      tpu.enqueue_dma source(%arg23 : memref<640x16xf32, #tpu.memory_space<vmem>>) target(%dma_start3A_245 : memref<640x16xf32, #tpu.memory_space<hbm>>) target_semaphore(%run_scoped3A : memref<!tpu.dma_semaphore, #tpu.memory_space<semaphore_mem>>)
      %dma_wait3A_246 = arith.constant 0 : i32
      %dma_wait3A_247 = tpu.memref_slice %arg12[%add3A_213, %dma_wait3A_246] : memref<102400x16xf32, #tpu.memory_space<hbm>> -> memref<640x16xf32, #tpu.memory_space<hbm>>
      %dma_wait3A_248 = arith.constant 0 : i32
      %dma_wait3A_249 = tpu.memref_slice %arg12[%add3A_213, %dma_wait3A_248] : memref<102400x16xf32, #tpu.memory_space<hbm>> -> memref<640x16xf32, #tpu.memory_space<hbm>>
      tpu.wait_dma2 semaphore(%run_scoped3A : memref<!tpu.dma_semaphore, #tpu.memory_space<semaphore_mem>>) src(%arg23 : memref<640x16xf32, #tpu.memory_space<vmem>>) dst(%dma_wait3A_249 : memref<640x16xf32, #tpu.memory_space<hbm>>)
      tpu.yield
    }) : () -> ()
    %add3A_217 = arith.constant 1280 : i32
    %add3A_218 = arith.addi %mul3A_3, %add3A_217 : i32
    %mul3A_219 = arith.constant 51200 : i32
    %mul3A_220 = arith.muli %arg0, %mul3A_219 : i32
    %add3A_221 = arith.addi %mul3A_220, %add3A_218 : i32
    "tpu.region"() ({
      %run_scoped3A = tpu.sem_alloc : memref<!tpu.dma_semaphore, #tpu.memory_space<semaphore_mem>>
      %dma_start3A_242 = arith.constant 0 : i32
      %dma_start3A_243 = tpu.memref_slice %arg28[%add3A_218, %dma_start3A_242] : memref<51200x16xf32, #tpu.memory_space<vmem_shared>> -> memref<640x16xf32, #tpu.memory_space<vmem_shared>>
      %dma_start3A_244 = arith.constant 0 : i32
      %dma_start3A_245 = tpu.memref_slice %arg28[%add3A_218, %dma_start3A_244] : memref<51200x16xf32, #tpu.memory_space<vmem_shared>> -> memref<640x16xf32, #tpu.memory_space<vmem_shared>>
      tpu.enqueue_dma source(%dma_start3A_245 : memref<640x16xf32, #tpu.memory_space<vmem_shared>>) target(%arg23 : memref<640x16xf32, #tpu.memory_space<vmem>>) target_semaphore(%run_scoped3A : memref<!tpu.dma_semaphore, #tpu.memory_space<semaphore_mem>>)
      %dma_wait3A_246 = arith.constant 0 : i32
      %dma_wait3A_247 = tpu.memref_slice %arg28[%add3A_218, %dma_wait3A_246] : memref<51200x16xf32, #tpu.memory_space<vmem_shared>> -> memref<640x16xf32, #tpu.memory_space<vmem_shared>>
      %dma_wait3A_248 = arith.constant 0 : i32
      %dma_wait3A_249 = tpu.memref_slice %arg28[%add3A_218, %dma_wait3A_248] : memref<51200x16xf32, #tpu.memory_space<vmem_shared>> -> memref<640x16xf32, #tpu.memory_space<vmem_shared>>
      tpu.wait_dma2 semaphore(%run_scoped3A : memref<!tpu.dma_semaphore, #tpu.memory_space<semaphore_mem>>) src(%dma_wait3A_249 : memref<640x16xf32, #tpu.memory_space<vmem_shared>>) dst(%arg23 : memref<640x16xf32, #tpu.memory_space<vmem>>)
      tpu.yield
    }) : () -> ()
    "tpu.region"() ({
      %run_scoped3A = tpu.sem_alloc : memref<!tpu.dma_semaphore, #tpu.memory_space<semaphore_mem>>
      %dma_start3A_242 = arith.constant 0 : i32
      %dma_start3A_243 = tpu.memref_slice %arg10[%add3A_221, %dma_start3A_242] : memref<102400x16xf32, #tpu.memory_space<hbm>> -> memref<640x16xf32, #tpu.memory_space<hbm>>
      %dma_start3A_244 = arith.constant 0 : i32
      %dma_start3A_245 = tpu.memref_slice %arg10[%add3A_221, %dma_start3A_244] : memref<102400x16xf32, #tpu.memory_space<hbm>> -> memref<640x16xf32, #tpu.memory_space<hbm>>
      tpu.enqueue_dma source(%dma_start3A_245 : memref<640x16xf32, #tpu.memory_space<hbm>>) target(%arg24 : memref<640x16xf32, #tpu.memory_space<vmem>>) target_semaphore(%run_scoped3A : memref<!tpu.dma_semaphore, #tpu.memory_space<semaphore_mem>>)
      %dma_wait3A_246 = arith.constant 0 : i32
      %dma_wait3A_247 = tpu.memref_slice %arg10[%add3A_221, %dma_wait3A_246] : memref<102400x16xf32, #tpu.memory_space<hbm>> -> memref<640x16xf32, #tpu.memory_space<hbm>>
      %dma_wait3A_248 = arith.constant 0 : i32
      %dma_wait3A_249 = tpu.memref_slice %arg10[%add3A_221, %dma_wait3A_248] : memref<102400x16xf32, #tpu.memory_space<hbm>> -> memref<640x16xf32, #tpu.memory_space<hbm>>
      tpu.wait_dma2 semaphore(%run_scoped3A : memref<!tpu.dma_semaphore, #tpu.memory_space<semaphore_mem>>) src(%dma_wait3A_249 : memref<640x16xf32, #tpu.memory_space<hbm>>) dst(%arg24 : memref<640x16xf32, #tpu.memory_space<vmem>>)
      tpu.yield
    }) : () -> ()
    "tpu.region"() ({
      %run_scoped3A = tpu.sem_alloc : memref<!tpu.dma_semaphore, #tpu.memory_space<semaphore_mem>>
      %dma_start3A_242 = arith.constant 0 : i32
      %dma_start3A_243 = tpu.memref_slice %arg11[%add3A_221, %dma_start3A_242] : memref<102400x16xf32, #tpu.memory_space<hbm>> -> memref<640x16xf32, #tpu.memory_space<hbm>>
      %dma_start3A_244 = arith.constant 0 : i32
      %dma_start3A_245 = tpu.memref_slice %arg11[%add3A_221, %dma_start3A_244] : memref<102400x16xf32, #tpu.memory_space<hbm>> -> memref<640x16xf32, #tpu.memory_space<hbm>>
      tpu.enqueue_dma source(%dma_start3A_245 : memref<640x16xf32, #tpu.memory_space<hbm>>) target(%arg25 : memref<640x16xf32, #tpu.memory_space<vmem>>) target_semaphore(%run_scoped3A : memref<!tpu.dma_semaphore, #tpu.memory_space<semaphore_mem>>)
      %dma_wait3A_246 = arith.constant 0 : i32
      %dma_wait3A_247 = tpu.memref_slice %arg11[%add3A_221, %dma_wait3A_246] : memref<102400x16xf32, #tpu.memory_space<hbm>> -> memref<640x16xf32, #tpu.memory_space<hbm>>
      %dma_wait3A_248 = arith.constant 0 : i32
      %dma_wait3A_249 = tpu.memref_slice %arg11[%add3A_221, %dma_wait3A_248] : memref<102400x16xf32, #tpu.memory_space<hbm>> -> memref<640x16xf32, #tpu.memory_space<hbm>>
      tpu.wait_dma2 semaphore(%run_scoped3A : memref<!tpu.dma_semaphore, #tpu.memory_space<semaphore_mem>>) src(%dma_wait3A_249 : memref<640x16xf32, #tpu.memory_space<hbm>>) dst(%arg25 : memref<640x16xf32, #tpu.memory_space<vmem>>)
      tpu.yield
    }) : () -> ()
    %parallel_loop3A_222 = arith.constant 0 : i32
    %parallel_loop3A_223 = arith.constant 640 : i32
    %parallel_loop3A_224 = arith.constant 1 : i32
    scf.for %parallel_loop3A_242 = %parallel_loop3A_222 to %parallel_loop3A_223 step %parallel_loop3A_224  : i32 {
      %parallel_loop3A_243 = arith.index_cast %parallel_loop3A_242 : i32 to index
      %parallel_loop3A_244 = arith.constant 0 : index
      %parallel_loop3A_245 = tpu.vector_load %arg23[%parallel_loop3A_243, %parallel_loop3A_244] {strides = array<i32>} : memref<640x16xf32, #tpu.memory_space<vmem>>, vector<1x16xf32>,
      %parallel_loop3A_246 = vector.shape_cast %parallel_loop3A_245 : vector<1x16xf32> to vector<16xf32>
      %parallel_loop3A_247 = arith.constant 1.000000e+00 : f32
      %parallel_loop3A_248 = vector.broadcast %parallel_loop3A_247 : f32 to vector<16xf32>
      %parallel_loop3A_249 = arith.minimumf %parallel_loop3A_246, %parallel_loop3A_248 : vector<16xf32>
      %parallel_loop3A_250 = arith.index_cast %parallel_loop3A_242 : i32 to index
      %parallel_loop3A_251 = arith.constant 0 : index
      %parallel_loop3A_252 = tpu.vector_load %arg24[%parallel_loop3A_250, %parallel_loop3A_251] {strides = array<i32>} : memref<640x16xf32, #tpu.memory_space<vmem>>, vector<1x16xf32>,
      %parallel_loop3A_253 = vector.shape_cast %parallel_loop3A_252 : vector<1x16xf32> to vector<16xf32>
      %parallel_loop3A_254 = arith.constant 0.899999976 : f32
      %parallel_loop3A_255 = vector.broadcast %parallel_loop3A_254 : f32 to vector<16xf32>
      %parallel_loop3A_256 = arith.cmpf ogt, %parallel_loop3A_253, %parallel_loop3A_255 : vector<16xf32>
      %parallel_loop3A_257 = arith.constant 0.000000e+00 : f32
      %parallel_loop3A_258 = vector.broadcast %parallel_loop3A_257 : f32 to vector<16xf32>
      %parallel_loop3A_259 = arith.select %parallel_loop3A_256, %get3A_21, %parallel_loop3A_258 : vector<16xi1>, vector<16xf32>
      %parallel_loop3A_260 = arith.constant 1.000000e+00 : f32
      %parallel_loop3A_261 = vector.broadcast %parallel_loop3A_260 : f32 to vector<16xf32>
      %parallel_loop3A_262 = arith.subf %parallel_loop3A_261, %parallel_loop3A_259 : vector<16xf32>
      %parallel_loop3A_263 = arith.mulf %parallel_loop3A_249, %parallel_loop3A_262 : vector<16xf32>
      %parallel_loop3A_264 = arith.mulf %get3A_26, %parallel_loop3A_253 : vector<16xf32>
      %parallel_loop3A_265 = arith.index_cast %parallel_loop3A_242 : i32 to index
      %parallel_loop3A_266 = arith.constant 0 : index
      %parallel_loop3A_267 = tpu.vector_load %arg25[%parallel_loop3A_265, %parallel_loop3A_266] {strides = array<i32>} : memref<640x16xf32, #tpu.memory_space<vmem>>, vector<1x16xf32>,
      %parallel_loop3A_268 = vector.shape_cast %parallel_loop3A_267 : vector<1x16xf32> to vector<16xf32>
      %parallel_loop3A_269 = arith.mulf %get3A_31, %parallel_loop3A_268 : vector<16xf32>
      %parallel_loop3A_270 = arith.addf %parallel_loop3A_264, %parallel_loop3A_269 : vector<16xf32>
      %parallel_loop3A_271 = arith.mulf %get3A_36, %parallel_loop3A_263 : vector<16xf32>
      %parallel_loop3A_272 = arith.addf %parallel_loop3A_270, %parallel_loop3A_271 : vector<16xf32>
      %parallel_loop3A_273 = arith.constant 0.000000e+00 : f32
      %parallel_loop3A_274 = vector.broadcast %parallel_loop3A_273 : f32 to vector<16xf32>
      %parallel_loop3A_275 = arith.cmpf ogt, %parallel_loop3A_253, %parallel_loop3A_274 : vector<16xf32>
      %parallel_loop3A_276 = arith.constant 0.000000e+00 : f32
      %parallel_loop3A_277 = vector.broadcast %parallel_loop3A_276 : f32 to vector<16xf32>
      %parallel_loop3A_278 = arith.select %parallel_loop3A_275, %get3A_41, %parallel_loop3A_277 : vector<16xi1>, vector<16xf32>
      %parallel_loop3A_279 = arith.constant 1.000000e-01 : f32
      %parallel_loop3A_280 = vector.broadcast %parallel_loop3A_279 : f32 to vector<16xf32>
      %parallel_loop3A_281 = arith.mulf %parallel_loop3A_280, %parallel_loop3A_278 : vector<16xf32>
      %parallel_loop3A_282 = arith.constant 1.000000e+00 : f32
      %parallel_loop3A_283 = vector.broadcast %parallel_loop3A_282 : f32 to vector<16xf32>
      %parallel_loop3A_284 = arith.subf %parallel_loop3A_283, %parallel_loop3A_281 : vector<16xf32>
      %parallel_loop3A_285 = arith.mulf %parallel_loop3A_272, %parallel_loop3A_284 : vector<16xf32>
      %parallel_loop3A_286 = arith.index_cast %parallel_loop3A_242 : i32 to index
      %parallel_loop3A_287 = arith.constant 0 : index
      %parallel_loop3A_288 = tpu.vector_load %arg23[%parallel_loop3A_286, %parallel_loop3A_287] {strides = array<i32>} : memref<640x16xf32, #tpu.memory_space<vmem>>, vector<1x16xf32>,
      %parallel_loop3A_289 = vector.shape_cast %parallel_loop3A_288 : vector<1x16xf32> to vector<16xf32>
      %parallel_loop3A_290 = vector.shape_cast %parallel_loop3A_285 : vector<16xf32> to vector<1x16xf32>
      tpu.vector_store %arg23[%parallel_loop3A_286, %parallel_loop3A_287], %parallel_loop3A_290 {strides = array<i32>} : memref<640x16xf32, #tpu.memory_space<vmem>>, vector<1x16xf32>,
    } {sc.loop_unroll_factor = 8 : i64, sc.parallel_access}
    "tpu.region"() ({
      %run_scoped3A = tpu.sem_alloc : memref<!tpu.dma_semaphore, #tpu.memory_space<semaphore_mem>>
      %dma_start3A_242 = arith.constant 0 : i32
      %dma_start3A_243 = tpu.memref_slice %arg12[%add3A_221, %dma_start3A_242] : memref<102400x16xf32, #tpu.memory_space<hbm>> -> memref<640x16xf32, #tpu.memory_space<hbm>>
      %dma_start3A_244 = arith.constant 0 : i32
      %dma_start3A_245 = tpu.memref_slice %arg12[%add3A_221, %dma_start3A_244] : memref<102400x16xf32, #tpu.memory_space<hbm>> -> memref<640x16xf32, #tpu.memory_space<hbm>>
      tpu.enqueue_dma source(%arg23 : memref<640x16xf32, #tpu.memory_space<vmem>>) target(%dma_start3A_245 : memref<640x16xf32, #tpu.memory_space<hbm>>) target_semaphore(%run_scoped3A : memref<!tpu.dma_semaphore, #tpu.memory_space<semaphore_mem>>)
      %dma_wait3A_246 = arith.constant 0 : i32
      %dma_wait3A_247 = tpu.memref_slice %arg12[%add3A_221, %dma_wait3A_246] : memref<102400x16xf32, #tpu.memory_space<hbm>> -> memref<640x16xf32, #tpu.memory_space<hbm>>
      %dma_wait3A_248 = arith.constant 0 : i32
      %dma_wait3A_249 = tpu.memref_slice %arg12[%add3A_221, %dma_wait3A_248] : memref<102400x16xf32, #tpu.memory_space<hbm>> -> memref<640x16xf32, #tpu.memory_space<hbm>>
      tpu.wait_dma2 semaphore(%run_scoped3A : memref<!tpu.dma_semaphore, #tpu.memory_space<semaphore_mem>>) src(%arg23 : memref<640x16xf32, #tpu.memory_space<vmem>>) dst(%dma_wait3A_249 : memref<640x16xf32, #tpu.memory_space<hbm>>)
      tpu.yield
    }) : () -> ()
    %add3A_225 = arith.constant 1920 : i32
    %add3A_226 = arith.addi %mul3A_3, %add3A_225 : i32
    %mul3A_227 = arith.constant 51200 : i32
    %mul3A_228 = arith.muli %arg0, %mul3A_227 : i32
    %add3A_229 = arith.addi %mul3A_228, %add3A_226 : i32
    "tpu.region"() ({
      %run_scoped3A = tpu.sem_alloc : memref<!tpu.dma_semaphore, #tpu.memory_space<semaphore_mem>>
      %dma_start3A_242 = arith.constant 0 : i32
      %dma_start3A_243 = tpu.memref_slice %arg28[%add3A_226, %dma_start3A_242] : memref<51200x16xf32, #tpu.memory_space<vmem_shared>> -> memref<640x16xf32, #tpu.memory_space<vmem_shared>>
      %dma_start3A_244 = arith.constant 0 : i32
      %dma_start3A_245 = tpu.memref_slice %arg28[%add3A_226, %dma_start3A_244] : memref<51200x16xf32, #tpu.memory_space<vmem_shared>> -> memref<640x16xf32, #tpu.memory_space<vmem_shared>>
      tpu.enqueue_dma source(%dma_start3A_245 : memref<640x16xf32, #tpu.memory_space<vmem_shared>>) target(%arg23 : memref<640x16xf32, #tpu.memory_space<vmem>>) target_semaphore(%run_scoped3A : memref<!tpu.dma_semaphore, #tpu.memory_space<semaphore_mem>>)
      %dma_wait3A_246 = arith.constant 0 : i32
      %dma_wait3A_247 = tpu.memref_slice %arg28[%add3A_226, %dma_wait3A_246] : memref<51200x16xf32, #tpu.memory_space<vmem_shared>> -> memref<640x16xf32, #tpu.memory_space<vmem_shared>>
      %dma_wait3A_248 = arith.constant 0 : i32
      %dma_wait3A_249 = tpu.memref_slice %arg28[%add3A_226, %dma_wait3A_248] : memref<51200x16xf32, #tpu.memory_space<vmem_shared>> -> memref<640x16xf32, #tpu.memory_space<vmem_shared>>
      tpu.wait_dma2 semaphore(%run_scoped3A : memref<!tpu.dma_semaphore, #tpu.memory_space<semaphore_mem>>) src(%dma_wait3A_249 : memref<640x16xf32, #tpu.memory_space<vmem_shared>>) dst(%arg23 : memref<640x16xf32, #tpu.memory_space<vmem>>)
      tpu.yield
    }) : () -> ()
    "tpu.region"() ({
      %run_scoped3A = tpu.sem_alloc : memref<!tpu.dma_semaphore, #tpu.memory_space<semaphore_mem>>
      %dma_start3A_242 = arith.constant 0 : i32
      %dma_start3A_243 = tpu.memref_slice %arg10[%add3A_229, %dma_start3A_242] : memref<102400x16xf32, #tpu.memory_space<hbm>> -> memref<640x16xf32, #tpu.memory_space<hbm>>
      %dma_start3A_244 = arith.constant 0 : i32
      %dma_start3A_245 = tpu.memref_slice %arg10[%add3A_229, %dma_start3A_244] : memref<102400x16xf32, #tpu.memory_space<hbm>> -> memref<640x16xf32, #tpu.memory_space<hbm>>
      tpu.enqueue_dma source(%dma_start3A_245 : memref<640x16xf32, #tpu.memory_space<hbm>>) target(%arg24 : memref<640x16xf32, #tpu.memory_space<vmem>>) target_semaphore(%run_scoped3A : memref<!tpu.dma_semaphore, #tpu.memory_space<semaphore_mem>>)
      %dma_wait3A_246 = arith.constant 0 : i32
      %dma_wait3A_247 = tpu.memref_slice %arg10[%add3A_229, %dma_wait3A_246] : memref<102400x16xf32, #tpu.memory_space<hbm>> -> memref<640x16xf32, #tpu.memory_space<hbm>>
      %dma_wait3A_248 = arith.constant 0 : i32
      %dma_wait3A_249 = tpu.memref_slice %arg10[%add3A_229, %dma_wait3A_248] : memref<102400x16xf32, #tpu.memory_space<hbm>> -> memref<640x16xf32, #tpu.memory_space<hbm>>
      tpu.wait_dma2 semaphore(%run_scoped3A : memref<!tpu.dma_semaphore, #tpu.memory_space<semaphore_mem>>) src(%dma_wait3A_249 : memref<640x16xf32, #tpu.memory_space<hbm>>) dst(%arg24 : memref<640x16xf32, #tpu.memory_space<vmem>>)
      tpu.yield
    }) : () -> ()
    "tpu.region"() ({
      %run_scoped3A = tpu.sem_alloc : memref<!tpu.dma_semaphore, #tpu.memory_space<semaphore_mem>>
      %dma_start3A_242 = arith.constant 0 : i32
      %dma_start3A_243 = tpu.memref_slice %arg11[%add3A_229, %dma_start3A_242] : memref<102400x16xf32, #tpu.memory_space<hbm>> -> memref<640x16xf32, #tpu.memory_space<hbm>>
      %dma_start3A_244 = arith.constant 0 : i32
      %dma_start3A_245 = tpu.memref_slice %arg11[%add3A_229, %dma_start3A_244] : memref<102400x16xf32, #tpu.memory_space<hbm>> -> memref<640x16xf32, #tpu.memory_space<hbm>>
      tpu.enqueue_dma source(%dma_start3A_245 : memref<640x16xf32, #tpu.memory_space<hbm>>) target(%arg25 : memref<640x16xf32, #tpu.memory_space<vmem>>) target_semaphore(%run_scoped3A : memref<!tpu.dma_semaphore, #tpu.memory_space<semaphore_mem>>)
      %dma_wait3A_246 = arith.constant 0 : i32
      %dma_wait3A_247 = tpu.memref_slice %arg11[%add3A_229, %dma_wait3A_246] : memref<102400x16xf32, #tpu.memory_space<hbm>> -> memref<640x16xf32, #tpu.memory_space<hbm>>
      %dma_wait3A_248 = arith.constant 0 : i32
      %dma_wait3A_249 = tpu.memref_slice %arg11[%add3A_229, %dma_wait3A_248] : memref<102400x16xf32, #tpu.memory_space<hbm>> -> memref<640x16xf32, #tpu.memory_space<hbm>>
      tpu.wait_dma2 semaphore(%run_scoped3A : memref<!tpu.dma_semaphore, #tpu.memory_space<semaphore_mem>>) src(%dma_wait3A_249 : memref<640x16xf32, #tpu.memory_space<hbm>>) dst(%arg25 : memref<640x16xf32, #tpu.memory_space<vmem>>)
      tpu.yield
    }) : () -> ()
    %parallel_loop3A_230 = arith.constant 0 : i32
    %parallel_loop3A_231 = arith.constant 640 : i32
    %parallel_loop3A_232 = arith.constant 1 : i32
    scf.for %parallel_loop3A_242 = %parallel_loop3A_230 to %parallel_loop3A_231 step %parallel_loop3A_232  : i32 {
      %parallel_loop3A_243 = arith.index_cast %parallel_loop3A_242 : i32 to index
      %parallel_loop3A_244 = arith.constant 0 : index
      %parallel_loop3A_245 = tpu.vector_load %arg23[%parallel_loop3A_243, %parallel_loop3A_244] {strides = array<i32>} : memref<640x16xf32, #tpu.memory_space<vmem>>, vector<1x16xf32>,
      %parallel_loop3A_246 = vector.shape_cast %parallel_loop3A_245 : vector<1x16xf32> to vector<16xf32>
      %parallel_loop3A_247 = arith.constant 1.000000e+00 : f32
      %parallel_loop3A_248 = vector.broadcast %parallel_loop3A_247 : f32 to vector<16xf32>
      %parallel_loop3A_249 = arith.minimumf %parallel_loop3A_246, %parallel_loop3A_248 : vector<16xf32>
      %parallel_loop3A_250 = arith.index_cast %parallel_loop3A_242 : i32 to index
      %parallel_loop3A_251 = arith.constant 0 : index
      %parallel_loop3A_252 = tpu.vector_load %arg24[%parallel_loop3A_250, %parallel_loop3A_251] {strides = array<i32>} : memref<640x16xf32, #tpu.memory_space<vmem>>, vector<1x16xf32>,
      %parallel_loop3A_253 = vector.shape_cast %parallel_loop3A_252 : vector<1x16xf32> to vector<16xf32>
      %parallel_loop3A_254 = arith.constant 0.899999976 : f32
      %parallel_loop3A_255 = vector.broadcast %parallel_loop3A_254 : f32 to vector<16xf32>
      %parallel_loop3A_256 = arith.cmpf ogt, %parallel_loop3A_253, %parallel_loop3A_255 : vector<16xf32>
      %parallel_loop3A_257 = arith.constant 0.000000e+00 : f32
      %parallel_loop3A_258 = vector.broadcast %parallel_loop3A_257 : f32 to vector<16xf32>
      %parallel_loop3A_259 = arith.select %parallel_loop3A_256, %get3A_21, %parallel_loop3A_258 : vector<16xi1>, vector<16xf32>
      %parallel_loop3A_260 = arith.constant 1.000000e+00 : f32
      %parallel_loop3A_261 = vector.broadcast %parallel_loop3A_260 : f32 to vector<16xf32>
      %parallel_loop3A_262 = arith.subf %parallel_loop3A_261, %parallel_loop3A_259 : vector<16xf32>
      %parallel_loop3A_263 = arith.mulf %parallel_loop3A_249, %parallel_loop3A_262 : vector<16xf32>
      %parallel_loop3A_264 = arith.mulf %get3A_26, %parallel_loop3A_253 : vector<16xf32>
      %parallel_loop3A_265 = arith.index_cast %parallel_loop3A_242 : i32 to index
      %parallel_loop3A_266 = arith.constant 0 : index
      %parallel_loop3A_267 = tpu.vector_load %arg25[%parallel_loop3A_265, %parallel_loop3A_266] {strides = array<i32>} : memref<640x16xf32, #tpu.memory_space<vmem>>, vector<1x16xf32>,
      %parallel_loop3A_268 = vector.shape_cast %parallel_loop3A_267 : vector<1x16xf32> to vector<16xf32>
      %parallel_loop3A_269 = arith.mulf %get3A_31, %parallel_loop3A_268 : vector<16xf32>
      %parallel_loop3A_270 = arith.addf %parallel_loop3A_264, %parallel_loop3A_269 : vector<16xf32>
      %parallel_loop3A_271 = arith.mulf %get3A_36, %parallel_loop3A_263 : vector<16xf32>
      %parallel_loop3A_272 = arith.addf %parallel_loop3A_270, %parallel_loop3A_271 : vector<16xf32>
      %parallel_loop3A_273 = arith.constant 0.000000e+00 : f32
      %parallel_loop3A_274 = vector.broadcast %parallel_loop3A_273 : f32 to vector<16xf32>
      %parallel_loop3A_275 = arith.cmpf ogt, %parallel_loop3A_253, %parallel_loop3A_274 : vector<16xf32>
      %parallel_loop3A_276 = arith.constant 0.000000e+00 : f32
      %parallel_loop3A_277 = vector.broadcast %parallel_loop3A_276 : f32 to vector<16xf32>
      %parallel_loop3A_278 = arith.select %parallel_loop3A_275, %get3A_41, %parallel_loop3A_277 : vector<16xi1>, vector<16xf32>
      %parallel_loop3A_279 = arith.constant 1.000000e-01 : f32
      %parallel_loop3A_280 = vector.broadcast %parallel_loop3A_279 : f32 to vector<16xf32>
      %parallel_loop3A_281 = arith.mulf %parallel_loop3A_280, %parallel_loop3A_278 : vector<16xf32>
      %parallel_loop3A_282 = arith.constant 1.000000e+00 : f32
      %parallel_loop3A_283 = vector.broadcast %parallel_loop3A_282 : f32 to vector<16xf32>
      %parallel_loop3A_284 = arith.subf %parallel_loop3A_283, %parallel_loop3A_281 : vector<16xf32>
      %parallel_loop3A_285 = arith.mulf %parallel_loop3A_272, %parallel_loop3A_284 : vector<16xf32>
      %parallel_loop3A_286 = arith.index_cast %parallel_loop3A_242 : i32 to index
      %parallel_loop3A_287 = arith.constant 0 : index
      %parallel_loop3A_288 = tpu.vector_load %arg23[%parallel_loop3A_286, %parallel_loop3A_287] {strides = array<i32>} : memref<640x16xf32, #tpu.memory_space<vmem>>, vector<1x16xf32>,
      %parallel_loop3A_289 = vector.shape_cast %parallel_loop3A_288 : vector<1x16xf32> to vector<16xf32>
      %parallel_loop3A_290 = vector.shape_cast %parallel_loop3A_285 : vector<16xf32> to vector<1x16xf32>
      tpu.vector_store %arg23[%parallel_loop3A_286, %parallel_loop3A_287], %parallel_loop3A_290 {strides = array<i32>} : memref<640x16xf32, #tpu.memory_space<vmem>>, vector<1x16xf32>,
    } {sc.loop_unroll_factor = 8 : i64, sc.parallel_access}
    "tpu.region"() ({
      %run_scoped3A = tpu.sem_alloc : memref<!tpu.dma_semaphore, #tpu.memory_space<semaphore_mem>>
      %dma_start3A_242 = arith.constant 0 : i32
      %dma_start3A_243 = tpu.memref_slice %arg12[%add3A_229, %dma_start3A_242] : memref<102400x16xf32, #tpu.memory_space<hbm>> -> memref<640x16xf32, #tpu.memory_space<hbm>>
      %dma_start3A_244 = arith.constant 0 : i32
      %dma_start3A_245 = tpu.memref_slice %arg12[%add3A_229, %dma_start3A_244] : memref<102400x16xf32, #tpu.memory_space<hbm>> -> memref<640x16xf32, #tpu.memory_space<hbm>>
      tpu.enqueue_dma source(%arg23 : memref<640x16xf32, #tpu.memory_space<vmem>>) target(%dma_start3A_245 : memref<640x16xf32, #tpu.memory_space<hbm>>) target_semaphore(%run_scoped3A : memref<!tpu.dma_semaphore, #tpu.memory_space<semaphore_mem>>)
      %dma_wait3A_246 = arith.constant 0 : i32
      %dma_wait3A_247 = tpu.memref_slice %arg12[%add3A_229, %dma_wait3A_246] : memref<102400x16xf32, #tpu.memory_space<hbm>> -> memref<640x16xf32, #tpu.memory_space<hbm>>
      %dma_wait3A_248 = arith.constant 0 : i32
      %dma_wait3A_249 = tpu.memref_slice %arg12[%add3A_229, %dma_wait3A_248] : memref<102400x16xf32, #tpu.memory_space<hbm>> -> memref<640x16xf32, #tpu.memory_space<hbm>>
      tpu.wait_dma2 semaphore(%run_scoped3A : memref<!tpu.dma_semaphore, #tpu.memory_space<semaphore_mem>>) src(%arg23 : memref<640x16xf32, #tpu.memory_space<vmem>>) dst(%dma_wait3A_249 : memref<640x16xf32, #tpu.memory_space<hbm>>)
      tpu.yield
    }) : () -> ()
    %add3A_233 = arith.constant 2560 : i32
    %add3A_234 = arith.addi %mul3A_3, %add3A_233 : i32
    %mul3A_235 = arith.constant 51200 : i32
    %mul3A_236 = arith.muli %arg0, %mul3A_235 : i32
    %add3A_237 = arith.addi %mul3A_236, %add3A_234 : i32
    "tpu.region"() ({
      %run_scoped3A = tpu.sem_alloc : memref<!tpu.dma_semaphore, #tpu.memory_space<semaphore_mem>>
      %dma_start3A_242 = arith.constant 0 : i32
      %dma_start3A_243 = tpu.memref_slice %arg28[%add3A_234, %dma_start3A_242] : memref<51200x16xf32, #tpu.memory_space<vmem_shared>> -> memref<640x16xf32, #tpu.memory_space<vmem_shared>>
      %dma_start3A_244 = arith.constant 0 : i32
      %dma_start3A_245 = tpu.memref_slice %arg28[%add3A_234, %dma_start3A_244] : memref<51200x16xf32, #tpu.memory_space<vmem_shared>> -> memref<640x16xf32, #tpu.memory_space<vmem_shared>>
      tpu.enqueue_dma source(%dma_start3A_245 : memref<640x16xf32, #tpu.memory_space<vmem_shared>>) target(%arg23 : memref<640x16xf32, #tpu.memory_space<vmem>>) target_semaphore(%run_scoped3A : memref<!tpu.dma_semaphore, #tpu.memory_space<semaphore_mem>>)
      %dma_wait3A_246 = arith.constant 0 : i32
      %dma_wait3A_247 = tpu.memref_slice %arg28[%add3A_234, %dma_wait3A_246] : memref<51200x16xf32, #tpu.memory_space<vmem_shared>> -> memref<640x16xf32, #tpu.memory_space<vmem_shared>>
      %dma_wait3A_248 = arith.constant 0 : i32
      %dma_wait3A_249 = tpu.memref_slice %arg28[%add3A_234, %dma_wait3A_248] : memref<51200x16xf32, #tpu.memory_space<vmem_shared>> -> memref<640x16xf32, #tpu.memory_space<vmem_shared>>
      tpu.wait_dma2 semaphore(%run_scoped3A : memref<!tpu.dma_semaphore, #tpu.memory_space<semaphore_mem>>) src(%dma_wait3A_249 : memref<640x16xf32, #tpu.memory_space<vmem_shared>>) dst(%arg23 : memref<640x16xf32, #tpu.memory_space<vmem>>)
      tpu.yield
    }) : () -> ()
    "tpu.region"() ({
      %run_scoped3A = tpu.sem_alloc : memref<!tpu.dma_semaphore, #tpu.memory_space<semaphore_mem>>
      %dma_start3A_242 = arith.constant 0 : i32
      %dma_start3A_243 = tpu.memref_slice %arg10[%add3A_237, %dma_start3A_242] : memref<102400x16xf32, #tpu.memory_space<hbm>> -> memref<640x16xf32, #tpu.memory_space<hbm>>
      %dma_start3A_244 = arith.constant 0 : i32
      %dma_start3A_245 = tpu.memref_slice %arg10[%add3A_237, %dma_start3A_244] : memref<102400x16xf32, #tpu.memory_space<hbm>> -> memref<640x16xf32, #tpu.memory_space<hbm>>
      tpu.enqueue_dma source(%dma_start3A_245 : memref<640x16xf32, #tpu.memory_space<hbm>>) target(%arg24 : memref<640x16xf32, #tpu.memory_space<vmem>>) target_semaphore(%run_scoped3A : memref<!tpu.dma_semaphore, #tpu.memory_space<semaphore_mem>>)
      %dma_wait3A_246 = arith.constant 0 : i32
      %dma_wait3A_247 = tpu.memref_slice %arg10[%add3A_237, %dma_wait3A_246] : memref<102400x16xf32, #tpu.memory_space<hbm>> -> memref<640x16xf32, #tpu.memory_space<hbm>>
      %dma_wait3A_248 = arith.constant 0 : i32
      %dma_wait3A_249 = tpu.memref_slice %arg10[%add3A_237, %dma_wait3A_248] : memref<102400x16xf32, #tpu.memory_space<hbm>> -> memref<640x16xf32, #tpu.memory_space<hbm>>
      tpu.wait_dma2 semaphore(%run_scoped3A : memref<!tpu.dma_semaphore, #tpu.memory_space<semaphore_mem>>) src(%dma_wait3A_249 : memref<640x16xf32, #tpu.memory_space<hbm>>) dst(%arg24 : memref<640x16xf32, #tpu.memory_space<vmem>>)
      tpu.yield
    }) : () -> ()
    "tpu.region"() ({
      %run_scoped3A = tpu.sem_alloc : memref<!tpu.dma_semaphore, #tpu.memory_space<semaphore_mem>>
      %dma_start3A_242 = arith.constant 0 : i32
      %dma_start3A_243 = tpu.memref_slice %arg11[%add3A_237, %dma_start3A_242] : memref<102400x16xf32, #tpu.memory_space<hbm>> -> memref<640x16xf32, #tpu.memory_space<hbm>>
      %dma_start3A_244 = arith.constant 0 : i32
      %dma_start3A_245 = tpu.memref_slice %arg11[%add3A_237, %dma_start3A_244] : memref<102400x16xf32, #tpu.memory_space<hbm>> -> memref<640x16xf32, #tpu.memory_space<hbm>>
      tpu.enqueue_dma source(%dma_start3A_245 : memref<640x16xf32, #tpu.memory_space<hbm>>) target(%arg25 : memref<640x16xf32, #tpu.memory_space<vmem>>) target_semaphore(%run_scoped3A : memref<!tpu.dma_semaphore, #tpu.memory_space<semaphore_mem>>)
      %dma_wait3A_246 = arith.constant 0 : i32
      %dma_wait3A_247 = tpu.memref_slice %arg11[%add3A_237, %dma_wait3A_246] : memref<102400x16xf32, #tpu.memory_space<hbm>> -> memref<640x16xf32, #tpu.memory_space<hbm>>
      %dma_wait3A_248 = arith.constant 0 : i32
      %dma_wait3A_249 = tpu.memref_slice %arg11[%add3A_237, %dma_wait3A_248] : memref<102400x16xf32, #tpu.memory_space<hbm>> -> memref<640x16xf32, #tpu.memory_space<hbm>>
      tpu.wait_dma2 semaphore(%run_scoped3A : memref<!tpu.dma_semaphore, #tpu.memory_space<semaphore_mem>>) src(%dma_wait3A_249 : memref<640x16xf32, #tpu.memory_space<hbm>>) dst(%arg25 : memref<640x16xf32, #tpu.memory_space<vmem>>)
      tpu.yield
    }) : () -> ()
    %parallel_loop3A_238 = arith.constant 0 : i32
    %parallel_loop3A_239 = arith.constant 640 : i32
    %parallel_loop3A_240 = arith.constant 1 : i32
    scf.for %parallel_loop3A_242 = %parallel_loop3A_238 to %parallel_loop3A_239 step %parallel_loop3A_240  : i32 {
      %parallel_loop3A_243 = arith.index_cast %parallel_loop3A_242 : i32 to index
      %parallel_loop3A_244 = arith.constant 0 : index
      %parallel_loop3A_245 = tpu.vector_load %arg23[%parallel_loop3A_243, %parallel_loop3A_244] {strides = array<i32>} : memref<640x16xf32, #tpu.memory_space<vmem>>, vector<1x16xf32>,
      %parallel_loop3A_246 = vector.shape_cast %parallel_loop3A_245 : vector<1x16xf32> to vector<16xf32>
      %parallel_loop3A_247 = arith.constant 1.000000e+00 : f32
      %parallel_loop3A_248 = vector.broadcast %parallel_loop3A_247 : f32 to vector<16xf32>
      %parallel_loop3A_249 = arith.minimumf %parallel_loop3A_246, %parallel_loop3A_248 : vector<16xf32>
      %parallel_loop3A_250 = arith.index_cast %parallel_loop3A_242 : i32 to index
      %parallel_loop3A_251 = arith.constant 0 : index
      %parallel_loop3A_252 = tpu.vector_load %arg24[%parallel_loop3A_250, %parallel_loop3A_251] {strides = array<i32>} : memref<640x16xf32, #tpu.memory_space<vmem>>, vector<1x16xf32>,
      %parallel_loop3A_253 = vector.shape_cast %parallel_loop3A_252 : vector<1x16xf32> to vector<16xf32>
      %parallel_loop3A_254 = arith.constant 0.899999976 : f32
      %parallel_loop3A_255 = vector.broadcast %parallel_loop3A_254 : f32 to vector<16xf32>
      %parallel_loop3A_256 = arith.cmpf ogt, %parallel_loop3A_253, %parallel_loop3A_255 : vector<16xf32>
      %parallel_loop3A_257 = arith.constant 0.000000e+00 : f32
      %parallel_loop3A_258 = vector.broadcast %parallel_loop3A_257 : f32 to vector<16xf32>
      %parallel_loop3A_259 = arith.select %parallel_loop3A_256, %get3A_21, %parallel_loop3A_258 : vector<16xi1>, vector<16xf32>
      %parallel_loop3A_260 = arith.constant 1.000000e+00 : f32
      %parallel_loop3A_261 = vector.broadcast %parallel_loop3A_260 : f32 to vector<16xf32>
      %parallel_loop3A_262 = arith.subf %parallel_loop3A_261, %parallel_loop3A_259 : vector<16xf32>
      %parallel_loop3A_263 = arith.mulf %parallel_loop3A_249, %parallel_loop3A_262 : vector<16xf32>
      %parallel_loop3A_264 = arith.mulf %get3A_26, %parallel_loop3A_253 : vector<16xf32>
      %parallel_loop3A_265 = arith.index_cast %parallel_loop3A_242 : i32 to index
      %parallel_loop3A_266 = arith.constant 0 : index
      %parallel_loop3A_267 = tpu.vector_load %arg25[%parallel_loop3A_265, %parallel_loop3A_266] {strides = array<i32>} : memref<640x16xf32, #tpu.memory_space<vmem>>, vector<1x16xf32>,
      %parallel_loop3A_268 = vector.shape_cast %parallel_loop3A_267 : vector<1x16xf32> to vector<16xf32>
      %parallel_loop3A_269 = arith.mulf %get3A_31, %parallel_loop3A_268 : vector<16xf32>
      %parallel_loop3A_270 = arith.addf %parallel_loop3A_264, %parallel_loop3A_269 : vector<16xf32>
      %parallel_loop3A_271 = arith.mulf %get3A_36, %parallel_loop3A_263 : vector<16xf32>
      %parallel_loop3A_272 = arith.addf %parallel_loop3A_270, %parallel_loop3A_271 : vector<16xf32>
      %parallel_loop3A_273 = arith.constant 0.000000e+00 : f32
      %parallel_loop3A_274 = vector.broadcast %parallel_loop3A_273 : f32 to vector<16xf32>
      %parallel_loop3A_275 = arith.cmpf ogt, %parallel_loop3A_253, %parallel_loop3A_274 : vector<16xf32>
      %parallel_loop3A_276 = arith.constant 0.000000e+00 : f32
      %parallel_loop3A_277 = vector.broadcast %parallel_loop3A_276 : f32 to vector<16xf32>
      %parallel_loop3A_278 = arith.select %parallel_loop3A_275, %get3A_41, %parallel_loop3A_277 : vector<16xi1>, vector<16xf32>
      %parallel_loop3A_279 = arith.constant 1.000000e-01 : f32
      %parallel_loop3A_280 = vector.broadcast %parallel_loop3A_279 : f32 to vector<16xf32>
      %parallel_loop3A_281 = arith.mulf %parallel_loop3A_280, %parallel_loop3A_278 : vector<16xf32>
      %parallel_loop3A_282 = arith.constant 1.000000e+00 : f32
      %parallel_loop3A_283 = vector.broadcast %parallel_loop3A_282 : f32 to vector<16xf32>
      %parallel_loop3A_284 = arith.subf %parallel_loop3A_283, %parallel_loop3A_281 : vector<16xf32>
      %parallel_loop3A_285 = arith.mulf %parallel_loop3A_272, %parallel_loop3A_284 : vector<16xf32>
      %parallel_loop3A_286 = arith.index_cast %parallel_loop3A_242 : i32 to index
      %parallel_loop3A_287 = arith.constant 0 : index
      %parallel_loop3A_288 = tpu.vector_load %arg23[%parallel_loop3A_286, %parallel_loop3A_287] {strides = array<i32>} : memref<640x16xf32, #tpu.memory_space<vmem>>, vector<1x16xf32>,
      %parallel_loop3A_289 = vector.shape_cast %parallel_loop3A_288 : vector<1x16xf32> to vector<16xf32>
      %parallel_loop3A_290 = vector.shape_cast %parallel_loop3A_285 : vector<16xf32> to vector<1x16xf32>
      tpu.vector_store %arg23[%parallel_loop3A_286, %parallel_loop3A_287], %parallel_loop3A_290 {strides = array<i32>} : memref<640x16xf32, #tpu.memory_space<vmem>>, vector<1x16xf32>,
    } {sc.loop_unroll_factor = 8 : i64, sc.parallel_access}
    "tpu.region"() ({
      %run_scoped3A = tpu.sem_alloc : memref<!tpu.dma_semaphore, #tpu.memory_space<semaphore_mem>>
      %dma_start3A_242 = arith.constant 0 : i32
      %dma_start3A_243 = tpu.memref_slice %arg12[%add3A_237, %dma_start3A_242] : memref<102400x16xf32, #tpu.memory_space<hbm>> -> memref<640x16xf32, #tpu.memory_space<hbm>>
      %dma_start3A_244 = arith.constant 0 : i32
      %dma_start3A_245 = tpu.memref_slice %arg12[%add3A_237, %dma_start3A_244] : memref<102400x16xf32, #tpu.memory_space<hbm>> -> memref<640x16xf32, #tpu.memory_space<hbm>>
      tpu.enqueue_dma source(%arg23 : memref<640x16xf32, #tpu.memory_space<vmem>>) target(%dma_start3A_245 : memref<640x16xf32, #tpu.memory_space<hbm>>) target_semaphore(%run_scoped3A : memref<!tpu.dma_semaphore, #tpu.memory_space<semaphore_mem>>)
      %dma_wait3A_246 = arith.constant 0 : i32
      %dma_wait3A_247 = tpu.memref_slice %arg12[%add3A_237, %dma_wait3A_246] : memref<102400x16xf32, #tpu.memory_space<hbm>> -> memref<640x16xf32, #tpu.memory_space<hbm>>
      %dma_wait3A_248 = arith.constant 0 : i32
      %dma_wait3A_249 = tpu.memref_slice %arg12[%add3A_237, %dma_wait3A_248] : memref<102400x16xf32, #tpu.memory_space<hbm>> -> memref<640x16xf32, #tpu.memory_space<hbm>>
      tpu.wait_dma2 semaphore(%run_scoped3A : memref<!tpu.dma_semaphore, #tpu.memory_space<semaphore_mem>>) src(%arg23 : memref<640x16xf32, #tpu.memory_space<vmem>>) dst(%dma_wait3A_249 : memref<640x16xf32, #tpu.memory_space<hbm>>)
      tpu.yield
    }) : () -> ()
    %barrier3A_241 = arith.constant 0 : index
    tpu.barrier barrier_id(%barrier3A_241)
    return
  }
}

</mosaic_0001>

<sc_bundles>
// kernel: kernel.3.cloned.1.call-start
scs
__scs_entry_jumppad:
0x0: {  	(pc) =	sbr.rel $0x88, $3  }
0x1: {  	(tag) =	ssettag $0x0;
	lr =	simm.s32 $0x1  }
0x2: {  	[smem:$0x3F8B] =	sst lr;
	_ =	strace $0xD0000000  }
0x3: {  	_ = 	snop  }
0x4: {  	_ = 	snop  }
0x5: {  	_ = 	snop  }
0x6: {  	_ = 	snop  }
0x7: {  	_ = 	snop  }
__scs_overlays_trampoline_lowered:
0x8: {  	[smem:$0x3F9A] =	sst s0  }
0x9: {  	[smem:$0x3F9B] =	sst s1  }
0xa: {  	[smem:$0x3F9C] =	sst s2  }
0xb: {  	[smem:$0x3F9D] =	sst s3  }
0xc: {  	[smem:$0x3F9E] =	sst s4  }
0xd: {  	[smem:$0x3F9F] =	sst s5  }
0xe: {  	[smem:$0x3FA0] =	sst s6  }
0xf: {  	[smem:$0x3FA1] =	sst s7  }
0x10: {  	[smem:$0x3FA2] =	sst s8  }
0x11: {  	[smem:$0x3FA3] =	sst s9;
	s0 =	simm.s32 @!p0 $0x0  }
0x12: {  	s1 =	sld [smem:$0x3F89];
	s0 =	simm.s32 @p0 $0x1  }
0x13: {  	[smem:$0x3FA4] =	sst s0;
	s0 =	simm.s32 @!p1 $0x0  }
0x14: {  	s2 =	sld [smem:$0x3F88];
	s0 =	simm.s32 @p1 $0x1  }
0x15: {  	[smem:$0x3FA5] =	sst s0;
	s0 =	simm.s32 @!p2 $0x0  }
0x16: {  	s3 =	sld [smem:$0x3FDB];
	s0 =	simm.s32 @p2 $0x1  }
0x17: {  	s4 =	simm.s32 $0x1BF5;
	[smem:$0x3FA7] =	sst s0  }
0x18: {  	s0 =	sld [smem:$0x3F8A];
	_ =	swait.ge [sflag:s4], $0x0  }
0x19: {  	s7 =	sld [smem:$0x3F8B]  }
0x1a: {  	s8 =	sadd.s32 $0xFFFFE003, lr  }
0x1b: {  	s9 =	sadd.s32 $0xFFFFFEF7, lr;
	s5 =	simm.s32 $0xFFFFFFFF;
	p2 =	slt.u32 s8, $0xFFFFF086  }
0x1c: {  	p1 =	slt.u32 s9, $0xF7A;
	s5 =	simm.s32 @!p2 $0x0  }
0x1d: {  	s5 =	simm.s32 @p1 $0x1;
	p0 =	seq.s32 s7, s2  }
0x1e: {  	s7 =	smul.u32 @!p0 $0xF7A, s2;
	p2 =	seq.s32 @!p0 s5, $0x0  }
0x1f: {  	s9 =	smul.u32 $0xF7A, s1;
	s8 =	simm.s32 @!p0 $0x1BF5;
	p2 =	por !p2, p0  }
0x20: {  	[sflag:s8] =	ssyncset.s32 @!p0 $0xFFFFF086;
	s6 =	sadd.s32 @!p0 s3, s7;
	s7 =	simm.s32 @!p0 $0x108  }
0x21: {  	s3 =	sadd.s32 s3, s9;
	s6 =	sadd.s32 @!p0 $0x88, s6;
	s7 =	simm.s32 @p2 $0x1082  }
0x22: {  	[simem:s7], [sflag:s8] =	dma.local @!p0 [hbm:s6], $0xF7A  }
0x23: {  	s9 =	sor.u32 $0xD0000000, s2;
	s6 =	simm.s32 $0x108;
	_ =	swait.ge @!p0 [sflag:s8], $0x0  }
0x24: {  	s3 =	sadd.s32 $0x88, s3;
	s6 =	simm.s32 @!p1 $0x1082;
	[sflag:s4] =	ssyncset.s32 $0xFFFFF086  }
0x25: {  	[simem:s6], [sflag:s4] =	dma.local [hbm:s3], $0xF7A  }
0x26: {  	[smem:$0x3F8B] =	sst s1;
	(tag) =	ssettag s2;
	_ =	strace s9  }
0x27: {  	s1 =	sld [smem:$0x3F9B]  }
0x28: {  	s2 =	sld [smem:$0x3F9C]  }
0x29: {  	s4 =	sld [smem:$0x3F9E]  }
0x2a: {  	p0 =	seq.s32 s5, $0x0;
	s5 =	sld [smem:$0x3F9F]  }
0x2b: {  	s6 =	sld [smem:$0x3FA0]  }
0x2c: {  	s7 =	sld [smem:$0x3FA1]  }
0x2d: {  	s3 =	simm.s32 $0x108;
	s8 =	sld [smem:$0x3FA2]  }
0x2e: {  	s3 =	simm.s32 @!p0 $0x1082;
	s9 =	sld [smem:$0x3FA3]  }
0x2f: {  	lr =	sadd.s32 s0, s3;
	s0 =	sld [smem:$0x3F9A]  }
0x30: {  	s3 =	sld [smem:$0x3F9D]  }
0x31: {  	[smem:$0x3FA6] =	sst s10  }
0x32: {  	s10 =	sld [smem:$0x3FA4];
	_ =	sdelay $0x3  }
0x33: {  	p0 =	seq.s32 s10, $0x1;
	s10 =	sld [smem:$0x3FA6];
	_ =	sdelay $0x3  }
0x34: {  	[smem:$0x3FA6] =	sst s10  }
0x35: {  	s10 =	sld [smem:$0x3FA5];
	_ =	sdelay $0x3  }
0x36: {  	p1 =	seq.s32 s10, $0x1;
	s10 =	sld [smem:$0x3FA6];
	_ =	sdelay $0x3  }
0x37: {  	[smem:$0x3FA6] =	sst s10  }
0x38: {  	s10 =	sld [smem:$0x3FA7]  }
0x39: {  	_ = 	snop;
	(pc) =	sbr.ind lr, $3  }
0x3a: {  	_ = 	snop  }
0x3b: {  	_ = 	snop  }
0x3c: {  	p2 =	seq.s32 s10, $0x1;
	s10 =	sld [smem:$0x3FA6]  }
0x3d: {  	_ =	shalt  }
0x3e: {  	_ =	shalt  }
0x3f: {  	_ =	shalt  }
0x40: {  	_ =	shalt  }
0x41: {  	_ =	shalt  }
0x42: {  	_ =	shalt  }
0x43: {  	_ =	shalt  }
0x44: {  	_ =	shalt  }
0x45: {  	_ =	shalt  }
0x46: {  	_ =	shalt  }
0x47: {  	_ =	shalt  }
0x48: {  	_ =	shalt  }
0x49: {  	_ =	shalt  }
0x4a: {  	_ =	shalt  }
0x4b: {  	_ =	shalt  }
0x4c: {  	_ =	shalt  }
0x4d: {  	_ =	shalt  }
0x4e: {  	_ =	shalt  }
0x4f: {  	_ =	shalt  }
0x50: {  	_ =	shalt  }
0x51: {  	_ =	shalt  }
0x52: {  	_ =	shalt  }
0x53: {  	_ =	shalt  }
0x54: {  	_ =	shalt  }
0x55: {  	_ =	shalt  }
0x56: {  	_ =	shalt  }
0x57: {  	_ =	shalt  }
0x58: {  	_ =	shalt  }
0x59: {  	_ =	shalt  }
0x5a: {  	_ =	shalt  }
0x5b: {  	_ =	shalt  }
0x5c: {  	_ =	shalt  }
0x5d: {  	_ =	shalt  }
0x5e: {  	_ =	shalt  }
0x5f: {  	_ =	shalt  }
0x60: {  	_ =	shalt  }
0x61: {  	_ =	shalt  }
0x62: {  	_ =	shalt  }
0x63: {  	_ =	shalt  }
0x64: {  	_ =	shalt  }
0x65: {  	_ =	shalt  }
0x66: {  	_ =	shalt  }
0x67: {  	_ =	shalt  }
0x68: {  	_ =	shalt  }
0x69: {  	_ =	shalt  }
0x6a: {  	_ =	shalt  }
0x6b: {  	_ =	shalt  }
0x6c: {  	_ =	shalt  }
0x6d: {  	_ =	shalt  }
0x6e: {  	_ =	shalt  }
0x6f: {  	_ =	shalt  }
0x70: {  	_ =	shalt  }
0x71: {  	_ =	shalt  }
0x72: {  	_ =	shalt  }
0x73: {  	_ =	shalt  }
0x74: {  	_ =	shalt  }
0x75: {  	_ =	shalt  }
0x76: {  	_ =	shalt  }
0x77: {  	_ =	shalt  }
0x78: {  	_ =	shalt  }
0x79: {  	_ =	shalt  }
0x7a: {  	_ =	shalt  }
0x7b: {  	_ =	shalt  }
0x7c: {  	_ =	shalt  }
0x7d: {  	_ =	shalt  }
0x7e: {  	_ =	shalt  }
0x7f: {  	_ =	shalt  }
0x80: {  	_ =	shalt  }
0x81: {  	_ =	shalt  }
0x82: {  	_ =	shalt  }
0x83: {  	_ =	shalt  }
0x84: {  	_ =	shalt  }
0x85: {  	_ =	shalt  }
0x86: {  	_ =	shalt  }
0x87: {  	_ =	shalt  }
.Lfunc_end0:
.L_simem_size_0:
called_computation_lowered:
.L_overlay_start_0:
0x88: {  	s2 =	sld [smem:$0x3FD9]  }
0x89: {  	s3 =	sld [smem:$0x3FFE];
	_ =	sdelay $0x1  }
0x8a: {  	s1 =	srdreg.scid  }
0x8b: {  	s0 =	sand.u32 $0x1, s1  }
0x8c: {  	s17 =	sshll.u32 s0, $0xA;
	s2 =	sadd.s32 s3, s2  }
0x8d: {  	s2 =	sadd.s32 s2, s17  }
0x8e: {  	[smem:$0x3FB2] =	sst s2  }
0x8f: {  	_ = 	snop  }
0x90: {  	s2 =	sld [smem:$0x3FD0];
	(tm) =	ssettm $0x1  }
0x91: {  	s18 =	sld [smem:$0x3FFB];
	_ =	sdelay $0x3  }
0x92: {  	_ =	strace s18  }
0x93: {  	s3 =	sld [smem:$0x3FFC];
	_ =	sdelay $0x3  }
0x94: {  	_ =	strace s3  }
0x95: {  	s3 =	sld [smem:$0x3FFD];
	_ =	sdelay $0x3  }
0x96: {  	_ =	strace s3  }
0x97: {  	_ =	strace $0x8FFFFFFF  }
0x98: {  	s19 =	sld [smem:$0x3FDB];
	_ =	sdelay $0x1  }
0x99: {  	s4 =	simm.s32 $_scs_section_size  }
0x9a: {  	s5 =	simm.s32 $_size__tile_overlayer_lowered;
	s6 =	simm.s32 $_tile_overlayer_lowered  }
0x9b: {  	s22 =	simm.s32 $0x1BFF;
	s21 =	sshll.u32 s6, $0x1;
	s3 =	sadd.s32 s4, s19  }
0x9c: {  	s7 =	simm.s32 $0x0;
	s20 =	sshll.u32 s5, $0x1;
	s5 =	sadd.s32 s21, s3  }
0x9d: {  	[timem:s7], [sflag:s22] =	dma.local [hbm:s5], s20  }
0x9e: {  	_ =	swait.ge [sflag:s22], s20  }
0x9f: {  	s4 =	ssub.s32 $0x0, s20;
	[sflag:s22] =	ssyncset.done $0x0  }
0xa0: {  	[sflag:s22] =	ssyncadd.s32 s4;
	_ =	sdelay $0x1  }
0xa1: {  	s23 =	simm.s32 $0x1B8B  }
0xa2: {  	_ =	swait.ge [sflag:s23], $0x1  }
0xa3: {  	[sflag:s23] =	ssyncset.done $0x0  }
0xa4: {  	s25 =	simm.s32 $0x1B8E;
	s24 =	sld [smem:$0x3FFE];
	[sflag:s23] =	ssyncadd.s32 $0xFFFFFFFF  }
0xa5: {  	s26 =	simm.s32 $execute0_lowered;
	[smem:$0x3FD2] =	sst s25  }
0xa6: {  	s5 =	sshll.u32 s26, $0x1;
	_ =	strace $0x80000046;
	[dreg:$0x1] =	wrdreg $0xFFFFFFFF  }
0xa7: {  	s28 =	simm.s32 $_size_execute0_lowered;
	s3 =	sadd.s32 s3, s5;
	[dreg:$0x0] =	wrdreg $0x0  }
0xa8: {  	s5 =	sshll.u32 s28, $0x1;
	[dreg:$0x2] =	wrdreg s3  }
0xa9: {  	[dreg:$0x3] =	wrdreg s5  }
0xaa: {  	[dreg:$0x4] =	wrdreg $0xC0  }
0xab: {  	_ =	task [dreg:s7], $0x5FFFF  }
0xac: {  	[dreg:$0x1] =	wrdreg $0xFFFFFFFF  }
0xad: {  	[dreg:$0x0] =	wrdreg $0x60  }
0xae: {  	[dreg:$0x2] =	wrdreg s24  }
0xaf: {  	[dreg:$0x3] =	wrdreg s2  }
0xb0: {  	[dreg:$0x4] =	wrdreg $0x12C800  }
0xb1: {  	[dreg:$0x5] =	wrdreg $0x9  }
0xb2: {  	_ =	task.clear_ibuf [dreg:s7], $0x6FFFF;
	_ =	strace $0x90000046  }
0xb3: {  	s29 =	simm.s32 $0x9;
	_ =	strace $0x80000048  }
0xb4: {  	_ =	swait.ge [sflag:s29], $0x1  }
0xb5: {  	[sflag:s29] =	ssyncadd.s32 $0xFFFFFFFF  }
0xb6: {  	_ =	strace $0x90000048  }
0xb7: {  	_ =	sfence  }
0xb8: {  	s30 =	sld [smem:$0x0];
	_ =	sdelay $0x2  }
0xb9: {  	s31 =	sshll.u32 s1, $0xD;
	s1 =	sshrl.u32 s1, $0x2  }
0xba: {  	s3 =	sand.u32 $0x4000, s31;
	s1 =	sadd.s32 s1, s30  }
0xbb: {  	s0 =	sor.u32 s3, s0;
	s1 =	sshll.u32 s1, $0x11  }
0xbc: {  	s0 =	sor.u32 s1, s0  }
0xbd: {  	s0 =	sadd.s32 $0x8F2B, s0  }
0xbe: {  	[sflag:s0] =	ssyncadd.remote.s32 $0x1  }
0xbf: {  	_ =	sfence.sel $0xFFFF  }
0xc0: {  	[dreg:$0x0] =	wrdreg $0xFFFFFFFF;
	(pc) =	sbr.abs _section_cstart, $3  }
0xc1: {  	[dreg:$0x1] =	wrdreg $0xFFFFFFFF  }
0xc2: {  	_ =	task.clear_ibuf [dreg:s7], $0x2FFFF;
	_ =	strace $0x9FFFFFFF  }
0xc3: {  	(tm) =	ssettm $0x7FFFFFFF  }
tec
execute0_lowered:
.L_overlay_start_1:
0x0: {  	(tag) =	ssettag $0x1  }
0x1: {  	s15 =	rddreg [dreg:$0x0]  }
0x2: {  	s2 =	rddreg [dreg:$0x1]  }
0x3: {  	s3 =	rddreg [dreg:$0x2];
	s14 =	stileid.u32  }
0x4: {  	s4 =	simm.s32 $0x0;
	s0 =	srdreg.scid;
	s5 =	smul.u32 $0xC80, s14  }
0x5: {  	[smem:$0x7FF] =	sst s4;
	s0 =	sand.u32 $0x1, s0;
	s10 =	smul.u32 $0x32000, s14  }
0x6: {  	s6 =	sadd.s32 $0x43800, s15;
	s7 =	sadd.s32 $0x33E00, s15;
	s14 =	smul.u32 $0x7C00, s14  }
0x7: {  	_ =	strace $0x80000047;
	s1 =	ssub.s32 $0x2, s0;
	s8 =	sshll.u32 s0, $0x4  }
0x8: {  	s9 =	sshrl.u32 s1, $0x1;
	s8 =	sadd.s32 s8, s15;
	s20 =	sadd.s32 $0x500, s5  }
0x9: {  	s11 =	sadd.s32 $0x780, s5;
	s13 =	sadd.s32 $0xA00, s5;
	s24 =	sshrl.u32 s14, $0x3  }
0xa: {  	s17 =	sor.u32 $0x200, s14;
	s1 =	ssub.s32 s1, s9;
	s8 =	sadd.s32 $0x43600, s8  }
0xb: {  	s9 =	sshrl.u32 s10, $0x2;
	s25 =	sadd.s32 s2, s24;
	[dreg:$0x4] =	wrdreg s8  }
0xc: {  	s10 =	sadd.s32 $0x280, s5;
	s26 =	sadd.s32 s6, s24;
	[dreg:$0xa] =	wrdreg s25  }
0xd: {  	s8 =	sadd.s32 s9, s3;
	s19 =	sshll.u32 s10, $0x4;
	[dreg:$0xb] =	wrdreg s26  }
0xe: {  	s21 =	sshll.u32 s20, $0x4;
	[dreg:$0x5] =	wrdreg s8;
	s8 =	sadd.s32 s19, s3  }
0xf: {  	s23 =	sshll.u32 s13, $0x4;
	[dreg:$0x6] =	wrdreg s8;
	s8 =	sadd.s32 s21, s3  }
0x10: {  	s12 =	sshll.u32 s11, $0x4;
	[dreg:$0x7] =	wrdreg s8;
	s8 =	sadd.s32 s23, s3  }
0x11: {  	s22 =	sadd.s32 s12, s3;
	[dreg:$0x9] =	wrdreg s8;
	s8 =	smul.u32 $0xC800, s0  }
0x12: {  	s12 =	sadd.s32 s7, s24;
	[dreg:$0x8] =	wrdreg s22;
	s23 =	smul.u32 $0x201, s0  }
0x13: {  	s16 =	sadd.s32 s5, s8;
	s19 =	sadd.s32 s8, s10;
	s20 =	sadd.s32 s8, s20  }
0x14: {  	s0 =	sshll.u32 s16, $0x1;
	s5 =	sshll.u32 s19, $0x1;
	s19 =	sadd.s32 $0x53000, s15  }
0x15: {  	[dreg:$0xc] =	wrdreg s12;
	s9 =	sshll.u32 s20, $0x1;
	s24 =	sadd.s32 s19, s0  }
0x16: {  	s20 =	sadd.s32 $0x85000, s15;
	s25 =	sadd.s32 s15, s0;
	[dreg:$0xd] =	wrdreg s24  }
0x17: {  	s12 =	sadd.s32 $0xB7000, s15;
	s26 =	sadd.s32 s20, s0;
	[dreg:$0xe] =	wrdreg s25  }
0x18: {  	s18 =	sadd.s32 $0x400, s14;
	s0 =	sadd.s32 s12, s0;
	[dreg:$0xf] =	wrdreg s26  }
0x19: {  	s21 =	sadd.s32 s8, s11;
	s14 =	sadd.s32 s19, s5;
	[dreg:$0x10] =	wrdreg s0  }
0x1a: {  	s22 =	sadd.s32 s8, s13;
	s16 =	sadd.s32 s15, s5;
	[dreg:$0x11] =	wrdreg s14  }
0x1b: {  	s10 =	sshll.u32 s21, $0x1;
	s21 =	sadd.s32 s20, s5;
	[dreg:$0x12] =	wrdreg s16  }
0x1c: {  	s11 =	sshll.u32 s22, $0x1;
	s22 =	sadd.s32 s12, s5;
	[dreg:$0x13] =	wrdreg s21  }
0x1d: {  	s5 =	sadd.s32 s12, s9;
	[dreg:$0x14] =	wrdreg s22  }
0x1e: {  	s13 =	sadd.s32 s15, s10;
	[dreg:$0x18] =	wrdreg s5  }
0x1f: {  	s24 =	sadd.s32 s19, s9;
	[dreg:$0x1a] =	wrdreg s13  }
0x20: {  	s25 =	sadd.s32 s15, s9;
	[dreg:$0x15] =	wrdreg s24  }
0x21: {  	s26 =	sadd.s32 s20, s9;
	[dreg:$0x16] =	wrdreg s25  }
0x22: {  	s28 =	simm.s32 $0x800;
	s9 =	sadd.s32 s19, s10;
	[dreg:$0x17] =	wrdreg s26  }
0x23: {  	s30 =	simm.s32 $0x200;
	s14 =	sadd.s32 s20, s10;
	[dreg:$0x19] =	wrdreg s9  }
0x24: {  	s31 =	simm.s32 $0xA00;
	s16 =	sadd.s32 s12, s10;
	[dreg:$0x1b] =	wrdreg s14  }
0x25: {  	s29 =	sadd.s32 $0x32000, s15;
	s21 =	sadd.s32 s12, s11;
	[dreg:$0x1c] =	wrdreg s16  }
0x26: {  	v0 =	vmov s8;
	s8 =	simm.s32 $0x0;
	s22 =	sadd.s32 s19, s11;
	[dreg:$0x1d] =	wrdreg s21  }
0x27: {  	s5 =	sadd.s32 $0x32A00, s15;
	s0 =	simm.s32 $0xC00;
	[dreg:$0x1e] =	wrdreg s22  }
0x28: {  	s24 =	sadd.s32 s15, s11;
	s25 =	sadd.s32 s20, s11;
	s26 =	smax.u32 s1, $0x1  }
0x29: {  	s21 =	simm.s32 $0x5;
	s22 =	simm.s32 $0x2C00;
	[dreg:$0x1f] =	wrdreg s24  }
0x2a: {  	s14 =	simm.s32 $0x6C00;
	s16 =	simm.s32 $0x2;
	[smem:$0x7FC] =	sst s25  }
0x2b: {  	s9 =	simm.s32 $0x3;
	[smem:$0x7FD] =	sst s26;
	s26 =	sadd.s32 $0x33400, s15  }
0x2c: {  	v2 =	vimm.f32 $0.0e+00;
	v1 =	vmov s23;
	s25 =	simm.s32 $0x400;
	s24 =	simm.s32 $0x600;
	s15 =	simm.s32 $0x1  }
.LBB2_1:
0x2d: {  	[smem:$0x7FB] =	sst s8;
	s1 =	simm.s32 $0x10440  }
0x2e: {  	[tilespmem:s1+$0xFFFFFFC0] =	vst v2  }
0x2f: {  	[tilespmem:s1+$0x30] =	vst v2  }
0x30: {  	[tilespmem:s1+$0x20] =	vst v2  }
0x31: {  	[tilespmem:s1+$0x10] =	vst v2  }
0x32: {  	[tilespmem:s1+$0x0] =	vst v2  }
0x33: {  	[tilespmem:s1+$0xFFFFFFF0] =	vst v2  }
0x34: {  	s8 =	simm.s32 $0x0;
	[tilespmem:s1+$0xFFFFFFE0] =	vst v2  }
.LBB2_2:
0x35: {  	s8 =	sadd.s32 $0x8, s8;
	[tilespmem:s1+$0xFFFFFFD0] =	vst v2;
	s1 =	sadd.s32 $0x80, s1  }
0x36: {  	[tilespmem:s1+$0xFFFFFFC0] =	vst v2;
	p0 =	slt.u32 s8, $0x278  }
0x37: {  	[tilespmem:s1+$0x30] =	vst v2  }
.Ltmp0:
0x38: {  	[tilespmem:s1+$0x20] =	vst v2;
	(pc) =	sbr.rel @p0 .LBB2_2-.Ltmp0, $4  }
0x39: {  	[tilespmem:s1+$0x10] =	vst v2  }
0x3a: {  	[tilespmem:s1+$0x0] =	vst v2  }
0x3b: {  	[tilespmem:s1+$0xFFFFFFF0] =	vst v2  }
0x3c: {  	[tilespmem:s1+$0xFFFFFFE0] =	vst v2  }
0x3d: {  	[tilespmem:s1+$0xFFFFFFD0] =	vst v2  }
0x3e: {  	s8 =	simm.s32 $0x12C00;
	s1 =	rddreg [dreg:$0x4]  }
0x3f: {  	[tilespmem:s8], [sflag:$0x5] =	stream.linear.gather [hbm4b:s1+s4], $0x80, $0x38;
	[tilespmem:$0x1F480] =	vst v63  }
0x40: {  	_ =	swait.ge [sflag:s21], $0x80  }
0x41: {  	[sflag:s21] =	ssyncset.done $0x0  }
0x42: {  	s11 =	simm.s32 $0x10400;
	s10 =	rddreg [dreg:$0x5];
	[sflag:s21] =	ssyncadd.s32 $0xFFFFFF80  }
0x43: {  	[spmem:s10] =	stream.linear.scatter [tilespmem:s11], [sflag:$0x5], $0x2800, $0x38;
	[tilespmem:$0x1F480] =	vst v63  }
0x44: {  	_ =	swait.ge [sflag:s21], $0x2800  }
0x45: {  	[sflag:s21] =	ssyncset.done $0x0  }
0x46: {  	s12 =	rddreg [dreg:$0x6];
	[sflag:s21] =	ssyncadd.s32 $0xFFFFD800  }
0x47: {  	[spmem:s12] =	stream.linear.scatter [tilespmem:s11], [sflag:$0x5], $0x2800, $0x38;
	[tilespmem:$0x1F480] =	vst v63  }
0x48: {  	_ =	swait.ge [sflag:s21], $0x2800  }
0x49: {  	[sflag:s21] =	ssyncset.done $0x0  }
0x4a: {  	s13 =	rddreg [dreg:$0x7];
	[sflag:s21] =	ssyncadd.s32 $0xFFFFD800  }
0x4b: {  	[spmem:s13] =	stream.linear.scatter [tilespmem:s11], [sflag:$0x5], $0x2800, $0x38;
	[tilespmem:$0x1F480] =	vst v63  }
0x4c: {  	_ =	swait.ge [sflag:s21], $0x2800  }
0x4d: {  	[sflag:s21] =	ssyncset.done $0x0  }
0x4e: {  	s23 =	rddreg [dreg:$0x8];
	[sflag:s21] =	ssyncadd.s32 $0xFFFFD800  }
0x4f: {  	[spmem:s23] =	stream.linear.scatter [tilespmem:s11], [sflag:$0x5], $0x2800, $0x38;
	[tilespmem:$0x1F480] =	vst v63  }
0x50: {  	_ =	swait.ge [sflag:s21], $0x2800  }
0x51: {  	[sflag:s21] =	ssyncset.done $0x0  }
0x52: {  	s10 =	rddreg [dreg:$0x9];
	[sflag:s21] =	ssyncadd.s32 $0xFFFFD800  }
0x53: {  	[spmem:s10] =	stream.linear.scatter [tilespmem:s11], [sflag:$0x5], $0x2800, $0x38;
	[tilespmem:$0x1F480] =	vst v63  }
0x54: {  	_ =	swait.ge [sflag:s21], $0x2800  }
0x55: {  	[sflag:s21] =	ssyncset.done $0x0  }
0x56: {  	[sflag:s21] =	ssyncadd.s32 $0xFFFFD800  }
0x57: {  	[bflag:$0x0] =	sbarrier.arrive $0xFFFF  }
0x58: {  	v8 =	vld [tilespmem:$0x12C00]  }
0x59: {  	v6 =	vld [tilespmem:$0x12C10]  }
0x5a: {  	v5 =	vld [tilespmem:$0x12C20]  }
0x5b: {  	v4 =	vld [tilespmem:$0x12C30]  }
0x5c: {  	v3 =	vld [tilespmem:$0x12C40];
	s11 =	rddreg [dreg:$0xa]  }
0x5d: {  	v7 =	vld [tilespmem:$0x12C50];
	[tilespmem:s4], [sflag:$0x5] =	stream.linear.gather [hbm4b:s11+s4], $0x200, $0x38  }
0x5e: {  	_ =	swait.ge [sflag:s21], $0x200  }
0x5f: {  	[sflag:s21] =	ssyncset.done $0x0  }
0x60: {  	s12 =	rddreg [dreg:$0xb];
	[sflag:s21] =	ssyncadd.s32 $0xFFFFFE00  }
0x61: {  	[tilespmem:s25], [sflag:$0x5] =	stream.linear.gather [hbm4b:s12+s4], $0x200, $0x38;
	[tilespmem:$0x1F480] =	vst v63  }
0x62: {  	_ =	swait.ge [sflag:s21], $0x200  }
0x63: {  	[sflag:s21] =	ssyncset.done $0x0  }
0x64: {  	s13 =	rddreg [dreg:$0xc];
	[sflag:s21] =	ssyncadd.s32 $0xFFFFFE00  }
0x65: {  	[tilespmem:s28], [sflag:$0x5] =	stream.linear.gather [hbm4b:s13+s4], $0x200, $0x38;
	[tilespmem:$0x1F480] =	vst v63  }
0x66: {  	_ =	swait.ge [sflag:s21], $0x200  }
0x67: {  	[sflag:s21] =	ssyncset.done $0x0  }
0x68: {  	s23 =	simm.s32 $0x20;
	[sflag:s21] =	ssyncadd.s32 $0xFFFFFE00  }
0x69: {  	v9 =	vld [tilespmem:s23+$0x10];
	_ =	sdelay $0x3  }
0x6a: {  	v10 =	vld [tilespmem:s23+$0xFFFFFFF0]  }
0x6b: {  	v11 =	vld [tilespmem:s23+$0xFFFFFFE0];
	v9 =	vadd.s32 v0, v9  }
0x6c: {  	s10 =	simm.s32 $0x420;
	v12 =	vld [tilespmem:s23+$0x0];
	[tilespmem:s23+$0x10] =	vst v9  }
0x6d: {  	s11 =	simm.s32 $0x60;
	v13 =	vld [tilespmem:s10+$0x10]  }
0x6e: {  	v14 =	vld [tilespmem:s11+$0x10]  }
0x6f: {  	v15 =	vld [tilespmem:s11+$0xFFFFFFF0];
	v9 =	vadd.s32 v0, v10  }
0x70: {  	v16 =	vld [tilespmem:s11+$0x0];
	[tilespmem:s23+$0xFFFFFFF0] =	vst v9;
	v9 =	vadd.s32 v0, v11  }
0x71: {  	v10 =	vadd.s32 v0, v12;
	v12 =	vld [tilespmem:s11+$0xFFFFFFE0];
	[tilespmem:s23+$0xFFFFFFE0] =	vst v9  }
0x72: {  	[tilespmem:s23+$0x0] =	vst v10;
	v9 =	vld [tilespmem:s10+$0xFFFFFFE0];
	v11 =	vadd.s32 v1, v13  }
0x73: {  	v10 =	vld [tilespmem:s10+$0xFFFFFFF0];
	v13 =	vadd.s32 v0, v14;
	[tilespmem:s10+$0x10] =	vst v11  }
0x74: {  	s12 =	simm.s32 $0x460;
	v14 =	vadd.s32 v0, v15;
	[tilespmem:s11+$0x10] =	vst v13;
	v11 =	vld [tilespmem:s10+$0x0]  }
0x75: {  	s1 =	simm.s32 $0x40;
	s13 =	simm.s32 $0xA0;
	[tilespmem:s11+$0xFFFFFFF0] =	vst v14;
	v14 =	vadd.s32 v0, v16;
	v13 =	vld [tilespmem:s12+$0x10]  }
.LBB2_4:
0x76: {  	v15 =	vld [tilespmem:s13+$0x10];
	s1 =	sadd.s32 $0x40, s1;
	v12 =	vadd.s32 v0, v12;
	[tilespmem:s11+$0x0] =	vst v14  }
0x77: {  	v14 =	vld [tilespmem:s13+$0xFFFFFFF0];
	p0 =	slt.u32 s1, $0x1C0;
	[tilespmem:s11+$0xFFFFFFE0] =	vst v12;
	v9 =	vadd.s32 v1, v9;
	s11 =	smov.u32 s13  }
0x78: {  	v16 =	vld [tilespmem:s13+$0x0];
	[tilespmem:s10+$0xFFFFFFE0] =	vst v9;
	v9 =	vadd.s32 v1, v10  }
.Ltmp1:
0x79: {  	v12 =	vld [tilespmem:s13+$0xFFFFFFE0];
	[tilespmem:s10+$0xFFFFFFF0] =	vst v9;
	v10 =	vadd.s32 v1, v11;
	(pc) =	sbr.rel @p0 .LBB2_4-.Ltmp1, $4  }
0x7a: {  	v9 =	vld [tilespmem:s12+$0xFFFFFFE0];
	v11 =	vadd.s32 v1, v13;
	[tilespmem:s10+$0x0] =	vst v10;
	s10 =	smov.u32 s12  }
0x7b: {  	v13 =	vadd.s32 v0, v15;
	v10 =	vld [tilespmem:s12+$0xFFFFFFF0];
	[tilespmem:s12+$0x10] =	vst v11  }
0x7c: {  	s12 =	sadd.s32 $0x40, s12;
	v14 =	vadd.s32 v0, v14;
	[tilespmem:s13+$0x10] =	vst v13;
	v11 =	vld [tilespmem:s10+$0x0]  }
0x7d: {  	s13 =	sadd.s32 $0x40, s13;
	[tilespmem:s11+$0xFFFFFFF0] =	vst v14;
	v14 =	vadd.s32 v0, v16;
	v13 =	vld [tilespmem:s12+$0x10]  }
0x7e: {  	v12 =	vadd.s32 v0, v12  }
0x7f: {  	[tilespmem:s11+$0xFFFFFFE0] =	vst v12  }
0x80: {  	v12 =	vld [tilespmem:s12+$0xFFFFFFE0]  }
0x81: {  	[tilespmem:s11+$0x0] =	vst v14;
	v63 =	vld [tilespmem:s12+$0xFFFFFFF0];
	v9 =	vadd.s32 v1, v9  }
0x82: {  	[tilespmem:s10+$0xFFFFFFE0] =	vst v9;
	v9 =	vadd.s32 v1, v10;
	v10 =	vld [tilespmem:s12+$0x0]  }
0x83: {  	[tilespmem:s10+$0xFFFFFFF0] =	vst v9;
	v9 =	vadd.s32 v1, v11  }
0x84: {  	v11 =	vadd.s32 v1, v13;
	[tilespmem:s10+$0x0] =	vst v9  }
0x85: {  	[tilespmem:s12+$0x10] =	vst v11;
	v9 =	vadd.s32 v1, v12  }
0x86: {  	[tilespmem:s12+$0xFFFFFFE0] =	vst v9;
	v9 =	vadd.s32 v1, v63  }
0x87: {  	[tilespmem:s12+$0xFFFFFFF0] =	vst v9;
	v9 =	vadd.s32 v1, v10  }
0x88: {  	s1 =	rddreg [dreg:$0x0];
	[tilespmem:s12+$0x0] =	vst v9;
	s12 =	simm.s32 $0x0  }
0x89: {  	[tilespmem:s0], [sflag:$0x1] =	stream.indirect.gather [hbm4b:s1+s30], $0x10, s12, s30, $0xb8;
	[tilespmem:$0x1F480] =	vst v63  }
0x8a: {  	s23 =	simm.s32 $0x4C00  }
0x8b: {  	[tilespmem:s23], [sflag:$0x1] =	stream.indirect.gather [hbm4b:s29+s30], $0x10, s25, s30, $0xb8;
	[tilespmem:$0x1F480] =	vst v63  }
.LBB2_6:
0x8c: {  	p0 =	seq.s32 s12, $0x0  }
0x8d: {  	s13 =	sshll.u32 s12, $0xA;
	s1 =	simm.s32 @!p0 $0x4  }
0x8e: {  	s8 =	sadd.s32 s13, s17;
	_ =	swait.ge @!p0 [sflag:s1], $0x2000  }
0x8f: {  	s8 =	sshrl.u32 s8, $0x3;
	[sflag:s1] =	ssyncset.done @!p0 $0x0  }
0x90: {  	s23 =	sadd.s32 s2, s8;
	[sflag:s1] =	ssyncadd.s32 @!p0 $0xFFFFE000  }
0x91: {  	[tilespmem:s30], [sflag:$0x5] =	stream.linear.gather [hbm4b:s23+s4], $0x200, $0x38;
	[tilespmem:$0x1F480] =	vst v63  }
0x92: {  	_ =	swait.ge [sflag:s21], $0x200  }
0x93: {  	[sflag:s21] =	ssyncset.done $0x0  }
0x94: {  	s10 =	sadd.s32 s6, s8;
	[sflag:s21] =	ssyncadd.s32 $0xFFFFFE00  }
0x95: {  	[tilespmem:s24], [sflag:$0x5] =	stream.linear.gather [hbm4b:s10+s4], $0x200, $0x38;
	[tilespmem:$0x1F480] =	vst v63  }
0x96: {  	_ =	swait.ge [sflag:s21], $0x200  }
0x97: {  	[sflag:s21] =	ssyncset.done $0x0  }
0x98: {  	s11 =	sadd.s32 s7, s8;
	[sflag:s21] =	ssyncadd.s32 $0xFFFFFE00  }
0x99: {  	[tilespmem:s31], [sflag:$0x5] =	stream.linear.gather [hbm4b:s11+s4], $0x200, $0x38;
	[tilespmem:$0x1F480] =	vst v63  }
0x9a: {  	_ =	swait.ge [sflag:s21], $0x200  }
0x9b: {  	[sflag:s21] =	ssyncset.done $0x0  }
0x9c: {  	s23 =	simm.s32 $0x220;
	[sflag:s21] =	ssyncadd.s32 $0xFFFFFE00  }
0x9d: {  	v9 =	vld [tilespmem:s23+$0x10];
	_ =	sdelay $0x3  }
0x9e: {  	v10 =	vld [tilespmem:s23+$0xFFFFFFF0]  }
0x9f: {  	v11 =	vld [tilespmem:s23+$0xFFFFFFE0];
	v9 =	vadd.s32 v0, v9  }
0xa0: {  	s10 =	simm.s32 $0x620;
	v12 =	vld [tilespmem:s23+$0x0];
	[tilespmem:s23+$0x10] =	vst v9  }
0xa1: {  	s11 =	simm.s32 $0x260;
	v13 =	vld [tilespmem:s10+$0x10]  }
0xa2: {  	v14 =	vld [tilespmem:s11+$0x10]  }
0xa3: {  	v15 =	vld [tilespmem:s11+$0xFFFFFFF0];
	v9 =	vadd.s32 v0, v10  }
0xa4: {  	v16 =	vld [tilespmem:s11+$0x0];
	[tilespmem:s23+$0xFFFFFFF0] =	vst v9;
	v9 =	vadd.s32 v0, v11  }
0xa5: {  	v10 =	vadd.s32 v0, v12;
	v12 =	vld [tilespmem:s11+$0xFFFFFFE0];
	[tilespmem:s23+$0xFFFFFFE0] =	vst v9  }
0xa6: {  	[tilespmem:s23+$0x0] =	vst v10;
	v9 =	vld [tilespmem:s10+$0xFFFFFFE0];
	v11 =	vadd.s32 v1, v13  }
0xa7: {  	v10 =	vld [tilespmem:s10+$0xFFFFFFF0];
	v13 =	vadd.s32 v0, v14;
	[tilespmem:s10+$0x10] =	vst v11  }
0xa8: {  	s23 =	simm.s32 $0x660;
	v14 =	vadd.s32 v0, v15;
	[tilespmem:s11+$0x10] =	vst v13;
	v11 =	vld [tilespmem:s10+$0x0]  }
0xa9: {  	s8 =	simm.s32 $0x2A0;
	s1 =	simm.s32 $0x40;
	[tilespmem:s11+$0xFFFFFFF0] =	vst v14;
	v14 =	vadd.s32 v0, v16;
	v13 =	vld [tilespmem:s23+$0x10]  }
.LBB2_7:
0xaa: {  	v15 =	vld [tilespmem:s8+$0x10];
	s1 =	sadd.s32 $0x40, s1;
	v12 =	vadd.s32 v0, v12;
	[tilespmem:s11+$0x0] =	vst v14  }
0xab: {  	v14 =	vld [tilespmem:s8+$0xFFFFFFF0];
	p0 =	slt.u32 s1, $0x1C0;
	[tilespmem:s11+$0xFFFFFFE0] =	vst v12;
	v9 =	vadd.s32 v1, v9;
	s11 =	smov.u32 s8  }
0xac: {  	v16 =	vld [tilespmem:s8+$0x0];
	[tilespmem:s10+$0xFFFFFFE0] =	vst v9;
	v9 =	vadd.s32 v1, v10  }
.Ltmp2:
0xad: {  	v12 =	vld [tilespmem:s8+$0xFFFFFFE0];
	[tilespmem:s10+$0xFFFFFFF0] =	vst v9;
	v10 =	vadd.s32 v1, v11;
	(pc) =	sbr.rel @p0 .LBB2_7-.Ltmp2, $4  }
0xae: {  	v9 =	vld [tilespmem:s23+$0xFFFFFFE0];
	v11 =	vadd.s32 v1, v13;
	[tilespmem:s10+$0x0] =	vst v10;
	s10 =	smov.u32 s23  }
0xaf: {  	v13 =	vadd.s32 v0, v15;
	v10 =	vld [tilespmem:s23+$0xFFFFFFF0];
	[tilespmem:s23+$0x10] =	vst v11  }
0xb0: {  	s23 =	sadd.s32 $0x40, s23;
	v14 =	vadd.s32 v0, v14;
	[tilespmem:s8+$0x10] =	vst v13;
	v11 =	vld [tilespmem:s10+$0x0]  }
0xb1: {  	s8 =	sadd.s32 $0x40, s8;
	[tilespmem:s11+$0xFFFFFFF0] =	vst v14;
	v14 =	vadd.s32 v0, v16;
	v13 =	vld [tilespmem:s23+$0x10]  }
0xb2: {  	v12 =	vadd.s32 v0, v12  }
0xb3: {  	[tilespmem:s11+$0xFFFFFFE0] =	vst v12  }
0xb4: {  	v12 =	vld [tilespmem:s23+$0xFFFFFFE0]  }
0xb5: {  	[tilespmem:s11+$0x0] =	vst v14;
	v14 =	vld [tilespmem:s23+$0xFFFFFFF0];
	v9 =	vadd.s32 v1, v9  }
0xb6: {  	[tilespmem:s10+$0xFFFFFFE0] =	vst v9;
	v9 =	vadd.s32 v1, v10;
	v10 =	vld [tilespmem:s23+$0x0]  }
0xb7: {  	[tilespmem:s10+$0xFFFFFFF0] =	vst v9;
	v9 =	vadd.s32 v1, v11  }
0xb8: {  	v11 =	vadd.s32 v1, v13;
	[tilespmem:s10+$0x0] =	vst v9  }
0xb9: {  	[tilespmem:s23+$0x10] =	vst v11;
	v9 =	vadd.s32 v1, v12  }
0xba: {  	[tilespmem:s23+$0xFFFFFFE0] =	vst v9;
	v9 =	vadd.s32 v1, v14  }
0xbb: {  	[tilespmem:s23+$0xFFFFFFF0] =	vst v9;
	v9 =	vadd.s32 v1, v10  }
0xbc: {  	s1 =	rddreg [dreg:$0x0];
	[tilespmem:s23+$0x0] =	vst v9  }
0xbd: {  	[tilespmem:s22], [sflag:$0x2] =	stream.indirect.gather [hbm4b:s1+s30], $0x10, s30, s30, $0xb8;
	[tilespmem:$0x1F480] =	vst v63  }
0xbe: {  	_ = 	snop  }
0xbf: {  	[tilespmem:s14], [sflag:$0x2] =	stream.indirect.gather [hbm4b:s29+s30], $0x10, s24, s30, $0xb8;
	[tilespmem:$0x1F480] =	vst v63  }
0xc0: {  	_ =	swait.ge [sflag:s15], $0x2000  }
0xc1: {  	[sflag:s15] =	ssyncset.done $0x0  }
0xc2: {  	[sflag:s15] =	ssyncadd.s32 $0xFFFFE000  }
0xc3: {  	_ =	swait.ge [sflag:s15], $0x2000  }
0xc4: {  	[sflag:s15] =	ssyncset.done $0x0  }
0xc5: {  	s10 =	simm.s32 $0xC40;
	[sflag:s15] =	ssyncadd.s32 $0xFFFFE000  }
0xc6: {  	s11 =	simm.s32 $0x4C40;
	v10 =	vld [tilespmem:s10+$0x30]  }
0xc7: {  	v11 =	vld [tilespmem:s11+$0x30]  }
0xc8: {  	v9 =	vld [tilespmem:s11+$0xFFFFFFC0]  }
0xc9: {  	v12 =	vld [tilespmem:s10+$0xFFFFFFD0]  }
0xca: {  	v13 =	vld [tilespmem:s11+$0xFFFFFFD0]  }
0xcb: {  	v14 =	vld [tilespmem:s10+$0xFFFFFFE0]  }
0xcc: {  	v15 =	vld [tilespmem:s11+$0xFFFFFFE0]  }
0xcd: {  	v16 =	vld [tilespmem:s10+$0xFFFFFFF0]  }
0xce: {  	v17 =	vld [tilespmem:s11+$0xFFFFFFF0]  }
0xcf: {  	v18 =	vld [tilespmem:s10+$0x0]  }
0xd0: {  	v19 =	vld [tilespmem:s11+$0x0];
	v11 =	vmul.f32 v11, v10  }
0xd1: {  	v13 =	vmul.f32 v13, v12;
	v10 =	vld [tilespmem:s10+$0x10]  }
0xd2: {  	v14 =	vmul.f32 v15, v14;
	v12 =	vld [tilespmem:s11+$0x10];
	[tilespmem:s10+$0x30] =	vst v11  }
0xd3: {  	v15 =	vmul.f32 v17, v16;
	[tilespmem:s10+$0xFFFFFFD0] =	vst v13;
	v11 =	vld [tilespmem:s10+$0x20]  }
0xd4: {  	[tilespmem:s10+$0xFFFFFFE0] =	vst v14;
	v14 =	vld [tilespmem:s11+$0x20]  }
0xd5: {  	s23 =	simm.s32 $0x0;
	s1 =	simm.s32 $0xCC0;
	v13 =	vld [tilespmem:s10+$0xFFFFFFC0];
	[tilespmem:s10+$0xFFFFFFF0] =	vst v15;
	v15 =	vmul.f32 v19, v18  }
.LBB2_9:
0xd6: {  	v16 =	vld [tilespmem:s1+$0x30];
	s11 =	sadd.s32 $0x80, s11  }
0xd7: {  	s23 =	sadd.s32 $0x8, s23;
	v17 =	vld [tilespmem:s11+$0x30];
	[tilespmem:s10+$0x0] =	vst v15;
	v10 =	vmul.f32 v12, v10  }
0xd8: {  	p0 =	slt.u32 s23, $0x1F8;
	v12 =	vld [tilespmem:s11+$0xFFFFFFC0]  }
0xd9: {  	v15 =	vld [tilespmem:s1+$0xFFFFFFD0];
	[tilespmem:s10+$0x10] =	vst v10;
	v10 =	vmul.f32 v14, v11  }
0xda: {  	v11 =	vld [tilespmem:s11+$0xFFFFFFD0];
	v18 =	vmul.f32 v9, v13  }
0xdb: {  	v13 =	vld [tilespmem:s1+$0xFFFFFFE0];
	[tilespmem:s10+$0x20] =	vst v10  }
0xdc: {  	v10 =	vld [tilespmem:s11+$0xFFFFFFE0];
	v14 =	vmul.f32 v17, v16;
	[tilespmem:s10+$0xFFFFFFC0] =	vst v18;
	s10 =	smov.u32 s1  }
0xdd: {  	v16 =	vld [tilespmem:s1+$0xFFFFFFF0];
	v9 =	vmov v12  }
0xde: {  	v17 =	vld [tilespmem:s11+$0xFFFFFFF0];
	[tilespmem:s1+$0x30] =	vst v14  }
0xdf: {  	v11 =	vmul.f32 v11, v15;
	v15 =	vld [tilespmem:s1+$0x0]  }
0xe0: {  	v18 =	vld [tilespmem:s11+$0x0]  }
.Ltmp3:
0xe1: {  	[tilespmem:s1+$0xFFFFFFD0] =	vst v11;
	v11 =	vmul.f32 v10, v13;
	v10 =	vld [tilespmem:s1+$0x10];
	(pc) =	sbr.rel @p0 .LBB2_9-.Ltmp3, $4  }
0xe2: {  	v12 =	vld [tilespmem:s11+$0x10]  }
0xe3: {  	[tilespmem:s1+$0xFFFFFFE0] =	vst v11;
	v16 =	vmul.f32 v17, v16;
	v11 =	vld [tilespmem:s1+$0x20]  }
0xe4: {  	v14 =	vld [tilespmem:s11+$0x20]  }
0xe5: {  	s1 =	sadd.s32 $0x80, s1;
	v13 =	vld [tilespmem:s10+$0xFFFFFFC0];
	[tilespmem:s10+$0xFFFFFFF0] =	vst v16;
	v15 =	vmul.f32 v18, v15  }
0xe6: {  	_ =	sdelay $0x1  }
0xe7: {  	v10 =	vmul.f32 v12, v10  }
0xe8: {  	[tilespmem:s10+$0x0] =	vst v15;
	v11 =	vmul.f32 v14, v11  }
0xe9: {  	[tilespmem:s10+$0x10] =	vst v10;
	v9 =	vmul.f32 v9, v13  }
0xea: {  	[tilespmem:s10+$0x20] =	vst v11  }
0xeb: {  	[tilespmem:s10+$0xFFFFFFC0] =	vst v9  }
0xec: {  	[spmem:s3] =	stream.indirect.scatter.add.f32 [tilespmem:s0], [sflag:$0x3], $0x10, s28, s30, $0xb8;
	[tilespmem:$0x1F480] =	vst v63  }
0xed: {  	_ =	swait.ge [sflag:s16], $0x2000  }
0xee: {  	[sflag:s16] =	ssyncset.done $0x0  }
0xef: {  	[sflag:s16] =	ssyncadd.s32 $0xFFFFE000  }
0xf0: {  	_ =	swait.ge [sflag:s16], $0x2000  }
0xf1: {  	[sflag:s16] =	ssyncset.done $0x0  }
0xf2: {  	s10 =	simm.s32 $0x2C40;
	[sflag:s16] =	ssyncadd.s32 $0xFFFFE000  }
0xf3: {  	s11 =	simm.s32 $0x6C40;
	v10 =	vld [tilespmem:s10+$0x30]  }
0xf4: {  	v11 =	vld [tilespmem:s11+$0x30]  }
0xf5: {  	v9 =	vld [tilespmem:s11+$0xFFFFFFC0]  }
0xf6: {  	v12 =	vld [tilespmem:s10+$0xFFFFFFD0]  }
0xf7: {  	v13 =	vld [tilespmem:s11+$0xFFFFFFD0]  }
0xf8: {  	v14 =	vld [tilespmem:s10+$0xFFFFFFE0]  }
0xf9: {  	v15 =	vld [tilespmem:s11+$0xFFFFFFE0]  }
0xfa: {  	v16 =	vld [tilespmem:s10+$0xFFFFFFF0]  }
0xfb: {  	v17 =	vld [tilespmem:s11+$0xFFFFFFF0]  }
0xfc: {  	v18 =	vld [tilespmem:s10+$0x0]  }
0xfd: {  	v19 =	vld [tilespmem:s11+$0x0];
	v11 =	vmul.f32 v11, v10  }
0xfe: {  	v13 =	vmul.f32 v13, v12;
	v10 =	vld [tilespmem:s10+$0x10]  }
0xff: {  	v14 =	vmul.f32 v15, v14;
	v12 =	vld [tilespmem:s11+$0x10];
	[tilespmem:s10+$0x30] =	vst v11  }
0x100: {  	v15 =	vmul.f32 v17, v16;
	[tilespmem:s10+$0xFFFFFFD0] =	vst v13;
	v11 =	vld [tilespmem:s10+$0x20]  }
0x101: {  	[tilespmem:s10+$0xFFFFFFE0] =	vst v14;
	v14 =	vld [tilespmem:s11+$0x20]  }
0x102: {  	s23 =	simm.s32 $0x0;
	s1 =	simm.s32 $0x2CC0;
	v13 =	vld [tilespmem:s10+$0xFFFFFFC0];
	[tilespmem:s10+$0xFFFFFFF0] =	vst v15;
	v15 =	vmul.f32 v19, v18  }
.LBB2_11:
0x103: {  	v16 =	vld [tilespmem:s1+$0x30];
	s11 =	sadd.s32 $0x80, s11  }
0x104: {  	s23 =	sadd.s32 $0x8, s23;
	v17 =	vld [tilespmem:s11+$0x30];
	[tilespmem:s10+$0x0] =	vst v15;
	v10 =	vmul.f32 v12, v10  }
0x105: {  	p0 =	slt.u32 s23, $0x1F8;
	v12 =	vld [tilespmem:s11+$0xFFFFFFC0]  }
0x106: {  	v15 =	vld [tilespmem:s1+$0xFFFFFFD0];
	[tilespmem:s10+$0x10] =	vst v10;
	v10 =	vmul.f32 v14, v11  }
0x107: {  	v11 =	vld [tilespmem:s11+$0xFFFFFFD0];
	v18 =	vmul.f32 v9, v13  }
0x108: {  	v13 =	vld [tilespmem:s1+$0xFFFFFFE0];
	[tilespmem:s10+$0x20] =	vst v10  }
0x109: {  	v10 =	vld [tilespmem:s11+$0xFFFFFFE0];
	v14 =	vmul.f32 v17, v16;
	[tilespmem:s10+$0xFFFFFFC0] =	vst v18;
	s10 =	smov.u32 s1  }
0x10a: {  	v16 =	vld [tilespmem:s1+$0xFFFFFFF0];
	v9 =	vmov v12  }
0x10b: {  	v17 =	vld [tilespmem:s11+$0xFFFFFFF0];
	[tilespmem:s1+$0x30] =	vst v14  }
0x10c: {  	v11 =	vmul.f32 v11, v15;
	v15 =	vld [tilespmem:s1+$0x0]  }
0x10d: {  	v18 =	vld [tilespmem:s11+$0x0]  }
.Ltmp4:
0x10e: {  	[tilespmem:s1+$0xFFFFFFD0] =	vst v11;
	v11 =	vmul.f32 v10, v13;
	v10 =	vld [tilespmem:s1+$0x10];
	(pc) =	sbr.rel @p0 .LBB2_11-.Ltmp4, $4  }
0x10f: {  	v12 =	vld [tilespmem:s11+$0x10]  }
0x110: {  	[tilespmem:s1+$0xFFFFFFE0] =	vst v11;
	v16 =	vmul.f32 v17, v16;
	v11 =	vld [tilespmem:s1+$0x20]  }
0x111: {  	v14 =	vld [tilespmem:s11+$0x20]  }
0x112: {  	s1 =	sadd.s32 $0x80, s1;
	v13 =	vld [tilespmem:s10+$0xFFFFFFC0];
	[tilespmem:s10+$0xFFFFFFF0] =	vst v16;
	v15 =	vmul.f32 v18, v15  }
0x113: {  	_ =	sdelay $0x1  }
0x114: {  	v10 =	vmul.f32 v12, v10  }
0x115: {  	[tilespmem:s10+$0x0] =	vst v15;
	v11 =	vmul.f32 v14, v11  }
0x116: {  	[tilespmem:s10+$0x10] =	vst v10;
	v9 =	vmul.f32 v9, v13  }
0x117: {  	p0 =	seq.s32 s12, $0x1E;
	[tilespmem:s10+$0x20] =	vst v11  }
.Ltmp5:
0x118: {  	[tilespmem:s10+$0xFFFFFFC0] =	vst v9;
	(pc) =	sbr.rel @p0 .LBB2_16-.Ltmp5, $4  }
0x119: {  	[spmem:s3] =	stream.indirect.scatter.add.f32 [tilespmem:s22], [sflag:$0x4], $0x10, s31, s30, $0xb8;
	[tilespmem:$0x1F480] =	vst v63  }
0x11a: {  	_ =	swait.ge [sflag:s9], $0x2000  }
0x11b: {  	[sflag:s9] =	ssyncset.done $0x0  }
0x11c: {  	[sflag:s9] =	ssyncadd.s32 $0xFFFFE000  }
0x11d: {  	s1 =	sadd.s32 s13, s18  }
0x11e: {  	s1 =	sshrl.u32 s1, $0x3  }
0x11f: {  	s8 =	sadd.s32 s2, s1  }
0x120: {  	[tilespmem:s4], [sflag:$0x5] =	stream.linear.gather [hbm4b:s8+s4], $0x200, $0x38;
	[tilespmem:$0x1F480] =	vst v63  }
0x121: {  	_ =	swait.ge [sflag:s21], $0x200  }
0x122: {  	[sflag:s21] =	ssyncset.done $0x0  }
0x123: {  	s13 =	sadd.s32 s6, s1;
	[sflag:s21] =	ssyncadd.s32 $0xFFFFFE00  }
0x124: {  	[tilespmem:s25], [sflag:$0x5] =	stream.linear.gather [hbm4b:s13+s4], $0x200, $0x38;
	[tilespmem:$0x1F480] =	vst v63  }
0x125: {  	_ =	swait.ge [sflag:s21], $0x200  }
0x126: {  	[sflag:s21] =	ssyncset.done $0x0  }
0x127: {  	s1 =	sadd.s32 s7, s1;
	[sflag:s21] =	ssyncadd.s32 $0xFFFFFE00  }
0x128: {  	[tilespmem:s28], [sflag:$0x5] =	stream.linear.gather [hbm4b:s1+s4], $0x200, $0x38;
	[tilespmem:$0x1F480] =	vst v63  }
0x129: {  	_ =	swait.ge [sflag:s21], $0x200  }
0x12a: {  	[sflag:s21] =	ssyncset.done $0x0  }
0x12b: {  	s23 =	simm.s32 $0x20;
	[sflag:s21] =	ssyncadd.s32 $0xFFFFFE00  }
0x12c: {  	v9 =	vld [tilespmem:s23+$0x10];
	_ =	sdelay $0x3  }
0x12d: {  	v10 =	vld [tilespmem:s23+$0xFFFFFFF0]  }
0x12e: {  	v11 =	vld [tilespmem:s23+$0xFFFFFFE0];
	v9 =	vadd.s32 v0, v9  }
0x12f: {  	s10 =	simm.s32 $0x420;
	v12 =	vld [tilespmem:s23+$0x0];
	[tilespmem:s23+$0x10] =	vst v9  }
0x130: {  	s11 =	simm.s32 $0x60;
	v13 =	vld [tilespmem:s10+$0x10]  }
0x131: {  	v14 =	vld [tilespmem:s11+$0x10]  }
0x132: {  	v15 =	vld [tilespmem:s11+$0xFFFFFFF0];
	v9 =	vadd.s32 v0, v10  }
0x133: {  	v16 =	vld [tilespmem:s11+$0x0];
	[tilespmem:s23+$0xFFFFFFF0] =	vst v9;
	v9 =	vadd.s32 v0, v11  }
0x134: {  	v10 =	vadd.s32 v0, v12;
	v12 =	vld [tilespmem:s11+$0xFFFFFFE0];
	[tilespmem:s23+$0xFFFFFFE0] =	vst v9  }
0x135: {  	[tilespmem:s23+$0x0] =	vst v10;
	v9 =	vld [tilespmem:s10+$0xFFFFFFE0];
	v11 =	vadd.s32 v1, v13  }
0x136: {  	v10 =	vld [tilespmem:s10+$0xFFFFFFF0];
	v13 =	vadd.s32 v0, v14;
	[tilespmem:s10+$0x10] =	vst v11  }
0x137: {  	s13 =	simm.s32 $0x460;
	v14 =	vadd.s32 v0, v15;
	[tilespmem:s11+$0x10] =	vst v13;
	v11 =	vld [tilespmem:s10+$0x0]  }
0x138: {  	s8 =	simm.s32 $0xA0;
	s1 =	simm.s32 $0x40;
	[tilespmem:s11+$0xFFFFFFF0] =	vst v14;
	v14 =	vadd.s32 v0, v16;
	v13 =	vld [tilespmem:s13+$0x10]  }
.LBB2_14:
0x139: {  	v15 =	vld [tilespmem:s8+$0x10];
	s1 =	sadd.s32 $0x40, s1;
	v12 =	vadd.s32 v0, v12;
	[tilespmem:s11+$0x0] =	vst v14  }
0x13a: {  	v14 =	vld [tilespmem:s8+$0xFFFFFFF0];
	p0 =	slt.u32 s1, $0x1C0;
	[tilespmem:s11+$0xFFFFFFE0] =	vst v12;
	v9 =	vadd.s32 v1, v9;
	s11 =	smov.u32 s8  }
0x13b: {  	v16 =	vld [tilespmem:s8+$0x0];
	[tilespmem:s10+$0xFFFFFFE0] =	vst v9;
	v9 =	vadd.s32 v1, v10  }
.Ltmp6:
0x13c: {  	v12 =	vld [tilespmem:s8+$0xFFFFFFE0];
	[tilespmem:s10+$0xFFFFFFF0] =	vst v9;
	v10 =	vadd.s32 v1, v11;
	(pc) =	sbr.rel @p0 .LBB2_14-.Ltmp6, $4  }
0x13d: {  	v9 =	vld [tilespmem:s13+$0xFFFFFFE0];
	v11 =	vadd.s32 v1, v13;
	[tilespmem:s10+$0x0] =	vst v10;
	s10 =	smov.u32 s13  }
0x13e: {  	v13 =	vadd.s32 v0, v15;
	v10 =	vld [tilespmem:s13+$0xFFFFFFF0];
	[tilespmem:s13+$0x10] =	vst v11  }
0x13f: {  	s13 =	sadd.s32 $0x40, s13;
	v14 =	vadd.s32 v0, v14;
	[tilespmem:s8+$0x10] =	vst v13;
	v11 =	vld [tilespmem:s10+$0x0]  }
0x140: {  	s8 =	sadd.s32 $0x40, s8;
	[tilespmem:s11+$0xFFFFFFF0] =	vst v14;
	v14 =	vadd.s32 v0, v16;
	v13 =	vld [tilespmem:s13+$0x10]  }
0x141: {  	v12 =	vadd.s32 v0, v12  }
0x142: {  	[tilespmem:s11+$0xFFFFFFE0] =	vst v12  }
0x143: {  	v12 =	vld [tilespmem:s13+$0xFFFFFFE0]  }
0x144: {  	[tilespmem:s11+$0x0] =	vst v14;
	v63 =	vld [tilespmem:s13+$0xFFFFFFF0];
	v9 =	vadd.s32 v1, v9  }
0x145: {  	[tilespmem:s10+$0xFFFFFFE0] =	vst v9;
	v9 =	vadd.s32 v1, v10;
	v10 =	vld [tilespmem:s13+$0x0]  }
0x146: {  	[tilespmem:s10+$0xFFFFFFF0] =	vst v9;
	v9 =	vadd.s32 v1, v11  }
0x147: {  	v11 =	vadd.s32 v1, v13;
	[tilespmem:s10+$0x0] =	vst v9  }
0x148: {  	[tilespmem:s13+$0x10] =	vst v11;
	v9 =	vadd.s32 v1, v12  }
0x149: {  	[tilespmem:s13+$0xFFFFFFE0] =	vst v9;
	v9 =	vadd.s32 v1, v63  }
.Ltmp7:
0x14a: {  	[tilespmem:s13+$0xFFFFFFF0] =	vst v9;
	v9 =	vadd.s32 v1, v10;
	(pc) =	sbr.rel .LBB2_6-.Ltmp7, $4  }
0x14b: {  	s1 =	rddreg [dreg:$0x0];
	[tilespmem:s13+$0x0] =	vst v9  }
0x14c: {  	[tilespmem:s0], [sflag:$0x1] =	stream.indirect.gather [hbm4b:s1+s30], $0x10, s4, s30, $0xb8;
	[tilespmem:$0x1F480] =	vst v63  }
0x14d: {  	s23 =	simm.s32 $0x4C00;
	s12 =	sadd.s32 $0x1, s12  }
0x14e: {  	[tilespmem:s23], [sflag:$0x1] =	stream.indirect.gather [hbm4b:s29+s30], $0x10, s25, s30, $0xb8;
	[tilespmem:$0x1F480] =	vst v63  }
.LBB2_16:
0x14f: {  	s1 =	simm.s32 $0x4  }
0x150: {  	_ =	swait.ge [sflag:s1], $0x2000  }
0x151: {  	[sflag:s1] =	ssyncset.done $0x0  }
0x152: {  	[sflag:s1] =	ssyncadd.s32 $0xFFFFE000  }
0x153: {  	[bflag:$0x0] =	sbarrier.arrive $0xFFFF  }
0x154: {  	s12 =	simm.s32 $0x8C00;
	s23 =	rddreg [dreg:$0x5]  }
0x155: {  	[tilespmem:s12], [sflag:$0x5] =	stream.linear.gather [spmem:s23], $0x2800, $0x38;
	[tilespmem:$0x1F480] =	vst v63  }
0x156: {  	_ =	swait.ge [sflag:s21], $0x2800  }
0x157: {  	[sflag:s21] =	ssyncset.done $0x0  }
0x158: {  	s10 =	simm.s32 $0x8C40;
	[sflag:s21] =	ssyncadd.s32 $0xFFFFD800  }
0x159: {  	v12 =	vld [tilespmem:s10+$0x30]  }
0x15a: {  	v13 =	vld [tilespmem:s10+$0xFFFFFFD0]  }
0x15b: {  	v14 =	vld [tilespmem:s10+$0xFFFFFFE0]  }
0x15c: {  	v11 =	vld [tilespmem:s10+$0xFFFFFFF0]  }
0x15d: {  	v10 =	vld [tilespmem:s10+$0x0]  }
0x15e: {  	v9 =	vld [tilespmem:s10+$0x10];
	v15 =	vmin.f32 v12, $1.000000000e+00  }
0x15f: {  	v16 =	vmin.f32 v13, $1.000000000e+00;
	v12 =	vld [tilespmem:s10+$0x20];
	[tilespmem:s10+$0x30] =	vst v15  }
0x160: {  	s8 =	simm.s32 $0x8CC0;
	s11 =	simm.s32 $0x10400;
	s1 =	simm.s32 $0x0;
	v13 =	vld [tilespmem:s10+$0xFFFFFFC0];
	v14 =	vmin.f32 v14, $1.000000000e+00;
	[tilespmem:s10+$0xFFFFFFD0] =	vst v16  }
.LBB2_17:
0x161: {  	v15 =	vld [tilespmem:s8+$0x30];
	s1 =	sadd.s32 $0x8, s1;
	[tilespmem:s10+$0xFFFFFFE0] =	vst v14;
	v11 =	vmin.f32 v11, $1.000000000e+00  }
0x162: {  	v14 =	vld [tilespmem:s8+$0xFFFFFFD0];
	p0 =	slt.u32 s1, $0x278;
	[tilespmem:s10+$0xFFFFFFF0] =	vst v11;
	v10 =	vmin.f32 v10, $1.000000000e+00  }
0x163: {  	v16 =	vld [tilespmem:s8+$0xFFFFFFE0];
	[tilespmem:s10+$0x0] =	vst v10;
	v9 =	vmin.f32 v9, $1.000000000e+00  }
.Ltmp8:
0x164: {  	v11 =	vld [tilespmem:s8+$0xFFFFFFF0];
	[tilespmem:s10+$0x10] =	vst v9;
	v9 =	vmin.f32 v12, $1.000000000e+00;
	(pc) =	sbr.rel @p0 .LBB2_17-.Ltmp8, $4  }
0x165: {  	v10 =	vld [tilespmem:s8+$0x0];
	v12 =	vmin.f32 v13, $1.000000000e+00;
	[tilespmem:s10+$0x20] =	vst v9  }
0x166: {  	v9 =	vld [tilespmem:s8+$0x10];
	v13 =	vmin.f32 v15, $1.000000000e+00;
	[tilespmem:s10+$0xFFFFFFC0] =	vst v12;
	s10 =	smov.u32 s8  }
0x167: {  	v14 =	vmin.f32 v14, $1.000000000e+00;
	v12 =	vld [tilespmem:s8+$0x20];
	[tilespmem:s8+$0x30] =	vst v13  }
0x168: {  	s8 =	sadd.s32 $0x80, s8;
	v13 =	vld [tilespmem:s10+$0xFFFFFFC0];
	[tilespmem:s10+$0xFFFFFFD0] =	vst v14;
	v14 =	vmin.f32 v16, $1.000000000e+00  }
0x169: {  	[tilespmem:s10+$0xFFFFFFE0] =	vst v14;
	v11 =	vmin.f32 v11, $1.000000000e+00  }
0x16a: {  	[tilespmem:s10+$0xFFFFFFF0] =	vst v11;
	v10 =	vmin.f32 v10, $1.000000000e+00  }
0x16b: {  	[tilespmem:s10+$0x0] =	vst v10;
	v9 =	vmin.f32 v9, $1.000000000e+00  }
0x16c: {  	[tilespmem:s10+$0x10] =	vst v9;
	v9 =	vmin.f32 v12, $1.000000000e+00  }
0x16d: {  	v10 =	vmin.f32 v13, $1.000000000e+00;
	[tilespmem:s10+$0x20] =	vst v9  }
0x16e: {  	[tilespmem:s10+$0xFFFFFFC0] =	vst v10  }
0x16f: {  	s1 =	rddreg [dreg:$0xd]  }
0x170: {  	[hbm4b:s1+s4] =	stream.linear.scatter [tilespmem:s12], [sflag:$0x5], $0x2800, $0x38;
	[tilespmem:$0x1F480] =	vst v63  }
0x171: {  	_ =	swait.ge [sflag:s21], $0x2800  }
0x172: {  	[sflag:s21] =	ssyncset.done $0x0  }
0x173: {  	s13 =	rddreg [dreg:$0x5];
	[sflag:s21] =	ssyncadd.s32 $0xFFFFD800  }
0x174: {  	[spmem:s13] =	stream.linear.scatter [tilespmem:s11], [sflag:$0x5], $0x2800, $0x38;
	[tilespmem:$0x1F480] =	vst v63  }
0x175: {  	_ =	swait.ge [sflag:s21], $0x2800  }
0x176: {  	[sflag:s21] =	ssyncset.done $0x0  }
0x177: {  	s23 =	rddreg [dreg:$0x6];
	[sflag:s21] =	ssyncadd.s32 $0xFFFFD800  }
0x178: {  	[tilespmem:s12], [sflag:$0x5] =	stream.linear.gather [spmem:s23], $0x2800, $0x38;
	[tilespmem:$0x1F480] =	vst v63  }
0x179: {  	_ =	swait.ge [sflag:s21], $0x2800  }
0x17a: {  	[sflag:s21] =	ssyncset.done $0x0  }
0x17b: {  	s10 =	simm.s32 $0x8C40;
	[sflag:s21] =	ssyncadd.s32 $0xFFFFD800  }
0x17c: {  	v12 =	vld [tilespmem:s10+$0x30]  }
0x17d: {  	v13 =	vld [tilespmem:s10+$0xFFFFFFD0]  }
0x17e: {  	v14 =	vld [tilespmem:s10+$0xFFFFFFE0]  }
0x17f: {  	v11 =	vld [tilespmem:s10+$0xFFFFFFF0]  }
0x180: {  	v10 =	vld [tilespmem:s10+$0x0]  }
0x181: {  	v9 =	vld [tilespmem:s10+$0x10];
	v15 =	vmin.f32 v12, $1.000000000e+00  }
0x182: {  	v16 =	vmin.f32 v13, $1.000000000e+00;
	v12 =	vld [tilespmem:s10+$0x20];
	[tilespmem:s10+$0x30] =	vst v15  }
0x183: {  	s8 =	simm.s32 $0x8CC0;
	s1 =	simm.s32 $0x0;
	v13 =	vld [tilespmem:s10+$0xFFFFFFC0];
	v14 =	vmin.f32 v14, $1.000000000e+00;
	[tilespmem:s10+$0xFFFFFFD0] =	vst v16  }
.LBB2_19:
0x184: {  	v15 =	vld [tilespmem:s8+$0x30];
	s1 =	sadd.s32 $0x8, s1;
	[tilespmem:s10+$0xFFFFFFE0] =	vst v14;
	v11 =	vmin.f32 v11, $1.000000000e+00  }
0x185: {  	v14 =	vld [tilespmem:s8+$0xFFFFFFD0];
	p0 =	slt.u32 s1, $0x278;
	[tilespmem:s10+$0xFFFFFFF0] =	vst v11;
	v10 =	vmin.f32 v10, $1.000000000e+00  }
0x186: {  	v16 =	vld [tilespmem:s8+$0xFFFFFFE0];
	[tilespmem:s10+$0x0] =	vst v10;
	v9 =	vmin.f32 v9, $1.000000000e+00  }
.Ltmp9:
0x187: {  	v11 =	vld [tilespmem:s8+$0xFFFFFFF0];
	[tilespmem:s10+$0x10] =	vst v9;
	v9 =	vmin.f32 v12, $1.000000000e+00;
	(pc) =	sbr.rel @p0 .LBB2_19-.Ltmp9, $4  }
0x188: {  	v10 =	vld [tilespmem:s8+$0x0];
	v12 =	vmin.f32 v13, $1.000000000e+00;
	[tilespmem:s10+$0x20] =	vst v9  }
0x189: {  	v9 =	vld [tilespmem:s8+$0x10];
	v13 =	vmin.f32 v15, $1.000000000e+00;
	[tilespmem:s10+$0xFFFFFFC0] =	vst v12;
	s10 =	smov.u32 s8  }
0x18a: {  	v14 =	vmin.f32 v14, $1.000000000e+00;
	v12 =	vld [tilespmem:s8+$0x20];
	[tilespmem:s8+$0x30] =	vst v13  }
0x18b: {  	s8 =	sadd.s32 $0x80, s8;
	v13 =	vld [tilespmem:s10+$0xFFFFFFC0];
	[tilespmem:s10+$0xFFFFFFD0] =	vst v14;
	v14 =	vmin.f32 v16, $1.000000000e+00  }
0x18c: {  	[tilespmem:s10+$0xFFFFFFE0] =	vst v14;
	v11 =	vmin.f32 v11, $1.000000000e+00  }
0x18d: {  	[tilespmem:s10+$0xFFFFFFF0] =	vst v11;
	v10 =	vmin.f32 v10, $1.000000000e+00  }
0x18e: {  	[tilespmem:s10+$0x0] =	vst v10;
	v9 =	vmin.f32 v9, $1.000000000e+00  }
0x18f: {  	[tilespmem:s10+$0x10] =	vst v9;
	v9 =	vmin.f32 v12, $1.000000000e+00  }
0x190: {  	v10 =	vmin.f32 v13, $1.000000000e+00;
	[tilespmem:s10+$0x20] =	vst v9  }
0x191: {  	[tilespmem:s10+$0xFFFFFFC0] =	vst v10  }
0x192: {  	s1 =	rddreg [dreg:$0x11]  }
0x193: {  	[hbm4b:s1+s4] =	stream.linear.scatter [tilespmem:s12], [sflag:$0x5], $0x2800, $0x38;
	[tilespmem:$0x1F480] =	vst v63  }
0x194: {  	_ =	swait.ge [sflag:s21], $0x2800  }
0x195: {  	[sflag:s21] =	ssyncset.done $0x0  }
0x196: {  	s13 =	rddreg [dreg:$0x6];
	[sflag:s21] =	ssyncadd.s32 $0xFFFFD800  }
0x197: {  	[spmem:s13] =	stream.linear.scatter [tilespmem:s11], [sflag:$0x5], $0x2800, $0x38;
	[tilespmem:$0x1F480] =	vst v63  }
0x198: {  	_ =	swait.ge [sflag:s21], $0x2800  }
0x199: {  	[sflag:s21] =	ssyncset.done $0x0  }
0x19a: {  	s23 =	rddreg [dreg:$0x7];
	[sflag:s21] =	ssyncadd.s32 $0xFFFFD800  }
0x19b: {  	[tilespmem:s12], [sflag:$0x5] =	stream.linear.gather [spmem:s23], $0x2800, $0x38;
	[tilespmem:$0x1F480] =	vst v63  }
0x19c: {  	_ =	swait.ge [sflag:s21], $0x2800  }
0x19d: {  	[sflag:s21] =	ssyncset.done $0x0  }
0x19e: {  	s10 =	simm.s32 $0x8C40;
	[sflag:s21] =	ssyncadd.s32 $0xFFFFD800  }
0x19f: {  	v12 =	vld [tilespmem:s10+$0x30]  }
0x1a0: {  	v13 =	vld [tilespmem:s10+$0xFFFFFFD0]  }
0x1a1: {  	v14 =	vld [tilespmem:s10+$0xFFFFFFE0]  }
0x1a2: {  	v11 =	vld [tilespmem:s10+$0xFFFFFFF0]  }
0x1a3: {  	v10 =	vld [tilespmem:s10+$0x0]  }
0x1a4: {  	v9 =	vld [tilespmem:s10+$0x10];
	v15 =	vmin.f32 v12, $1.000000000e+00  }
0x1a5: {  	v16 =	vmin.f32 v13, $1.000000000e+00;
	v12 =	vld [tilespmem:s10+$0x20];
	[tilespmem:s10+$0x30] =	vst v15  }
0x1a6: {  	s8 =	simm.s32 $0x8CC0;
	s1 =	simm.s32 $0x0;
	v13 =	vld [tilespmem:s10+$0xFFFFFFC0];
	v14 =	vmin.f32 v14, $1.000000000e+00;
	[tilespmem:s10+$0xFFFFFFD0] =	vst v16  }
.LBB2_21:
0x1a7: {  	v15 =	vld [tilespmem:s8+$0x30];
	s1 =	sadd.s32 $0x8, s1;
	[tilespmem:s10+$0xFFFFFFE0] =	vst v14;
	v11 =	vmin.f32 v11, $1.000000000e+00  }
0x1a8: {  	v14 =	vld [tilespmem:s8+$0xFFFFFFD0];
	p0 =	slt.u32 s1, $0x278;
	[tilespmem:s10+$0xFFFFFFF0] =	vst v11;
	v10 =	vmin.f32 v10, $1.000000000e+00  }
0x1a9: {  	v16 =	vld [tilespmem:s8+$0xFFFFFFE0];
	[tilespmem:s10+$0x0] =	vst v10;
	v9 =	vmin.f32 v9, $1.000000000e+00  }
.Ltmp10:
0x1aa: {  	v11 =	vld [tilespmem:s8+$0xFFFFFFF0];
	[tilespmem:s10+$0x10] =	vst v9;
	v9 =	vmin.f32 v12, $1.000000000e+00;
	(pc) =	sbr.rel @p0 .LBB2_21-.Ltmp10, $4  }
0x1ab: {  	v10 =	vld [tilespmem:s8+$0x0];
	v12 =	vmin.f32 v13, $1.000000000e+00;
	[tilespmem:s10+$0x20] =	vst v9  }
0x1ac: {  	v9 =	vld [tilespmem:s8+$0x10];
	v13 =	vmin.f32 v15, $1.000000000e+00;
	[tilespmem:s10+$0xFFFFFFC0] =	vst v12;
	s10 =	smov.u32 s8  }
0x1ad: {  	v14 =	vmin.f32 v14, $1.000000000e+00;
	v12 =	vld [tilespmem:s8+$0x20];
	[tilespmem:s8+$0x30] =	vst v13  }
0x1ae: {  	s8 =	sadd.s32 $0x80, s8;
	v13 =	vld [tilespmem:s10+$0xFFFFFFC0];
	[tilespmem:s10+$0xFFFFFFD0] =	vst v14;
	v14 =	vmin.f32 v16, $1.000000000e+00  }
0x1af: {  	[tilespmem:s10+$0xFFFFFFE0] =	vst v14;
	v11 =	vmin.f32 v11, $1.000000000e+00  }
0x1b0: {  	[tilespmem:s10+$0xFFFFFFF0] =	vst v11;
	v10 =	vmin.f32 v10, $1.000000000e+00  }
0x1b1: {  	[tilespmem:s10+$0x0] =	vst v10;
	v9 =	vmin.f32 v9, $1.000000000e+00  }
0x1b2: {  	[tilespmem:s10+$0x10] =	vst v9;
	v9 =	vmin.f32 v12, $1.000000000e+00  }
0x1b3: {  	v10 =	vmin.f32 v13, $1.000000000e+00;
	[tilespmem:s10+$0x20] =	vst v9  }
0x1b4: {  	[tilespmem:s10+$0xFFFFFFC0] =	vst v10  }
0x1b5: {  	s1 =	rddreg [dreg:$0x15]  }
0x1b6: {  	[hbm4b:s1+s4] =	stream.linear.scatter [tilespmem:s12], [sflag:$0x5], $0x2800, $0x38;
	[tilespmem:$0x1F480] =	vst v63  }
0x1b7: {  	_ =	swait.ge [sflag:s21], $0x2800  }
0x1b8: {  	[sflag:s21] =	ssyncset.done $0x0  }
0x1b9: {  	s13 =	rddreg [dreg:$0x7];
	[sflag:s21] =	ssyncadd.s32 $0xFFFFD800  }
0x1ba: {  	[spmem:s13] =	stream.linear.scatter [tilespmem:s11], [sflag:$0x5], $0x2800, $0x38;
	[tilespmem:$0x1F480] =	vst v63  }
0x1bb: {  	_ =	swait.ge [sflag:s21], $0x2800  }
0x1bc: {  	[sflag:s21] =	ssyncset.done $0x0  }
0x1bd: {  	s23 =	rddreg [dreg:$0x8];
	[sflag:s21] =	ssyncadd.s32 $0xFFFFD800  }
0x1be: {  	[tilespmem:s12], [sflag:$0x5] =	stream.linear.gather [spmem:s23], $0x2800, $0x38;
	[tilespmem:$0x1F480] =	vst v63  }
0x1bf: {  	_ =	swait.ge [sflag:s21], $0x2800  }
0x1c0: {  	[sflag:s21] =	ssyncset.done $0x0  }
0x1c1: {  	s10 =	simm.s32 $0x8C40;
	[sflag:s21] =	ssyncadd.s32 $0xFFFFD800  }
0x1c2: {  	v12 =	vld [tilespmem:s10+$0x30]  }
0x1c3: {  	v13 =	vld [tilespmem:s10+$0xFFFFFFD0]  }
0x1c4: {  	v14 =	vld [tilespmem:s10+$0xFFFFFFE0]  }
0x1c5: {  	v11 =	vld [tilespmem:s10+$0xFFFFFFF0]  }
0x1c6: {  	v10 =	vld [tilespmem:s10+$0x0]  }
0x1c7: {  	v9 =	vld [tilespmem:s10+$0x10];
	v15 =	vmin.f32 v12, $1.000000000e+00  }
0x1c8: {  	v16 =	vmin.f32 v13, $1.000000000e+00;
	v12 =	vld [tilespmem:s10+$0x20];
	[tilespmem:s10+$0x30] =	vst v15  }
0x1c9: {  	s8 =	simm.s32 $0x8CC0;
	s1 =	simm.s32 $0x0;
	v13 =	vld [tilespmem:s10+$0xFFFFFFC0];
	v14 =	vmin.f32 v14, $1.000000000e+00;
	[tilespmem:s10+$0xFFFFFFD0] =	vst v16  }
.LBB2_23:
0x1ca: {  	v15 =	vld [tilespmem:s8+$0x30];
	s1 =	sadd.s32 $0x8, s1;
	[tilespmem:s10+$0xFFFFFFE0] =	vst v14;
	v11 =	vmin.f32 v11, $1.000000000e+00  }
0x1cb: {  	v14 =	vld [tilespmem:s8+$0xFFFFFFD0];
	p0 =	slt.u32 s1, $0x278;
	[tilespmem:s10+$0xFFFFFFF0] =	vst v11;
	v10 =	vmin.f32 v10, $1.000000000e+00  }
0x1cc: {  	v16 =	vld [tilespmem:s8+$0xFFFFFFE0];
	[tilespmem:s10+$0x0] =	vst v10;
	v9 =	vmin.f32 v9, $1.000000000e+00  }
.Ltmp11:
0x1cd: {  	v11 =	vld [tilespmem:s8+$0xFFFFFFF0];
	[tilespmem:s10+$0x10] =	vst v9;
	v9 =	vmin.f32 v12, $1.000000000e+00;
	(pc) =	sbr.rel @p0 .LBB2_23-.Ltmp11, $4  }
0x1ce: {  	v10 =	vld [tilespmem:s8+$0x0];
	v12 =	vmin.f32 v13, $1.000000000e+00;
	[tilespmem:s10+$0x20] =	vst v9  }
0x1cf: {  	v9 =	vld [tilespmem:s8+$0x10];
	v13 =	vmin.f32 v15, $1.000000000e+00;
	[tilespmem:s10+$0xFFFFFFC0] =	vst v12;
	s10 =	smov.u32 s8  }
0x1d0: {  	v14 =	vmin.f32 v14, $1.000000000e+00;
	v12 =	vld [tilespmem:s8+$0x20];
	[tilespmem:s8+$0x30] =	vst v13  }
0x1d1: {  	s8 =	sadd.s32 $0x80, s8;
	v13 =	vld [tilespmem:s10+$0xFFFFFFC0];
	[tilespmem:s10+$0xFFFFFFD0] =	vst v14;
	v14 =	vmin.f32 v16, $1.000000000e+00  }
0x1d2: {  	[tilespmem:s10+$0xFFFFFFE0] =	vst v14;
	v11 =	vmin.f32 v11, $1.000000000e+00  }
0x1d3: {  	[tilespmem:s10+$0xFFFFFFF0] =	vst v11;
	v10 =	vmin.f32 v10, $1.000000000e+00  }
0x1d4: {  	[tilespmem:s10+$0x0] =	vst v10;
	v9 =	vmin.f32 v9, $1.000000000e+00  }
0x1d5: {  	[tilespmem:s10+$0x10] =	vst v9;
	v9 =	vmin.f32 v12, $1.000000000e+00  }
0x1d6: {  	v10 =	vmin.f32 v13, $1.000000000e+00;
	[tilespmem:s10+$0x20] =	vst v9  }
0x1d7: {  	[tilespmem:s10+$0xFFFFFFC0] =	vst v10  }
0x1d8: {  	s1 =	rddreg [dreg:$0x19]  }
0x1d9: {  	[hbm4b:s1+s4] =	stream.linear.scatter [tilespmem:s12], [sflag:$0x5], $0x2800, $0x38;
	[tilespmem:$0x1F480] =	vst v63  }
0x1da: {  	_ =	swait.ge [sflag:s21], $0x2800  }
0x1db: {  	[sflag:s21] =	ssyncset.done $0x0  }
0x1dc: {  	s13 =	rddreg [dreg:$0x8];
	[sflag:s21] =	ssyncadd.s32 $0xFFFFD800  }
0x1dd: {  	[spmem:s13] =	stream.linear.scatter [tilespmem:s11], [sflag:$0x5], $0x2800, $0x38;
	[tilespmem:$0x1F480] =	vst v63  }
0x1de: {  	_ =	swait.ge [sflag:s21], $0x2800  }
0x1df: {  	[sflag:s21] =	ssyncset.done $0x0  }
0x1e0: {  	s23 =	rddreg [dreg:$0x9];
	[sflag:s21] =	ssyncadd.s32 $0xFFFFD800  }
0x1e1: {  	[tilespmem:s12], [sflag:$0x5] =	stream.linear.gather [spmem:s23], $0x2800, $0x38;
	[tilespmem:$0x1F480] =	vst v63  }
0x1e2: {  	_ =	swait.ge [sflag:s21], $0x2800  }
0x1e3: {  	[sflag:s21] =	ssyncset.done $0x0  }
0x1e4: {  	s10 =	simm.s32 $0x8C40;
	[sflag:s21] =	ssyncadd.s32 $0xFFFFD800  }
0x1e5: {  	v12 =	vld [tilespmem:s10+$0x30]  }
0x1e6: {  	v13 =	vld [tilespmem:s10+$0xFFFFFFD0]  }
0x1e7: {  	v14 =	vld [tilespmem:s10+$0xFFFFFFE0]  }
0x1e8: {  	v11 =	vld [tilespmem:s10+$0xFFFFFFF0]  }
0x1e9: {  	v10 =	vld [tilespmem:s10+$0x0]  }
0x1ea: {  	v9 =	vld [tilespmem:s10+$0x10];
	v15 =	vmin.f32 v12, $1.000000000e+00  }
0x1eb: {  	v16 =	vmin.f32 v13, $1.000000000e+00;
	v12 =	vld [tilespmem:s10+$0x20];
	[tilespmem:s10+$0x30] =	vst v15  }
0x1ec: {  	s8 =	simm.s32 $0x8CC0;
	s1 =	simm.s32 $0x0;
	v13 =	vld [tilespmem:s10+$0xFFFFFFC0];
	v14 =	vmin.f32 v14, $1.000000000e+00;
	[tilespmem:s10+$0xFFFFFFD0] =	vst v16  }
.LBB2_25:
0x1ed: {  	v15 =	vld [tilespmem:s8+$0x30];
	s1 =	sadd.s32 $0x8, s1;
	[tilespmem:s10+$0xFFFFFFE0] =	vst v14;
	v11 =	vmin.f32 v11, $1.000000000e+00  }
0x1ee: {  	v14 =	vld [tilespmem:s8+$0xFFFFFFD0];
	p0 =	slt.u32 s1, $0x278;
	[tilespmem:s10+$0xFFFFFFF0] =	vst v11;
	v10 =	vmin.f32 v10, $1.000000000e+00  }
0x1ef: {  	v16 =	vld [tilespmem:s8+$0xFFFFFFE0];
	[tilespmem:s10+$0x0] =	vst v10;
	v9 =	vmin.f32 v9, $1.000000000e+00  }
.Ltmp12:
0x1f0: {  	v11 =	vld [tilespmem:s8+$0xFFFFFFF0];
	[tilespmem:s10+$0x10] =	vst v9;
	v9 =	vmin.f32 v12, $1.000000000e+00;
	(pc) =	sbr.rel @p0 .LBB2_25-.Ltmp12, $4  }
0x1f1: {  	v10 =	vld [tilespmem:s8+$0x0];
	v12 =	vmin.f32 v13, $1.000000000e+00;
	[tilespmem:s10+$0x20] =	vst v9  }
0x1f2: {  	v9 =	vld [tilespmem:s8+$0x10];
	v13 =	vmin.f32 v15, $1.000000000e+00;
	[tilespmem:s10+$0xFFFFFFC0] =	vst v12;
	s10 =	smov.u32 s8  }
0x1f3: {  	v14 =	vmin.f32 v14, $1.000000000e+00;
	v12 =	vld [tilespmem:s8+$0x20];
	[tilespmem:s8+$0x30] =	vst v13  }
0x1f4: {  	s8 =	sadd.s32 $0x80, s8;
	v13 =	vld [tilespmem:s10+$0xFFFFFFC0];
	[tilespmem:s10+$0xFFFFFFD0] =	vst v14;
	v14 =	vmin.f32 v16, $1.000000000e+00  }
0x1f5: {  	[tilespmem:s10+$0xFFFFFFE0] =	vst v14;
	v11 =	vmin.f32 v11, $1.000000000e+00  }
0x1f6: {  	[tilespmem:s10+$0xFFFFFFF0] =	vst v11;
	v10 =	vmin.f32 v10, $1.000000000e+00  }
0x1f7: {  	[tilespmem:s10+$0x0] =	vst v10;
	v9 =	vmin.f32 v9, $1.000000000e+00  }
0x1f8: {  	[tilespmem:s10+$0x10] =	vst v9;
	v9 =	vmin.f32 v12, $1.000000000e+00  }
0x1f9: {  	v10 =	vmin.f32 v13, $1.000000000e+00;
	[tilespmem:s10+$0x20] =	vst v9  }
0x1fa: {  	[tilespmem:s10+$0xFFFFFFC0] =	vst v10  }
0x1fb: {  	s1 =	rddreg [dreg:$0x1e]  }
0x1fc: {  	[hbm4b:s1+s4] =	stream.linear.scatter [tilespmem:s12], [sflag:$0x5], $0x2800, $0x38;
	[tilespmem:$0x1F480] =	vst v63  }
0x1fd: {  	_ =	swait.ge [sflag:s21], $0x2800  }
0x1fe: {  	[sflag:s21] =	ssyncset.done $0x0  }
0x1ff: {  	s10 =	rddreg [dreg:$0x9];
	[sflag:s21] =	ssyncadd.s32 $0xFFFFD800  }
0x200: {  	[spmem:s10] =	stream.linear.scatter [tilespmem:s11], [sflag:$0x5], $0x2800, $0x38;
	[tilespmem:$0x1F480] =	vst v63  }
0x201: {  	_ =	swait.ge [sflag:s21], $0x2800  }
0x202: {  	[sflag:s21] =	ssyncset.done $0x0  }
0x203: {  	[sflag:s21] =	ssyncadd.s32 $0xFFFFD800  }
0x204: {  	[bflag:$0x0] =	sbarrier.arrive $0xFFFF  }
0x205: {  	s11 =	rddreg [dreg:$0xa]  }
0x206: {  	[tilespmem:s4], [sflag:$0x5] =	stream.linear.gather [hbm4b:s11+s4], $0x200, $0x38;
	[tilespmem:$0x1F480] =	vst v63  }
0x207: {  	_ =	swait.ge [sflag:s21], $0x200  }
0x208: {  	[sflag:s21] =	ssyncset.done $0x0  }
0x209: {  	s12 =	rddreg [dreg:$0xb];
	[sflag:s21] =	ssyncadd.s32 $0xFFFFFE00  }
0x20a: {  	[tilespmem:s25], [sflag:$0x5] =	stream.linear.gather [hbm4b:s12+s4], $0x200, $0x38;
	[tilespmem:$0x1F480] =	vst v63  }
0x20b: {  	_ =	swait.ge [sflag:s21], $0x200  }
0x20c: {  	[sflag:s21] =	ssyncset.done $0x0  }
0x20d: {  	s13 =	rddreg [dreg:$0xc];
	[sflag:s21] =	ssyncadd.s32 $0xFFFFFE00  }
0x20e: {  	[tilespmem:s28], [sflag:$0x5] =	stream.linear.gather [hbm4b:s13+s4], $0x200, $0x38;
	[tilespmem:$0x1F480] =	vst v63  }
0x20f: {  	_ =	swait.ge [sflag:s21], $0x200  }
0x210: {  	[sflag:s21] =	ssyncset.done $0x0  }
0x211: {  	s23 =	simm.s32 $0x20;
	[sflag:s21] =	ssyncadd.s32 $0xFFFFFE00  }
0x212: {  	v9 =	vld [tilespmem:s23+$0x10];
	_ =	sdelay $0x3  }
0x213: {  	v10 =	vld [tilespmem:s23+$0xFFFFFFF0]  }
0x214: {  	v11 =	vld [tilespmem:s23+$0xFFFFFFE0];
	v9 =	vadd.s32 v0, v9  }
0x215: {  	s10 =	simm.s32 $0x420;
	v12 =	vld [tilespmem:s23+$0x0];
	[tilespmem:s23+$0x10] =	vst v9  }
0x216: {  	s11 =	simm.s32 $0x60;
	v13 =	vld [tilespmem:s10+$0x10]  }
0x217: {  	v14 =	vld [tilespmem:s11+$0x10]  }
0x218: {  	v15 =	vld [tilespmem:s11+$0xFFFFFFF0];
	v9 =	vadd.s32 v0, v10  }
0x219: {  	v16 =	vld [tilespmem:s11+$0x0];
	[tilespmem:s23+$0xFFFFFFF0] =	vst v9;
	v9 =	vadd.s32 v0, v11  }
0x21a: {  	v10 =	vadd.s32 v0, v12;
	v12 =	vld [tilespmem:s11+$0xFFFFFFE0];
	[tilespmem:s23+$0xFFFFFFE0] =	vst v9  }
0x21b: {  	[tilespmem:s23+$0x0] =	vst v10;
	v9 =	vld [tilespmem:s10+$0xFFFFFFE0];
	v11 =	vadd.s32 v1, v13  }
0x21c: {  	v10 =	vld [tilespmem:s10+$0xFFFFFFF0];
	v13 =	vadd.s32 v0, v14;
	[tilespmem:s10+$0x10] =	vst v11  }
0x21d: {  	s12 =	simm.s32 $0x460;
	v14 =	vadd.s32 v0, v15;
	[tilespmem:s11+$0x10] =	vst v13;
	v11 =	vld [tilespmem:s10+$0x0]  }
0x21e: {  	s8 =	simm.s32 $0xA0;
	s1 =	simm.s32 $0x40;
	[tilespmem:s11+$0xFFFFFFF0] =	vst v14;
	v14 =	vadd.s32 v0, v16;
	v13 =	vld [tilespmem:s12+$0x10]  }
.LBB2_27:
0x21f: {  	v15 =	vld [tilespmem:s8+$0x10];
	s1 =	sadd.s32 $0x40, s1;
	v12 =	vadd.s32 v0, v12;
	[tilespmem:s11+$0x0] =	vst v14  }
0x220: {  	v14 =	vld [tilespmem:s8+$0xFFFFFFF0];
	p0 =	slt.u32 s1, $0x1C0;
	[tilespmem:s11+$0xFFFFFFE0] =	vst v12;
	v9 =	vadd.s32 v1, v9;
	s11 =	smov.u32 s8  }
0x221: {  	v16 =	vld [tilespmem:s8+$0x0];
	[tilespmem:s10+$0xFFFFFFE0] =	vst v9;
	v9 =	vadd.s32 v1, v10  }
.Ltmp13:
0x222: {  	v12 =	vld [tilespmem:s8+$0xFFFFFFE0];
	[tilespmem:s10+$0xFFFFFFF0] =	vst v9;
	v10 =	vadd.s32 v1, v11;
	(pc) =	sbr.rel @p0 .LBB2_27-.Ltmp13, $4  }
0x223: {  	v9 =	vld [tilespmem:s12+$0xFFFFFFE0];
	v11 =	vadd.s32 v1, v13;
	[tilespmem:s10+$0x0] =	vst v10;
	s10 =	smov.u32 s12  }
0x224: {  	v13 =	vadd.s32 v0, v15;
	v10 =	vld [tilespmem:s12+$0xFFFFFFF0];
	[tilespmem:s12+$0x10] =	vst v11  }
0x225: {  	s12 =	sadd.s32 $0x40, s12;
	v14 =	vadd.s32 v0, v14;
	[tilespmem:s8+$0x10] =	vst v13;
	v11 =	vld [tilespmem:s10+$0x0]  }
0x226: {  	s8 =	sadd.s32 $0x40, s8;
	[tilespmem:s11+$0xFFFFFFF0] =	vst v14;
	v14 =	vadd.s32 v0, v16;
	v13 =	vld [tilespmem:s12+$0x10]  }
0x227: {  	v12 =	vadd.s32 v0, v12  }
0x228: {  	[tilespmem:s11+$0xFFFFFFE0] =	vst v12  }
0x229: {  	v12 =	vld [tilespmem:s12+$0xFFFFFFE0]  }
0x22a: {  	[tilespmem:s11+$0x0] =	vst v14;
	v63 =	vld [tilespmem:s12+$0xFFFFFFF0];
	v9 =	vadd.s32 v1, v9  }
0x22b: {  	[tilespmem:s10+$0xFFFFFFE0] =	vst v9;
	v9 =	vadd.s32 v1, v10;
	v10 =	vld [tilespmem:s12+$0x0]  }
0x22c: {  	[tilespmem:s10+$0xFFFFFFF0] =	vst v9;
	v9 =	vadd.s32 v1, v11  }
0x22d: {  	v11 =	vadd.s32 v1, v13;
	[tilespmem:s10+$0x0] =	vst v9  }
0x22e: {  	[tilespmem:s12+$0x10] =	vst v11;
	v9 =	vadd.s32 v1, v12  }
0x22f: {  	[tilespmem:s12+$0xFFFFFFE0] =	vst v9;
	v9 =	vadd.s32 v1, v63  }
0x230: {  	[tilespmem:s12+$0xFFFFFFF0] =	vst v9;
	v9 =	vadd.s32 v1, v10  }
0x231: {  	[tilespmem:s12+$0x0] =	vst v9;
	s12 =	simm.s32 $0x0  }
0x232: {  	[tilespmem:s0], [sflag:$0x1] =	stream.indirect.gather [hbm4b:s19+s30], $0x10, s12, s30, $0xb8;
	[tilespmem:$0x1F480] =	vst v63  }
0x233: {  	s1 =	simm.s32 $0x4C00  }
0x234: {  	[tilespmem:s1], [sflag:$0x1] =	stream.indirect.gather [hbm4b:s5+s30], $0x10, s25, s30, $0xb8;
	[tilespmem:$0x1F480] =	vst v63  }
.LBB2_29:
0x235: {  	p0 =	seq.s32 s12, $0x0  }
0x236: {  	s13 =	sshll.u32 s12, $0xA;
	s1 =	simm.s32 @!p0 $0x4  }
0x237: {  	s8 =	sadd.s32 s13, s17;
	_ =	swait.ge @!p0 [sflag:s1], $0x2000  }
0x238: {  	s8 =	sshrl.u32 s8, $0x3;
	[sflag:s1] =	ssyncset.done @!p0 $0x0  }
0x239: {  	s23 =	sadd.s32 s2, s8;
	[sflag:s1] =	ssyncadd.s32 @!p0 $0xFFFFE000  }
0x23a: {  	[tilespmem:s30], [sflag:$0x5] =	stream.linear.gather [hbm4b:s23+s4], $0x200, $0x38;
	[tilespmem:$0x1F480] =	vst v63  }
0x23b: {  	_ =	swait.ge [sflag:s21], $0x200  }
0x23c: {  	[sflag:s21] =	ssyncset.done $0x0  }
0x23d: {  	s10 =	sadd.s32 s6, s8;
	[sflag:s21] =	ssyncadd.s32 $0xFFFFFE00  }
0x23e: {  	[tilespmem:s24], [sflag:$0x5] =	stream.linear.gather [hbm4b:s10+s4], $0x200, $0x38;
	[tilespmem:$0x1F480] =	vst v63  }
0x23f: {  	_ =	swait.ge [sflag:s21], $0x200  }
0x240: {  	[sflag:s21] =	ssyncset.done $0x0  }
0x241: {  	s11 =	sadd.s32 s7, s8;
	[sflag:s21] =	ssyncadd.s32 $0xFFFFFE00  }
0x242: {  	[tilespmem:s31], [sflag:$0x5] =	stream.linear.gather [hbm4b:s11+s4], $0x200, $0x38;
	[tilespmem:$0x1F480] =	vst v63  }
0x243: {  	_ =	swait.ge [sflag:s21], $0x200  }
0x244: {  	[sflag:s21] =	ssyncset.done $0x0  }
0x245: {  	s23 =	simm.s32 $0x220;
	[sflag:s21] =	ssyncadd.s32 $0xFFFFFE00  }
0x246: {  	v9 =	vld [tilespmem:s23+$0x10];
	_ =	sdelay $0x3  }
0x247: {  	v10 =	vld [tilespmem:s23+$0xFFFFFFF0]  }
0x248: {  	v11 =	vld [tilespmem:s23+$0xFFFFFFE0];
	v9 =	vadd.s32 v0, v9  }
0x249: {  	s10 =	simm.s32 $0x620;
	v12 =	vld [tilespmem:s23+$0x0];
	[tilespmem:s23+$0x10] =	vst v9  }
0x24a: {  	s11 =	simm.s32 $0x260;
	v13 =	vld [tilespmem:s10+$0x10]  }
0x24b: {  	v14 =	vld [tilespmem:s11+$0x10]  }
0x24c: {  	v15 =	vld [tilespmem:s11+$0xFFFFFFF0];
	v9 =	vadd.s32 v0, v10  }
0x24d: {  	v16 =	vld [tilespmem:s11+$0x0];
	[tilespmem:s23+$0xFFFFFFF0] =	vst v9;
	v9 =	vadd.s32 v0, v11  }
0x24e: {  	v10 =	vadd.s32 v0, v12;
	v12 =	vld [tilespmem:s11+$0xFFFFFFE0];
	[tilespmem:s23+$0xFFFFFFE0] =	vst v9  }
0x24f: {  	[tilespmem:s23+$0x0] =	vst v10;
	v9 =	vld [tilespmem:s10+$0xFFFFFFE0];
	v11 =	vadd.s32 v1, v13  }
0x250: {  	v10 =	vld [tilespmem:s10+$0xFFFFFFF0];
	v13 =	vadd.s32 v0, v14;
	[tilespmem:s10+$0x10] =	vst v11  }
0x251: {  	s23 =	simm.s32 $0x660;
	v14 =	vadd.s32 v0, v15;
	[tilespmem:s11+$0x10] =	vst v13;
	v11 =	vld [tilespmem:s10+$0x0]  }
0x252: {  	s8 =	simm.s32 $0x2A0;
	s1 =	simm.s32 $0x40;
	[tilespmem:s11+$0xFFFFFFF0] =	vst v14;
	v14 =	vadd.s32 v0, v16;
	v13 =	vld [tilespmem:s23+$0x10]  }
.LBB2_30:
0x253: {  	v15 =	vld [tilespmem:s8+$0x10];
	s1 =	sadd.s32 $0x40, s1;
	v12 =	vadd.s32 v0, v12;
	[tilespmem:s11+$0x0] =	vst v14  }
0x254: {  	v14 =	vld [tilespmem:s8+$0xFFFFFFF0];
	p0 =	slt.u32 s1, $0x1C0;
	[tilespmem:s11+$0xFFFFFFE0] =	vst v12;
	v9 =	vadd.s32 v1, v9;
	s11 =	smov.u32 s8  }
0x255: {  	v16 =	vld [tilespmem:s8+$0x0];
	[tilespmem:s10+$0xFFFFFFE0] =	vst v9;
	v9 =	vadd.s32 v1, v10  }
.Ltmp14:
0x256: {  	v12 =	vld [tilespmem:s8+$0xFFFFFFE0];
	[tilespmem:s10+$0xFFFFFFF0] =	vst v9;
	v10 =	vadd.s32 v1, v11;
	(pc) =	sbr.rel @p0 .LBB2_30-.Ltmp14, $4  }
0x257: {  	v9 =	vld [tilespmem:s23+$0xFFFFFFE0];
	v11 =	vadd.s32 v1, v13;
	[tilespmem:s10+$0x0] =	vst v10;
	s10 =	smov.u32 s23  }
0x258: {  	v13 =	vadd.s32 v0, v15;
	v10 =	vld [tilespmem:s23+$0xFFFFFFF0];
	[tilespmem:s23+$0x10] =	vst v11  }
0x259: {  	s23 =	sadd.s32 $0x40, s23;
	v14 =	vadd.s32 v0, v14;
	[tilespmem:s8+$0x10] =	vst v13;
	v11 =	vld [tilespmem:s10+$0x0]  }
0x25a: {  	s8 =	sadd.s32 $0x40, s8;
	[tilespmem:s11+$0xFFFFFFF0] =	vst v14;
	v14 =	vadd.s32 v0, v16;
	v13 =	vld [tilespmem:s23+$0x10]  }
0x25b: {  	v12 =	vadd.s32 v0, v12  }
0x25c: {  	[tilespmem:s11+$0xFFFFFFE0] =	vst v12  }
0x25d: {  	v12 =	vld [tilespmem:s23+$0xFFFFFFE0]  }
0x25e: {  	[tilespmem:s11+$0x0] =	vst v14;
	v14 =	vld [tilespmem:s23+$0xFFFFFFF0];
	v9 =	vadd.s32 v1, v9  }
0x25f: {  	[tilespmem:s10+$0xFFFFFFE0] =	vst v9;
	v9 =	vadd.s32 v1, v10;
	v10 =	vld [tilespmem:s23+$0x0]  }
0x260: {  	[tilespmem:s10+$0xFFFFFFF0] =	vst v9;
	v9 =	vadd.s32 v1, v11  }
0x261: {  	v11 =	vadd.s32 v1, v13;
	[tilespmem:s10+$0x0] =	vst v9  }
0x262: {  	[tilespmem:s23+$0x10] =	vst v11;
	v9 =	vadd.s32 v1, v12  }
0x263: {  	[tilespmem:s23+$0xFFFFFFE0] =	vst v9;
	v9 =	vadd.s32 v1, v14  }
0x264: {  	[tilespmem:s23+$0xFFFFFFF0] =	vst v9;
	v9 =	vadd.s32 v1, v10  }
0x265: {  	[tilespmem:s23+$0x0] =	vst v9  }
0x266: {  	[tilespmem:s22], [sflag:$0x2] =	stream.indirect.gather [hbm4b:s19+s30], $0x10, s30, s30, $0xb8;
	[tilespmem:$0x1F480] =	vst v63  }
0x267: {  	_ = 	snop  }
0x268: {  	[tilespmem:s14], [sflag:$0x2] =	stream.indirect.gather [hbm4b:s5+s30], $0x10, s24, s30, $0xb8;
	[tilespmem:$0x1F480] =	vst v63  }
0x269: {  	_ =	swait.ge [sflag:s15], $0x2000  }
0x26a: {  	[sflag:s15] =	ssyncset.done $0x0  }
0x26b: {  	[sflag:s15] =	ssyncadd.s32 $0xFFFFE000  }
0x26c: {  	_ =	swait.ge [sflag:s15], $0x2000  }
0x26d: {  	[sflag:s15] =	ssyncset.done $0x0  }
0x26e: {  	s10 =	simm.s32 $0xC40;
	[sflag:s15] =	ssyncadd.s32 $0xFFFFE000  }
0x26f: {  	s11 =	simm.s32 $0x4C40;
	v10 =	vld [tilespmem:s10+$0x30]  }
0x270: {  	v11 =	vld [tilespmem:s11+$0x30]  }
0x271: {  	v9 =	vld [tilespmem:s11+$0xFFFFFFC0]  }
0x272: {  	v12 =	vld [tilespmem:s10+$0xFFFFFFD0]  }
0x273: {  	v13 =	vld [tilespmem:s11+$0xFFFFFFD0]  }
0x274: {  	v14 =	vld [tilespmem:s10+$0xFFFFFFE0]  }
0x275: {  	v15 =	vld [tilespmem:s11+$0xFFFFFFE0]  }
0x276: {  	v16 =	vld [tilespmem:s10+$0xFFFFFFF0]  }
0x277: {  	v17 =	vld [tilespmem:s11+$0xFFFFFFF0]  }
0x278: {  	v18 =	vld [tilespmem:s10+$0x0]  }
0x279: {  	v19 =	vld [tilespmem:s11+$0x0];
	v11 =	vmul.f32 v11, v10  }
0x27a: {  	v13 =	vmul.f32 v13, v12;
	v10 =	vld [tilespmem:s10+$0x10]  }
0x27b: {  	v14 =	vmul.f32 v15, v14;
	v12 =	vld [tilespmem:s11+$0x10];
	[tilespmem:s10+$0x30] =	vst v11  }
0x27c: {  	v15 =	vmul.f32 v17, v16;
	[tilespmem:s10+$0xFFFFFFD0] =	vst v13;
	v11 =	vld [tilespmem:s10+$0x20]  }
0x27d: {  	[tilespmem:s10+$0xFFFFFFE0] =	vst v14;
	v14 =	vld [tilespmem:s11+$0x20]  }
0x27e: {  	s1 =	simm.s32 $0xCC0;
	s23 =	simm.s32 $0x0;
	v13 =	vld [tilespmem:s10+$0xFFFFFFC0];
	[tilespmem:s10+$0xFFFFFFF0] =	vst v15;
	v15 =	vmul.f32 v19, v18  }
.LBB2_32:
0x27f: {  	v16 =	vld [tilespmem:s1+$0x30];
	s11 =	sadd.s32 $0x80, s11  }
0x280: {  	s23 =	sadd.s32 $0x8, s23;
	v17 =	vld [tilespmem:s11+$0x30];
	[tilespmem:s10+$0x0] =	vst v15;
	v10 =	vmul.f32 v12, v10  }
0x281: {  	p0 =	slt.u32 s23, $0x1F8;
	v12 =	vld [tilespmem:s11+$0xFFFFFFC0]  }
0x282: {  	v15 =	vld [tilespmem:s1+$0xFFFFFFD0];
	[tilespmem:s10+$0x10] =	vst v10;
	v10 =	vmul.f32 v14, v11  }
0x283: {  	v11 =	vld [tilespmem:s11+$0xFFFFFFD0];
	v18 =	vmul.f32 v9, v13  }
0x284: {  	v13 =	vld [tilespmem:s1+$0xFFFFFFE0];
	[tilespmem:s10+$0x20] =	vst v10  }
0x285: {  	v10 =	vld [tilespmem:s11+$0xFFFFFFE0];
	v14 =	vmul.f32 v17, v16;
	[tilespmem:s10+$0xFFFFFFC0] =	vst v18;
	s10 =	smov.u32 s1  }
0x286: {  	v16 =	vld [tilespmem:s1+$0xFFFFFFF0];
	v9 =	vmov v12  }
0x287: {  	v17 =	vld [tilespmem:s11+$0xFFFFFFF0];
	[tilespmem:s1+$0x30] =	vst v14  }
0x288: {  	v11 =	vmul.f32 v11, v15;
	v15 =	vld [tilespmem:s1+$0x0]  }
0x289: {  	v18 =	vld [tilespmem:s11+$0x0]  }
.Ltmp15:
0x28a: {  	[tilespmem:s1+$0xFFFFFFD0] =	vst v11;
	v11 =	vmul.f32 v10, v13;
	v10 =	vld [tilespmem:s1+$0x10];
	(pc) =	sbr.rel @p0 .LBB2_32-.Ltmp15, $4  }
0x28b: {  	v12 =	vld [tilespmem:s11+$0x10]  }
0x28c: {  	[tilespmem:s1+$0xFFFFFFE0] =	vst v11;
	v16 =	vmul.f32 v17, v16;
	v11 =	vld [tilespmem:s1+$0x20]  }
0x28d: {  	v14 =	vld [tilespmem:s11+$0x20]  }
0x28e: {  	s1 =	sadd.s32 $0x80, s1;
	v13 =	vld [tilespmem:s10+$0xFFFFFFC0];
	[tilespmem:s10+$0xFFFFFFF0] =	vst v16;
	v15 =	vmul.f32 v18, v15  }
0x28f: {  	_ =	sdelay $0x1  }
0x290: {  	v10 =	vmul.f32 v12, v10  }
0x291: {  	[tilespmem:s10+$0x0] =	vst v15;
	v11 =	vmul.f32 v14, v11  }
0x292: {  	[tilespmem:s10+$0x10] =	vst v10;
	v9 =	vmul.f32 v9, v13  }
0x293: {  	[tilespmem:s10+$0x20] =	vst v11  }
0x294: {  	[tilespmem:s10+$0xFFFFFFC0] =	vst v9  }
0x295: {  	[spmem:s3] =	stream.indirect.scatter.add.f32 [tilespmem:s0], [sflag:$0x3], $0x10, s28, s30, $0xb8;
	[tilespmem:$0x1F480] =	vst v63  }
0x296: {  	_ =	swait.ge [sflag:s16], $0x2000  }
0x297: {  	[sflag:s16] =	ssyncset.done $0x0  }
0x298: {  	[sflag:s16] =	ssyncadd.s32 $0xFFFFE000  }
0x299: {  	_ =	swait.ge [sflag:s16], $0x2000  }
0x29a: {  	[sflag:s16] =	ssyncset.done $0x0  }
0x29b: {  	s10 =	simm.s32 $0x2C40;
	[sflag:s16] =	ssyncadd.s32 $0xFFFFE000  }
0x29c: {  	s11 =	simm.s32 $0x6C40;
	v10 =	vld [tilespmem:s10+$0x30]  }
0x29d: {  	v11 =	vld [tilespmem:s11+$0x30]  }
0x29e: {  	v9 =	vld [tilespmem:s11+$0xFFFFFFC0]  }
0x29f: {  	v12 =	vld [tilespmem:s10+$0xFFFFFFD0]  }
0x2a0: {  	v13 =	vld [tilespmem:s11+$0xFFFFFFD0]  }
0x2a1: {  	v14 =	vld [tilespmem:s10+$0xFFFFFFE0]  }
0x2a2: {  	v15 =	vld [tilespmem:s11+$0xFFFFFFE0]  }
0x2a3: {  	v16 =	vld [tilespmem:s10+$0xFFFFFFF0]  }
0x2a4: {  	v17 =	vld [tilespmem:s11+$0xFFFFFFF0]  }
0x2a5: {  	v18 =	vld [tilespmem:s10+$0x0]  }
0x2a6: {  	v19 =	vld [tilespmem:s11+$0x0];
	v11 =	vmul.f32 v11, v10  }
0x2a7: {  	v13 =	vmul.f32 v13, v12;
	v10 =	vld [tilespmem:s10+$0x10]  }
0x2a8: {  	v14 =	vmul.f32 v15, v14;
	v12 =	vld [tilespmem:s11+$0x10];
	[tilespmem:s10+$0x30] =	vst v11  }
0x2a9: {  	v15 =	vmul.f32 v17, v16;
	[tilespmem:s10+$0xFFFFFFD0] =	vst v13;
	v11 =	vld [tilespmem:s10+$0x20]  }
0x2aa: {  	[tilespmem:s10+$0xFFFFFFE0] =	vst v14;
	v14 =	vld [tilespmem:s11+$0x20]  }
0x2ab: {  	s23 =	simm.s32 $0x0;
	s1 =	simm.s32 $0x2CC0;
	v13 =	vld [tilespmem:s10+$0xFFFFFFC0];
	[tilespmem:s10+$0xFFFFFFF0] =	vst v15;
	v15 =	vmul.f32 v19, v18  }
.LBB2_34:
0x2ac: {  	v16 =	vld [tilespmem:s1+$0x30];
	s11 =	sadd.s32 $0x80, s11  }
0x2ad: {  	s23 =	sadd.s32 $0x8, s23;
	v17 =	vld [tilespmem:s11+$0x30];
	[tilespmem:s10+$0x0] =	vst v15;
	v10 =	vmul.f32 v12, v10  }
0x2ae: {  	p0 =	slt.u32 s23, $0x1F8;
	v12 =	vld [tilespmem:s11+$0xFFFFFFC0]  }
0x2af: {  	v15 =	vld [tilespmem:s1+$0xFFFFFFD0];
	[tilespmem:s10+$0x10] =	vst v10;
	v10 =	vmul.f32 v14, v11  }
0x2b0: {  	v11 =	vld [tilespmem:s11+$0xFFFFFFD0];
	v18 =	vmul.f32 v9, v13  }
0x2b1: {  	v13 =	vld [tilespmem:s1+$0xFFFFFFE0];
	[tilespmem:s10+$0x20] =	vst v10  }
0x2b2: {  	v10 =	vld [tilespmem:s11+$0xFFFFFFE0];
	v14 =	vmul.f32 v17, v16;
	[tilespmem:s10+$0xFFFFFFC0] =	vst v18;
	s10 =	smov.u32 s1  }
0x2b3: {  	v16 =	vld [tilespmem:s1+$0xFFFFFFF0];
	v9 =	vmov v12  }
0x2b4: {  	v17 =	vld [tilespmem:s11+$0xFFFFFFF0];
	[tilespmem:s1+$0x30] =	vst v14  }
0x2b5: {  	v11 =	vmul.f32 v11, v15;
	v15 =	vld [tilespmem:s1+$0x0]  }
0x2b6: {  	v18 =	vld [tilespmem:s11+$0x0]  }
.Ltmp16:
0x2b7: {  	[tilespmem:s1+$0xFFFFFFD0] =	vst v11;
	v11 =	vmul.f32 v10, v13;
	v10 =	vld [tilespmem:s1+$0x10];
	(pc) =	sbr.rel @p0 .LBB2_34-.Ltmp16, $4  }
0x2b8: {  	v12 =	vld [tilespmem:s11+$0x10]  }
0x2b9: {  	[tilespmem:s1+$0xFFFFFFE0] =	vst v11;
	v16 =	vmul.f32 v17, v16;
	v11 =	vld [tilespmem:s1+$0x20]  }
0x2ba: {  	v14 =	vld [tilespmem:s11+$0x20]  }
0x2bb: {  	s1 =	sadd.s32 $0x80, s1;
	v13 =	vld [tilespmem:s10+$0xFFFFFFC0];
	[tilespmem:s10+$0xFFFFFFF0] =	vst v16;
	v15 =	vmul.f32 v18, v15  }
0x2bc: {  	_ =	sdelay $0x1  }
0x2bd: {  	v10 =	vmul.f32 v12, v10  }
0x2be: {  	[tilespmem:s10+$0x0] =	vst v15;
	v11 =	vmul.f32 v14, v11  }
0x2bf: {  	[tilespmem:s10+$0x10] =	vst v10;
	v9 =	vmul.f32 v9, v13  }
0x2c0: {  	p0 =	seq.s32 s12, $0x1E;
	[tilespmem:s10+$0x20] =	vst v11  }
.Ltmp17:
0x2c1: {  	[tilespmem:s10+$0xFFFFFFC0] =	vst v9;
	(pc) =	sbr.rel @p0 .LBB2_39-.Ltmp17, $4  }
0x2c2: {  	[spmem:s3] =	stream.indirect.scatter.add.f32 [tilespmem:s22], [sflag:$0x4], $0x10, s31, s30, $0xb8;
	[tilespmem:$0x1F480] =	vst v63  }
0x2c3: {  	_ =	swait.ge [sflag:s9], $0x2000  }
0x2c4: {  	[sflag:s9] =	ssyncset.done $0x0  }
0x2c5: {  	[sflag:s9] =	ssyncadd.s32 $0xFFFFE000  }
0x2c6: {  	s1 =	sadd.s32 s13, s18  }
0x2c7: {  	s1 =	sshrl.u32 s1, $0x3  }
0x2c8: {  	s8 =	sadd.s32 s2, s1  }
0x2c9: {  	[tilespmem:s4], [sflag:$0x5] =	stream.linear.gather [hbm4b:s8+s4], $0x200, $0x38;
	[tilespmem:$0x1F480] =	vst v63  }
0x2ca: {  	_ =	swait.ge [sflag:s21], $0x200  }
0x2cb: {  	[sflag:s21] =	ssyncset.done $0x0  }
0x2cc: {  	s13 =	sadd.s32 s6, s1;
	[sflag:s21] =	ssyncadd.s32 $0xFFFFFE00  }
0x2cd: {  	[tilespmem:s25], [sflag:$0x5] =	stream.linear.gather [hbm4b:s13+s4], $0x200, $0x38;
	[tilespmem:$0x1F480] =	vst v63  }
0x2ce: {  	_ =	swait.ge [sflag:s21], $0x200  }
0x2cf: {  	[sflag:s21] =	ssyncset.done $0x0  }
0x2d0: {  	s1 =	sadd.s32 s7, s1;
	[sflag:s21] =	ssyncadd.s32 $0xFFFFFE00  }
0x2d1: {  	[tilespmem:s28], [sflag:$0x5] =	stream.linear.gather [hbm4b:s1+s4], $0x200, $0x38;
	[tilespmem:$0x1F480] =	vst v63  }
0x2d2: {  	_ =	swait.ge [sflag:s21], $0x200  }
0x2d3: {  	[sflag:s21] =	ssyncset.done $0x0  }
0x2d4: {  	s23 =	simm.s32 $0x20;
	[sflag:s21] =	ssyncadd.s32 $0xFFFFFE00  }
0x2d5: {  	v9 =	vld [tilespmem:s23+$0x10];
	_ =	sdelay $0x3  }
0x2d6: {  	v10 =	vld [tilespmem:s23+$0xFFFFFFF0]  }
0x2d7: {  	v11 =	vld [tilespmem:s23+$0xFFFFFFE0];
	v9 =	vadd.s32 v0, v9  }
0x2d8: {  	s10 =	simm.s32 $0x420;
	v12 =	vld [tilespmem:s23+$0x0];
	[tilespmem:s23+$0x10] =	vst v9  }
0x2d9: {  	s11 =	simm.s32 $0x60;
	v13 =	vld [tilespmem:s10+$0x10]  }
0x2da: {  	v14 =	vld [tilespmem:s11+$0x10]  }
0x2db: {  	v15 =	vld [tilespmem:s11+$0xFFFFFFF0];
	v9 =	vadd.s32 v0, v10  }
0x2dc: {  	v16 =	vld [tilespmem:s11+$0x0];
	[tilespmem:s23+$0xFFFFFFF0] =	vst v9;
	v9 =	vadd.s32 v0, v11  }
0x2dd: {  	v10 =	vadd.s32 v0, v12;
	v12 =	vld [tilespmem:s11+$0xFFFFFFE0];
	[tilespmem:s23+$0xFFFFFFE0] =	vst v9  }
0x2de: {  	[tilespmem:s23+$0x0] =	vst v10;
	v9 =	vld [tilespmem:s10+$0xFFFFFFE0];
	v11 =	vadd.s32 v1, v13  }
0x2df: {  	v10 =	vld [tilespmem:s10+$0xFFFFFFF0];
	v13 =	vadd.s32 v0, v14;
	[tilespmem:s10+$0x10] =	vst v11  }
0x2e0: {  	s13 =	simm.s32 $0x460;
	v14 =	vadd.s32 v0, v15;
	[tilespmem:s11+$0x10] =	vst v13;
	v11 =	vld [tilespmem:s10+$0x0]  }
0x2e1: {  	s8 =	simm.s32 $0xA0;
	s1 =	simm.s32 $0x40;
	[tilespmem:s11+$0xFFFFFFF0] =	vst v14;
	v14 =	vadd.s32 v0, v16;
	v13 =	vld [tilespmem:s13+$0x10]  }
.LBB2_37:
0x2e2: {  	v15 =	vld [tilespmem:s8+$0x10];
	s1 =	sadd.s32 $0x40, s1;
	v12 =	vadd.s32 v0, v12;
	[tilespmem:s11+$0x0] =	vst v14  }
0x2e3: {  	v14 =	vld [tilespmem:s8+$0xFFFFFFF0];
	p0 =	slt.u32 s1, $0x1C0;
	[tilespmem:s11+$0xFFFFFFE0] =	vst v12;
	v9 =	vadd.s32 v1, v9;
	s11 =	smov.u32 s8  }
0x2e4: {  	v16 =	vld [tilespmem:s8+$0x0];
	[tilespmem:s10+$0xFFFFFFE0] =	vst v9;
	v9 =	vadd.s32 v1, v10  }
.Ltmp18:
0x2e5: {  	v12 =	vld [tilespmem:s8+$0xFFFFFFE0];
	[tilespmem:s10+$0xFFFFFFF0] =	vst v9;
	v10 =	vadd.s32 v1, v11;
	(pc) =	sbr.rel @p0 .LBB2_37-.Ltmp18, $4  }
0x2e6: {  	v9 =	vld [tilespmem:s13+$0xFFFFFFE0];
	v11 =	vadd.s32 v1, v13;
	[tilespmem:s10+$0x0] =	vst v10;
	s10 =	smov.u32 s13  }
0x2e7: {  	v13 =	vadd.s32 v0, v15;
	v10 =	vld [tilespmem:s13+$0xFFFFFFF0];
	[tilespmem:s13+$0x10] =	vst v11  }
0x2e8: {  	s13 =	sadd.s32 $0x40, s13;
	v14 =	vadd.s32 v0, v14;
	[tilespmem:s8+$0x10] =	vst v13;
	v11 =	vld [tilespmem:s10+$0x0]  }
0x2e9: {  	s8 =	sadd.s32 $0x40, s8;
	[tilespmem:s11+$0xFFFFFFF0] =	vst v14;
	v14 =	vadd.s32 v0, v16;
	v13 =	vld [tilespmem:s13+$0x10]  }
0x2ea: {  	v12 =	vadd.s32 v0, v12  }
0x2eb: {  	[tilespmem:s11+$0xFFFFFFE0] =	vst v12  }
0x2ec: {  	v12 =	vld [tilespmem:s13+$0xFFFFFFE0]  }
0x2ed: {  	[tilespmem:s11+$0x0] =	vst v14;
	v63 =	vld [tilespmem:s13+$0xFFFFFFF0];
	v9 =	vadd.s32 v1, v9  }
0x2ee: {  	[tilespmem:s10+$0xFFFFFFE0] =	vst v9;
	v9 =	vadd.s32 v1, v10;
	v10 =	vld [tilespmem:s13+$0x0]  }
0x2ef: {  	[tilespmem:s10+$0xFFFFFFF0] =	vst v9;
	v9 =	vadd.s32 v1, v11  }
0x2f0: {  	v11 =	vadd.s32 v1, v13;
	[tilespmem:s10+$0x0] =	vst v9  }
0x2f1: {  	[tilespmem:s13+$0x10] =	vst v11;
	v9 =	vadd.s32 v1, v12  }
0x2f2: {  	[tilespmem:s13+$0xFFFFFFE0] =	vst v9;
	v9 =	vadd.s32 v1, v63  }
.Ltmp19:
0x2f3: {  	[tilespmem:s13+$0xFFFFFFF0] =	vst v9;
	v9 =	vadd.s32 v1, v10;
	(pc) =	sbr.rel .LBB2_29-.Ltmp19, $4  }
0x2f4: {  	[tilespmem:s13+$0x0] =	vst v9  }
0x2f5: {  	[tilespmem:s0], [sflag:$0x1] =	stream.indirect.gather [hbm4b:s19+s30], $0x10, s4, s30, $0xb8;
	[tilespmem:$0x1F480] =	vst v63  }
0x2f6: {  	s1 =	simm.s32 $0x4C00;
	s12 =	sadd.s32 $0x1, s12  }
0x2f7: {  	[tilespmem:s1], [sflag:$0x1] =	stream.indirect.gather [hbm4b:s5+s30], $0x10, s25, s30, $0xb8;
	[tilespmem:$0x1F480] =	vst v63  }
.LBB2_39:
0x2f8: {  	s1 =	simm.s32 $0x4  }
0x2f9: {  	_ =	swait.ge [sflag:s1], $0x2000  }
0x2fa: {  	[sflag:s1] =	ssyncset.done $0x0  }
0x2fb: {  	[sflag:s1] =	ssyncadd.s32 $0xFFFFE000  }
0x2fc: {  	[bflag:$0x0] =	sbarrier.arrive $0xFFFF  }
0x2fd: {  	s23 =	simm.s32 $0x8C00;
	s11 =	rddreg [dreg:$0x5]  }
0x2fe: {  	[tilespmem:s23], [sflag:$0x5] =	stream.linear.gather [spmem:s11], $0x2800, $0x38;
	[tilespmem:$0x1F480] =	vst v63  }
0x2ff: {  	_ =	swait.ge [sflag:s21], $0x2800  }
0x300: {  	[sflag:s21] =	ssyncset.done $0x0  }
0x301: {  	s8 =	simm.s32 $0xB400;
	s12 =	rddreg [dreg:$0xe];
	[sflag:s21] =	ssyncadd.s32 $0xFFFFD800  }
0x302: {  	[tilespmem:s8], [sflag:$0x5] =	stream.linear.gather [hbm4b:s12+s4], $0x2800, $0x38;
	[tilespmem:$0x1F480] =	vst v63  }
0x303: {  	_ =	swait.ge [sflag:s21], $0x2800  }
0x304: {  	[sflag:s21] =	ssyncset.done $0x0  }
0x305: {  	s13 =	simm.s32 $0xB440;
	[sflag:s21] =	ssyncadd.s32 $0xFFFFD800  }
0x306: {  	s10 =	simm.s32 $0x8C40;
	v9 =	vld [tilespmem:s13+$0x30]  }
0x307: {  	v10 =	vld [tilespmem:s10+$0x30]  }
0x308: {  	v11 =	vld [tilespmem:s13+$0xFFFFFFC0]  }
0x309: {  	v12 =	vld [tilespmem:s13+$0xFFFFFFD0]  }
0x30a: {  	v13 =	vld [tilespmem:s13+$0xFFFFFFE0]  }
0x30b: {  	v15 =	vld [tilespmem:s13+$0xFFFFFFF0]  }
0x30c: {  	v16 =	vld [tilespmem:s13+$0x0]  }
0x30d: {  	v17 =	vld [tilespmem:s13+$0x10]  }
0x30e: {  	v19 =	vld [tilespmem:s13+$0x20];
	_ =	sdelay $0x1  }
0x30f: {  	v8 =	vsub.f32 $1.000000000e+00, v8  }
0x310: {  	v21 =	vld [tilespmem:s10+$0xFFFFFFD0];
	vm0 =	vgt.f32 v9, $8.999999760e-01;
	vm10 =	vgt.f32 v11, $8.999999760e-01;
	vm11 =	vgt.f32 v12, $8.999999760e-01  }
0x311: {  	v22 =	vld [tilespmem:s10+$0xFFFFFFE0];
	vm1 =	vgt.f32 v13, $8.999999760e-01;
	vm12 =	vgt.f32 v15, $8.999999760e-01;
	v10 =	vmin.f32 v10, $1.000000000e+00  }
0x312: {  	v18 =	vld [tilespmem:s10+$0xFFFFFFF0];
	vm13 =	vgt.f32 v16, $8.999999760e-01;
	vm14 =	vgt.f32 v17, $8.999999760e-01;
	vm15 =	vgt.f32 v19, $8.999999760e-01  }
0x313: {  	v15 =	vld [tilespmem:s10+$0x0];
	v20 =	vnsel vm0, $0x3F800000, v8;
	v9 =	vnsel vm10, $0x3F800000, v8;
	v23 =	vnsel vm11, $0x3F800000, v8  }
0x314: {  	v16 =	vld [tilespmem:s10+$0x10];
	v14 =	vnsel vm1, $0x3F800000, v8;
	v11 =	vnsel vm12, $0x3F800000, v8;
	v13 =	vmul.f32 v20, v10  }
0x315: {  	s11 =	simm.s32 $0x8C40;
	v17 =	vld [tilespmem:s10+$0x20];
	v12 =	vnsel vm13, $0x3F800000, v8;
	v10 =	vnsel vm14, $0x3F800000, v8;
	v20 =	vmin.f32 v21, $1.000000000e+00  }
0x316: {  	s12 =	simm.s32 $0x0;
	s8 =	simm.s32 $0x10400;
	s13 =	simm.s32 $0xB4C0;
	v19 =	vld [tilespmem:s10+$0xFFFFFFC0];
	v21 =	vmin.f32 v22, $1.000000000e+00;
	v20 =	vmul.f32 v23, v20;
	[tilespmem:s10+$0x30] =	vst v13;
	v13 =	vnsel vm15, $0x3F800000, v8  }
.LBB2_40:
0x317: {  	v22 =	vld [tilespmem:s13+$0x30];
	s12 =	sadd.s32 $0x8, s12;
	v14 =	vmul.f32 v14, v21;
	v18 =	vmin.f32 v18, $1.000000000e+00;
	s10 =	sadd.s32 $0x80, s10  }
0x318: {  	v21 =	vld [tilespmem:s10+$0x30];
	p0 =	slt.u32 s12, $0x278;
	[tilespmem:s11+$0xFFFFFFD0] =	vst v20;
	v11 =	vmul.f32 v11, v18;
	v15 =	vmin.f32 v15, $1.000000000e+00  }
0x319: {  	v18 =	vld [tilespmem:s13+$0xFFFFFFC0];
	[tilespmem:s11+$0xFFFFFFE0] =	vst v14;
	v12 =	vmul.f32 v12, v15;
	v14 =	vmin.f32 v16, $1.000000000e+00  }
0x31a: {  	v15 =	vld [tilespmem:s13+$0xFFFFFFD0];
	[tilespmem:s11+$0xFFFFFFF0] =	vst v11;
	v10 =	vmul.f32 v10, v14;
	v11 =	vmin.f32 v17, $1.000000000e+00  }
0x31b: {  	v14 =	vld [tilespmem:s13+$0xFFFFFFE0];
	v16 =	vmin.f32 v19, $1.000000000e+00;
	[tilespmem:s11+$0x0] =	vst v12;
	v11 =	vmul.f32 v13, v11  }
0x31c: {  	v12 =	vld [tilespmem:s13+$0xFFFFFFF0];
	vm0 =	vgt.f32 v22, $8.999999760e-01;
	v9 =	vmul.f32 v9, v16;
	[tilespmem:s11+$0x10] =	vst v10  }
0x31d: {  	v10 =	vld [tilespmem:s13+$0x0];
	v13 =	vmin.f32 v21, $1.000000000e+00;
	v16 =	vnsel vm0, $0x3F800000, v8;
	[tilespmem:s11+$0x20] =	vst v11  }
0x31e: {  	vm0 =	vgt.f32 v18, $8.999999760e-01;
	v17 =	vld [tilespmem:s13+$0x10];
	v11 =	vmul.f32 v16, v13;
	[tilespmem:s11+$0xFFFFFFC0] =	vst v9;
	s11 =	smov.u32 s10  }
0x31f: {  	v9 =	vnsel vm0, $0x3F800000, v8;
	vm0 =	vgt.f32 v15, $8.999999760e-01;
	v13 =	vld [tilespmem:s13+$0x20]  }
0x320: {  	v19 =	vld [tilespmem:s10+$0xFFFFFFD0];
	v20 =	vnsel vm0, $0x3F800000, v8;
	vm0 =	vgt.f32 v14, $8.999999760e-01;
	[tilespmem:s10+$0x30] =	vst v11  }
0x321: {  	v21 =	vld [tilespmem:s10+$0xFFFFFFE0];
	v14 =	vnsel vm0, $0x3F800000, v8;
	vm0 =	vgt.f32 v12, $8.999999760e-01  }
.Ltmp20:
0x322: {  	v18 =	vld [tilespmem:s10+$0xFFFFFFF0];
	v11 =	vnsel vm0, $0x3F800000, v8;
	vm0 =	vgt.f32 v10, $8.999999760e-01;
	(pc) =	sbr.rel @p0 .LBB2_40-.Ltmp20, $4  }
0x323: {  	v15 =	vld [tilespmem:s10+$0x0];
	v12 =	vnsel vm0, $0x3F800000, v8;
	vm0 =	vgt.f32 v17, $8.999999760e-01  }
0x324: {  	v16 =	vld [tilespmem:s10+$0x10];
	v10 =	vnsel vm0, $0x3F800000, v8;
	vm0 =	vgt.f32 v13, $8.999999760e-01  }
0x325: {  	v22 =	vmin.f32 v19, $1.000000000e+00;
	v17 =	vld [tilespmem:s10+$0x20];
	v13 =	vnsel vm0, $0x3F800000, v8  }
0x326: {  	s13 =	sadd.s32 $0x80, s13;
	v19 =	vld [tilespmem:s10+$0xFFFFFFC0];
	v20 =	vmul.f32 v20, v22;
	v21 =	vmin.f32 v21, $1.000000000e+00  }
0x327: {  	v14 =	vmul.f32 v14, v21;
	v18 =	vmin.f32 v18, $1.000000000e+00  }
0x328: {  	[tilespmem:s11+$0xFFFFFFD0] =	vst v20;
	v11 =	vmul.f32 v11, v18;
	v15 =	vmin.f32 v15, $1.000000000e+00  }
0x329: {  	[tilespmem:s11+$0xFFFFFFE0] =	vst v14;
	v12 =	vmul.f32 v12, v15;
	v14 =	vmin.f32 v16, $1.000000000e+00  }
0x32a: {  	[tilespmem:s11+$0xFFFFFFF0] =	vst v11;
	v10 =	vmul.f32 v10, v14;
	v11 =	vmin.f32 v17, $1.000000000e+00  }
0x32b: {  	v14 =	vmin.f32 v19, $1.000000000e+00;
	[tilespmem:s11+$0x0] =	vst v12;
	v11 =	vmul.f32 v13, v11  }
0x32c: {  	v9 =	vmul.f32 v9, v14;
	[tilespmem:s11+$0x10] =	vst v10  }
0x32d: {  	[tilespmem:s11+$0x20] =	vst v11  }
0x32e: {  	[tilespmem:s11+$0xFFFFFFC0] =	vst v9  }
0x32f: {  	s1 =	rddreg [dreg:$0xf]  }
0x330: {  	[hbm4b:s1+s4] =	stream.linear.scatter [tilespmem:s23], [sflag:$0x5], $0x2800, $0x38;
	[tilespmem:$0x1F480] =	vst v63  }
0x331: {  	_ =	swait.ge [sflag:s21], $0x2800  }
0x332: {  	[sflag:s21] =	ssyncset.done $0x0  }
0x333: {  	s10 =	rddreg [dreg:$0x5];
	[sflag:s21] =	ssyncadd.s32 $0xFFFFD800  }
0x334: {  	[spmem:s10] =	stream.linear.scatter [tilespmem:s8], [sflag:$0x5], $0x2800, $0x38;
	[tilespmem:$0x1F480] =	vst v63  }
0x335: {  	_ =	swait.ge [sflag:s21], $0x2800  }
0x336: {  	[sflag:s21] =	ssyncset.done $0x0  }
0x337: {  	s11 =	rddreg [dreg:$0x6];
	[sflag:s21] =	ssyncadd.s32 $0xFFFFD800  }
0x338: {  	[tilespmem:s23], [sflag:$0x5] =	stream.linear.gather [spmem:s11], $0x2800, $0x38;
	[tilespmem:$0x1F480] =	vst v63  }
0x339: {  	_ =	swait.ge [sflag:s21], $0x2800  }
0x33a: {  	[sflag:s21] =	ssyncset.done $0x0  }
0x33b: {  	s10 =	simm.s32 $0xB400;
	s12 =	rddreg [dreg:$0x12];
	[sflag:s21] =	ssyncadd.s32 $0xFFFFD800  }
0x33c: {  	[tilespmem:s10], [sflag:$0x5] =	stream.linear.gather [hbm4b:s12+s4], $0x2800, $0x38;
	[tilespmem:$0x1F480] =	vst v63  }
0x33d: {  	_ =	swait.ge [sflag:s21], $0x2800  }
0x33e: {  	[sflag:s21] =	ssyncset.done $0x0  }
0x33f: {  	s13 =	simm.s32 $0xB440;
	[sflag:s21] =	ssyncadd.s32 $0xFFFFD800  }
0x340: {  	s10 =	simm.s32 $0x8C40;
	v9 =	vld [tilespmem:s13+$0x30]  }
0x341: {  	v10 =	vld [tilespmem:s10+$0x30]  }
0x342: {  	v11 =	vld [tilespmem:s13+$0xFFFFFFC0]  }
0x343: {  	v12 =	vld [tilespmem:s13+$0xFFFFFFD0]  }
0x344: {  	v13 =	vld [tilespmem:s13+$0xFFFFFFE0]  }
0x345: {  	v15 =	vld [tilespmem:s13+$0xFFFFFFF0]  }
0x346: {  	v16 =	vld [tilespmem:s13+$0x0]  }
0x347: {  	v17 =	vld [tilespmem:s13+$0x10]  }
0x348: {  	v19 =	vld [tilespmem:s13+$0x20];
	_ =	sdelay $0x2  }
0x349: {  	v21 =	vld [tilespmem:s10+$0xFFFFFFD0];
	vm0 =	vgt.f32 v9, $8.999999760e-01;
	vm10 =	vgt.f32 v11, $8.999999760e-01;
	vm11 =	vgt.f32 v12, $8.999999760e-01  }
0x34a: {  	v22 =	vld [tilespmem:s10+$0xFFFFFFE0];
	vm1 =	vgt.f32 v13, $8.999999760e-01;
	vm12 =	vgt.f32 v15, $8.999999760e-01;
	v10 =	vmin.f32 v10, $1.000000000e+00  }
0x34b: {  	v18 =	vld [tilespmem:s10+$0xFFFFFFF0];
	vm13 =	vgt.f32 v16, $8.999999760e-01;
	vm14 =	vgt.f32 v17, $8.999999760e-01;
	vm15 =	vgt.f32 v19, $8.999999760e-01  }
0x34c: {  	v15 =	vld [tilespmem:s10+$0x0];
	v20 =	vnsel vm0, $0x3F800000, v8;
	v9 =	vnsel vm10, $0x3F800000, v8;
	v23 =	vnsel vm11, $0x3F800000, v8  }
0x34d: {  	v16 =	vld [tilespmem:s10+$0x10];
	v14 =	vnsel vm1, $0x3F800000, v8;
	v11 =	vnsel vm12, $0x3F800000, v8;
	v13 =	vmul.f32 v20, v10  }
0x34e: {  	v17 =	vld [tilespmem:s10+$0x20];
	v12 =	vnsel vm13, $0x3F800000, v8;
	v10 =	vnsel vm14, $0x3F800000, v8;
	v20 =	vmin.f32 v21, $1.000000000e+00  }
0x34f: {  	s11 =	simm.s32 $0x8C40;
	s12 =	simm.s32 $0x0;
	s13 =	simm.s32 $0xB4C0;
	v19 =	vld [tilespmem:s10+$0xFFFFFFC0];
	v21 =	vmin.f32 v22, $1.000000000e+00;
	v20 =	vmul.f32 v23, v20;
	[tilespmem:s10+$0x30] =	vst v13;
	v13 =	vnsel vm15, $0x3F800000, v8  }
.LBB2_42:
0x350: {  	v22 =	vld [tilespmem:s13+$0x30];
	s12 =	sadd.s32 $0x8, s12;
	v14 =	vmul.f32 v14, v21;
	v18 =	vmin.f32 v18, $1.000000000e+00;
	s10 =	sadd.s32 $0x80, s10  }
0x351: {  	v21 =	vld [tilespmem:s10+$0x30];
	p0 =	slt.u32 s12, $0x278;
	[tilespmem:s11+$0xFFFFFFD0] =	vst v20;
	v11 =	vmul.f32 v11, v18;
	v15 =	vmin.f32 v15, $1.000000000e+00  }
0x352: {  	v18 =	vld [tilespmem:s13+$0xFFFFFFC0];
	[tilespmem:s11+$0xFFFFFFE0] =	vst v14;
	v12 =	vmul.f32 v12, v15;
	v14 =	vmin.f32 v16, $1.000000000e+00  }
0x353: {  	v15 =	vld [tilespmem:s13+$0xFFFFFFD0];
	[tilespmem:s11+$0xFFFFFFF0] =	vst v11;
	v10 =	vmul.f32 v10, v14;
	v11 =	vmin.f32 v17, $1.000000000e+00  }
0x354: {  	v14 =	vld [tilespmem:s13+$0xFFFFFFE0];
	v16 =	vmin.f32 v19, $1.000000000e+00;
	[tilespmem:s11+$0x0] =	vst v12;
	v11 =	vmul.f32 v13, v11  }
0x355: {  	v12 =	vld [tilespmem:s13+$0xFFFFFFF0];
	vm0 =	vgt.f32 v22, $8.999999760e-01;
	v9 =	vmul.f32 v9, v16;
	[tilespmem:s11+$0x10] =	vst v10  }
0x356: {  	v10 =	vld [tilespmem:s13+$0x0];
	v13 =	vmin.f32 v21, $1.000000000e+00;
	v16 =	vnsel vm0, $0x3F800000, v8;
	[tilespmem:s11+$0x20] =	vst v11  }
0x357: {  	vm0 =	vgt.f32 v18, $8.999999760e-01;
	v17 =	vld [tilespmem:s13+$0x10];
	v11 =	vmul.f32 v16, v13;
	[tilespmem:s11+$0xFFFFFFC0] =	vst v9;
	s11 =	smov.u32 s10  }
0x358: {  	v9 =	vnsel vm0, $0x3F800000, v8;
	vm0 =	vgt.f32 v15, $8.999999760e-01;
	v13 =	vld [tilespmem:s13+$0x20]  }
0x359: {  	v19 =	vld [tilespmem:s10+$0xFFFFFFD0];
	v20 =	vnsel vm0, $0x3F800000, v8;
	vm0 =	vgt.f32 v14, $8.999999760e-01;
	[tilespmem:s10+$0x30] =	vst v11  }
0x35a: {  	v21 =	vld [tilespmem:s10+$0xFFFFFFE0];
	v14 =	vnsel vm0, $0x3F800000, v8;
	vm0 =	vgt.f32 v12, $8.999999760e-01  }
.Ltmp21:
0x35b: {  	v18 =	vld [tilespmem:s10+$0xFFFFFFF0];
	v11 =	vnsel vm0, $0x3F800000, v8;
	vm0 =	vgt.f32 v10, $8.999999760e-01;
	(pc) =	sbr.rel @p0 .LBB2_42-.Ltmp21, $4  }
0x35c: {  	v15 =	vld [tilespmem:s10+$0x0];
	v12 =	vnsel vm0, $0x3F800000, v8;
	vm0 =	vgt.f32 v17, $8.999999760e-01  }
0x35d: {  	v16 =	vld [tilespmem:s10+$0x10];
	v10 =	vnsel vm0, $0x3F800000, v8;
	vm0 =	vgt.f32 v13, $8.999999760e-01  }
0x35e: {  	v22 =	vmin.f32 v19, $1.000000000e+00;
	v17 =	vld [tilespmem:s10+$0x20];
	v13 =	vnsel vm0, $0x3F800000, v8  }
0x35f: {  	s13 =	sadd.s32 $0x80, s13;
	v19 =	vld [tilespmem:s10+$0xFFFFFFC0];
	v20 =	vmul.f32 v20, v22;
	v21 =	vmin.f32 v21, $1.000000000e+00  }
0x360: {  	v14 =	vmul.f32 v14, v21;
	v18 =	vmin.f32 v18, $1.000000000e+00  }
0x361: {  	[tilespmem:s11+$0xFFFFFFD0] =	vst v20;
	v11 =	vmul.f32 v11, v18;
	v15 =	vmin.f32 v15, $1.000000000e+00  }
0x362: {  	[tilespmem:s11+$0xFFFFFFE0] =	vst v14;
	v12 =	vmul.f32 v12, v15;
	v14 =	vmin.f32 v16, $1.000000000e+00  }
0x363: {  	[tilespmem:s11+$0xFFFFFFF0] =	vst v11;
	v10 =	vmul.f32 v10, v14;
	v11 =	vmin.f32 v17, $1.000000000e+00  }
0x364: {  	v14 =	vmin.f32 v19, $1.000000000e+00;
	[tilespmem:s11+$0x0] =	vst v12;
	v11 =	vmul.f32 v13, v11  }
0x365: {  	v9 =	vmul.f32 v9, v14;
	[tilespmem:s11+$0x10] =	vst v10  }
0x366: {  	[tilespmem:s11+$0x20] =	vst v11  }
0x367: {  	[tilespmem:s11+$0xFFFFFFC0] =	vst v9  }
0x368: {  	s1 =	rddreg [dreg:$0x13]  }
0x369: {  	[hbm4b:s1+s4] =	stream.linear.scatter [tilespmem:s23], [sflag:$0x5], $0x2800, $0x38;
	[tilespmem:$0x1F480] =	vst v63  }
0x36a: {  	_ =	swait.ge [sflag:s21], $0x2800  }
0x36b: {  	[sflag:s21] =	ssyncset.done $0x0  }
0x36c: {  	s10 =	rddreg [dreg:$0x6];
	[sflag:s21] =	ssyncadd.s32 $0xFFFFD800  }
0x36d: {  	[spmem:s10] =	stream.linear.scatter [tilespmem:s8], [sflag:$0x5], $0x2800, $0x38;
	[tilespmem:$0x1F480] =	vst v63  }
0x36e: {  	_ =	swait.ge [sflag:s21], $0x2800  }
0x36f: {  	[sflag:s21] =	ssyncset.done $0x0  }
0x370: {  	s11 =	rddreg [dreg:$0x7];
	[sflag:s21] =	ssyncadd.s32 $0xFFFFD800  }
0x371: {  	[tilespmem:s23], [sflag:$0x5] =	stream.linear.gather [spmem:s11], $0x2800, $0x38;
	[tilespmem:$0x1F480] =	vst v63  }
0x372: {  	_ =	swait.ge [sflag:s21], $0x2800  }
0x373: {  	[sflag:s21] =	ssyncset.done $0x0  }
0x374: {  	s10 =	simm.s32 $0xB400;
	s12 =	rddreg [dreg:$0x16];
	[sflag:s21] =	ssyncadd.s32 $0xFFFFD800  }
0x375: {  	[tilespmem:s10], [sflag:$0x5] =	stream.linear.gather [hbm4b:s12+s4], $0x2800, $0x38;
	[tilespmem:$0x1F480] =	vst v63  }
0x376: {  	_ =	swait.ge [sflag:s21], $0x2800  }
0x377: {  	[sflag:s21] =	ssyncset.done $0x0  }
0x378: {  	s13 =	simm.s32 $0xB440;
	[sflag:s21] =	ssyncadd.s32 $0xFFFFD800  }
0x379: {  	s10 =	simm.s32 $0x8C40;
	v9 =	vld [tilespmem:s13+$0x30]  }
0x37a: {  	v10 =	vld [tilespmem:s10+$0x30]  }
0x37b: {  	v11 =	vld [tilespmem:s13+$0xFFFFFFC0]  }
0x37c: {  	v12 =	vld [tilespmem:s13+$0xFFFFFFD0]  }
0x37d: {  	v13 =	vld [tilespmem:s13+$0xFFFFFFE0]  }
0x37e: {  	v15 =	vld [tilespmem:s13+$0xFFFFFFF0]  }
0x37f: {  	v16 =	vld [tilespmem:s13+$0x0]  }
0x380: {  	v17 =	vld [tilespmem:s13+$0x10]  }
0x381: {  	v19 =	vld [tilespmem:s13+$0x20];
	_ =	sdelay $0x2  }
0x382: {  	v21 =	vld [tilespmem:s10+$0xFFFFFFD0];
	vm0 =	vgt.f32 v9, $8.999999760e-01;
	vm10 =	vgt.f32 v11, $8.999999760e-01;
	vm11 =	vgt.f32 v12, $8.999999760e-01  }
0x383: {  	v22 =	vld [tilespmem:s10+$0xFFFFFFE0];
	vm1 =	vgt.f32 v13, $8.999999760e-01;
	vm12 =	vgt.f32 v15, $8.999999760e-01;
	v10 =	vmin.f32 v10, $1.000000000e+00  }
0x384: {  	v18 =	vld [tilespmem:s10+$0xFFFFFFF0];
	vm13 =	vgt.f32 v16, $8.999999760e-01;
	vm14 =	vgt.f32 v17, $8.999999760e-01;
	vm15 =	vgt.f32 v19, $8.999999760e-01  }
0x385: {  	v15 =	vld [tilespmem:s10+$0x0];
	v20 =	vnsel vm0, $0x3F800000, v8;
	v9 =	vnsel vm10, $0x3F800000, v8;
	v23 =	vnsel vm11, $0x3F800000, v8  }
0x386: {  	v16 =	vld [tilespmem:s10+$0x10];
	v14 =	vnsel vm1, $0x3F800000, v8;
	v11 =	vnsel vm12, $0x3F800000, v8;
	v13 =	vmul.f32 v20, v10  }
0x387: {  	v17 =	vld [tilespmem:s10+$0x20];
	v12 =	vnsel vm13, $0x3F800000, v8;
	v10 =	vnsel vm14, $0x3F800000, v8;
	v20 =	vmin.f32 v21, $1.000000000e+00  }
0x388: {  	s11 =	simm.s32 $0x8C40;
	s12 =	simm.s32 $0x0;
	s13 =	simm.s32 $0xB4C0;
	v19 =	vld [tilespmem:s10+$0xFFFFFFC0];
	v21 =	vmin.f32 v22, $1.000000000e+00;
	v20 =	vmul.f32 v23, v20;
	[tilespmem:s10+$0x30] =	vst v13;
	v13 =	vnsel vm15, $0x3F800000, v8  }
.LBB2_44:
0x389: {  	v22 =	vld [tilespmem:s13+$0x30];
	s12 =	sadd.s32 $0x8, s12;
	v14 =	vmul.f32 v14, v21;
	v18 =	vmin.f32 v18, $1.000000000e+00;
	s10 =	sadd.s32 $0x80, s10  }
0x38a: {  	v21 =	vld [tilespmem:s10+$0x30];
	p0 =	slt.u32 s12, $0x278;
	[tilespmem:s11+$0xFFFFFFD0] =	vst v20;
	v11 =	vmul.f32 v11, v18;
	v15 =	vmin.f32 v15, $1.000000000e+00  }
0x38b: {  	v18 =	vld [tilespmem:s13+$0xFFFFFFC0];
	[tilespmem:s11+$0xFFFFFFE0] =	vst v14;
	v12 =	vmul.f32 v12, v15;
	v14 =	vmin.f32 v16, $1.000000000e+00  }
0x38c: {  	v15 =	vld [tilespmem:s13+$0xFFFFFFD0];
	[tilespmem:s11+$0xFFFFFFF0] =	vst v11;
	v10 =	vmul.f32 v10, v14;
	v11 =	vmin.f32 v17, $1.000000000e+00  }
0x38d: {  	v14 =	vld [tilespmem:s13+$0xFFFFFFE0];
	v16 =	vmin.f32 v19, $1.000000000e+00;
	[tilespmem:s11+$0x0] =	vst v12;
	v11 =	vmul.f32 v13, v11  }
0x38e: {  	v12 =	vld [tilespmem:s13+$0xFFFFFFF0];
	vm0 =	vgt.f32 v22, $8.999999760e-01;
	v9 =	vmul.f32 v9, v16;
	[tilespmem:s11+$0x10] =	vst v10  }
0x38f: {  	v10 =	vld [tilespmem:s13+$0x0];
	v13 =	vmin.f32 v21, $1.000000000e+00;
	v16 =	vnsel vm0, $0x3F800000, v8;
	[tilespmem:s11+$0x20] =	vst v11  }
0x390: {  	vm0 =	vgt.f32 v18, $8.999999760e-01;
	v17 =	vld [tilespmem:s13+$0x10];
	v11 =	vmul.f32 v16, v13;
	[tilespmem:s11+$0xFFFFFFC0] =	vst v9;
	s11 =	smov.u32 s10  }
0x391: {  	v9 =	vnsel vm0, $0x3F800000, v8;
	vm0 =	vgt.f32 v15, $8.999999760e-01;
	v13 =	vld [tilespmem:s13+$0x20]  }
0x392: {  	v19 =	vld [tilespmem:s10+$0xFFFFFFD0];
	v20 =	vnsel vm0, $0x3F800000, v8;
	vm0 =	vgt.f32 v14, $8.999999760e-01;
	[tilespmem:s10+$0x30] =	vst v11  }
0x393: {  	v21 =	vld [tilespmem:s10+$0xFFFFFFE0];
	v14 =	vnsel vm0, $0x3F800000, v8;
	vm0 =	vgt.f32 v12, $8.999999760e-01  }
.Ltmp22:
0x394: {  	v18 =	vld [tilespmem:s10+$0xFFFFFFF0];
	v11 =	vnsel vm0, $0x3F800000, v8;
	vm0 =	vgt.f32 v10, $8.999999760e-01;
	(pc) =	sbr.rel @p0 .LBB2_44-.Ltmp22, $4  }
0x395: {  	v15 =	vld [tilespmem:s10+$0x0];
	v12 =	vnsel vm0, $0x3F800000, v8;
	vm0 =	vgt.f32 v17, $8.999999760e-01  }
0x396: {  	v16 =	vld [tilespmem:s10+$0x10];
	v10 =	vnsel vm0, $0x3F800000, v8;
	vm0 =	vgt.f32 v13, $8.999999760e-01  }
0x397: {  	v22 =	vmin.f32 v19, $1.000000000e+00;
	v17 =	vld [tilespmem:s10+$0x20];
	v13 =	vnsel vm0, $0x3F800000, v8  }
0x398: {  	s13 =	sadd.s32 $0x80, s13;
	v19 =	vld [tilespmem:s10+$0xFFFFFFC0];
	v20 =	vmul.f32 v20, v22;
	v21 =	vmin.f32 v21, $1.000000000e+00  }
0x399: {  	v14 =	vmul.f32 v14, v21;
	v18 =	vmin.f32 v18, $1.000000000e+00  }
0x39a: {  	[tilespmem:s11+$0xFFFFFFD0] =	vst v20;
	v11 =	vmul.f32 v11, v18;
	v15 =	vmin.f32 v15, $1.000000000e+00  }
0x39b: {  	[tilespmem:s11+$0xFFFFFFE0] =	vst v14;
	v12 =	vmul.f32 v12, v15;
	v14 =	vmin.f32 v16, $1.000000000e+00  }
0x39c: {  	[tilespmem:s11+$0xFFFFFFF0] =	vst v11;
	v10 =	vmul.f32 v10, v14;
	v11 =	vmin.f32 v17, $1.000000000e+00  }
0x39d: {  	v14 =	vmin.f32 v19, $1.000000000e+00;
	[tilespmem:s11+$0x0] =	vst v12;
	v11 =	vmul.f32 v13, v11  }
0x39e: {  	v9 =	vmul.f32 v9, v14;
	[tilespmem:s11+$0x10] =	vst v10  }
0x39f: {  	[tilespmem:s11+$0x20] =	vst v11  }
0x3a0: {  	[tilespmem:s11+$0xFFFFFFC0] =	vst v9  }
0x3a1: {  	s1 =	rddreg [dreg:$0x17]  }
0x3a2: {  	[hbm4b:s1+s4] =	stream.linear.scatter [tilespmem:s23], [sflag:$0x5], $0x2800, $0x38;
	[tilespmem:$0x1F480] =	vst v63  }
0x3a3: {  	_ =	swait.ge [sflag:s21], $0x2800  }
0x3a4: {  	[sflag:s21] =	ssyncset.done $0x0  }
0x3a5: {  	s10 =	rddreg [dreg:$0x7];
	[sflag:s21] =	ssyncadd.s32 $0xFFFFD800  }
0x3a6: {  	[spmem:s10] =	stream.linear.scatter [tilespmem:s8], [sflag:$0x5], $0x2800, $0x38;
	[tilespmem:$0x1F480] =	vst v63  }
0x3a7: {  	_ =	swait.ge [sflag:s21], $0x2800  }
0x3a8: {  	[sflag:s21] =	ssyncset.done $0x0  }
0x3a9: {  	s11 =	rddreg [dreg:$0x8];
	[sflag:s21] =	ssyncadd.s32 $0xFFFFD800  }
0x3aa: {  	[tilespmem:s23], [sflag:$0x5] =	stream.linear.gather [spmem:s11], $0x2800, $0x38;
	[tilespmem:$0x1F480] =	vst v63  }
0x3ab: {  	_ =	swait.ge [sflag:s21], $0x2800  }
0x3ac: {  	[sflag:s21] =	ssyncset.done $0x0  }
0x3ad: {  	s10 =	simm.s32 $0xB400;
	s12 =	rddreg [dreg:$0x1a];
	[sflag:s21] =	ssyncadd.s32 $0xFFFFD800  }
0x3ae: {  	[tilespmem:s10], [sflag:$0x5] =	stream.linear.gather [hbm4b:s12+s4], $0x2800, $0x38;
	[tilespmem:$0x1F480] =	vst v63  }
0x3af: {  	_ =	swait.ge [sflag:s21], $0x2800  }
0x3b0: {  	[sflag:s21] =	ssyncset.done $0x0  }
0x3b1: {  	s13 =	simm.s32 $0xB440;
	[sflag:s21] =	ssyncadd.s32 $0xFFFFD800  }
0x3b2: {  	s10 =	simm.s32 $0x8C40;
	v9 =	vld [tilespmem:s13+$0x30]  }
0x3b3: {  	v10 =	vld [tilespmem:s10+$0x30]  }
0x3b4: {  	v11 =	vld [tilespmem:s13+$0xFFFFFFC0]  }
0x3b5: {  	v12 =	vld [tilespmem:s13+$0xFFFFFFD0]  }
0x3b6: {  	v13 =	vld [tilespmem:s13+$0xFFFFFFE0]  }
0x3b7: {  	v15 =	vld [tilespmem:s13+$0xFFFFFFF0]  }
0x3b8: {  	v16 =	vld [tilespmem:s13+$0x0]  }
0x3b9: {  	v17 =	vld [tilespmem:s13+$0x10]  }
0x3ba: {  	v19 =	vld [tilespmem:s13+$0x20];
	_ =	sdelay $0x2  }
0x3bb: {  	v21 =	vld [tilespmem:s10+$0xFFFFFFD0];
	vm0 =	vgt.f32 v9, $8.999999760e-01;
	vm10 =	vgt.f32 v11, $8.999999760e-01;
	vm11 =	vgt.f32 v12, $8.999999760e-01  }
0x3bc: {  	v22 =	vld [tilespmem:s10+$0xFFFFFFE0];
	vm1 =	vgt.f32 v13, $8.999999760e-01;
	vm12 =	vgt.f32 v15, $8.999999760e-01;
	v10 =	vmin.f32 v10, $1.000000000e+00  }
0x3bd: {  	v18 =	vld [tilespmem:s10+$0xFFFFFFF0];
	vm13 =	vgt.f32 v16, $8.999999760e-01;
	vm14 =	vgt.f32 v17, $8.999999760e-01;
	vm15 =	vgt.f32 v19, $8.999999760e-01  }
0x3be: {  	v15 =	vld [tilespmem:s10+$0x0];
	v20 =	vnsel vm0, $0x3F800000, v8;
	v9 =	vnsel vm10, $0x3F800000, v8;
	v23 =	vnsel vm11, $0x3F800000, v8  }
0x3bf: {  	v16 =	vld [tilespmem:s10+$0x10];
	v14 =	vnsel vm1, $0x3F800000, v8;
	v11 =	vnsel vm12, $0x3F800000, v8;
	v13 =	vmul.f32 v20, v10  }
0x3c0: {  	v17 =	vld [tilespmem:s10+$0x20];
	v12 =	vnsel vm13, $0x3F800000, v8;
	v10 =	vnsel vm14, $0x3F800000, v8;
	v20 =	vmin.f32 v21, $1.000000000e+00  }
0x3c1: {  	s11 =	simm.s32 $0x8C40;
	s12 =	simm.s32 $0x0;
	s13 =	simm.s32 $0xB4C0;
	v19 =	vld [tilespmem:s10+$0xFFFFFFC0];
	v21 =	vmin.f32 v22, $1.000000000e+00;
	v20 =	vmul.f32 v23, v20;
	[tilespmem:s10+$0x30] =	vst v13;
	v13 =	vnsel vm15, $0x3F800000, v8  }
.LBB2_46:
0x3c2: {  	v22 =	vld [tilespmem:s13+$0x30];
	s12 =	sadd.s32 $0x8, s12;
	v14 =	vmul.f32 v14, v21;
	v18 =	vmin.f32 v18, $1.000000000e+00;
	s10 =	sadd.s32 $0x80, s10  }
0x3c3: {  	v21 =	vld [tilespmem:s10+$0x30];
	p0 =	slt.u32 s12, $0x278;
	[tilespmem:s11+$0xFFFFFFD0] =	vst v20;
	v11 =	vmul.f32 v11, v18;
	v15 =	vmin.f32 v15, $1.000000000e+00  }
0x3c4: {  	v18 =	vld [tilespmem:s13+$0xFFFFFFC0];
	[tilespmem:s11+$0xFFFFFFE0] =	vst v14;
	v12 =	vmul.f32 v12, v15;
	v14 =	vmin.f32 v16, $1.000000000e+00  }
0x3c5: {  	v15 =	vld [tilespmem:s13+$0xFFFFFFD0];
	[tilespmem:s11+$0xFFFFFFF0] =	vst v11;
	v10 =	vmul.f32 v10, v14;
	v11 =	vmin.f32 v17, $1.000000000e+00  }
0x3c6: {  	v14 =	vld [tilespmem:s13+$0xFFFFFFE0];
	v16 =	vmin.f32 v19, $1.000000000e+00;
	[tilespmem:s11+$0x0] =	vst v12;
	v11 =	vmul.f32 v13, v11  }
0x3c7: {  	v12 =	vld [tilespmem:s13+$0xFFFFFFF0];
	vm0 =	vgt.f32 v22, $8.999999760e-01;
	v9 =	vmul.f32 v9, v16;
	[tilespmem:s11+$0x10] =	vst v10  }
0x3c8: {  	v10 =	vld [tilespmem:s13+$0x0];
	v13 =	vmin.f32 v21, $1.000000000e+00;
	v16 =	vnsel vm0, $0x3F800000, v8;
	[tilespmem:s11+$0x20] =	vst v11  }
0x3c9: {  	vm0 =	vgt.f32 v18, $8.999999760e-01;
	v17 =	vld [tilespmem:s13+$0x10];
	v11 =	vmul.f32 v16, v13;
	[tilespmem:s11+$0xFFFFFFC0] =	vst v9;
	s11 =	smov.u32 s10  }
0x3ca: {  	v9 =	vnsel vm0, $0x3F800000, v8;
	vm0 =	vgt.f32 v15, $8.999999760e-01;
	v13 =	vld [tilespmem:s13+$0x20]  }
0x3cb: {  	v19 =	vld [tilespmem:s10+$0xFFFFFFD0];
	v20 =	vnsel vm0, $0x3F800000, v8;
	vm0 =	vgt.f32 v14, $8.999999760e-01;
	[tilespmem:s10+$0x30] =	vst v11  }
0x3cc: {  	v21 =	vld [tilespmem:s10+$0xFFFFFFE0];
	v14 =	vnsel vm0, $0x3F800000, v8;
	vm0 =	vgt.f32 v12, $8.999999760e-01  }
.Ltmp23:
0x3cd: {  	v18 =	vld [tilespmem:s10+$0xFFFFFFF0];
	v11 =	vnsel vm0, $0x3F800000, v8;
	vm0 =	vgt.f32 v10, $8.999999760e-01;
	(pc) =	sbr.rel @p0 .LBB2_46-.Ltmp23, $4  }
0x3ce: {  	v15 =	vld [tilespmem:s10+$0x0];
	v12 =	vnsel vm0, $0x3F800000, v8;
	vm0 =	vgt.f32 v17, $8.999999760e-01  }
0x3cf: {  	v16 =	vld [tilespmem:s10+$0x10];
	v10 =	vnsel vm0, $0x3F800000, v8;
	vm0 =	vgt.f32 v13, $8.999999760e-01  }
0x3d0: {  	v22 =	vmin.f32 v19, $1.000000000e+00;
	v17 =	vld [tilespmem:s10+$0x20];
	v13 =	vnsel vm0, $0x3F800000, v8  }
0x3d1: {  	s13 =	sadd.s32 $0x80, s13;
	v19 =	vld [tilespmem:s10+$0xFFFFFFC0];
	v20 =	vmul.f32 v20, v22;
	v21 =	vmin.f32 v21, $1.000000000e+00  }
0x3d2: {  	v14 =	vmul.f32 v14, v21;
	v18 =	vmin.f32 v18, $1.000000000e+00  }
0x3d3: {  	[tilespmem:s11+$0xFFFFFFD0] =	vst v20;
	v11 =	vmul.f32 v11, v18;
	v15 =	vmin.f32 v15, $1.000000000e+00  }
0x3d4: {  	[tilespmem:s11+$0xFFFFFFE0] =	vst v14;
	v12 =	vmul.f32 v12, v15;
	v14 =	vmin.f32 v16, $1.000000000e+00  }
0x3d5: {  	[tilespmem:s11+$0xFFFFFFF0] =	vst v11;
	v10 =	vmul.f32 v10, v14;
	v11 =	vmin.f32 v17, $1.000000000e+00  }
0x3d6: {  	v14 =	vmin.f32 v19, $1.000000000e+00;
	[tilespmem:s11+$0x0] =	vst v12;
	v11 =	vmul.f32 v13, v11  }
0x3d7: {  	v9 =	vmul.f32 v9, v14;
	[tilespmem:s11+$0x10] =	vst v10  }
0x3d8: {  	[tilespmem:s11+$0x20] =	vst v11  }
0x3d9: {  	[tilespmem:s11+$0xFFFFFFC0] =	vst v9  }
0x3da: {  	s1 =	rddreg [dreg:$0x1b]  }
0x3db: {  	[hbm4b:s1+s4] =	stream.linear.scatter [tilespmem:s23], [sflag:$0x5], $0x2800, $0x38;
	[tilespmem:$0x1F480] =	vst v63  }
0x3dc: {  	_ =	swait.ge [sflag:s21], $0x2800  }
0x3dd: {  	[sflag:s21] =	ssyncset.done $0x0  }
0x3de: {  	s10 =	rddreg [dreg:$0x8];
	[sflag:s21] =	ssyncadd.s32 $0xFFFFD800  }
0x3df: {  	[spmem:s10] =	stream.linear.scatter [tilespmem:s8], [sflag:$0x5], $0x2800, $0x38;
	[tilespmem:$0x1F480] =	vst v63  }
0x3e0: {  	_ =	swait.ge [sflag:s21], $0x2800  }
0x3e1: {  	[sflag:s21] =	ssyncset.done $0x0  }
0x3e2: {  	s11 =	rddreg [dreg:$0x9];
	[sflag:s21] =	ssyncadd.s32 $0xFFFFD800  }
0x3e3: {  	[tilespmem:s23], [sflag:$0x5] =	stream.linear.gather [spmem:s11], $0x2800, $0x38;
	[tilespmem:$0x1F480] =	vst v63  }
0x3e4: {  	_ =	swait.ge [sflag:s21], $0x2800  }
0x3e5: {  	[sflag:s21] =	ssyncset.done $0x0  }
0x3e6: {  	s10 =	simm.s32 $0xB400;
	s12 =	rddreg [dreg:$0x1f];
	[sflag:s21] =	ssyncadd.s32 $0xFFFFD800  }
0x3e7: {  	[tilespmem:s10], [sflag:$0x5] =	stream.linear.gather [hbm4b:s12+s4], $0x2800, $0x38;
	[tilespmem:$0x1F480] =	vst v63  }
0x3e8: {  	_ =	swait.ge [sflag:s21], $0x2800  }
0x3e9: {  	[sflag:s21] =	ssyncset.done $0x0  }
0x3ea: {  	s13 =	simm.s32 $0xB440;
	[sflag:s21] =	ssyncadd.s32 $0xFFFFD800  }
0x3eb: {  	s10 =	simm.s32 $0x8C40;
	v9 =	vld [tilespmem:s13+$0x30]  }
0x3ec: {  	v10 =	vld [tilespmem:s10+$0x30]  }
0x3ed: {  	v11 =	vld [tilespmem:s13+$0xFFFFFFC0]  }
0x3ee: {  	v12 =	vld [tilespmem:s13+$0xFFFFFFD0]  }
0x3ef: {  	v13 =	vld [tilespmem:s13+$0xFFFFFFE0]  }
0x3f0: {  	v15 =	vld [tilespmem:s13+$0xFFFFFFF0]  }
0x3f1: {  	v16 =	vld [tilespmem:s13+$0x0]  }
0x3f2: {  	v17 =	vld [tilespmem:s13+$0x10]  }
0x3f3: {  	v19 =	vld [tilespmem:s13+$0x20];
	_ =	sdelay $0x2  }
0x3f4: {  	v21 =	vld [tilespmem:s10+$0xFFFFFFD0];
	vm0 =	vgt.f32 v9, $8.999999760e-01;
	vm10 =	vgt.f32 v11, $8.999999760e-01;
	vm11 =	vgt.f32 v12, $8.999999760e-01  }
0x3f5: {  	v22 =	vld [tilespmem:s10+$0xFFFFFFE0];
	vm1 =	vgt.f32 v13, $8.999999760e-01;
	vm12 =	vgt.f32 v15, $8.999999760e-01;
	v10 =	vmin.f32 v10, $1.000000000e+00  }
0x3f6: {  	v18 =	vld [tilespmem:s10+$0xFFFFFFF0];
	vm13 =	vgt.f32 v16, $8.999999760e-01;
	vm14 =	vgt.f32 v17, $8.999999760e-01;
	vm15 =	vgt.f32 v19, $8.999999760e-01  }
0x3f7: {  	v15 =	vld [tilespmem:s10+$0x0];
	v20 =	vnsel vm0, $0x3F800000, v8;
	v9 =	vnsel vm10, $0x3F800000, v8;
	v23 =	vnsel vm11, $0x3F800000, v8  }
0x3f8: {  	v16 =	vld [tilespmem:s10+$0x10];
	v14 =	vnsel vm1, $0x3F800000, v8;
	v11 =	vnsel vm12, $0x3F800000, v8;
	v13 =	vmul.f32 v20, v10  }
0x3f9: {  	v17 =	vld [tilespmem:s10+$0x20];
	v12 =	vnsel vm13, $0x3F800000, v8;
	v10 =	vnsel vm14, $0x3F800000, v8;
	v20 =	vmin.f32 v21, $1.000000000e+00  }
0x3fa: {  	s11 =	simm.s32 $0x8C40;
	s12 =	simm.s32 $0x0;
	s13 =	simm.s32 $0xB4C0;
	v19 =	vld [tilespmem:s10+$0xFFFFFFC0];
	v21 =	vmin.f32 v22, $1.000000000e+00;
	v20 =	vmul.f32 v23, v20;
	[tilespmem:s10+$0x30] =	vst v13;
	v13 =	vnsel vm15, $0x3F800000, v8  }
.LBB2_48:
0x3fb: {  	v22 =	vld [tilespmem:s13+$0x30];
	s12 =	sadd.s32 $0x8, s12;
	v14 =	vmul.f32 v14, v21;
	v18 =	vmin.f32 v18, $1.000000000e+00;
	s10 =	sadd.s32 $0x80, s10  }
0x3fc: {  	v21 =	vld [tilespmem:s10+$0x30];
	p0 =	slt.u32 s12, $0x278;
	[tilespmem:s11+$0xFFFFFFD0] =	vst v20;
	v11 =	vmul.f32 v11, v18;
	v15 =	vmin.f32 v15, $1.000000000e+00  }
0x3fd: {  	v18 =	vld [tilespmem:s13+$0xFFFFFFC0];
	[tilespmem:s11+$0xFFFFFFE0] =	vst v14;
	v12 =	vmul.f32 v12, v15;
	v14 =	vmin.f32 v16, $1.000000000e+00  }
0x3fe: {  	v15 =	vld [tilespmem:s13+$0xFFFFFFD0];
	[tilespmem:s11+$0xFFFFFFF0] =	vst v11;
	v10 =	vmul.f32 v10, v14;
	v11 =	vmin.f32 v17, $1.000000000e+00  }
0x3ff: {  	v14 =	vld [tilespmem:s13+$0xFFFFFFE0];
	v16 =	vmin.f32 v19, $1.000000000e+00;
	[tilespmem:s11+$0x0] =	vst v12;
	v11 =	vmul.f32 v13, v11  }
0x400: {  	v12 =	vld [tilespmem:s13+$0xFFFFFFF0];
	vm0 =	vgt.f32 v22, $8.999999760e-01;
	v9 =	vmul.f32 v9, v16;
	[tilespmem:s11+$0x10] =	vst v10  }
0x401: {  	v10 =	vld [tilespmem:s13+$0x0];
	v13 =	vmin.f32 v21, $1.000000000e+00;
	v16 =	vnsel vm0, $0x3F800000, v8;
	[tilespmem:s11+$0x20] =	vst v11  }
0x402: {  	vm0 =	vgt.f32 v18, $8.999999760e-01;
	v17 =	vld [tilespmem:s13+$0x10];
	v11 =	vmul.f32 v16, v13;
	[tilespmem:s11+$0xFFFFFFC0] =	vst v9;
	s11 =	smov.u32 s10  }
0x403: {  	v9 =	vnsel vm0, $0x3F800000, v8;
	vm0 =	vgt.f32 v15, $8.999999760e-01;
	v13 =	vld [tilespmem:s13+$0x20]  }
0x404: {  	v19 =	vld [tilespmem:s10+$0xFFFFFFD0];
	v20 =	vnsel vm0, $0x3F800000, v8;
	vm0 =	vgt.f32 v14, $8.999999760e-01;
	[tilespmem:s10+$0x30] =	vst v11  }
0x405: {  	v21 =	vld [tilespmem:s10+$0xFFFFFFE0];
	v14 =	vnsel vm0, $0x3F800000, v8;
	vm0 =	vgt.f32 v12, $8.999999760e-01  }
.Ltmp24:
0x406: {  	v18 =	vld [tilespmem:s10+$0xFFFFFFF0];
	v11 =	vnsel vm0, $0x3F800000, v8;
	vm0 =	vgt.f32 v10, $8.999999760e-01;
	(pc) =	sbr.rel @p0 .LBB2_48-.Ltmp24, $4  }
0x407: {  	v15 =	vld [tilespmem:s10+$0x0];
	v12 =	vnsel vm0, $0x3F800000, v8;
	vm0 =	vgt.f32 v17, $8.999999760e-01  }
0x408: {  	v16 =	vld [tilespmem:s10+$0x10];
	v10 =	vnsel vm0, $0x3F800000, v8;
	vm0 =	vgt.f32 v13, $8.999999760e-01  }
0x409: {  	v22 =	vmin.f32 v19, $1.000000000e+00;
	v17 =	vld [tilespmem:s10+$0x20];
	v13 =	vnsel vm0, $0x3F800000, v8  }
0x40a: {  	s13 =	sadd.s32 $0x80, s13;
	v19 =	vld [tilespmem:s10+$0xFFFFFFC0];
	v20 =	vmul.f32 v20, v22;
	v21 =	vmin.f32 v21, $1.000000000e+00  }
0x40b: {  	v8 =	vmul.f32 v14, v21;
	v14 =	vmin.f32 v18, $1.000000000e+00  }
0x40c: {  	[tilespmem:s11+$0xFFFFFFD0] =	vst v20;
	v11 =	vmul.f32 v11, v14;
	v14 =	vmin.f32 v15, $1.000000000e+00  }
0x40d: {  	[tilespmem:s11+$0xFFFFFFE0] =	vst v8;
	v8 =	vmul.f32 v12, v14;
	v12 =	vmin.f32 v16, $1.000000000e+00  }
0x40e: {  	[tilespmem:s11+$0xFFFFFFF0] =	vst v11;
	v10 =	vmul.f32 v10, v12;
	v11 =	vmin.f32 v17, $1.000000000e+00  }
0x40f: {  	v12 =	vmin.f32 v19, $1.000000000e+00;
	[tilespmem:s11+$0x0] =	vst v8;
	v8 =	vmul.f32 v13, v11  }
0x410: {  	v9 =	vmul.f32 v9, v12;
	[tilespmem:s11+$0x10] =	vst v10  }
0x411: {  	[tilespmem:s11+$0x20] =	vst v8  }
0x412: {  	[tilespmem:s11+$0xFFFFFFC0] =	vst v9  }
0x413: {  	s1 =	sld [smem:$0x7FC];
	_ =	sdelay $0x2  }
0x414: {  	[hbm4b:s1+s4] =	stream.linear.scatter [tilespmem:s23], [sflag:$0x5], $0x2800, $0x38;
	[tilespmem:$0x1F480] =	vst v63  }
0x415: {  	_ =	swait.ge [sflag:s21], $0x2800  }
0x416: {  	[sflag:s21] =	ssyncset.done $0x0  }
0x417: {  	s10 =	rddreg [dreg:$0x9];
	[sflag:s21] =	ssyncadd.s32 $0xFFFFD800  }
0x418: {  	[spmem:s10] =	stream.linear.scatter [tilespmem:s8], [sflag:$0x5], $0x2800, $0x38;
	[tilespmem:$0x1F480] =	vst v63  }
0x419: {  	_ =	swait.ge [sflag:s21], $0x2800  }
0x41a: {  	[sflag:s21] =	ssyncset.done $0x0  }
0x41b: {  	[sflag:s21] =	ssyncadd.s32 $0xFFFFD800  }
0x41c: {  	[bflag:$0x0] =	sbarrier.arrive $0xFFFF  }
0x41d: {  	s11 =	rddreg [dreg:$0xa]  }
0x41e: {  	[tilespmem:s4], [sflag:$0x5] =	stream.linear.gather [hbm4b:s11+s4], $0x200, $0x38;
	[tilespmem:$0x1F480] =	vst v63  }
0x41f: {  	_ =	swait.ge [sflag:s21], $0x200  }
0x420: {  	[sflag:s21] =	ssyncset.done $0x0  }
0x421: {  	s12 =	rddreg [dreg:$0xb];
	[sflag:s21] =	ssyncadd.s32 $0xFFFFFE00  }
0x422: {  	[tilespmem:s25], [sflag:$0x5] =	stream.linear.gather [hbm4b:s12+s4], $0x200, $0x38;
	[tilespmem:$0x1F480] =	vst v63  }
0x423: {  	_ =	swait.ge [sflag:s21], $0x200  }
0x424: {  	[sflag:s21] =	ssyncset.done $0x0  }
0x425: {  	s13 =	rddreg [dreg:$0xc];
	[sflag:s21] =	ssyncadd.s32 $0xFFFFFE00  }
0x426: {  	[tilespmem:s28], [sflag:$0x5] =	stream.linear.gather [hbm4b:s13+s4], $0x200, $0x38;
	[tilespmem:$0x1F480] =	vst v63  }
0x427: {  	_ =	swait.ge [sflag:s21], $0x200  }
0x428: {  	[sflag:s21] =	ssyncset.done $0x0  }
0x429: {  	s23 =	simm.s32 $0x20;
	[sflag:s21] =	ssyncadd.s32 $0xFFFFFE00  }
0x42a: {  	v8 =	vld [tilespmem:s23+$0x10];
	_ =	sdelay $0x3  }
0x42b: {  	v9 =	vld [tilespmem:s23+$0xFFFFFFF0]  }
0x42c: {  	v10 =	vld [tilespmem:s23+$0xFFFFFFE0];
	v8 =	vadd.s32 v0, v8  }
0x42d: {  	s10 =	simm.s32 $0x420;
	v11 =	vld [tilespmem:s23+$0x0];
	[tilespmem:s23+$0x10] =	vst v8  }
0x42e: {  	s11 =	simm.s32 $0x60;
	v12 =	vld [tilespmem:s10+$0x10]  }
0x42f: {  	v13 =	vld [tilespmem:s11+$0x10]  }
0x430: {  	v14 =	vld [tilespmem:s11+$0xFFFFFFF0];
	v8 =	vadd.s32 v0, v9  }
0x431: {  	v15 =	vld [tilespmem:s11+$0x0];
	[tilespmem:s23+$0xFFFFFFF0] =	vst v8;
	v8 =	vadd.s32 v0, v10  }
0x432: {  	v9 =	vadd.s32 v0, v11;
	v11 =	vld [tilespmem:s11+$0xFFFFFFE0];
	[tilespmem:s23+$0xFFFFFFE0] =	vst v8  }
0x433: {  	[tilespmem:s23+$0x0] =	vst v9;
	v8 =	vld [tilespmem:s10+$0xFFFFFFE0];
	v10 =	vadd.s32 v1, v12  }
0x434: {  	v9 =	vld [tilespmem:s10+$0xFFFFFFF0];
	v12 =	vadd.s32 v0, v13;
	[tilespmem:s10+$0x10] =	vst v10  }
0x435: {  	s12 =	simm.s32 $0x460;
	v13 =	vadd.s32 v0, v14;
	[tilespmem:s11+$0x10] =	vst v12;
	v10 =	vld [tilespmem:s10+$0x0]  }
0x436: {  	s1 =	simm.s32 $0x40;
	s8 =	simm.s32 $0xA0;
	[tilespmem:s11+$0xFFFFFFF0] =	vst v13;
	v13 =	vadd.s32 v0, v15;
	v12 =	vld [tilespmem:s12+$0x10]  }
.LBB2_50:
0x437: {  	v14 =	vld [tilespmem:s8+$0x10];
	s1 =	sadd.s32 $0x40, s1;
	v11 =	vadd.s32 v0, v11;
	[tilespmem:s11+$0x0] =	vst v13  }
0x438: {  	v13 =	vld [tilespmem:s8+$0xFFFFFFF0];
	p0 =	slt.u32 s1, $0x1C0;
	[tilespmem:s11+$0xFFFFFFE0] =	vst v11;
	v8 =	vadd.s32 v1, v8;
	s11 =	smov.u32 s8  }
0x439: {  	v15 =	vld [tilespmem:s8+$0x0];
	[tilespmem:s10+$0xFFFFFFE0] =	vst v8;
	v8 =	vadd.s32 v1, v9  }
.Ltmp25:
0x43a: {  	v11 =	vld [tilespmem:s8+$0xFFFFFFE0];
	[tilespmem:s10+$0xFFFFFFF0] =	vst v8;
	v9 =	vadd.s32 v1, v10;
	(pc) =	sbr.rel @p0 .LBB2_50-.Ltmp25, $4  }
0x43b: {  	v8 =	vld [tilespmem:s12+$0xFFFFFFE0];
	v10 =	vadd.s32 v1, v12;
	[tilespmem:s10+$0x0] =	vst v9;
	s10 =	smov.u32 s12  }
0x43c: {  	v12 =	vadd.s32 v0, v14;
	v9 =	vld [tilespmem:s12+$0xFFFFFFF0];
	[tilespmem:s12+$0x10] =	vst v10  }
0x43d: {  	s12 =	sadd.s32 $0x40, s12;
	v13 =	vadd.s32 v0, v13;
	[tilespmem:s8+$0x10] =	vst v12;
	v10 =	vld [tilespmem:s10+$0x0]  }
0x43e: {  	s8 =	sadd.s32 $0x40, s8;
	[tilespmem:s11+$0xFFFFFFF0] =	vst v13;
	v13 =	vadd.s32 v0, v15;
	v12 =	vld [tilespmem:s12+$0x10]  }
0x43f: {  	v11 =	vadd.s32 v0, v11  }
0x440: {  	[tilespmem:s11+$0xFFFFFFE0] =	vst v11  }
0x441: {  	v11 =	vld [tilespmem:s12+$0xFFFFFFE0]  }
0x442: {  	[tilespmem:s11+$0x0] =	vst v13;
	v61 =	vld [tilespmem:s12+$0xFFFFFFF0];
	v8 =	vadd.s32 v1, v8  }
0x443: {  	v62 =	vld [tilespmem:s12+$0x0];
	[tilespmem:s10+$0xFFFFFFE0] =	vst v8;
	v8 =	vadd.s32 v1, v9  }
0x444: {  	[tilespmem:s10+$0xFFFFFFF0] =	vst v8;
	v8 =	vadd.s32 v1, v10  }
0x445: {  	v63 =	vadd.s32 v1, v12;
	[tilespmem:s10+$0x0] =	vst v8  }
0x446: {  	[tilespmem:s12+$0x10] =	vst v63;
	v8 =	vadd.s32 v1, v11  }
0x447: {  	[tilespmem:s12+$0xFFFFFFE0] =	vst v8;
	v8 =	vadd.s32 v1, v61  }
0x448: {  	[tilespmem:s12+$0xFFFFFFF0] =	vst v8;
	v8 =	vadd.s32 v1, v62  }
0x449: {  	[tilespmem:s12+$0x0] =	vst v8;
	s12 =	simm.s32 $0x0  }
0x44a: {  	[tilespmem:s0], [sflag:$0x1] =	stream.indirect.gather [hbm4b:s20+s30], $0x10, s12, s30, $0xb8;
	[tilespmem:$0x1F480] =	vst v63  }
0x44b: {  	s1 =	simm.s32 $0x4C00  }
0x44c: {  	[tilespmem:s1], [sflag:$0x1] =	stream.indirect.gather [hbm4b:s26+s30], $0x10, s25, s30, $0xb8;
	[tilespmem:$0x1F480] =	vst v63  }
.LBB2_52:
0x44d: {  	p0 =	seq.s32 s12, $0x0  }
0x44e: {  	s13 =	sshll.u32 s12, $0xA;
	s1 =	simm.s32 @!p0 $0x4  }
0x44f: {  	s8 =	sadd.s32 s13, s17;
	_ =	swait.ge @!p0 [sflag:s1], $0x2000  }
0x450: {  	s8 =	sshrl.u32 s8, $0x3;
	[sflag:s1] =	ssyncset.done @!p0 $0x0  }
0x451: {  	s23 =	sadd.s32 s2, s8;
	[sflag:s1] =	ssyncadd.s32 @!p0 $0xFFFFE000  }
0x452: {  	[tilespmem:s30], [sflag:$0x5] =	stream.linear.gather [hbm4b:s23+s4], $0x200, $0x38;
	[tilespmem:$0x1F480] =	vst v63  }
0x453: {  	_ =	swait.ge [sflag:s21], $0x200  }
0x454: {  	[sflag:s21] =	ssyncset.done $0x0  }
0x455: {  	s10 =	sadd.s32 s6, s8;
	[sflag:s21] =	ssyncadd.s32 $0xFFFFFE00  }
0x456: {  	[tilespmem:s24], [sflag:$0x5] =	stream.linear.gather [hbm4b:s10+s4], $0x200, $0x38;
	[tilespmem:$0x1F480] =	vst v63  }
0x457: {  	_ =	swait.ge [sflag:s21], $0x200  }
0x458: {  	[sflag:s21] =	ssyncset.done $0x0  }
0x459: {  	s11 =	sadd.s32 s7, s8;
	[sflag:s21] =	ssyncadd.s32 $0xFFFFFE00  }
0x45a: {  	[tilespmem:s31], [sflag:$0x5] =	stream.linear.gather [hbm4b:s11+s4], $0x200, $0x38;
	[tilespmem:$0x1F480] =	vst v63  }
0x45b: {  	_ =	swait.ge [sflag:s21], $0x200  }
0x45c: {  	[sflag:s21] =	ssyncset.done $0x0  }
0x45d: {  	s23 =	simm.s32 $0x220;
	[sflag:s21] =	ssyncadd.s32 $0xFFFFFE00  }
0x45e: {  	v8 =	vld [tilespmem:s23+$0x10];
	_ =	sdelay $0x3  }
0x45f: {  	v9 =	vld [tilespmem:s23+$0xFFFFFFF0]  }
0x460: {  	v10 =	vld [tilespmem:s23+$0xFFFFFFE0];
	v8 =	vadd.s32 v0, v8  }
0x461: {  	s10 =	simm.s32 $0x620;
	v11 =	vld [tilespmem:s23+$0x0];
	[tilespmem:s23+$0x10] =	vst v8  }
0x462: {  	s11 =	simm.s32 $0x260;
	v12 =	vld [tilespmem:s10+$0x10]  }
0x463: {  	v13 =	vld [tilespmem:s11+$0x10]  }
0x464: {  	v14 =	vld [tilespmem:s11+$0xFFFFFFF0];
	v8 =	vadd.s32 v0, v9  }
0x465: {  	v15 =	vld [tilespmem:s11+$0x0];
	[tilespmem:s23+$0xFFFFFFF0] =	vst v8;
	v8 =	vadd.s32 v0, v10  }
0x466: {  	v9 =	vadd.s32 v0, v11;
	v11 =	vld [tilespmem:s11+$0xFFFFFFE0];
	[tilespmem:s23+$0xFFFFFFE0] =	vst v8  }
0x467: {  	[tilespmem:s23+$0x0] =	vst v9;
	v8 =	vld [tilespmem:s10+$0xFFFFFFE0];
	v10 =	vadd.s32 v1, v12  }
0x468: {  	v9 =	vld [tilespmem:s10+$0xFFFFFFF0];
	v12 =	vadd.s32 v0, v13;
	[tilespmem:s10+$0x10] =	vst v10  }
0x469: {  	s23 =	simm.s32 $0x660;
	v13 =	vadd.s32 v0, v14;
	[tilespmem:s11+$0x10] =	vst v12;
	v10 =	vld [tilespmem:s10+$0x0]  }
0x46a: {  	s8 =	simm.s32 $0x2A0;
	s1 =	simm.s32 $0x40;
	[tilespmem:s11+$0xFFFFFFF0] =	vst v13;
	v13 =	vadd.s32 v0, v15;
	v12 =	vld [tilespmem:s23+$0x10]  }
.LBB2_53:
0x46b: {  	v14 =	vld [tilespmem:s8+$0x10];
	s1 =	sadd.s32 $0x40, s1;
	v11 =	vadd.s32 v0, v11;
	[tilespmem:s11+$0x0] =	vst v13  }
0x46c: {  	v13 =	vld [tilespmem:s8+$0xFFFFFFF0];
	p0 =	slt.u32 s1, $0x1C0;
	[tilespmem:s11+$0xFFFFFFE0] =	vst v11;
	v8 =	vadd.s32 v1, v8;
	s11 =	smov.u32 s8  }
0x46d: {  	v15 =	vld [tilespmem:s8+$0x0];
	[tilespmem:s10+$0xFFFFFFE0] =	vst v8;
	v8 =	vadd.s32 v1, v9  }
.Ltmp26:
0x46e: {  	v11 =	vld [tilespmem:s8+$0xFFFFFFE0];
	[tilespmem:s10+$0xFFFFFFF0] =	vst v8;
	v9 =	vadd.s32 v1, v10;
	(pc) =	sbr.rel @p0 .LBB2_53-.Ltmp26, $4  }
0x46f: {  	v8 =	vld [tilespmem:s23+$0xFFFFFFE0];
	v10 =	vadd.s32 v1, v12;
	[tilespmem:s10+$0x0] =	vst v9;
	s10 =	smov.u32 s23  }
0x470: {  	v12 =	vadd.s32 v0, v14;
	v9 =	vld [tilespmem:s23+$0xFFFFFFF0];
	[tilespmem:s23+$0x10] =	vst v10  }
0x471: {  	s23 =	sadd.s32 $0x40, s23;
	v13 =	vadd.s32 v0, v13;
	[tilespmem:s8+$0x10] =	vst v12;
	v10 =	vld [tilespmem:s10+$0x0]  }
0x472: {  	s8 =	sadd.s32 $0x40, s8;
	[tilespmem:s11+$0xFFFFFFF0] =	vst v13;
	v13 =	vadd.s32 v0, v15;
	v12 =	vld [tilespmem:s23+$0x10]  }
0x473: {  	v11 =	vadd.s32 v0, v11  }
0x474: {  	[tilespmem:s11+$0xFFFFFFE0] =	vst v11  }
0x475: {  	v11 =	vld [tilespmem:s23+$0xFFFFFFE0]  }
0x476: {  	[tilespmem:s11+$0x0] =	vst v13;
	v13 =	vld [tilespmem:s23+$0xFFFFFFF0];
	v8 =	vadd.s32 v1, v8  }
0x477: {  	[tilespmem:s10+$0xFFFFFFE0] =	vst v8;
	v8 =	vadd.s32 v1, v9;
	v9 =	vld [tilespmem:s23+$0x0]  }
0x478: {  	[tilespmem:s10+$0xFFFFFFF0] =	vst v8;
	v8 =	vadd.s32 v1, v10  }
0x479: {  	v10 =	vadd.s32 v1, v12;
	[tilespmem:s10+$0x0] =	vst v8  }
0x47a: {  	[tilespmem:s23+$0x10] =	vst v10;
	v8 =	vadd.s32 v1, v11  }
0x47b: {  	[tilespmem:s23+$0xFFFFFFE0] =	vst v8;
	v8 =	vadd.s32 v1, v13  }
0x47c: {  	[tilespmem:s23+$0xFFFFFFF0] =	vst v8;
	v8 =	vadd.s32 v1, v9  }
0x47d: {  	[tilespmem:s23+$0x0] =	vst v8  }
0x47e: {  	[tilespmem:s22], [sflag:$0x2] =	stream.indirect.gather [hbm4b:s20+s30], $0x10, s30, s30, $0xb8;
	[tilespmem:$0x1F480] =	vst v63  }
0x47f: {  	_ = 	snop  }
0x480: {  	[tilespmem:s14], [sflag:$0x2] =	stream.indirect.gather [hbm4b:s26+s30], $0x10, s24, s30, $0xb8;
	[tilespmem:$0x1F480] =	vst v63  }
0x481: {  	_ =	swait.ge [sflag:s15], $0x2000  }
0x482: {  	[sflag:s15] =	ssyncset.done $0x0  }
0x483: {  	[sflag:s15] =	ssyncadd.s32 $0xFFFFE000  }
0x484: {  	_ =	swait.ge [sflag:s15], $0x2000  }
0x485: {  	[sflag:s15] =	ssyncset.done $0x0  }
0x486: {  	s10 =	simm.s32 $0xC40;
	[sflag:s15] =	ssyncadd.s32 $0xFFFFE000  }
0x487: {  	s11 =	simm.s32 $0x4C40;
	v9 =	vld [tilespmem:s10+$0x30]  }
0x488: {  	v10 =	vld [tilespmem:s11+$0x30]  }
0x489: {  	v8 =	vld [tilespmem:s11+$0xFFFFFFC0]  }
0x48a: {  	v11 =	vld [tilespmem:s10+$0xFFFFFFD0]  }
0x48b: {  	v12 =	vld [tilespmem:s11+$0xFFFFFFD0]  }
0x48c: {  	v13 =	vld [tilespmem:s10+$0xFFFFFFE0]  }
0x48d: {  	v14 =	vld [tilespmem:s11+$0xFFFFFFE0]  }
0x48e: {  	v15 =	vld [tilespmem:s10+$0xFFFFFFF0]  }
0x48f: {  	v16 =	vld [tilespmem:s11+$0xFFFFFFF0]  }
0x490: {  	v17 =	vld [tilespmem:s10+$0x0]  }
0x491: {  	v18 =	vld [tilespmem:s11+$0x0];
	v10 =	vmul.f32 v10, v9  }
0x492: {  	v12 =	vmul.f32 v12, v11;
	v9 =	vld [tilespmem:s10+$0x10]  }
0x493: {  	v13 =	vmul.f32 v14, v13;
	v11 =	vld [tilespmem:s11+$0x10];
	[tilespmem:s10+$0x30] =	vst v10  }
0x494: {  	v14 =	vmul.f32 v16, v15;
	[tilespmem:s10+$0xFFFFFFD0] =	vst v12;
	v10 =	vld [tilespmem:s10+$0x20]  }
0x495: {  	[tilespmem:s10+$0xFFFFFFE0] =	vst v13;
	v13 =	vld [tilespmem:s11+$0x20]  }
0x496: {  	s1 =	simm.s32 $0xCC0;
	s23 =	simm.s32 $0x0;
	v12 =	vld [tilespmem:s10+$0xFFFFFFC0];
	[tilespmem:s10+$0xFFFFFFF0] =	vst v14;
	v14 =	vmul.f32 v18, v17  }
.LBB2_55:
0x497: {  	v15 =	vld [tilespmem:s1+$0x30];
	s11 =	sadd.s32 $0x80, s11  }
0x498: {  	s23 =	sadd.s32 $0x8, s23;
	v16 =	vld [tilespmem:s11+$0x30];
	[tilespmem:s10+$0x0] =	vst v14;
	v9 =	vmul.f32 v11, v9  }
0x499: {  	p0 =	slt.u32 s23, $0x1F8;
	v11 =	vld [tilespmem:s11+$0xFFFFFFC0]  }
0x49a: {  	v14 =	vld [tilespmem:s1+$0xFFFFFFD0];
	[tilespmem:s10+$0x10] =	vst v9;
	v9 =	vmul.f32 v13, v10  }
0x49b: {  	v10 =	vld [tilespmem:s11+$0xFFFFFFD0];
	v17 =	vmul.f32 v8, v12  }
0x49c: {  	v12 =	vld [tilespmem:s1+$0xFFFFFFE0];
	[tilespmem:s10+$0x20] =	vst v9  }
0x49d: {  	v9 =	vld [tilespmem:s11+$0xFFFFFFE0];
	v13 =	vmul.f32 v16, v15;
	[tilespmem:s10+$0xFFFFFFC0] =	vst v17;
	s10 =	smov.u32 s1  }
0x49e: {  	v15 =	vld [tilespmem:s1+$0xFFFFFFF0];
	v8 =	vmov v11  }
0x49f: {  	v16 =	vld [tilespmem:s11+$0xFFFFFFF0];
	[tilespmem:s1+$0x30] =	vst v13  }
0x4a0: {  	v10 =	vmul.f32 v10, v14;
	v14 =	vld [tilespmem:s1+$0x0]  }
0x4a1: {  	v17 =	vld [tilespmem:s11+$0x0]  }
.Ltmp27:
0x4a2: {  	[tilespmem:s1+$0xFFFFFFD0] =	vst v10;
	v10 =	vmul.f32 v9, v12;
	v9 =	vld [tilespmem:s1+$0x10];
	(pc) =	sbr.rel @p0 .LBB2_55-.Ltmp27, $4  }
0x4a3: {  	v11 =	vld [tilespmem:s11+$0x10]  }
0x4a4: {  	[tilespmem:s1+$0xFFFFFFE0] =	vst v10;
	v15 =	vmul.f32 v16, v15;
	v10 =	vld [tilespmem:s1+$0x20]  }
0x4a5: {  	v13 =	vld [tilespmem:s11+$0x20]  }
0x4a6: {  	s1 =	sadd.s32 $0x80, s1;
	v12 =	vld [tilespmem:s10+$0xFFFFFFC0];
	[tilespmem:s10+$0xFFFFFFF0] =	vst v15;
	v14 =	vmul.f32 v17, v14  }
0x4a7: {  	_ =	sdelay $0x1  }
0x4a8: {  	v9 =	vmul.f32 v11, v9  }
0x4a9: {  	[tilespmem:s10+$0x0] =	vst v14;
	v10 =	vmul.f32 v13, v10  }
0x4aa: {  	[tilespmem:s10+$0x10] =	vst v9;
	v8 =	vmul.f32 v8, v12  }
0x4ab: {  	[tilespmem:s10+$0x20] =	vst v10  }
0x4ac: {  	[tilespmem:s10+$0xFFFFFFC0] =	vst v8  }
0x4ad: {  	[spmem:s3] =	stream.indirect.scatter.add.f32 [tilespmem:s0], [sflag:$0x3], $0x10, s28, s30, $0xb8;
	[tilespmem:$0x1F480] =	vst v63  }
0x4ae: {  	_ =	swait.ge [sflag:s16], $0x2000  }
0x4af: {  	[sflag:s16] =	ssyncset.done $0x0  }
0x4b0: {  	[sflag:s16] =	ssyncadd.s32 $0xFFFFE000  }
0x4b1: {  	_ =	swait.ge [sflag:s16], $0x2000  }
0x4b2: {  	[sflag:s16] =	ssyncset.done $0x0  }
0x4b3: {  	s10 =	simm.s32 $0x2C40;
	[sflag:s16] =	ssyncadd.s32 $0xFFFFE000  }
0x4b4: {  	s11 =	simm.s32 $0x6C40;
	v9 =	vld [tilespmem:s10+$0x30]  }
0x4b5: {  	v10 =	vld [tilespmem:s11+$0x30]  }
0x4b6: {  	v8 =	vld [tilespmem:s11+$0xFFFFFFC0]  }
0x4b7: {  	v11 =	vld [tilespmem:s10+$0xFFFFFFD0]  }
0x4b8: {  	v12 =	vld [tilespmem:s11+$0xFFFFFFD0]  }
0x4b9: {  	v13 =	vld [tilespmem:s10+$0xFFFFFFE0]  }
0x4ba: {  	v14 =	vld [tilespmem:s11+$0xFFFFFFE0]  }
0x4bb: {  	v15 =	vld [tilespmem:s10+$0xFFFFFFF0]  }
0x4bc: {  	v16 =	vld [tilespmem:s11+$0xFFFFFFF0]  }
0x4bd: {  	v17 =	vld [tilespmem:s10+$0x0]  }
0x4be: {  	v18 =	vld [tilespmem:s11+$0x0];
	v10 =	vmul.f32 v10, v9  }
0x4bf: {  	v12 =	vmul.f32 v12, v11;
	v9 =	vld [tilespmem:s10+$0x10]  }
0x4c0: {  	v13 =	vmul.f32 v14, v13;
	v11 =	vld [tilespmem:s11+$0x10];
	[tilespmem:s10+$0x30] =	vst v10  }
0x4c1: {  	v14 =	vmul.f32 v16, v15;
	[tilespmem:s10+$0xFFFFFFD0] =	vst v12;
	v10 =	vld [tilespmem:s10+$0x20]  }
0x4c2: {  	[tilespmem:s10+$0xFFFFFFE0] =	vst v13;
	v13 =	vld [tilespmem:s11+$0x20]  }
0x4c3: {  	s23 =	simm.s32 $0x0;
	s1 =	simm.s32 $0x2CC0;
	v12 =	vld [tilespmem:s10+$0xFFFFFFC0];
	[tilespmem:s10+$0xFFFFFFF0] =	vst v14;
	v14 =	vmul.f32 v18, v17  }
.LBB2_57:
0x4c4: {  	v15 =	vld [tilespmem:s1+$0x30];
	s11 =	sadd.s32 $0x80, s11  }
0x4c5: {  	s23 =	sadd.s32 $0x8, s23;
	v16 =	vld [tilespmem:s11+$0x30];
	[tilespmem:s10+$0x0] =	vst v14;
	v9 =	vmul.f32 v11, v9  }
0x4c6: {  	p0 =	slt.u32 s23, $0x1F8;
	v11 =	vld [tilespmem:s11+$0xFFFFFFC0]  }
0x4c7: {  	v14 =	vld [tilespmem:s1+$0xFFFFFFD0];
	[tilespmem:s10+$0x10] =	vst v9;
	v9 =	vmul.f32 v13, v10  }
0x4c8: {  	v10 =	vld [tilespmem:s11+$0xFFFFFFD0];
	v17 =	vmul.f32 v8, v12  }
0x4c9: {  	v12 =	vld [tilespmem:s1+$0xFFFFFFE0];
	[tilespmem:s10+$0x20] =	vst v9  }
0x4ca: {  	v9 =	vld [tilespmem:s11+$0xFFFFFFE0];
	v13 =	vmul.f32 v16, v15;
	[tilespmem:s10+$0xFFFFFFC0] =	vst v17;
	s10 =	smov.u32 s1  }
0x4cb: {  	v15 =	vld [tilespmem:s1+$0xFFFFFFF0];
	v8 =	vmov v11  }
0x4cc: {  	v16 =	vld [tilespmem:s11+$0xFFFFFFF0];
	[tilespmem:s1+$0x30] =	vst v13  }
0x4cd: {  	v10 =	vmul.f32 v10, v14;
	v14 =	vld [tilespmem:s1+$0x0]  }
0x4ce: {  	v17 =	vld [tilespmem:s11+$0x0]  }
.Ltmp28:
0x4cf: {  	[tilespmem:s1+$0xFFFFFFD0] =	vst v10;
	v10 =	vmul.f32 v9, v12;
	v9 =	vld [tilespmem:s1+$0x10];
	(pc) =	sbr.rel @p0 .LBB2_57-.Ltmp28, $4  }
0x4d0: {  	v11 =	vld [tilespmem:s11+$0x10]  }
0x4d1: {  	[tilespmem:s1+$0xFFFFFFE0] =	vst v10;
	v15 =	vmul.f32 v16, v15;
	v10 =	vld [tilespmem:s1+$0x20]  }
0x4d2: {  	v13 =	vld [tilespmem:s11+$0x20]  }
0x4d3: {  	s1 =	sadd.s32 $0x80, s1;
	v12 =	vld [tilespmem:s10+$0xFFFFFFC0];
	[tilespmem:s10+$0xFFFFFFF0] =	vst v15;
	v14 =	vmul.f32 v17, v14  }
0x4d4: {  	_ =	sdelay $0x1  }
0x4d5: {  	v9 =	vmul.f32 v11, v9  }
0x4d6: {  	[tilespmem:s10+$0x0] =	vst v14;
	v10 =	vmul.f32 v13, v10  }
0x4d7: {  	[tilespmem:s10+$0x10] =	vst v9;
	v8 =	vmul.f32 v8, v12  }
0x4d8: {  	p0 =	seq.s32 s12, $0x1E;
	[tilespmem:s10+$0x20] =	vst v10  }
.Ltmp29:
0x4d9: {  	[tilespmem:s10+$0xFFFFFFC0] =	vst v8;
	(pc) =	sbr.rel @p0 .LBB2_62-.Ltmp29, $4  }
0x4da: {  	[spmem:s3] =	stream.indirect.scatter.add.f32 [tilespmem:s22], [sflag:$0x4], $0x10, s31, s30, $0xb8;
	[tilespmem:$0x1F480] =	vst v63  }
0x4db: {  	_ =	swait.ge [sflag:s9], $0x2000  }
0x4dc: {  	[sflag:s9] =	ssyncset.done $0x0  }
0x4dd: {  	[sflag:s9] =	ssyncadd.s32 $0xFFFFE000  }
0x4de: {  	s1 =	sadd.s32 s13, s18  }
0x4df: {  	s1 =	sshrl.u32 s1, $0x3  }
0x4e0: {  	s8 =	sadd.s32 s2, s1  }
0x4e1: {  	[tilespmem:s4], [sflag:$0x5] =	stream.linear.gather [hbm4b:s8+s4], $0x200, $0x38;
	[tilespmem:$0x1F480] =	vst v63  }
0x4e2: {  	_ =	swait.ge [sflag:s21], $0x200  }
0x4e3: {  	[sflag:s21] =	ssyncset.done $0x0  }
0x4e4: {  	s13 =	sadd.s32 s6, s1;
	[sflag:s21] =	ssyncadd.s32 $0xFFFFFE00  }
0x4e5: {  	[tilespmem:s25], [sflag:$0x5] =	stream.linear.gather [hbm4b:s13+s4], $0x200, $0x38;
	[tilespmem:$0x1F480] =	vst v63  }
0x4e6: {  	_ =	swait.ge [sflag:s21], $0x200  }
0x4e7: {  	[sflag:s21] =	ssyncset.done $0x0  }
0x4e8: {  	s1 =	sadd.s32 s7, s1;
	[sflag:s21] =	ssyncadd.s32 $0xFFFFFE00  }
0x4e9: {  	[tilespmem:s28], [sflag:$0x5] =	stream.linear.gather [hbm4b:s1+s4], $0x200, $0x38;
	[tilespmem:$0x1F480] =	vst v63  }
0x4ea: {  	_ =	swait.ge [sflag:s21], $0x200  }
0x4eb: {  	[sflag:s21] =	ssyncset.done $0x0  }
0x4ec: {  	s23 =	simm.s32 $0x20;
	[sflag:s21] =	ssyncadd.s32 $0xFFFFFE00  }
0x4ed: {  	v8 =	vld [tilespmem:s23+$0x10];
	_ =	sdelay $0x3  }
0x4ee: {  	v9 =	vld [tilespmem:s23+$0xFFFFFFF0]  }
0x4ef: {  	v10 =	vld [tilespmem:s23+$0xFFFFFFE0];
	v8 =	vadd.s32 v0, v8  }
0x4f0: {  	s10 =	simm.s32 $0x420;
	v11 =	vld [tilespmem:s23+$0x0];
	[tilespmem:s23+$0x10] =	vst v8  }
0x4f1: {  	s11 =	simm.s32 $0x60;
	v12 =	vld [tilespmem:s10+$0x10]  }
0x4f2: {  	v13 =	vld [tilespmem:s11+$0x10]  }
0x4f3: {  	v14 =	vld [tilespmem:s11+$0xFFFFFFF0];
	v8 =	vadd.s32 v0, v9  }
0x4f4: {  	v15 =	vld [tilespmem:s11+$0x0];
	[tilespmem:s23+$0xFFFFFFF0] =	vst v8;
	v8 =	vadd.s32 v0, v10  }
0x4f5: {  	v9 =	vadd.s32 v0, v11;
	v11 =	vld [tilespmem:s11+$0xFFFFFFE0];
	[tilespmem:s23+$0xFFFFFFE0] =	vst v8  }
0x4f6: {  	[tilespmem:s23+$0x0] =	vst v9;
	v8 =	vld [tilespmem:s10+$0xFFFFFFE0];
	v10 =	vadd.s32 v1, v12  }
0x4f7: {  	v9 =	vld [tilespmem:s10+$0xFFFFFFF0];
	v12 =	vadd.s32 v0, v13;
	[tilespmem:s10+$0x10] =	vst v10  }
0x4f8: {  	s13 =	simm.s32 $0x460;
	v13 =	vadd.s32 v0, v14;
	[tilespmem:s11+$0x10] =	vst v12;
	v10 =	vld [tilespmem:s10+$0x0]  }
0x4f9: {  	s8 =	simm.s32 $0xA0;
	s1 =	simm.s32 $0x40;
	[tilespmem:s11+$0xFFFFFFF0] =	vst v13;
	v13 =	vadd.s32 v0, v15;
	v12 =	vld [tilespmem:s13+$0x10]  }
.LBB2_60:
0x4fa: {  	v14 =	vld [tilespmem:s8+$0x10];
	s1 =	sadd.s32 $0x40, s1;
	v11 =	vadd.s32 v0, v11;
	[tilespmem:s11+$0x0] =	vst v13  }
0x4fb: {  	v13 =	vld [tilespmem:s8+$0xFFFFFFF0];
	p0 =	slt.u32 s1, $0x1C0;
	[tilespmem:s11+$0xFFFFFFE0] =	vst v11;
	v8 =	vadd.s32 v1, v8;
	s11 =	smov.u32 s8  }
0x4fc: {  	v15 =	vld [tilespmem:s8+$0x0];
	[tilespmem:s10+$0xFFFFFFE0] =	vst v8;
	v8 =	vadd.s32 v1, v9  }
.Ltmp30:
0x4fd: {  	v11 =	vld [tilespmem:s8+$0xFFFFFFE0];
	[tilespmem:s10+$0xFFFFFFF0] =	vst v8;
	v9 =	vadd.s32 v1, v10;
	(pc) =	sbr.rel @p0 .LBB2_60-.Ltmp30, $4  }
0x4fe: {  	v8 =	vld [tilespmem:s13+$0xFFFFFFE0];
	v10 =	vadd.s32 v1, v12;
	[tilespmem:s10+$0x0] =	vst v9;
	s10 =	smov.u32 s13  }
0x4ff: {  	v12 =	vadd.s32 v0, v14;
	v9 =	vld [tilespmem:s13+$0xFFFFFFF0];
	[tilespmem:s13+$0x10] =	vst v10  }
0x500: {  	s13 =	sadd.s32 $0x40, s13;
	v13 =	vadd.s32 v0, v13;
	[tilespmem:s8+$0x10] =	vst v12;
	v10 =	vld [tilespmem:s10+$0x0]  }
0x501: {  	s8 =	sadd.s32 $0x40, s8;
	[tilespmem:s11+$0xFFFFFFF0] =	vst v13;
	v13 =	vadd.s32 v0, v15;
	v12 =	vld [tilespmem:s13+$0x10]  }
0x502: {  	v11 =	vadd.s32 v0, v11  }
0x503: {  	[tilespmem:s11+$0xFFFFFFE0] =	vst v11  }
0x504: {  	v11 =	vld [tilespmem:s13+$0xFFFFFFE0]  }
0x505: {  	[tilespmem:s11+$0x0] =	vst v13;
	v61 =	vld [tilespmem:s13+$0xFFFFFFF0];
	v8 =	vadd.s32 v1, v8  }
0x506: {  	v62 =	vld [tilespmem:s13+$0x0];
	[tilespmem:s10+$0xFFFFFFE0] =	vst v8;
	v8 =	vadd.s32 v1, v9  }
0x507: {  	[tilespmem:s10+$0xFFFFFFF0] =	vst v8;
	v8 =	vadd.s32 v1, v10  }
0x508: {  	v63 =	vadd.s32 v1, v12;
	[tilespmem:s10+$0x0] =	vst v8  }
0x509: {  	[tilespmem:s13+$0x10] =	vst v63;
	v8 =	vadd.s32 v1, v11  }
0x50a: {  	[tilespmem:s13+$0xFFFFFFE0] =	vst v8;
	v8 =	vadd.s32 v1, v61  }
.Ltmp31:
0x50b: {  	[tilespmem:s13+$0xFFFFFFF0] =	vst v8;
	v8 =	vadd.s32 v1, v62;
	(pc) =	sbr.rel .LBB2_52-.Ltmp31, $4  }
0x50c: {  	[tilespmem:s13+$0x0] =	vst v8  }
0x50d: {  	[tilespmem:s0], [sflag:$0x1] =	stream.indirect.gather [hbm4b:s20+s30], $0x10, s4, s30, $0xb8;
	[tilespmem:$0x1F480] =	vst v63  }
0x50e: {  	s1 =	simm.s32 $0x4C00;
	s12 =	sadd.s32 $0x1, s12  }
0x50f: {  	[tilespmem:s1], [sflag:$0x1] =	stream.indirect.gather [hbm4b:s26+s30], $0x10, s25, s30, $0xb8;
	[tilespmem:$0x1F480] =	vst v63  }
.LBB2_62:
0x510: {  	s1 =	simm.s32 $0x4  }
0x511: {  	_ =	swait.ge [sflag:s1], $0x2000  }
0x512: {  	[sflag:s1] =	ssyncset.done $0x0  }
0x513: {  	[sflag:s1] =	ssyncadd.s32 $0xFFFFE000  }
0x514: {  	[bflag:$0x0] =	sbarrier.arrive $0xFFFF  }
0x515: {  	s8 =	simm.s32 $0x8C00;
	s23 =	rddreg [dreg:$0x5]  }
0x516: {  	[tilespmem:s8], [sflag:$0x5] =	stream.linear.gather [spmem:s23], $0x2800, $0x38;
	[tilespmem:$0x1F480] =	vst v63  }
0x517: {  	_ =	swait.ge [sflag:s21], $0x2800  }
0x518: {  	[sflag:s21] =	ssyncset.done $0x0  }
0x519: {  	s11 =	simm.s32 $0xB400;
	s10 =	rddreg [dreg:$0xd];
	[sflag:s21] =	ssyncadd.s32 $0xFFFFD800  }
0x51a: {  	[tilespmem:s11], [sflag:$0x5] =	stream.linear.gather [hbm4b:s10+s4], $0x2800, $0x38;
	[tilespmem:$0x1F480] =	vst v63  }
0x51b: {  	_ =	swait.ge [sflag:s21], $0x2800  }
0x51c: {  	[sflag:s21] =	ssyncset.done $0x0  }
0x51d: {  	s13 =	simm.s32 $0xDC00;
	s12 =	rddreg [dreg:$0xf];
	[sflag:s21] =	ssyncadd.s32 $0xFFFFD800  }
0x51e: {  	[tilespmem:s13], [sflag:$0x5] =	stream.linear.gather [hbm4b:s12+s4], $0x2800, $0x38;
	[tilespmem:$0x1F480] =	vst v63  }
0x51f: {  	_ =	swait.ge [sflag:s21], $0x2800  }
0x520: {  	[sflag:s21] =	ssyncset.done $0x0  }
0x521: {  	s23 =	simm.s32 $0xB440;
	[sflag:s21] =	ssyncadd.s32 $0xFFFFD800  }
0x522: {  	s10 =	simm.s32 $0xDC40;
	v8 =	vld [tilespmem:s23+$0xFFFFFFC0]  }
0x523: {  	v15 =	vld [tilespmem:s10+$0xFFFFFFF0]  }
0x524: {  	v9 =	vld [tilespmem:s10+$0xFFFFFFC0]  }
0x525: {  	s12 =	simm.s32 $0x8C40;
	v11 =	vld [tilespmem:s10+$0xFFFFFFE0]  }
0x526: {  	v10 =	vld [tilespmem:s12+$0xFFFFFFE0]  }
0x527: {  	v12 =	vld [tilespmem:s12+$0xFFFFFFF0]  }
0x528: {  	v14 =	vld [tilespmem:s12+$0xFFFFFFC0]  }
0x529: {  	v17 =	vld [tilespmem:s12+$0x0]  }
0x52a: {  	v20 =	vld [tilespmem:s10+$0xFFFFFFD0]  }
0x52b: {  	v16 =	vld [tilespmem:s10+$0x20]  }
0x52c: {  	v13 =	vmul.f32 $-1.000000010e-01, v7;
	v18 =	vld [tilespmem:s10+$0x0]  }
0x52d: {  	v21 =	vld [tilespmem:s23+$0x30]  }
0x52e: {  	v7 =	vsub.f32 $1.000000000e+00, v6;
	v6 =	vadd.f32 $1.000000000e+00, v13;
	v13 =	vld [tilespmem:s23+$0xFFFFFFF0]  }
0x52f: {  	v23 =	vld [tilespmem:s10+$0x30]  }
0x530: {  	v25 =	vld [tilespmem:s12+$0x30]  }
0x531: {  	v27 =	vld [tilespmem:s23+$0x0];
	vm0 =	vgt.f32 v8, $8.999999760e-01  }
0x532: {  	v31 =	vld [tilespmem:s23+$0xFFFFFFE0];
	v19 =	vmul.f32 v8, v5;
	vm1 =	vgt.f32 v8, $0.0e+00;
	v24 =	vmul.f32 v9, v4  }
0x533: {  	v38 =	vld [tilespmem:s12+$0xFFFFFFD0];
	v9 =	vmin.f32 v10, $1.000000000e+00;
	v14 =	vmin.f32 v14, $1.000000000e+00;
	v8 =	vmul.f32 v11, v4  }
0x534: {  	v10 =	vmin.f32 v12, $1.000000000e+00;
	v16 =	vmul.f32 v16, v4;
	v12 =	vmul.f32 v18, v4  }
0x535: {  	vm2 =	vgt.f32 v13, $0.0e+00;
	v29 =	vmul.f32 v21, v5;
	v18 =	vmul.f32 v15, v4  }
0x536: {  	v32 =	vmul.f32 v20, v4;
	v25 =	vmin.f32 v25, $1.000000000e+00;
	vm4 =	vgt.f32 v27, $0.0e+00  }
0x537: {  	v23 =	vmul.f32 v23, v4;
	v17 =	vmin.f32 v17, $1.000000000e+00;
	vm7 =	vgt.f32 v31, $8.999999760e-01  }
0x538: {  	v20 =	vld [tilespmem:s23+$0x10];
	vm8 =	vgt.f32 v13, $8.999999760e-01;
	v62 =	vmin.f32 v38, $1.000000000e+00;
	v22 =	vnsel vm0, $0x3F800000, v7  }
0x539: {  	v11 =	vnsel vm1, $0x3F800000, v6;
	vm1 =	vgt.f32 v21, $8.999999760e-01;
	vm0 =	vgt.f32 v21, $0.0e+00;
	v21 =	vld [tilespmem:s12+$0x10]  }
0x53a: {  	v15 =	vnsel vm2, $0x3F800000, v6;
	v22 =	vmul.f32 v22, v14;
	v14 =	vadd.f32 v24, v19;
	v19 =	vld [tilespmem:s23+$0xFFFFFFD0]  }
0x53b: {  	v28 =	vnsel vm7, $0x3F800000, v7;
	v26 =	vnsel vm1, $0x3F800000, v7;
	vm1 =	vgt.f32 v27, $8.999999760e-01  }
0x53c: {  	v24 =	vld [tilespmem:s23+$0x20];
	v27 =	vmul.f32 v27, v5;
	v35 =	vmul.f32 v26, v25;
	v37 =	vnsel vm1, $0x3F800000, v7  }
0x53d: {  	v34 =	vld [tilespmem:s12+$0x20];
	vm1 =	vgt.f32 v31, $0.0e+00;
	v25 =	vmul.f32 v22, v3;
	vm2 =	vgt.f32 v20, $0.0e+00  }
0x53e: {  	vm9 =	vgt.f32 v20, $8.999999760e-01;
	v22 =	vmul.f32 v35, v3;
	v36 =	vmin.f32 v21, $1.000000000e+00  }
0x53f: {  	v21 =	vmul.f32 v20, v5;
	v20 =	vadd.f32 v23, v29;
	v33 =	vmul.f32 v19, v5  }
0x540: {  	v23 =	vmul.f32 v37, v17;
	v17 =	vnsel vm9, $0x3F800000, v7;
	vm5 =	vgt.f32 v19, $8.999999760e-01  }
0x541: {  	vm6 =	vgt.f32 v24, $8.999999760e-01;
	vm3 =	vgt.f32 v24, $0.0e+00;
	v29 =	vadd.f32 v32, v33;
	v33 =	vld [tilespmem:s10+$0x10]  }
0x542: {  	v26 =	vmul.f32 v24, v5;
	v24 =	vmul.f32 v31, v5;
	v31 =	vmin.f32 v34, $1.000000000e+00  }
0x543: {  	s11 =	simm.s32 $0x0;
	v34 =	vnsel vm8, $0x3F800000, v7;
	v30 =	vnsel vm6, $0x3F800000, v7;
	v63 =	vnsel vm5, $0x3F800000, v7  }
0x544: {  	s13 =	simm.s32 $0x8C40;
	s23 =	simm.s32 $0xDCC0;
	v32 =	vmul.f32 v17, v36;
	v35 =	vmul.f32 v63, v62;
	v17 =	vnsel vm4, $0x3F800000, v6;
	s10 =	simm.s32 $0xB4C0  }
.LBB2_63:
0x545: {  	v36 =	vld [tilespmem:s10+$0xFFFFFFC0];
	s11 =	sadd.s32 $0x8, s11;
	vm4 =	vgt.f32 v19, $0.0e+00;
	v13 =	vmul.f32 v13, v5;
	v19 =	vmul.f32 v30, v31;
	s12 =	sadd.s32 $0x80, s12  }
0x546: {  	v16 =	vadd.f32 v16, v26;
	v30 =	vld [tilespmem:s23+$0xFFFFFFF0];
	p0 =	slt.u32 s11, $0x278;
	v31 =	vmul.f32 v35, v3;
	v33 =	vmul.f32 v33, v4  }
0x547: {  	v14 =	vadd.f32 v25, v14;
	v32 =	vmul.f32 v32, v3;
	v25 =	vnsel vm4, $0x3F800000, v6;
	v26 =	vld [tilespmem:s23+$0xFFFFFFC0]  }
0x548: {  	v9 =	vmul.f32 v28, v9;
	v10 =	vmul.f32 v34, v10;
	v13 =	vadd.f32 v18, v13;
	v35 =	vld [tilespmem:s23+$0xFFFFFFE0]  }
0x549: {  	v12 =	vadd.f32 v12, v27;
	v19 =	vmul.f32 v19, v3;
	v28 =	vadd.f32 v31, v29;
	v18 =	vld [tilespmem:s12+$0xFFFFFFE0]  }
0x54a: {  	v11 =	vmul.f32 v14, v11;
	v10 =	vmul.f32 v10, v3;
	vm5 =	vgt.f32 v36, $8.999999760e-01;
	v27 =	vld [tilespmem:s12+$0xFFFFFFF0]  }
0x54b: {  	v31 =	vmul.f32 v9, v3;
	v29 =	vmul.f32 v36, v5;
	vm4 =	vgt.f32 v36, $0.0e+00;
	v14 =	vld [tilespmem:s12+$0xFFFFFFC0]  }
0x54c: {  	v24 =	vadd.f32 v8, v24;
	v8 =	vadd.f32 v10, v13;
	v34 =	vnsel vm5, $0x3F800000, v7;
	v36 =	vld [tilespmem:s12+$0x0]  }
0x54d: {  	v10 =	vmul.f32 v28, v25;
	v26 =	vmul.f32 v26, v4;
	v37 =	vld [tilespmem:s23+$0xFFFFFFD0];
	[tilespmem:s13+$0xFFFFFFC0] =	vst v11;
	v11 =	vadd.f32 v33, v21  }
0x54e: {  	v8 =	vmul.f32 v8, v15;
	v15 =	vadd.f32 v19, v16;
	v9 =	vmin.f32 v18, $1.000000000e+00;
	v18 =	vld [tilespmem:s23+$0x20]  }
0x54f: {  	v20 =	vadd.f32 v22, v20;
	v16 =	vmul.f32 v23, v3;
	v21 =	vnsel vm3, $0x3F800000, v6;
	v19 =	vld [tilespmem:s23+$0x0];
	[tilespmem:s13+$0xFFFFFFD0] =	vst v10  }
0x550: {  	v23 =	vnsel vm0, $0x3F800000, v6;
	v10 =	vmin.f32 v27, $1.000000000e+00;
	v14 =	vmin.f32 v14, $1.000000000e+00;
	v22 =	vld [tilespmem:s10+$0x30];
	[tilespmem:s13+$0xFFFFFFF0] =	vst v8  }
0x551: {  	v24 =	vadd.f32 v31, v24;
	v25 =	vadd.f32 v16, v12;
	v8 =	vmul.f32 v35, v4;
	v13 =	vld [tilespmem:s10+$0xFFFFFFF0]  }
0x552: {  	v28 =	vnsel vm2, $0x3F800000, v6;
	v27 =	vmul.f32 v34, v14;
	v14 =	vadd.f32 v26, v29;
	v26 =	vld [tilespmem:s23+$0x30]  }
0x553: {  	v15 =	vmul.f32 v15, v21;
	v16 =	vmul.f32 v18, v4;
	v29 =	vld [tilespmem:s12+$0x30];
	v18 =	vadd.f32 v32, v11  }
0x554: {  	v20 =	vmul.f32 v20, v23;
	v11 =	vnsel vm4, $0x3F800000, v6;
	v32 =	vld [tilespmem:s10+$0x0];
	v12 =	vmul.f32 v19, v4  }
0x555: {  	v21 =	vnsel vm1, $0x3F800000, v6;
	v19 =	vld [tilespmem:s10+$0xFFFFFFD0];
	vm2 =	vgt.f32 v22, $8.999999760e-01;
	vm0 =	vgt.f32 v22, $0.0e+00;
	[tilespmem:s13+$0x20] =	vst v15  }
0x556: {  	v22 =	vmul.f32 v22, v5;
	v15 =	vmul.f32 v18, v28;
	vm1 =	vgt.f32 v13, $0.0e+00;
	v23 =	vld [tilespmem:s10+$0x20]  }
0x557: {  	v21 =	vmul.f32 v24, v21;
	v18 =	vmul.f32 v30, v4;
	v30 =	vnsel vm2, $0x3F800000, v7;
	v28 =	vld [tilespmem:s12+$0x10];
	[tilespmem:s13+$0x30] =	vst v20  }
0x558: {  	v17 =	vmul.f32 v25, v17;
	v34 =	vmul.f32 v37, v4;
	v20 =	vld [tilespmem:s10+$0x10];
	v24 =	vmin.f32 v29, $1.000000000e+00;
	[tilespmem:s13+$0x10] =	vst v15  }
0x559: {  	v15 =	vnsel vm1, $0x3F800000, v6;
	v29 =	vld [tilespmem:s10+$0xFFFFFFE0];
	vm1 =	vgt.f32 v32, $8.999999760e-01;
	vm4 =	vgt.f32 v32, $0.0e+00;
	[tilespmem:s13+$0xFFFFFFE0] =	vst v21  }
0x55a: {  	v37 =	vmul.f32 v26, v4;
	vm5 =	vgt.f32 v19, $8.999999760e-01;
	v35 =	vmul.f32 v19, v5;
	[tilespmem:s13+$0x0] =	vst v17;
	s13 =	smov.u32 s12  }
0x55b: {  	v38 =	vmul.f32 v30, v24;
	v17 =	vld [tilespmem:s12+$0x20];
	vm6 =	vgt.f32 v23, $8.999999760e-01;
	vm3 =	vgt.f32 v23, $0.0e+00  }
0x55c: {  	v36 =	vmin.f32 v36, $1.000000000e+00;
	v25 =	vmul.f32 v27, v3;
	v39 =	vmin.f32 v28, $1.000000000e+00  }
0x55d: {  	v40 =	vnsel vm1, $0x3F800000, v7;
	v26 =	vmul.f32 v23, v5;
	vm2 =	vgt.f32 v20, $0.0e+00  }
0x55e: {  	vm8 =	vgt.f32 v13, $8.999999760e-01;
	vm9 =	vgt.f32 v20, $8.999999760e-01;
	v41 =	vld [tilespmem:s12+$0xFFFFFFD0];
	vm7 =	vgt.f32 v29, $8.999999760e-01  }
0x55f: {  	v30 =	vnsel vm6, $0x3F800000, v7;
	v21 =	vmul.f32 v20, v5;
	vm1 =	vgt.f32 v29, $0.0e+00  }
.Ltmp32:
0x560: {  	v24 =	vmul.f32 v29, v5;
	v28 =	vnsel vm7, $0x3F800000, v7;
	v31 =	vmin.f32 v17, $1.000000000e+00;
	(pc) =	sbr.rel @p0 .LBB2_63-.Ltmp32, $4  }
0x561: {  	v27 =	vmul.f32 v32, v5;
	v20 =	vadd.f32 v37, v22;
	v22 =	vmul.f32 v38, v3;
	v33 =	vld [tilespmem:s23+$0x10]  }
0x562: {  	v23 =	vmul.f32 v40, v36;
	v29 =	vadd.f32 v34, v35;
	v17 =	vnsel vm9, $0x3F800000, v7  }
0x563: {  	v35 =	vnsel vm5, $0x3F800000, v7;
	v32 =	vmul.f32 v17, v39;
	v34 =	vmin.f32 v41, $1.000000000e+00  }
0x564: {  	s10 =	sadd.s32 $0x80, s10;
	v17 =	vnsel vm4, $0x3F800000, v6;
	s23 =	sadd.s32 $0x80, s23;
	v35 =	vmul.f32 v35, v34;
	v34 =	vnsel vm8, $0x3F800000, v7  }
0x565: {  	v13 =	vmul.f32 v13, v5  }
0x566: {  	v30 =	vmul.f32 v30, v31;
	vm4 =	vgt.f32 v19, $0.0e+00;
	v10 =	vmul.f32 v34, v10  }
0x567: {  	v16 =	vadd.f32 v16, v26;
	v14 =	vadd.f32 v25, v14;
	v26 =	vmul.f32 v32, v3  }
0x568: {  	v9 =	vmul.f32 v28, v9;
	v12 =	vadd.f32 v12, v27;
	v8 =	vadd.f32 v8, v24  }
0x569: {  	v31 =	vmul.f32 v35, v3;
	v19 =	vmul.f32 v33, v4;
	v25 =	vnsel vm4, $0x3F800000, v6  }
0x56a: {  	v13 =	vadd.f32 v18, v13;
	v10 =	vmul.f32 v10, v3;
	v11 =	vmul.f32 v14, v11  }
0x56b: {  	v9 =	vmul.f32 v9, v3;
	v18 =	vadd.f32 v31, v29;
	v14 =	vadd.f32 v19, v21  }
0x56c: {  	v27 =	vmul.f32 v30, v3;
	v10 =	vadd.f32 v10, v13;
	[tilespmem:s13+$0xFFFFFFC0] =	vst v11;
	v11 =	vmul.f32 v23, v3  }
0x56d: {  	v8 =	vadd.f32 v9, v8;
	v13 =	vmul.f32 v18, v25;
	v14 =	vadd.f32 v26, v14  }
0x56e: {  	v9 =	vnsel vm2, $0x3F800000, v6;
	v18 =	vadd.f32 v22, v20;
	v10 =	vmul.f32 v10, v15  }
0x56f: {  	v11 =	vadd.f32 v11, v12;
	v12 =	vnsel vm1, $0x3F800000, v6;
	[tilespmem:s13+$0xFFFFFFD0] =	vst v13;
	v9 =	vmul.f32 v14, v9  }
0x570: {  	v15 =	vadd.f32 v27, v16;
	v13 =	vnsel vm0, $0x3F800000, v6;
	v8 =	vmul.f32 v8, v12;
	[tilespmem:s13+$0xFFFFFFF0] =	vst v10  }
0x571: {  	v16 =	vnsel vm3, $0x3F800000, v6;
	v10 =	vmul.f32 v18, v13;
	[tilespmem:s13+$0x10] =	vst v9  }
0x572: {  	v15 =	vmul.f32 v15, v16;
	[tilespmem:s13+$0xFFFFFFE0] =	vst v8  }
0x573: {  	[tilespmem:s13+$0x30] =	vst v10;
	v10 =	vmul.f32 v11, v17  }
0x574: {  	[tilespmem:s13+$0x20] =	vst v15  }
0x575: {  	[tilespmem:s13+$0x0] =	vst v10  }
0x576: {  	s8 =	simm.s32 $0x8C00;
	s1 =	rddreg [dreg:$0x10]  }
0x577: {  	[hbm4b:s1+s4] =	stream.linear.scatter [tilespmem:s8], [sflag:$0x5], $0x2800, $0x38;
	[tilespmem:$0x1F480] =	vst v63  }
0x578: {  	_ =	swait.ge [sflag:s21], $0x2800  }
0x579: {  	[sflag:s21] =	ssyncset.done $0x0  }
0x57a: {  	s23 =	rddreg [dreg:$0x6];
	[sflag:s21] =	ssyncadd.s32 $0xFFFFD800  }
0x57b: {  	[tilespmem:s8], [sflag:$0x5] =	stream.linear.gather [spmem:s23], $0x2800, $0x38;
	[tilespmem:$0x1F480] =	vst v63  }
0x57c: {  	_ =	swait.ge [sflag:s21], $0x2800  }
0x57d: {  	[sflag:s21] =	ssyncset.done $0x0  }
0x57e: {  	s11 =	simm.s32 $0xB400;
	s10 =	rddreg [dreg:$0x11];
	[sflag:s21] =	ssyncadd.s32 $0xFFFFD800  }
0x57f: {  	[tilespmem:s11], [sflag:$0x5] =	stream.linear.gather [hbm4b:s10+s4], $0x2800, $0x38;
	[tilespmem:$0x1F480] =	vst v63  }
0x580: {  	_ =	swait.ge [sflag:s21], $0x2800  }
0x581: {  	[sflag:s21] =	ssyncset.done $0x0  }
0x582: {  	s13 =	simm.s32 $0xDC00;
	s12 =	rddreg [dreg:$0x13];
	[sflag:s21] =	ssyncadd.s32 $0xFFFFD800  }
0x583: {  	[tilespmem:s13], [sflag:$0x5] =	stream.linear.gather [hbm4b:s12+s4], $0x2800, $0x38;
	[tilespmem:$0x1F480] =	vst v63  }
0x584: {  	_ =	swait.ge [sflag:s21], $0x2800  }
0x585: {  	[sflag:s21] =	ssyncset.done $0x0  }
0x586: {  	s23 =	simm.s32 $0xB440;
	[sflag:s21] =	ssyncadd.s32 $0xFFFFD800  }
0x587: {  	s10 =	simm.s32 $0xDC40;
	v8 =	vld [tilespmem:s23+$0xFFFFFFC0]  }
0x588: {  	v15 =	vld [tilespmem:s10+$0xFFFFFFF0]  }
0x589: {  	v9 =	vld [tilespmem:s10+$0xFFFFFFC0]  }
0x58a: {  	s12 =	simm.s32 $0x8C40;
	v11 =	vld [tilespmem:s10+$0xFFFFFFE0]  }
0x58b: {  	v10 =	vld [tilespmem:s12+$0xFFFFFFE0]  }
0x58c: {  	v12 =	vld [tilespmem:s12+$0xFFFFFFF0]  }
0x58d: {  	v14 =	vld [tilespmem:s12+$0xFFFFFFC0]  }
0x58e: {  	v17 =	vld [tilespmem:s12+$0x0]  }
0x58f: {  	v20 =	vld [tilespmem:s10+$0xFFFFFFD0]  }
0x590: {  	v16 =	vld [tilespmem:s10+$0x20]  }
0x591: {  	v18 =	vld [tilespmem:s10+$0x0]  }
0x592: {  	v21 =	vld [tilespmem:s23+$0x30]  }
0x593: {  	v13 =	vld [tilespmem:s23+$0xFFFFFFF0]  }
0x594: {  	v23 =	vld [tilespmem:s10+$0x30]  }
0x595: {  	v25 =	vld [tilespmem:s12+$0x30]  }
0x596: {  	v27 =	vld [tilespmem:s23+$0x0];
	vm0 =	vgt.f32 v8, $8.999999760e-01  }
0x597: {  	v31 =	vld [tilespmem:s23+$0xFFFFFFE0];
	v19 =	vmul.f32 v8, v5;
	vm1 =	vgt.f32 v8, $0.0e+00;
	v24 =	vmul.f32 v9, v4  }
0x598: {  	v38 =	vld [tilespmem:s12+$0xFFFFFFD0];
	v9 =	vmin.f32 v10, $1.000000000e+00;
	v14 =	vmin.f32 v14, $1.000000000e+00;
	v8 =	vmul.f32 v11, v4  }
0x599: {  	v10 =	vmin.f32 v12, $1.000000000e+00;
	v16 =	vmul.f32 v16, v4;
	v12 =	vmul.f32 v18, v4  }
0x59a: {  	vm2 =	vgt.f32 v13, $0.0e+00;
	v29 =	vmul.f32 v21, v5;
	v18 =	vmul.f32 v15, v4  }
0x59b: {  	v58 =	vmul.f32 v20, v4;
	v25 =	vmin.f32 v25, $1.000000000e+00;
	vm4 =	vgt.f32 v27, $0.0e+00  }
0x59c: {  	v23 =	vmul.f32 v23, v4;
	v17 =	vmin.f32 v17, $1.000000000e+00;
	vm7 =	vgt.f32 v31, $8.999999760e-01  }
0x59d: {  	vm8 =	vgt.f32 v13, $8.999999760e-01;
	v62 =	vmin.f32 v38, $1.000000000e+00;
	v22 =	vnsel vm0, $0x3F800000, v7  }
0x59e: {  	v20 =	vld [tilespmem:s23+$0x10];
	v11 =	vnsel vm1, $0x3F800000, v6;
	vm1 =	vgt.f32 v21, $8.999999760e-01;
	vm0 =	vgt.f32 v21, $0.0e+00  }
0x59f: {  	v21 =	vld [tilespmem:s12+$0x10];
	v15 =	vnsel vm2, $0x3F800000, v6;
	v28 =	vnsel vm7, $0x3F800000, v7;
	v34 =	vnsel vm8, $0x3F800000, v7  }
0x5a0: {  	v22 =	vmul.f32 v22, v14;
	v14 =	vadd.f32 v24, v19;
	v19 =	vld [tilespmem:s23+$0xFFFFFFD0];
	v26 =	vnsel vm1, $0x3F800000, v7  }
0x5a1: {  	v24 =	vld [tilespmem:s23+$0x20];
	vm1 =	vgt.f32 v27, $8.999999760e-01;
	v27 =	vmul.f32 v27, v5;
	v61 =	vmul.f32 v26, v25  }
0x5a2: {  	v60 =	vld [tilespmem:s12+$0x20];
	v37 =	vnsel vm1, $0x3F800000, v7;
	vm1 =	vgt.f32 v31, $0.0e+00;
	v25 =	vmul.f32 v22, v3  }
0x5a3: {  	vm2 =	vgt.f32 v20, $0.0e+00;
	vm9 =	vgt.f32 v20, $8.999999760e-01;
	v22 =	vmul.f32 v61, v3  }
0x5a4: {  	v36 =	vmin.f32 v21, $1.000000000e+00;
	v21 =	vmul.f32 v20, v5;
	v20 =	vadd.f32 v23, v29  }
0x5a5: {  	v23 =	vmul.f32 v37, v17;
	v17 =	vnsel vm9, $0x3F800000, v7;
	vm5 =	vgt.f32 v19, $8.999999760e-01  }
0x5a6: {  	v33 =	vld [tilespmem:s10+$0x10];
	v59 =	vmul.f32 v19, v5;
	vm6 =	vgt.f32 v24, $8.999999760e-01;
	vm3 =	vgt.f32 v24, $0.0e+00  }
0x5a7: {  	v26 =	vmul.f32 v24, v5;
	v24 =	vmul.f32 v31, v5;
	v31 =	vmin.f32 v60, $1.000000000e+00  }
0x5a8: {  	s11 =	simm.s32 $0x0;
	v32 =	vmul.f32 v17, v36;
	v17 =	vnsel vm4, $0x3F800000, v6;
	v63 =	vnsel vm5, $0x3F800000, v7  }
0x5a9: {  	s13 =	simm.s32 $0x8C40;
	s10 =	simm.s32 $0xB4C0;
	s23 =	simm.s32 $0xDCC0;
	v30 =	vnsel vm6, $0x3F800000, v7;
	v29 =	vadd.f32 v58, v59;
	v35 =	vmul.f32 v63, v62  }
.LBB2_65:
0x5aa: {  	v36 =	vld [tilespmem:s10+$0xFFFFFFC0];
	s11 =	sadd.s32 $0x8, s11;
	vm4 =	vgt.f32 v19, $0.0e+00;
	v13 =	vmul.f32 v13, v5;
	v19 =	vmul.f32 v30, v31;
	s12 =	sadd.s32 $0x80, s12  }
0x5ab: {  	v16 =	vadd.f32 v16, v26;
	v30 =	vld [tilespmem:s23+$0xFFFFFFF0];
	p0 =	slt.u32 s11, $0x278;
	v31 =	vmul.f32 v35, v3;
	v33 =	vmul.f32 v33, v4  }
0x5ac: {  	v14 =	vadd.f32 v25, v14;
	v32 =	vmul.f32 v32, v3;
	v25 =	vnsel vm4, $0x3F800000, v6;
	v26 =	vld [tilespmem:s23+$0xFFFFFFC0]  }
0x5ad: {  	v9 =	vmul.f32 v28, v9;
	v10 =	vmul.f32 v34, v10;
	v13 =	vadd.f32 v18, v13;
	v35 =	vld [tilespmem:s23+$0xFFFFFFE0]  }
0x5ae: {  	v12 =	vadd.f32 v12, v27;
	v19 =	vmul.f32 v19, v3;
	v28 =	vadd.f32 v31, v29;
	v18 =	vld [tilespmem:s12+$0xFFFFFFE0]  }
0x5af: {  	v11 =	vmul.f32 v14, v11;
	v10 =	vmul.f32 v10, v3;
	vm5 =	vgt.f32 v36, $8.999999760e-01;
	v27 =	vld [tilespmem:s12+$0xFFFFFFF0]  }
0x5b0: {  	v31 =	vmul.f32 v9, v3;
	v29 =	vmul.f32 v36, v5;
	vm4 =	vgt.f32 v36, $0.0e+00;
	v14 =	vld [tilespmem:s12+$0xFFFFFFC0]  }
0x5b1: {  	v24 =	vadd.f32 v8, v24;
	v8 =	vadd.f32 v10, v13;
	v34 =	vnsel vm5, $0x3F800000, v7;
	v36 =	vld [tilespmem:s12+$0x0]  }
0x5b2: {  	v10 =	vmul.f32 v28, v25;
	v26 =	vmul.f32 v26, v4;
	v37 =	vld [tilespmem:s23+$0xFFFFFFD0];
	[tilespmem:s13+$0xFFFFFFC0] =	vst v11;
	v11 =	vadd.f32 v33, v21  }
0x5b3: {  	v8 =	vmul.f32 v8, v15;
	v15 =	vadd.f32 v19, v16;
	v9 =	vmin.f32 v18, $1.000000000e+00;
	v18 =	vld [tilespmem:s23+$0x20]  }
0x5b4: {  	v20 =	vadd.f32 v22, v20;
	v16 =	vmul.f32 v23, v3;
	v21 =	vnsel vm3, $0x3F800000, v6;
	v19 =	vld [tilespmem:s23+$0x0];
	[tilespmem:s13+$0xFFFFFFD0] =	vst v10  }
0x5b5: {  	v23 =	vnsel vm0, $0x3F800000, v6;
	v10 =	vmin.f32 v27, $1.000000000e+00;
	v14 =	vmin.f32 v14, $1.000000000e+00;
	v22 =	vld [tilespmem:s10+$0x30];
	[tilespmem:s13+$0xFFFFFFF0] =	vst v8  }
0x5b6: {  	v24 =	vadd.f32 v31, v24;
	v25 =	vadd.f32 v16, v12;
	v8 =	vmul.f32 v35, v4;
	v13 =	vld [tilespmem:s10+$0xFFFFFFF0]  }
0x5b7: {  	v28 =	vnsel vm2, $0x3F800000, v6;
	v27 =	vmul.f32 v34, v14;
	v14 =	vadd.f32 v26, v29;
	v26 =	vld [tilespmem:s23+$0x30]  }
0x5b8: {  	v15 =	vmul.f32 v15, v21;
	v16 =	vmul.f32 v18, v4;
	v29 =	vld [tilespmem:s12+$0x30];
	v18 =	vadd.f32 v32, v11  }
0x5b9: {  	v20 =	vmul.f32 v20, v23;
	v11 =	vnsel vm4, $0x3F800000, v6;
	v32 =	vld [tilespmem:s10+$0x0];
	v12 =	vmul.f32 v19, v4  }
0x5ba: {  	v21 =	vnsel vm1, $0x3F800000, v6;
	v19 =	vld [tilespmem:s10+$0xFFFFFFD0];
	vm2 =	vgt.f32 v22, $8.999999760e-01;
	vm0 =	vgt.f32 v22, $0.0e+00;
	[tilespmem:s13+$0x20] =	vst v15  }
0x5bb: {  	v22 =	vmul.f32 v22, v5;
	v15 =	vmul.f32 v18, v28;
	vm1 =	vgt.f32 v13, $0.0e+00;
	v23 =	vld [tilespmem:s10+$0x20]  }
0x5bc: {  	v21 =	vmul.f32 v24, v21;
	v18 =	vmul.f32 v30, v4;
	v30 =	vnsel vm2, $0x3F800000, v7;
	v28 =	vld [tilespmem:s12+$0x10];
	[tilespmem:s13+$0x30] =	vst v20  }
0x5bd: {  	v17 =	vmul.f32 v25, v17;
	v34 =	vmul.f32 v37, v4;
	v20 =	vld [tilespmem:s10+$0x10];
	v24 =	vmin.f32 v29, $1.000000000e+00;
	[tilespmem:s13+$0x10] =	vst v15  }
0x5be: {  	v15 =	vnsel vm1, $0x3F800000, v6;
	v29 =	vld [tilespmem:s10+$0xFFFFFFE0];
	vm1 =	vgt.f32 v32, $8.999999760e-01;
	vm4 =	vgt.f32 v32, $0.0e+00;
	[tilespmem:s13+$0xFFFFFFE0] =	vst v21  }
0x5bf: {  	v37 =	vmul.f32 v26, v4;
	vm5 =	vgt.f32 v19, $8.999999760e-01;
	v35 =	vmul.f32 v19, v5;
	[tilespmem:s13+$0x0] =	vst v17;
	s13 =	smov.u32 s12  }
0x5c0: {  	v38 =	vmul.f32 v30, v24;
	v17 =	vld [tilespmem:s12+$0x20];
	vm6 =	vgt.f32 v23, $8.999999760e-01;
	vm3 =	vgt.f32 v23, $0.0e+00  }
0x5c1: {  	v36 =	vmin.f32 v36, $1.000000000e+00;
	v25 =	vmul.f32 v27, v3;
	v39 =	vmin.f32 v28, $1.000000000e+00  }
0x5c2: {  	v40 =	vnsel vm1, $0x3F800000, v7;
	v26 =	vmul.f32 v23, v5;
	vm2 =	vgt.f32 v20, $0.0e+00  }
0x5c3: {  	vm8 =	vgt.f32 v13, $8.999999760e-01;
	vm9 =	vgt.f32 v20, $8.999999760e-01;
	v41 =	vld [tilespmem:s12+$0xFFFFFFD0];
	vm7 =	vgt.f32 v29, $8.999999760e-01  }
0x5c4: {  	v30 =	vnsel vm6, $0x3F800000, v7;
	v21 =	vmul.f32 v20, v5;
	vm1 =	vgt.f32 v29, $0.0e+00  }
.Ltmp33:
0x5c5: {  	v24 =	vmul.f32 v29, v5;
	v28 =	vnsel vm7, $0x3F800000, v7;
	v31 =	vmin.f32 v17, $1.000000000e+00;
	(pc) =	sbr.rel @p0 .LBB2_65-.Ltmp33, $4  }
0x5c6: {  	v27 =	vmul.f32 v32, v5;
	v20 =	vadd.f32 v37, v22;
	v22 =	vmul.f32 v38, v3;
	v33 =	vld [tilespmem:s23+$0x10]  }
0x5c7: {  	v23 =	vmul.f32 v40, v36;
	v29 =	vadd.f32 v34, v35;
	v17 =	vnsel vm9, $0x3F800000, v7  }
0x5c8: {  	v35 =	vnsel vm5, $0x3F800000, v7;
	v32 =	vmul.f32 v17, v39;
	v34 =	vmin.f32 v41, $1.000000000e+00  }
0x5c9: {  	s10 =	sadd.s32 $0x80, s10;
	v17 =	vnsel vm4, $0x3F800000, v6;
	s23 =	sadd.s32 $0x80, s23;
	v35 =	vmul.f32 v35, v34;
	v34 =	vnsel vm8, $0x3F800000, v7  }
0x5ca: {  	v13 =	vmul.f32 v13, v5  }
0x5cb: {  	v30 =	vmul.f32 v30, v31;
	vm4 =	vgt.f32 v19, $0.0e+00;
	v10 =	vmul.f32 v34, v10  }
0x5cc: {  	v16 =	vadd.f32 v16, v26;
	v14 =	vadd.f32 v25, v14;
	v26 =	vmul.f32 v32, v3  }
0x5cd: {  	v9 =	vmul.f32 v28, v9;
	v12 =	vadd.f32 v12, v27;
	v8 =	vadd.f32 v8, v24  }
0x5ce: {  	v31 =	vmul.f32 v35, v3;
	v19 =	vmul.f32 v33, v4;
	v25 =	vnsel vm4, $0x3F800000, v6  }
0x5cf: {  	v13 =	vadd.f32 v18, v13;
	v10 =	vmul.f32 v10, v3;
	v11 =	vmul.f32 v14, v11  }
0x5d0: {  	v9 =	vmul.f32 v9, v3;
	v18 =	vadd.f32 v31, v29;
	v14 =	vadd.f32 v19, v21  }
0x5d1: {  	v27 =	vmul.f32 v30, v3;
	v10 =	vadd.f32 v10, v13;
	[tilespmem:s13+$0xFFFFFFC0] =	vst v11;
	v11 =	vmul.f32 v23, v3  }
0x5d2: {  	v8 =	vadd.f32 v9, v8;
	v13 =	vmul.f32 v18, v25;
	v14 =	vadd.f32 v26, v14  }
0x5d3: {  	v9 =	vnsel vm2, $0x3F800000, v6;
	v18 =	vadd.f32 v22, v20;
	v10 =	vmul.f32 v10, v15  }
0x5d4: {  	v11 =	vadd.f32 v11, v12;
	v12 =	vnsel vm1, $0x3F800000, v6;
	[tilespmem:s13+$0xFFFFFFD0] =	vst v13;
	v9 =	vmul.f32 v14, v9  }
0x5d5: {  	v15 =	vadd.f32 v27, v16;
	v13 =	vnsel vm0, $0x3F800000, v6;
	v8 =	vmul.f32 v8, v12;
	[tilespmem:s13+$0xFFFFFFF0] =	vst v10  }
0x5d6: {  	v16 =	vnsel vm3, $0x3F800000, v6;
	v10 =	vmul.f32 v18, v13;
	[tilespmem:s13+$0x10] =	vst v9  }
0x5d7: {  	v15 =	vmul.f32 v15, v16;
	[tilespmem:s13+$0xFFFFFFE0] =	vst v8  }
0x5d8: {  	[tilespmem:s13+$0x30] =	vst v10;
	v10 =	vmul.f32 v11, v17  }
0x5d9: {  	[tilespmem:s13+$0x20] =	vst v15  }
0x5da: {  	[tilespmem:s13+$0x0] =	vst v10  }
0x5db: {  	s8 =	simm.s32 $0x8C00;
	s1 =	rddreg [dreg:$0x14]  }
0x5dc: {  	[hbm4b:s1+s4] =	stream.linear.scatter [tilespmem:s8], [sflag:$0x5], $0x2800, $0x38;
	[tilespmem:$0x1F480] =	vst v63  }
0x5dd: {  	_ =	swait.ge [sflag:s21], $0x2800  }
0x5de: {  	[sflag:s21] =	ssyncset.done $0x0  }
0x5df: {  	s23 =	rddreg [dreg:$0x7];
	[sflag:s21] =	ssyncadd.s32 $0xFFFFD800  }
0x5e0: {  	[tilespmem:s8], [sflag:$0x5] =	stream.linear.gather [spmem:s23], $0x2800, $0x38;
	[tilespmem:$0x1F480] =	vst v63  }
0x5e1: {  	_ =	swait.ge [sflag:s21], $0x2800  }
0x5e2: {  	[sflag:s21] =	ssyncset.done $0x0  }
0x5e3: {  	s11 =	simm.s32 $0xB400;
	s10 =	rddreg [dreg:$0x15];
	[sflag:s21] =	ssyncadd.s32 $0xFFFFD800  }
0x5e4: {  	[tilespmem:s11], [sflag:$0x5] =	stream.linear.gather [hbm4b:s10+s4], $0x2800, $0x38;
	[tilespmem:$0x1F480] =	vst v63  }
0x5e5: {  	_ =	swait.ge [sflag:s21], $0x2800  }
0x5e6: {  	[sflag:s21] =	ssyncset.done $0x0  }
0x5e7: {  	s13 =	simm.s32 $0xDC00;
	s12 =	rddreg [dreg:$0x17];
	[sflag:s21] =	ssyncadd.s32 $0xFFFFD800  }
0x5e8: {  	[tilespmem:s13], [sflag:$0x5] =	stream.linear.gather [hbm4b:s12+s4], $0x2800, $0x38;
	[tilespmem:$0x1F480] =	vst v63  }
0x5e9: {  	_ =	swait.ge [sflag:s21], $0x2800  }
0x5ea: {  	[sflag:s21] =	ssyncset.done $0x0  }
0x5eb: {  	s23 =	simm.s32 $0xB440;
	[sflag:s21] =	ssyncadd.s32 $0xFFFFD800  }
0x5ec: {  	s10 =	simm.s32 $0xDC40;
	v8 =	vld [tilespmem:s23+$0xFFFFFFC0]  }
0x5ed: {  	v15 =	vld [tilespmem:s10+$0xFFFFFFF0]  }
0x5ee: {  	v9 =	vld [tilespmem:s10+$0xFFFFFFC0]  }
0x5ef: {  	s12 =	simm.s32 $0x8C40;
	v11 =	vld [tilespmem:s10+$0xFFFFFFE0]  }
0x5f0: {  	v10 =	vld [tilespmem:s12+$0xFFFFFFE0]  }
0x5f1: {  	v12 =	vld [tilespmem:s12+$0xFFFFFFF0]  }
0x5f2: {  	v14 =	vld [tilespmem:s12+$0xFFFFFFC0]  }
0x5f3: {  	v17 =	vld [tilespmem:s12+$0x0]  }
0x5f4: {  	v20 =	vld [tilespmem:s10+$0xFFFFFFD0]  }
0x5f5: {  	v16 =	vld [tilespmem:s10+$0x20]  }
0x5f6: {  	v18 =	vld [tilespmem:s10+$0x0]  }
0x5f7: {  	v21 =	vld [tilespmem:s23+$0x30]  }
0x5f8: {  	v13 =	vld [tilespmem:s23+$0xFFFFFFF0]  }
0x5f9: {  	v23 =	vld [tilespmem:s10+$0x30]  }
0x5fa: {  	v25 =	vld [tilespmem:s12+$0x30]  }
0x5fb: {  	v27 =	vld [tilespmem:s23+$0x0];
	vm0 =	vgt.f32 v8, $8.999999760e-01  }
0x5fc: {  	v31 =	vld [tilespmem:s23+$0xFFFFFFE0];
	v19 =	vmul.f32 v8, v5;
	vm1 =	vgt.f32 v8, $0.0e+00;
	v24 =	vmul.f32 v9, v4  }
0x5fd: {  	v38 =	vld [tilespmem:s12+$0xFFFFFFD0];
	v9 =	vmin.f32 v10, $1.000000000e+00;
	v14 =	vmin.f32 v14, $1.000000000e+00;
	v8 =	vmul.f32 v11, v4  }
0x5fe: {  	v10 =	vmin.f32 v12, $1.000000000e+00;
	v16 =	vmul.f32 v16, v4;
	v12 =	vmul.f32 v18, v4  }
0x5ff: {  	vm2 =	vgt.f32 v13, $0.0e+00;
	v29 =	vmul.f32 v21, v5;
	v18 =	vmul.f32 v15, v4  }
0x600: {  	v58 =	vmul.f32 v20, v4;
	v25 =	vmin.f32 v25, $1.000000000e+00;
	vm4 =	vgt.f32 v27, $0.0e+00  }
0x601: {  	v23 =	vmul.f32 v23, v4;
	v17 =	vmin.f32 v17, $1.000000000e+00;
	vm7 =	vgt.f32 v31, $8.999999760e-01  }
0x602: {  	vm8 =	vgt.f32 v13, $8.999999760e-01;
	v62 =	vmin.f32 v38, $1.000000000e+00;
	v22 =	vnsel vm0, $0x3F800000, v7  }
0x603: {  	v20 =	vld [tilespmem:s23+$0x10];
	v11 =	vnsel vm1, $0x3F800000, v6;
	vm1 =	vgt.f32 v21, $8.999999760e-01;
	vm0 =	vgt.f32 v21, $0.0e+00  }
0x604: {  	v21 =	vld [tilespmem:s12+$0x10];
	v15 =	vnsel vm2, $0x3F800000, v6;
	v28 =	vnsel vm7, $0x3F800000, v7;
	v34 =	vnsel vm8, $0x3F800000, v7  }
0x605: {  	v22 =	vmul.f32 v22, v14;
	v14 =	vadd.f32 v24, v19;
	v19 =	vld [tilespmem:s23+$0xFFFFFFD0];
	v26 =	vnsel vm1, $0x3F800000, v7  }
0x606: {  	v24 =	vld [tilespmem:s23+$0x20];
	vm1 =	vgt.f32 v27, $8.999999760e-01;
	v27 =	vmul.f32 v27, v5;
	v61 =	vmul.f32 v26, v25  }
0x607: {  	v60 =	vld [tilespmem:s12+$0x20];
	v37 =	vnsel vm1, $0x3F800000, v7;
	vm1 =	vgt.f32 v31, $0.0e+00;
	v25 =	vmul.f32 v22, v3  }
0x608: {  	vm2 =	vgt.f32 v20, $0.0e+00;
	vm9 =	vgt.f32 v20, $8.999999760e-01;
	v22 =	vmul.f32 v61, v3  }
0x609: {  	v36 =	vmin.f32 v21, $1.000000000e+00;
	v21 =	vmul.f32 v20, v5;
	v20 =	vadd.f32 v23, v29  }
0x60a: {  	v23 =	vmul.f32 v37, v17;
	v17 =	vnsel vm9, $0x3F800000, v7;
	vm5 =	vgt.f32 v19, $8.999999760e-01  }
0x60b: {  	v33 =	vld [tilespmem:s10+$0x10];
	v59 =	vmul.f32 v19, v5;
	vm6 =	vgt.f32 v24, $8.999999760e-01;
	vm3 =	vgt.f32 v24, $0.0e+00  }
0x60c: {  	v26 =	vmul.f32 v24, v5;
	v24 =	vmul.f32 v31, v5;
	v31 =	vmin.f32 v60, $1.000000000e+00  }
0x60d: {  	s11 =	simm.s32 $0x0;
	v32 =	vmul.f32 v17, v36;
	v17 =	vnsel vm4, $0x3F800000, v6;
	v63 =	vnsel vm5, $0x3F800000, v7  }
0x60e: {  	s13 =	simm.s32 $0x8C40;
	s10 =	simm.s32 $0xB4C0;
	s23 =	simm.s32 $0xDCC0;
	v30 =	vnsel vm6, $0x3F800000, v7;
	v29 =	vadd.f32 v58, v59;
	v35 =	vmul.f32 v63, v62  }
.LBB2_67:
0x60f: {  	v36 =	vld [tilespmem:s10+$0xFFFFFFC0];
	s11 =	sadd.s32 $0x8, s11;
	vm4 =	vgt.f32 v19, $0.0e+00;
	v13 =	vmul.f32 v13, v5;
	v19 =	vmul.f32 v30, v31;
	s12 =	sadd.s32 $0x80, s12  }
0x610: {  	v16 =	vadd.f32 v16, v26;
	v30 =	vld [tilespmem:s23+$0xFFFFFFF0];
	p0 =	slt.u32 s11, $0x278;
	v31 =	vmul.f32 v35, v3;
	v33 =	vmul.f32 v33, v4  }
0x611: {  	v14 =	vadd.f32 v25, v14;
	v32 =	vmul.f32 v32, v3;
	v25 =	vnsel vm4, $0x3F800000, v6;
	v26 =	vld [tilespmem:s23+$0xFFFFFFC0]  }
0x612: {  	v9 =	vmul.f32 v28, v9;
	v10 =	vmul.f32 v34, v10;
	v13 =	vadd.f32 v18, v13;
	v35 =	vld [tilespmem:s23+$0xFFFFFFE0]  }
0x613: {  	v12 =	vadd.f32 v12, v27;
	v19 =	vmul.f32 v19, v3;
	v28 =	vadd.f32 v31, v29;
	v18 =	vld [tilespmem:s12+$0xFFFFFFE0]  }
0x614: {  	v11 =	vmul.f32 v14, v11;
	v10 =	vmul.f32 v10, v3;
	vm5 =	vgt.f32 v36, $8.999999760e-01;
	v27 =	vld [tilespmem:s12+$0xFFFFFFF0]  }
0x615: {  	v31 =	vmul.f32 v9, v3;
	v29 =	vmul.f32 v36, v5;
	vm4 =	vgt.f32 v36, $0.0e+00;
	v14 =	vld [tilespmem:s12+$0xFFFFFFC0]  }
0x616: {  	v24 =	vadd.f32 v8, v24;
	v8 =	vadd.f32 v10, v13;
	v34 =	vnsel vm5, $0x3F800000, v7;
	v36 =	vld [tilespmem:s12+$0x0]  }
0x617: {  	v10 =	vmul.f32 v28, v25;
	v26 =	vmul.f32 v26, v4;
	v37 =	vld [tilespmem:s23+$0xFFFFFFD0];
	[tilespmem:s13+$0xFFFFFFC0] =	vst v11;
	v11 =	vadd.f32 v33, v21  }
0x618: {  	v8 =	vmul.f32 v8, v15;
	v15 =	vadd.f32 v19, v16;
	v9 =	vmin.f32 v18, $1.000000000e+00;
	v18 =	vld [tilespmem:s23+$0x20]  }
0x619: {  	v20 =	vadd.f32 v22, v20;
	v16 =	vmul.f32 v23, v3;
	v21 =	vnsel vm3, $0x3F800000, v6;
	v19 =	vld [tilespmem:s23+$0x0];
	[tilespmem:s13+$0xFFFFFFD0] =	vst v10  }
0x61a: {  	v23 =	vnsel vm0, $0x3F800000, v6;
	v10 =	vmin.f32 v27, $1.000000000e+00;
	v14 =	vmin.f32 v14, $1.000000000e+00;
	v22 =	vld [tilespmem:s10+$0x30];
	[tilespmem:s13+$0xFFFFFFF0] =	vst v8  }
0x61b: {  	v24 =	vadd.f32 v31, v24;
	v25 =	vadd.f32 v16, v12;
	v8 =	vmul.f32 v35, v4;
	v13 =	vld [tilespmem:s10+$0xFFFFFFF0]  }
0x61c: {  	v28 =	vnsel vm2, $0x3F800000, v6;
	v27 =	vmul.f32 v34, v14;
	v14 =	vadd.f32 v26, v29;
	v26 =	vld [tilespmem:s23+$0x30]  }
0x61d: {  	v15 =	vmul.f32 v15, v21;
	v16 =	vmul.f32 v18, v4;
	v29 =	vld [tilespmem:s12+$0x30];
	v18 =	vadd.f32 v32, v11  }
0x61e: {  	v20 =	vmul.f32 v20, v23;
	v11 =	vnsel vm4, $0x3F800000, v6;
	v32 =	vld [tilespmem:s10+$0x0];
	v12 =	vmul.f32 v19, v4  }
0x61f: {  	v21 =	vnsel vm1, $0x3F800000, v6;
	v19 =	vld [tilespmem:s10+$0xFFFFFFD0];
	vm2 =	vgt.f32 v22, $8.999999760e-01;
	vm0 =	vgt.f32 v22, $0.0e+00;
	[tilespmem:s13+$0x20] =	vst v15  }
0x620: {  	v22 =	vmul.f32 v22, v5;
	v15 =	vmul.f32 v18, v28;
	vm1 =	vgt.f32 v13, $0.0e+00;
	v23 =	vld [tilespmem:s10+$0x20]  }
0x621: {  	v21 =	vmul.f32 v24, v21;
	v18 =	vmul.f32 v30, v4;
	v30 =	vnsel vm2, $0x3F800000, v7;
	v28 =	vld [tilespmem:s12+$0x10];
	[tilespmem:s13+$0x30] =	vst v20  }
0x622: {  	v17 =	vmul.f32 v25, v17;
	v34 =	vmul.f32 v37, v4;
	v20 =	vld [tilespmem:s10+$0x10];
	v24 =	vmin.f32 v29, $1.000000000e+00;
	[tilespmem:s13+$0x10] =	vst v15  }
0x623: {  	v15 =	vnsel vm1, $0x3F800000, v6;
	v29 =	vld [tilespmem:s10+$0xFFFFFFE0];
	vm1 =	vgt.f32 v32, $8.999999760e-01;
	vm4 =	vgt.f32 v32, $0.0e+00;
	[tilespmem:s13+$0xFFFFFFE0] =	vst v21  }
0x624: {  	v37 =	vmul.f32 v26, v4;
	vm5 =	vgt.f32 v19, $8.999999760e-01;
	v35 =	vmul.f32 v19, v5;
	[tilespmem:s13+$0x0] =	vst v17;
	s13 =	smov.u32 s12  }
0x625: {  	v38 =	vmul.f32 v30, v24;
	v17 =	vld [tilespmem:s12+$0x20];
	vm6 =	vgt.f32 v23, $8.999999760e-01;
	vm3 =	vgt.f32 v23, $0.0e+00  }
0x626: {  	v36 =	vmin.f32 v36, $1.000000000e+00;
	v25 =	vmul.f32 v27, v3;
	v39 =	vmin.f32 v28, $1.000000000e+00  }
0x627: {  	v40 =	vnsel vm1, $0x3F800000, v7;
	v26 =	vmul.f32 v23, v5;
	vm2 =	vgt.f32 v20, $0.0e+00  }
0x628: {  	vm8 =	vgt.f32 v13, $8.999999760e-01;
	vm9 =	vgt.f32 v20, $8.999999760e-01;
	v41 =	vld [tilespmem:s12+$0xFFFFFFD0];
	vm7 =	vgt.f32 v29, $8.999999760e-01  }
0x629: {  	v30 =	vnsel vm6, $0x3F800000, v7;
	v21 =	vmul.f32 v20, v5;
	vm1 =	vgt.f32 v29, $0.0e+00  }
.Ltmp34:
0x62a: {  	v24 =	vmul.f32 v29, v5;
	v28 =	vnsel vm7, $0x3F800000, v7;
	v31 =	vmin.f32 v17, $1.000000000e+00;
	(pc) =	sbr.rel @p0 .LBB2_67-.Ltmp34, $4  }
0x62b: {  	v27 =	vmul.f32 v32, v5;
	v20 =	vadd.f32 v37, v22;
	v22 =	vmul.f32 v38, v3;
	v33 =	vld [tilespmem:s23+$0x10]  }
0x62c: {  	v23 =	vmul.f32 v40, v36;
	v29 =	vadd.f32 v34, v35;
	v17 =	vnsel vm9, $0x3F800000, v7  }
0x62d: {  	v35 =	vnsel vm5, $0x3F800000, v7;
	v32 =	vmul.f32 v17, v39;
	v34 =	vmin.f32 v41, $1.000000000e+00  }
0x62e: {  	s10 =	sadd.s32 $0x80, s10;
	v17 =	vnsel vm4, $0x3F800000, v6;
	s23 =	sadd.s32 $0x80, s23;
	v35 =	vmul.f32 v35, v34;
	v34 =	vnsel vm8, $0x3F800000, v7  }
0x62f: {  	v13 =	vmul.f32 v13, v5  }
0x630: {  	v30 =	vmul.f32 v30, v31;
	vm4 =	vgt.f32 v19, $0.0e+00;
	v10 =	vmul.f32 v34, v10  }
0x631: {  	v16 =	vadd.f32 v16, v26;
	v14 =	vadd.f32 v25, v14;
	v26 =	vmul.f32 v32, v3  }
0x632: {  	v9 =	vmul.f32 v28, v9;
	v12 =	vadd.f32 v12, v27;
	v8 =	vadd.f32 v8, v24  }
0x633: {  	v31 =	vmul.f32 v35, v3;
	v19 =	vmul.f32 v33, v4;
	v25 =	vnsel vm4, $0x3F800000, v6  }
0x634: {  	v13 =	vadd.f32 v18, v13;
	v10 =	vmul.f32 v10, v3;
	v11 =	vmul.f32 v14, v11  }
0x635: {  	v9 =	vmul.f32 v9, v3;
	v18 =	vadd.f32 v31, v29;
	v14 =	vadd.f32 v19, v21  }
0x636: {  	v27 =	vmul.f32 v30, v3;
	v10 =	vadd.f32 v10, v13;
	[tilespmem:s13+$0xFFFFFFC0] =	vst v11;
	v11 =	vmul.f32 v23, v3  }
0x637: {  	v8 =	vadd.f32 v9, v8;
	v13 =	vmul.f32 v18, v25;
	v14 =	vadd.f32 v26, v14  }
0x638: {  	v9 =	vnsel vm2, $0x3F800000, v6;
	v18 =	vadd.f32 v22, v20;
	v10 =	vmul.f32 v10, v15  }
0x639: {  	v11 =	vadd.f32 v11, v12;
	v12 =	vnsel vm1, $0x3F800000, v6;
	[tilespmem:s13+$0xFFFFFFD0] =	vst v13;
	v9 =	vmul.f32 v14, v9  }
0x63a: {  	v15 =	vadd.f32 v27, v16;
	v13 =	vnsel vm0, $0x3F800000, v6;
	v8 =	vmul.f32 v8, v12;
	[tilespmem:s13+$0xFFFFFFF0] =	vst v10  }
0x63b: {  	v16 =	vnsel vm3, $0x3F800000, v6;
	v10 =	vmul.f32 v18, v13;
	[tilespmem:s13+$0x10] =	vst v9  }
0x63c: {  	v15 =	vmul.f32 v15, v16;
	[tilespmem:s13+$0xFFFFFFE0] =	vst v8  }
0x63d: {  	[tilespmem:s13+$0x30] =	vst v10;
	v10 =	vmul.f32 v11, v17  }
0x63e: {  	[tilespmem:s13+$0x20] =	vst v15  }
0x63f: {  	[tilespmem:s13+$0x0] =	vst v10  }
0x640: {  	s8 =	simm.s32 $0x8C00;
	s1 =	rddreg [dreg:$0x18]  }
0x641: {  	[hbm4b:s1+s4] =	stream.linear.scatter [tilespmem:s8], [sflag:$0x5], $0x2800, $0x38;
	[tilespmem:$0x1F480] =	vst v63  }
0x642: {  	_ =	swait.ge [sflag:s21], $0x2800  }
0x643: {  	[sflag:s21] =	ssyncset.done $0x0  }
0x644: {  	s23 =	rddreg [dreg:$0x8];
	[sflag:s21] =	ssyncadd.s32 $0xFFFFD800  }
0x645: {  	[tilespmem:s8], [sflag:$0x5] =	stream.linear.gather [spmem:s23], $0x2800, $0x38;
	[tilespmem:$0x1F480] =	vst v63  }
0x646: {  	_ =	swait.ge [sflag:s21], $0x2800  }
0x647: {  	[sflag:s21] =	ssyncset.done $0x0  }
0x648: {  	s11 =	simm.s32 $0xB400;
	s10 =	rddreg [dreg:$0x19];
	[sflag:s21] =	ssyncadd.s32 $0xFFFFD800  }
0x649: {  	[tilespmem:s11], [sflag:$0x5] =	stream.linear.gather [hbm4b:s10+s4], $0x2800, $0x38;
	[tilespmem:$0x1F480] =	vst v63  }
0x64a: {  	_ =	swait.ge [sflag:s21], $0x2800  }
0x64b: {  	[sflag:s21] =	ssyncset.done $0x0  }
0x64c: {  	s13 =	simm.s32 $0xDC00;
	s12 =	rddreg [dreg:$0x1b];
	[sflag:s21] =	ssyncadd.s32 $0xFFFFD800  }
0x64d: {  	[tilespmem:s13], [sflag:$0x5] =	stream.linear.gather [hbm4b:s12+s4], $0x2800, $0x38;
	[tilespmem:$0x1F480] =	vst v63  }
0x64e: {  	_ =	swait.ge [sflag:s21], $0x2800  }
0x64f: {  	[sflag:s21] =	ssyncset.done $0x0  }
0x650: {  	s23 =	simm.s32 $0xB440;
	[sflag:s21] =	ssyncadd.s32 $0xFFFFD800  }
0x651: {  	s10 =	simm.s32 $0xDC40;
	v8 =	vld [tilespmem:s23+$0xFFFFFFC0]  }
0x652: {  	v15 =	vld [tilespmem:s10+$0xFFFFFFF0]  }
0x653: {  	v9 =	vld [tilespmem:s10+$0xFFFFFFC0]  }
0x654: {  	s12 =	simm.s32 $0x8C40;
	v11 =	vld [tilespmem:s10+$0xFFFFFFE0]  }
0x655: {  	v10 =	vld [tilespmem:s12+$0xFFFFFFE0]  }
0x656: {  	v12 =	vld [tilespmem:s12+$0xFFFFFFF0]  }
0x657: {  	v14 =	vld [tilespmem:s12+$0xFFFFFFC0]  }
0x658: {  	v17 =	vld [tilespmem:s12+$0x0]  }
0x659: {  	v20 =	vld [tilespmem:s10+$0xFFFFFFD0]  }
0x65a: {  	v16 =	vld [tilespmem:s10+$0x20]  }
0x65b: {  	v18 =	vld [tilespmem:s10+$0x0]  }
0x65c: {  	v21 =	vld [tilespmem:s23+$0x30]  }
0x65d: {  	v13 =	vld [tilespmem:s23+$0xFFFFFFF0]  }
0x65e: {  	v23 =	vld [tilespmem:s10+$0x30]  }
0x65f: {  	v25 =	vld [tilespmem:s12+$0x30]  }
0x660: {  	v27 =	vld [tilespmem:s23+$0x0];
	vm0 =	vgt.f32 v8, $8.999999760e-01  }
0x661: {  	v31 =	vld [tilespmem:s23+$0xFFFFFFE0];
	v19 =	vmul.f32 v8, v5;
	vm1 =	vgt.f32 v8, $0.0e+00;
	v24 =	vmul.f32 v9, v4  }
0x662: {  	v38 =	vld [tilespmem:s12+$0xFFFFFFD0];
	v9 =	vmin.f32 v10, $1.000000000e+00;
	v14 =	vmin.f32 v14, $1.000000000e+00;
	v8 =	vmul.f32 v11, v4  }
0x663: {  	v10 =	vmin.f32 v12, $1.000000000e+00;
	v16 =	vmul.f32 v16, v4;
	v12 =	vmul.f32 v18, v4  }
0x664: {  	vm2 =	vgt.f32 v13, $0.0e+00;
	v29 =	vmul.f32 v21, v5;
	v18 =	vmul.f32 v15, v4  }
0x665: {  	v58 =	vmul.f32 v20, v4;
	v25 =	vmin.f32 v25, $1.000000000e+00;
	vm4 =	vgt.f32 v27, $0.0e+00  }
0x666: {  	v23 =	vmul.f32 v23, v4;
	v17 =	vmin.f32 v17, $1.000000000e+00;
	vm7 =	vgt.f32 v31, $8.999999760e-01  }
0x667: {  	vm8 =	vgt.f32 v13, $8.999999760e-01;
	v62 =	vmin.f32 v38, $1.000000000e+00;
	v22 =	vnsel vm0, $0x3F800000, v7  }
0x668: {  	v20 =	vld [tilespmem:s23+$0x10];
	v11 =	vnsel vm1, $0x3F800000, v6;
	vm1 =	vgt.f32 v21, $8.999999760e-01;
	vm0 =	vgt.f32 v21, $0.0e+00  }
0x669: {  	v21 =	vld [tilespmem:s12+$0x10];
	v15 =	vnsel vm2, $0x3F800000, v6;
	v28 =	vnsel vm7, $0x3F800000, v7;
	v34 =	vnsel vm8, $0x3F800000, v7  }
0x66a: {  	v22 =	vmul.f32 v22, v14;
	v14 =	vadd.f32 v24, v19;
	v19 =	vld [tilespmem:s23+$0xFFFFFFD0];
	v26 =	vnsel vm1, $0x3F800000, v7  }
0x66b: {  	v24 =	vld [tilespmem:s23+$0x20];
	vm1 =	vgt.f32 v27, $8.999999760e-01;
	v27 =	vmul.f32 v27, v5;
	v61 =	vmul.f32 v26, v25  }
0x66c: {  	v60 =	vld [tilespmem:s12+$0x20];
	v37 =	vnsel vm1, $0x3F800000, v7;
	vm1 =	vgt.f32 v31, $0.0e+00;
	v25 =	vmul.f32 v22, v3  }
0x66d: {  	vm2 =	vgt.f32 v20, $0.0e+00;
	vm9 =	vgt.f32 v20, $8.999999760e-01;
	v22 =	vmul.f32 v61, v3  }
0x66e: {  	v36 =	vmin.f32 v21, $1.000000000e+00;
	v21 =	vmul.f32 v20, v5;
	v20 =	vadd.f32 v23, v29  }
0x66f: {  	v23 =	vmul.f32 v37, v17;
	v17 =	vnsel vm9, $0x3F800000, v7;
	vm5 =	vgt.f32 v19, $8.999999760e-01  }
0x670: {  	v33 =	vld [tilespmem:s10+$0x10];
	v59 =	vmul.f32 v19, v5;
	vm6 =	vgt.f32 v24, $8.999999760e-01;
	vm3 =	vgt.f32 v24, $0.0e+00  }
0x671: {  	v26 =	vmul.f32 v24, v5;
	v24 =	vmul.f32 v31, v5;
	v31 =	vmin.f32 v60, $1.000000000e+00  }
0x672: {  	s11 =	simm.s32 $0x0;
	v32 =	vmul.f32 v17, v36;
	v17 =	vnsel vm4, $0x3F800000, v6;
	v63 =	vnsel vm5, $0x3F800000, v7  }
0x673: {  	s13 =	simm.s32 $0x8C40;
	s10 =	simm.s32 $0xB4C0;
	s23 =	simm.s32 $0xDCC0;
	v30 =	vnsel vm6, $0x3F800000, v7;
	v29 =	vadd.f32 v58, v59;
	v35 =	vmul.f32 v63, v62  }
.LBB2_69:
0x674: {  	v36 =	vld [tilespmem:s10+$0xFFFFFFC0];
	s11 =	sadd.s32 $0x8, s11;
	vm4 =	vgt.f32 v19, $0.0e+00;
	v13 =	vmul.f32 v13, v5;
	v19 =	vmul.f32 v30, v31;
	s12 =	sadd.s32 $0x80, s12  }
0x675: {  	v16 =	vadd.f32 v16, v26;
	v30 =	vld [tilespmem:s23+$0xFFFFFFF0];
	p0 =	slt.u32 s11, $0x278;
	v31 =	vmul.f32 v35, v3;
	v33 =	vmul.f32 v33, v4  }
0x676: {  	v14 =	vadd.f32 v25, v14;
	v32 =	vmul.f32 v32, v3;
	v25 =	vnsel vm4, $0x3F800000, v6;
	v26 =	vld [tilespmem:s23+$0xFFFFFFC0]  }
0x677: {  	v9 =	vmul.f32 v28, v9;
	v10 =	vmul.f32 v34, v10;
	v13 =	vadd.f32 v18, v13;
	v35 =	vld [tilespmem:s23+$0xFFFFFFE0]  }
0x678: {  	v12 =	vadd.f32 v12, v27;
	v19 =	vmul.f32 v19, v3;
	v28 =	vadd.f32 v31, v29;
	v18 =	vld [tilespmem:s12+$0xFFFFFFE0]  }
0x679: {  	v11 =	vmul.f32 v14, v11;
	v10 =	vmul.f32 v10, v3;
	vm5 =	vgt.f32 v36, $8.999999760e-01;
	v27 =	vld [tilespmem:s12+$0xFFFFFFF0]  }
0x67a: {  	v31 =	vmul.f32 v9, v3;
	v29 =	vmul.f32 v36, v5;
	vm4 =	vgt.f32 v36, $0.0e+00;
	v14 =	vld [tilespmem:s12+$0xFFFFFFC0]  }
0x67b: {  	v24 =	vadd.f32 v8, v24;
	v8 =	vadd.f32 v10, v13;
	v34 =	vnsel vm5, $0x3F800000, v7;
	v36 =	vld [tilespmem:s12+$0x0]  }
0x67c: {  	v10 =	vmul.f32 v28, v25;
	v26 =	vmul.f32 v26, v4;
	v37 =	vld [tilespmem:s23+$0xFFFFFFD0];
	[tilespmem:s13+$0xFFFFFFC0] =	vst v11;
	v11 =	vadd.f32 v33, v21  }
0x67d: {  	v8 =	vmul.f32 v8, v15;
	v15 =	vadd.f32 v19, v16;
	v9 =	vmin.f32 v18, $1.000000000e+00;
	v18 =	vld [tilespmem:s23+$0x20]  }
0x67e: {  	v20 =	vadd.f32 v22, v20;
	v16 =	vmul.f32 v23, v3;
	v21 =	vnsel vm3, $0x3F800000, v6;
	v19 =	vld [tilespmem:s23+$0x0];
	[tilespmem:s13+$0xFFFFFFD0] =	vst v10  }
0x67f: {  	v23 =	vnsel vm0, $0x3F800000, v6;
	v10 =	vmin.f32 v27, $1.000000000e+00;
	v14 =	vmin.f32 v14, $1.000000000e+00;
	v22 =	vld [tilespmem:s10+$0x30];
	[tilespmem:s13+$0xFFFFFFF0] =	vst v8  }
0x680: {  	v24 =	vadd.f32 v31, v24;
	v25 =	vadd.f32 v16, v12;
	v8 =	vmul.f32 v35, v4;
	v13 =	vld [tilespmem:s10+$0xFFFFFFF0]  }
0x681: {  	v28 =	vnsel vm2, $0x3F800000, v6;
	v27 =	vmul.f32 v34, v14;
	v14 =	vadd.f32 v26, v29;
	v26 =	vld [tilespmem:s23+$0x30]  }
0x682: {  	v15 =	vmul.f32 v15, v21;
	v16 =	vmul.f32 v18, v4;
	v29 =	vld [tilespmem:s12+$0x30];
	v18 =	vadd.f32 v32, v11  }
0x683: {  	v20 =	vmul.f32 v20, v23;
	v11 =	vnsel vm4, $0x3F800000, v6;
	v32 =	vld [tilespmem:s10+$0x0];
	v12 =	vmul.f32 v19, v4  }
0x684: {  	v21 =	vnsel vm1, $0x3F800000, v6;
	v19 =	vld [tilespmem:s10+$0xFFFFFFD0];
	vm2 =	vgt.f32 v22, $8.999999760e-01;
	vm0 =	vgt.f32 v22, $0.0e+00;
	[tilespmem:s13+$0x20] =	vst v15  }
0x685: {  	v22 =	vmul.f32 v22, v5;
	v15 =	vmul.f32 v18, v28;
	vm1 =	vgt.f32 v13, $0.0e+00;
	v23 =	vld [tilespmem:s10+$0x20]  }
0x686: {  	v21 =	vmul.f32 v24, v21;
	v18 =	vmul.f32 v30, v4;
	v30 =	vnsel vm2, $0x3F800000, v7;
	v28 =	vld [tilespmem:s12+$0x10];
	[tilespmem:s13+$0x30] =	vst v20  }
0x687: {  	v17 =	vmul.f32 v25, v17;
	v34 =	vmul.f32 v37, v4;
	v20 =	vld [tilespmem:s10+$0x10];
	v24 =	vmin.f32 v29, $1.000000000e+00;
	[tilespmem:s13+$0x10] =	vst v15  }
0x688: {  	v15 =	vnsel vm1, $0x3F800000, v6;
	v29 =	vld [tilespmem:s10+$0xFFFFFFE0];
	vm1 =	vgt.f32 v32, $8.999999760e-01;
	vm4 =	vgt.f32 v32, $0.0e+00;
	[tilespmem:s13+$0xFFFFFFE0] =	vst v21  }
0x689: {  	v37 =	vmul.f32 v26, v4;
	vm5 =	vgt.f32 v19, $8.999999760e-01;
	v35 =	vmul.f32 v19, v5;
	[tilespmem:s13+$0x0] =	vst v17;
	s13 =	smov.u32 s12  }
0x68a: {  	v38 =	vmul.f32 v30, v24;
	v17 =	vld [tilespmem:s12+$0x20];
	vm6 =	vgt.f32 v23, $8.999999760e-01;
	vm3 =	vgt.f32 v23, $0.0e+00  }
0x68b: {  	v36 =	vmin.f32 v36, $1.000000000e+00;
	v25 =	vmul.f32 v27, v3;
	v39 =	vmin.f32 v28, $1.000000000e+00  }
0x68c: {  	v40 =	vnsel vm1, $0x3F800000, v7;
	v26 =	vmul.f32 v23, v5;
	vm2 =	vgt.f32 v20, $0.0e+00  }
0x68d: {  	vm8 =	vgt.f32 v13, $8.999999760e-01;
	vm9 =	vgt.f32 v20, $8.999999760e-01;
	v41 =	vld [tilespmem:s12+$0xFFFFFFD0];
	vm7 =	vgt.f32 v29, $8.999999760e-01  }
0x68e: {  	v30 =	vnsel vm6, $0x3F800000, v7;
	v21 =	vmul.f32 v20, v5;
	vm1 =	vgt.f32 v29, $0.0e+00  }
.Ltmp35:
0x68f: {  	v24 =	vmul.f32 v29, v5;
	v28 =	vnsel vm7, $0x3F800000, v7;
	v31 =	vmin.f32 v17, $1.000000000e+00;
	(pc) =	sbr.rel @p0 .LBB2_69-.Ltmp35, $4  }
0x690: {  	v27 =	vmul.f32 v32, v5;
	v20 =	vadd.f32 v37, v22;
	v22 =	vmul.f32 v38, v3;
	v33 =	vld [tilespmem:s23+$0x10]  }
0x691: {  	v23 =	vmul.f32 v40, v36;
	v29 =	vadd.f32 v34, v35;
	v17 =	vnsel vm9, $0x3F800000, v7  }
0x692: {  	v35 =	vnsel vm5, $0x3F800000, v7;
	v32 =	vmul.f32 v17, v39;
	v34 =	vmin.f32 v41, $1.000000000e+00  }
0x693: {  	s10 =	sadd.s32 $0x80, s10;
	v17 =	vnsel vm4, $0x3F800000, v6;
	s23 =	sadd.s32 $0x80, s23;
	v35 =	vmul.f32 v35, v34;
	v34 =	vnsel vm8, $0x3F800000, v7  }
0x694: {  	v13 =	vmul.f32 v13, v5  }
0x695: {  	v30 =	vmul.f32 v30, v31;
	vm4 =	vgt.f32 v19, $0.0e+00;
	v10 =	vmul.f32 v34, v10  }
0x696: {  	v16 =	vadd.f32 v16, v26;
	v14 =	vadd.f32 v25, v14;
	v26 =	vmul.f32 v32, v3  }
0x697: {  	v9 =	vmul.f32 v28, v9;
	v12 =	vadd.f32 v12, v27;
	v8 =	vadd.f32 v8, v24  }
0x698: {  	v31 =	vmul.f32 v35, v3;
	v19 =	vmul.f32 v33, v4;
	v25 =	vnsel vm4, $0x3F800000, v6  }
0x699: {  	v13 =	vadd.f32 v18, v13;
	v10 =	vmul.f32 v10, v3;
	v11 =	vmul.f32 v14, v11  }
0x69a: {  	v9 =	vmul.f32 v9, v3;
	v18 =	vadd.f32 v31, v29;
	v14 =	vadd.f32 v19, v21  }
0x69b: {  	v27 =	vmul.f32 v30, v3;
	v10 =	vadd.f32 v10, v13;
	[tilespmem:s13+$0xFFFFFFC0] =	vst v11;
	v11 =	vmul.f32 v23, v3  }
0x69c: {  	v8 =	vadd.f32 v9, v8;
	v13 =	vmul.f32 v18, v25;
	v14 =	vadd.f32 v26, v14  }
0x69d: {  	v9 =	vnsel vm2, $0x3F800000, v6;
	v18 =	vadd.f32 v22, v20;
	v10 =	vmul.f32 v10, v15  }
0x69e: {  	v11 =	vadd.f32 v11, v12;
	v12 =	vnsel vm1, $0x3F800000, v6;
	[tilespmem:s13+$0xFFFFFFD0] =	vst v13;
	v9 =	vmul.f32 v14, v9  }
0x69f: {  	v15 =	vadd.f32 v27, v16;
	v13 =	vnsel vm0, $0x3F800000, v6;
	v8 =	vmul.f32 v8, v12;
	[tilespmem:s13+$0xFFFFFFF0] =	vst v10  }
0x6a0: {  	v16 =	vnsel vm3, $0x3F800000, v6;
	v10 =	vmul.f32 v18, v13;
	[tilespmem:s13+$0x10] =	vst v9  }
0x6a1: {  	v15 =	vmul.f32 v15, v16;
	[tilespmem:s13+$0xFFFFFFE0] =	vst v8  }
0x6a2: {  	[tilespmem:s13+$0x30] =	vst v10;
	v10 =	vmul.f32 v11, v17  }
0x6a3: {  	[tilespmem:s13+$0x20] =	vst v15  }
0x6a4: {  	[tilespmem:s13+$0x0] =	vst v10  }
0x6a5: {  	s8 =	simm.s32 $0x8C00;
	s1 =	rddreg [dreg:$0x1c]  }
0x6a6: {  	[hbm4b:s1+s4] =	stream.linear.scatter [tilespmem:s8], [sflag:$0x5], $0x2800, $0x38;
	[tilespmem:$0x1F480] =	vst v63  }
0x6a7: {  	_ =	swait.ge [sflag:s21], $0x2800  }
0x6a8: {  	[sflag:s21] =	ssyncset.done $0x0  }
0x6a9: {  	s23 =	rddreg [dreg:$0x9];
	[sflag:s21] =	ssyncadd.s32 $0xFFFFD800  }
0x6aa: {  	[tilespmem:s8], [sflag:$0x5] =	stream.linear.gather [spmem:s23], $0x2800, $0x38;
	[tilespmem:$0x1F480] =	vst v63  }
0x6ab: {  	_ =	swait.ge [sflag:s21], $0x2800  }
0x6ac: {  	[sflag:s21] =	ssyncset.done $0x0  }
0x6ad: {  	s11 =	simm.s32 $0xB400;
	s10 =	rddreg [dreg:$0x1e];
	[sflag:s21] =	ssyncadd.s32 $0xFFFFD800  }
0x6ae: {  	[tilespmem:s11], [sflag:$0x5] =	stream.linear.gather [hbm4b:s10+s4], $0x2800, $0x38;
	[tilespmem:$0x1F480] =	vst v63  }
0x6af: {  	_ =	swait.ge [sflag:s21], $0x2800  }
0x6b0: {  	s12 =	sld [smem:$0x7FC]  }
0x6b1: {  	[sflag:s21] =	ssyncset.done $0x0  }
0x6b2: {  	s13 =	simm.s32 $0xDC00;
	[sflag:s21] =	ssyncadd.s32 $0xFFFFD800  }
0x6b3: {  	[tilespmem:s13], [sflag:$0x5] =	stream.linear.gather [hbm4b:s12+s4], $0x2800, $0x38;
	[tilespmem:$0x1F480] =	vst v63  }
0x6b4: {  	_ =	swait.ge [sflag:s21], $0x2800  }
0x6b5: {  	[sflag:s21] =	ssyncset.done $0x0  }
0x6b6: {  	s23 =	simm.s32 $0xB440;
	[sflag:s21] =	ssyncadd.s32 $0xFFFFD800  }
0x6b7: {  	s10 =	simm.s32 $0xDC40;
	v8 =	vld [tilespmem:s23+$0xFFFFFFC0]  }
0x6b8: {  	v15 =	vld [tilespmem:s10+$0xFFFFFFF0]  }
0x6b9: {  	v9 =	vld [tilespmem:s10+$0xFFFFFFC0]  }
0x6ba: {  	s12 =	simm.s32 $0x8C40;
	v11 =	vld [tilespmem:s10+$0xFFFFFFE0]  }
0x6bb: {  	v10 =	vld [tilespmem:s12+$0xFFFFFFE0]  }
0x6bc: {  	v12 =	vld [tilespmem:s12+$0xFFFFFFF0]  }
0x6bd: {  	v14 =	vld [tilespmem:s12+$0xFFFFFFC0]  }
0x6be: {  	v17 =	vld [tilespmem:s12+$0x0]  }
0x6bf: {  	v20 =	vld [tilespmem:s10+$0xFFFFFFD0]  }
0x6c0: {  	v16 =	vld [tilespmem:s10+$0x20]  }
0x6c1: {  	v18 =	vld [tilespmem:s10+$0x0]  }
0x6c2: {  	v21 =	vld [tilespmem:s23+$0x30]  }
0x6c3: {  	v13 =	vld [tilespmem:s23+$0xFFFFFFF0]  }
0x6c4: {  	v23 =	vld [tilespmem:s10+$0x30]  }
0x6c5: {  	v25 =	vld [tilespmem:s12+$0x30]  }
0x6c6: {  	v27 =	vld [tilespmem:s23+$0x0];
	vm0 =	vgt.f32 v8, $8.999999760e-01  }
0x6c7: {  	v31 =	vld [tilespmem:s23+$0xFFFFFFE0];
	v19 =	vmul.f32 v8, v5;
	vm1 =	vgt.f32 v8, $0.0e+00;
	v24 =	vmul.f32 v9, v4  }
0x6c8: {  	v38 =	vld [tilespmem:s12+$0xFFFFFFD0];
	v9 =	vmin.f32 v10, $1.000000000e+00;
	v14 =	vmin.f32 v14, $1.000000000e+00;
	v8 =	vmul.f32 v11, v4  }
0x6c9: {  	v10 =	vmin.f32 v12, $1.000000000e+00;
	v16 =	vmul.f32 v16, v4;
	v12 =	vmul.f32 v18, v4  }
0x6ca: {  	vm2 =	vgt.f32 v13, $0.0e+00;
	v29 =	vmul.f32 v21, v5;
	v18 =	vmul.f32 v15, v4  }
0x6cb: {  	v58 =	vmul.f32 v20, v4;
	v25 =	vmin.f32 v25, $1.000000000e+00;
	vm4 =	vgt.f32 v27, $0.0e+00  }
0x6cc: {  	v23 =	vmul.f32 v23, v4;
	v17 =	vmin.f32 v17, $1.000000000e+00;
	vm7 =	vgt.f32 v31, $8.999999760e-01  }
0x6cd: {  	vm8 =	vgt.f32 v13, $8.999999760e-01;
	v62 =	vmin.f32 v38, $1.000000000e+00;
	v22 =	vnsel vm0, $0x3F800000, v7  }
0x6ce: {  	v20 =	vld [tilespmem:s23+$0x10];
	v11 =	vnsel vm1, $0x3F800000, v6;
	vm1 =	vgt.f32 v21, $8.999999760e-01;
	vm0 =	vgt.f32 v21, $0.0e+00  }
0x6cf: {  	v21 =	vld [tilespmem:s12+$0x10];
	v15 =	vnsel vm2, $0x3F800000, v6;
	v28 =	vnsel vm7, $0x3F800000, v7;
	v34 =	vnsel vm8, $0x3F800000, v7  }
0x6d0: {  	v22 =	vmul.f32 v22, v14;
	v14 =	vadd.f32 v24, v19;
	v19 =	vld [tilespmem:s23+$0xFFFFFFD0];
	v26 =	vnsel vm1, $0x3F800000, v7  }
0x6d1: {  	v24 =	vld [tilespmem:s23+$0x20];
	vm1 =	vgt.f32 v27, $8.999999760e-01;
	v27 =	vmul.f32 v27, v5;
	v61 =	vmul.f32 v26, v25  }
0x6d2: {  	v60 =	vld [tilespmem:s12+$0x20];
	v37 =	vnsel vm1, $0x3F800000, v7;
	vm1 =	vgt.f32 v31, $0.0e+00;
	v25 =	vmul.f32 v22, v3  }
0x6d3: {  	vm2 =	vgt.f32 v20, $0.0e+00;
	vm9 =	vgt.f32 v20, $8.999999760e-01;
	v22 =	vmul.f32 v61, v3  }
0x6d4: {  	v36 =	vmin.f32 v21, $1.000000000e+00;
	v21 =	vmul.f32 v20, v5;
	v20 =	vadd.f32 v23, v29  }
0x6d5: {  	v23 =	vmul.f32 v37, v17;
	v17 =	vnsel vm9, $0x3F800000, v7;
	vm5 =	vgt.f32 v19, $8.999999760e-01  }
0x6d6: {  	v33 =	vld [tilespmem:s10+$0x10];
	v59 =	vmul.f32 v19, v5;
	vm6 =	vgt.f32 v24, $8.999999760e-01;
	vm3 =	vgt.f32 v24, $0.0e+00  }
0x6d7: {  	v26 =	vmul.f32 v24, v5;
	v24 =	vmul.f32 v31, v5;
	v31 =	vmin.f32 v60, $1.000000000e+00  }
0x6d8: {  	s11 =	simm.s32 $0x0;
	v32 =	vmul.f32 v17, v36;
	v17 =	vnsel vm4, $0x3F800000, v6;
	v63 =	vnsel vm5, $0x3F800000, v7  }
0x6d9: {  	s13 =	simm.s32 $0x8C40;
	s10 =	simm.s32 $0xB4C0;
	s23 =	simm.s32 $0xDCC0;
	v30 =	vnsel vm6, $0x3F800000, v7;
	v29 =	vadd.f32 v58, v59;
	v35 =	vmul.f32 v63, v62  }
.LBB2_71:
0x6da: {  	v36 =	vld [tilespmem:s10+$0xFFFFFFC0];
	s11 =	sadd.s32 $0x8, s11;
	vm4 =	vgt.f32 v19, $0.0e+00;
	v13 =	vmul.f32 v13, v5;
	v19 =	vmul.f32 v30, v31;
	s12 =	sadd.s32 $0x80, s12  }
0x6db: {  	v16 =	vadd.f32 v16, v26;
	v30 =	vld [tilespmem:s23+$0xFFFFFFF0];
	p0 =	slt.u32 s11, $0x278;
	v31 =	vmul.f32 v35, v3;
	v33 =	vmul.f32 v33, v4  }
0x6dc: {  	v14 =	vadd.f32 v25, v14;
	v32 =	vmul.f32 v32, v3;
	v25 =	vnsel vm4, $0x3F800000, v6;
	v26 =	vld [tilespmem:s23+$0xFFFFFFC0]  }
0x6dd: {  	v9 =	vmul.f32 v28, v9;
	v10 =	vmul.f32 v34, v10;
	v13 =	vadd.f32 v18, v13;
	v35 =	vld [tilespmem:s23+$0xFFFFFFE0]  }
0x6de: {  	v12 =	vadd.f32 v12, v27;
	v19 =	vmul.f32 v19, v3;
	v28 =	vadd.f32 v31, v29;
	v18 =	vld [tilespmem:s12+$0xFFFFFFE0]  }
0x6df: {  	v11 =	vmul.f32 v14, v11;
	v10 =	vmul.f32 v10, v3;
	vm5 =	vgt.f32 v36, $8.999999760e-01;
	v27 =	vld [tilespmem:s12+$0xFFFFFFF0]  }
0x6e0: {  	v31 =	vmul.f32 v9, v3;
	v29 =	vmul.f32 v36, v5;
	vm4 =	vgt.f32 v36, $0.0e+00;
	v14 =	vld [tilespmem:s12+$0xFFFFFFC0]  }
0x6e1: {  	v24 =	vadd.f32 v8, v24;
	v8 =	vadd.f32 v10, v13;
	v34 =	vnsel vm5, $0x3F800000, v7;
	v36 =	vld [tilespmem:s12+$0x0]  }
0x6e2: {  	v10 =	vmul.f32 v28, v25;
	v26 =	vmul.f32 v26, v4;
	v37 =	vld [tilespmem:s23+$0xFFFFFFD0];
	[tilespmem:s13+$0xFFFFFFC0] =	vst v11;
	v11 =	vadd.f32 v33, v21  }
0x6e3: {  	v8 =	vmul.f32 v8, v15;
	v15 =	vadd.f32 v19, v16;
	v9 =	vmin.f32 v18, $1.000000000e+00;
	v18 =	vld [tilespmem:s23+$0x20]  }
0x6e4: {  	v20 =	vadd.f32 v22, v20;
	v16 =	vmul.f32 v23, v3;
	v21 =	vnsel vm3, $0x3F800000, v6;
	v19 =	vld [tilespmem:s23+$0x0];
	[tilespmem:s13+$0xFFFFFFD0] =	vst v10  }
0x6e5: {  	v23 =	vnsel vm0, $0x3F800000, v6;
	v10 =	vmin.f32 v27, $1.000000000e+00;
	v14 =	vmin.f32 v14, $1.000000000e+00;
	v22 =	vld [tilespmem:s10+$0x30];
	[tilespmem:s13+$0xFFFFFFF0] =	vst v8  }
0x6e6: {  	v24 =	vadd.f32 v31, v24;
	v25 =	vadd.f32 v16, v12;
	v8 =	vmul.f32 v35, v4;
	v13 =	vld [tilespmem:s10+$0xFFFFFFF0]  }
0x6e7: {  	v28 =	vnsel vm2, $0x3F800000, v6;
	v27 =	vmul.f32 v34, v14;
	v14 =	vadd.f32 v26, v29;
	v26 =	vld [tilespmem:s23+$0x30]  }
0x6e8: {  	v15 =	vmul.f32 v15, v21;
	v16 =	vmul.f32 v18, v4;
	v29 =	vld [tilespmem:s12+$0x30];
	v18 =	vadd.f32 v32, v11  }
0x6e9: {  	v20 =	vmul.f32 v20, v23;
	v11 =	vnsel vm4, $0x3F800000, v6;
	v32 =	vld [tilespmem:s10+$0x0];
	v12 =	vmul.f32 v19, v4  }
0x6ea: {  	v21 =	vnsel vm1, $0x3F800000, v6;
	v19 =	vld [tilespmem:s10+$0xFFFFFFD0];
	vm2 =	vgt.f32 v22, $8.999999760e-01;
	vm0 =	vgt.f32 v22, $0.0e+00;
	[tilespmem:s13+$0x20] =	vst v15  }
0x6eb: {  	v22 =	vmul.f32 v22, v5;
	v15 =	vmul.f32 v18, v28;
	vm1 =	vgt.f32 v13, $0.0e+00;
	v23 =	vld [tilespmem:s10+$0x20]  }
0x6ec: {  	v21 =	vmul.f32 v24, v21;
	v18 =	vmul.f32 v30, v4;
	v30 =	vnsel vm2, $0x3F800000, v7;
	v28 =	vld [tilespmem:s12+$0x10];
	[tilespmem:s13+$0x30] =	vst v20  }
0x6ed: {  	v17 =	vmul.f32 v25, v17;
	v34 =	vmul.f32 v37, v4;
	v20 =	vld [tilespmem:s10+$0x10];
	v24 =	vmin.f32 v29, $1.000000000e+00;
	[tilespmem:s13+$0x10] =	vst v15  }
0x6ee: {  	v15 =	vnsel vm1, $0x3F800000, v6;
	v29 =	vld [tilespmem:s10+$0xFFFFFFE0];
	vm1 =	vgt.f32 v32, $8.999999760e-01;
	vm4 =	vgt.f32 v32, $0.0e+00;
	[tilespmem:s13+$0xFFFFFFE0] =	vst v21  }
0x6ef: {  	v37 =	vmul.f32 v26, v4;
	vm5 =	vgt.f32 v19, $8.999999760e-01;
	v35 =	vmul.f32 v19, v5;
	[tilespmem:s13+$0x0] =	vst v17;
	s13 =	smov.u32 s12  }
0x6f0: {  	v38 =	vmul.f32 v30, v24;
	v17 =	vld [tilespmem:s12+$0x20];
	vm6 =	vgt.f32 v23, $8.999999760e-01;
	vm3 =	vgt.f32 v23, $0.0e+00  }
0x6f1: {  	v36 =	vmin.f32 v36, $1.000000000e+00;
	v25 =	vmul.f32 v27, v3;
	v39 =	vmin.f32 v28, $1.000000000e+00  }
0x6f2: {  	v40 =	vnsel vm1, $0x3F800000, v7;
	v26 =	vmul.f32 v23, v5;
	vm2 =	vgt.f32 v20, $0.0e+00  }
0x6f3: {  	vm8 =	vgt.f32 v13, $8.999999760e-01;
	vm9 =	vgt.f32 v20, $8.999999760e-01;
	v41 =	vld [tilespmem:s12+$0xFFFFFFD0];
	vm7 =	vgt.f32 v29, $8.999999760e-01  }
0x6f4: {  	v30 =	vnsel vm6, $0x3F800000, v7;
	v21 =	vmul.f32 v20, v5;
	vm1 =	vgt.f32 v29, $0.0e+00  }
.Ltmp36:
0x6f5: {  	v24 =	vmul.f32 v29, v5;
	v28 =	vnsel vm7, $0x3F800000, v7;
	v31 =	vmin.f32 v17, $1.000000000e+00;
	(pc) =	sbr.rel @p0 .LBB2_71-.Ltmp36, $4  }
0x6f6: {  	v27 =	vmul.f32 v32, v5;
	v20 =	vadd.f32 v37, v22;
	v22 =	vmul.f32 v38, v3;
	v33 =	vld [tilespmem:s23+$0x10]  }
0x6f7: {  	v23 =	vmul.f32 v40, v36;
	v29 =	vadd.f32 v34, v35;
	v17 =	vnsel vm9, $0x3F800000, v7  }
0x6f8: {  	v35 =	vnsel vm5, $0x3F800000, v7;
	v32 =	vmul.f32 v17, v39;
	v34 =	vmin.f32 v41, $1.000000000e+00  }
0x6f9: {  	s10 =	sadd.s32 $0x80, s10;
	v17 =	vnsel vm4, $0x3F800000, v6;
	s23 =	sadd.s32 $0x80, s23;
	v35 =	vmul.f32 v35, v34;
	v34 =	vnsel vm8, $0x3F800000, v7  }
0x6fa: {  	v5 =	vmul.f32 v13, v5;
	v7 =	vmul.f32 v30, v31;
	vm4 =	vgt.f32 v19, $0.0e+00  }
0x6fb: {  	v10 =	vmul.f32 v34, v10;
	v16 =	vadd.f32 v16, v26;
	v14 =	vadd.f32 v25, v14  }
0x6fc: {  	v55 =	vmul.f32 v32, v3;
	v9 =	vmul.f32 v28, v9;
	v12 =	vadd.f32 v12, v27  }
0x6fd: {  	v8 =	vadd.f32 v8, v24;
	v58 =	vadd.f32 v22, v20;
	v59 =	vnsel vm0, $0x3F800000, v6  }
0x6fe: {  	v54 =	vmul.f32 v35, v3;
	v4 =	vmul.f32 v33, v4;
	v19 =	vnsel vm4, $0x3F800000, v6  }
0x6ff: {  	v5 =	vadd.f32 v18, v5;
	v10 =	vmul.f32 v10, v3;
	v7 =	vmul.f32 v7, v3  }
0x700: {  	v11 =	vmul.f32 v14, v11;
	v9 =	vmul.f32 v9, v3;
	v13 =	vadd.f32 v54, v29  }
0x701: {  	v3 =	vmul.f32 v23, v3;
	v62 =	vmul.f32 v58, v59;
	v5 =	vadd.f32 v10, v5  }
0x702: {  	v4 =	vadd.f32 v4, v21;
	v7 =	vadd.f32 v7, v16;
	[tilespmem:s13+$0xFFFFFFC0] =	vst v11;
	v56 =	vmul.f32 v13, v19  }
0x703: {  	v57 =	vnsel vm3, $0x3F800000, v6;
	v3 =	vadd.f32 v3, v12;
	[tilespmem:s13+$0x30] =	vst v62;
	v5 =	vmul.f32 v5, v15  }
0x704: {  	v4 =	vadd.f32 v55, v4;
	v7 =	vmul.f32 v7, v57;
	[tilespmem:s13+$0xFFFFFFD0] =	vst v56  }
0x705: {  	v61 =	vnsel vm2, $0x3F800000, v6;
	v60 =	vadd.f32 v9, v8;
	v3 =	vmul.f32 v3, v17;
	[tilespmem:s13+$0xFFFFFFF0] =	vst v5  }
0x706: {  	v63 =	vnsel vm1, $0x3F800000, v6;
	v4 =	vmul.f32 v4, v61;
	[tilespmem:s13+$0x20] =	vst v7  }
0x707: {  	v5 =	vmul.f32 v60, v63;
	[tilespmem:s13+$0x0] =	vst v3  }
0x708: {  	[tilespmem:s13+$0x10] =	vst v4  }
0x709: {  	[tilespmem:s13+$0xFFFFFFE0] =	vst v5  }
0x70a: {  	s8 =	simm.s32 $0x8C00;
	s1 =	rddreg [dreg:$0x1d]  }
0x70b: {  	[hbm4b:s1+s4] =	stream.linear.scatter [tilespmem:s8], [sflag:$0x5], $0x2800, $0x38;
	[tilespmem:$0x1F480] =	vst v63  }
0x70c: {  	_ =	swait.ge [sflag:s21], $0x2800  }
0x70d: {  	s13 =	sld [smem:$0x7FB]  }
0x70e: {  	s23 =	sld [smem:$0x7FD];
	_ =	sdelay $0x1  }
0x70f: {  	s8 =	sadd.s32 $0x1, s13  }
0x710: {  	p0 =	sne.s32 s8, s23  }
.Ltmp37:
0x711: {  	_ = 	snop;
	(pc) =	sbr.rel @p0 .LBB2_1-.Ltmp37, $3  }
0x712: {  	[sflag:s21] =	ssyncset.done $0x0  }
0x713: {  	[sflag:s21] =	ssyncadd.s32 $0xFFFFD800  }
0x714: {  	[bflag:$0x0] =	sbarrier.arrive $0xFFFF;
	_ =	sdelay $0x1  }
0x715: {  	_ =	sfence.sel $0x180000  }
0x716: {  	[bflag:$0x0] =	sbarrier.arrive $0xFFFF  }
0x717: {  	_ =	strace $0x90000047  }
0x718: {  	s0 =	stileid.u32;
	[bflag:$0x2] =	sbarrier.arrive $0xFFFF  }
0x719: {  	p0 =	sne.s32 s0, $0x0;
	s0 =	rddreg [dreg:$0x3]  }
0x71a: {  	s0 =	sadd.s32 @!p0 $0x100000, s0  }
0x71b: {  	[sflag:s0] =	ssyncadd.tile.s32 @!p0 $0x1;
	_ =	shalt  }
.Lfunc_end2:
_tile_overlayer_lowered:
.L_overlay_start_2:
0x71c: {  	(tag) =	ssettag $0x2  }
0x71d: {  	s0 =	rddreg [dreg:$0x0];
	s2 =	stileid.u32  }
0x71e: {  	s1 =	rddreg [dreg:$0x1];
	p0 =	sne.s32 s2, $0x0  }
0x71f: {  	s3 =	rddreg [dreg:$0x2];
	[bflag:$0x3] =	sbarrier.arrive $0xFFFF;
	s2 =	simm.s32 @!p0 $0x1C05  }
0x720: {  	[timem:s3], [sflag:s2] =	dma.local @!p0 [hbm:s0], s1  }
0x721: {  	s0 =	simm.s32 @!p0 $0x5  }
0x722: {  	_ =	swait.ge @!p0 [sflag:s0], s1  }
0x723: {  	s1 =	ssub.s32 @!p0 $0x0, s1;
	[sflag:s0] =	ssyncset.done @!p0 $0x0  }
0x724: {  	[sflag:s0] =	ssyncadd.s32 @!p0 s1  }
0x725: {  	[bflag:$0x3] =	sbarrier.arrive $0xFFFF  }
0x726: {  	_ =	shalt  }

</sc_bundles>
